<compile_context>
chip_gen: v7x
topology: tpu7x:2x2x1
jax: 0.10.2.dev20260603
libtpu: 0.0.44.dev20260713+nightly
codegen_flags: <defaults>
</compile_context>

<pallas_src>
import functools

import jax
import jax.numpy as jnp
import numpy as np
from jax import lax
from jax.experimental import pallas as pl
from jax.experimental.pallas import tpu as pltpu
from jax.experimental.pallas import tpu_sc as plsc

N = 10000
E = 320000
ESF = 160000
D = 128
H1 = 32
H2 = 16

NC = 2
NS = 16
NW = NC * NS

EPW = E // NW
FPW = ESF // NW
CH_T = 80
CH_F = 40
NT = EPW // CH_T
NF = FPW // CH_F

SPW = 2 * E // NW
NSC = SPW // CH_T

BE_T = 6400
BE_F = 3200

ACC_ROWS = 3 * N
ZPW = ACC_ROWS // NS


def _temporal_perm():
    r = np.arange(2 * E, dtype=np.int64)
    R, u = r // 8, r % 8
    half, v = u // 4, u % 4
    blk, j = R // (BE_T // 4), R % (BE_T // 4)
    e = blk * BE_T + half * (BE_T // 2) + 2 * j + v // 2
    isfb = v % 2
    return (isfb * E + e).astype(np.int32)


def _frame_perm():
    r = np.arange(ESF, dtype=np.int64)
    R, u = r // 8, r % 8
    half, v = u // 4, u % 4
    blk, j = R // (BE_F // 8), R % (BE_F // 8)
    e = blk * BE_F + half * (BE_F // 2) + 4 * j + v
    return e.astype(np.int32)


_T_PERM = _temporal_perm()
_F_PERM = _frame_perm()


def _proj_body(x_ref, w_ref, tf_ref, tp_ref, te_ref, tl_ref):
    p = jnp.dot(x_ref[...], w_ref[...], preferred_element_type=jnp.float32)
    tf_ref[...] = p[:, 0:64]
    tp_ref[...] = p[:, 64:128]
    te_ref[...] = p[:, 128:160]
    tl_ref[...] = p[:, 160:192]


def _proj(x, wcat):
    return pl.pallas_call(
        _proj_body,
        out_shape=[
            jax.ShapeDtypeStruct((N, 64), jnp.float32),
            jax.ShapeDtypeStruct((N, 64), jnp.float32),
            jax.ShapeDtypeStruct((N, 32), jnp.float32),
            jax.ShapeDtypeStruct((N, 32), jnp.float32),
        ],
    )(x, wcat)


def _pair_loop(n_chunks, do_pair, do_single, drain, prime):
    prime()

    def body(k, _):
        do_pair(k)
        return 0

    lax.fori_loop(0, n_chunks // 2, body, 0)
    drain()
    if n_chunks % 2:
        do_single(n_chunks - 1)


def _sc_gather_t_body(tf, tp, fut2, past2, g_fut, g_past,
                      idxf_v, idxp_v, rf0, rf1, rf2, rf3, rp0, rp1, rp2, rp3,
                      semg0, semg1, semg2, semg3, sems):
    wid = lax.axis_index("s") * NC + lax.axis_index("c")
    bt = wid * EPW

    pltpu.sync_copy(fut2.at[pl.ds(wid * NT, NT)], idxf_v)
    pltpu.sync_copy(past2.at[pl.ds(wid * NT, NT)], idxp_v)

    rfs = (rf0, rf1, rf2, rf3)
    rps = (rp0, rp1, rp2, rp3)
    gsems = (semg0, semg1, semg2, semg3)

    def t_drain(b):
        for q in range(4):
            pltpu.make_async_copy(rfs[q], g_fut.at[pl.ds(b, CH_T)], sems).wait()
            pltpu.make_async_copy(rps[q], g_past.at[pl.ds(b, CH_T)], sems).wait()

    def t_quad(k):
        r0 = 4 * k
        b0 = bt + r0 * CH_T

        @pl.when(k > 0)
        def _():
            t_drain(b0)

        ds_ = []
        for q in range(4):
            ds_.append(pltpu.async_copy(tf.at[idxf_v.at[r0 + q]], rfs[q], gsems[q]))
            ds_.append(pltpu.async_copy(tp.at[idxp_v.at[r0 + q]], rps[q], gsems[q]))
        for q in range(4):
            ds_[2 * q].wait()
            ds_[2 * q + 1].wait()
            bq = b0 + q * CH_T
            pltpu.async_copy(rfs[q], g_fut.at[pl.ds(bq, CH_T)], sems)
            pltpu.async_copy(rps[q], g_past.at[pl.ds(bq, CH_T)], sems)

    def body(k, _):
        t_quad(k)
        return 0

    lax.fori_loop(0, NT // 4, body, 0)
    t_drain(bt)

    i = NT - 1
    b = bt + i * CH_T
    pltpu.async_copy(tf.at[idxf_v.at[i]], rf0, semg0).wait()
    pltpu.async_copy(rf0, g_fut.at[pl.ds(b, CH_T)], sems).wait()
    pltpu.async_copy(tp.at[idxp_v.at[i]], rp0, semg0).wait()
    pltpu.async_copy(rp0, g_past.at[pl.ds(b, CH_T)], sems).wait()


def _sc_gather_f_body(te, tl, early2, later2, g_early, g_later,
                      idxe_v, idxl_v, re0, re1, rl0, rl1, semg0, semg1, sems):
    wid = lax.axis_index("s") * NC + lax.axis_index("c")
    bf = wid * FPW

    pltpu.sync_copy(early2.at[pl.ds(wid * NF, NF)], idxe_v)
    pltpu.sync_copy(later2.at[pl.ds(wid * NF, NF)], idxl_v)

    def f_drain(b):
        pltpu.make_async_copy(re0, g_early.at[pl.ds(b, CH_F)], sems).wait()
        pltpu.make_async_copy(rl0, g_later.at[pl.ds(b, CH_F)], sems).wait()
        pltpu.make_async_copy(re1, g_early.at[pl.ds(b, CH_F)], sems).wait()
        pltpu.make_async_copy(rl1, g_later.at[pl.ds(b, CH_F)], sems).wait()

    def f_pair(k):
        r0 = 2 * k
        b0 = bf + r0 * CH_F
        b1 = b0 + CH_F

        @pl.when(k > 0)
        def _():
            f_drain(b0)

        d1 = pltpu.async_copy(te.at[idxe_v.at[r0]], re0, semg0)
        d2 = pltpu.async_copy(tl.at[idxl_v.at[r0]], rl0, semg0)
        d3 = pltpu.async_copy(te.at[idxe_v.at[r0 + 1]], re1, semg1)
        d4 = pltpu.async_copy(tl.at[idxl_v.at[r0 + 1]], rl1, semg1)
        d1.wait()
        d2.wait()
        pltpu.async_copy(re0, g_early.at[pl.ds(b0, CH_F)], sems)
        pltpu.async_copy(rl0, g_later.at[pl.ds(b0, CH_F)], sems)
        d3.wait()
        d4.wait()
        pltpu.async_copy(re1, g_early.at[pl.ds(b1, CH_F)], sems)
        pltpu.async_copy(rl1, g_later.at[pl.ds(b1, CH_F)], sems)

    def f_single(i):
        b = bf + i * CH_F
        pltpu.async_copy(te.at[idxe_v.at[i]], re0, semg0).wait()
        pltpu.async_copy(re0, g_early.at[pl.ds(b, CH_F)], sems).wait()
        pltpu.async_copy(tl.at[idxl_v.at[i]], rl0, semg0).wait()
        pltpu.async_copy(rl0, g_later.at[pl.ds(b, CH_F)], sems).wait()

    _pair_loop(NF, f_pair, f_single, lambda: f_drain(bf), lambda: None)


@functools.cache
def _mesh():
    return plsc.VectorSubcoreMesh(core_axis_name="c", subcore_axis_name="s",
                                  num_cores=NC, num_subcores=NS)


@functools.cache
def _sc_gather_t():
    return pl.kernel(
        _sc_gather_t_body,
        out_type=(
            jax.ShapeDtypeStruct((E, 64), jnp.float32),
            jax.ShapeDtypeStruct((E, 64), jnp.float32),
        ),
        mesh=_mesh(),
        scratch_types=[
            pltpu.VMEM((NT, CH_T), jnp.int32),
            pltpu.VMEM((NT, CH_T), jnp.int32),
            pltpu.VMEM((CH_T, 64), jnp.float32),
            pltpu.VMEM((CH_T, 64), jnp.float32),
            pltpu.VMEM((CH_T, 64), jnp.float32),
            pltpu.VMEM((CH_T, 64), jnp.float32),
            pltpu.VMEM((CH_T, 64), jnp.float32),
            pltpu.VMEM((CH_T, 64), jnp.float32),
            pltpu.VMEM((CH_T, 64), jnp.float32),
            pltpu.VMEM((CH_T, 64), jnp.float32),
            pltpu.SemaphoreType.DMA,
            pltpu.SemaphoreType.DMA,
            pltpu.SemaphoreType.DMA,
            pltpu.SemaphoreType.DMA,
            pltpu.SemaphoreType.DMA,
        ],
        compiler_params=pltpu.CompilerParams(use_tc_tiling_on_sc=False),
    )


@functools.cache
def _sc_gather_f():
    return pl.kernel(
        _sc_gather_f_body,
        out_type=(
            jax.ShapeDtypeStruct((ESF, 32), jnp.float32),
            jax.ShapeDtypeStruct((ESF, 32), jnp.float32),
        ),
        mesh=_mesh(),
        scratch_types=[
            pltpu.VMEM((NF, CH_F), jnp.int32),
            pltpu.VMEM((NF, CH_F), jnp.int32),
            pltpu.VMEM((CH_F, 32), jnp.float32),
            pltpu.VMEM((CH_F, 32), jnp.float32),
            pltpu.VMEM((CH_F, 32), jnp.float32),
            pltpu.VMEM((CH_F, 32), jnp.float32),
            pltpu.SemaphoreType.DMA,
            pltpu.SemaphoreType.DMA,
            pltpu.SemaphoreType.DMA,
        ],
        compiler_params=pltpu.CompilerParams(use_tc_tiling_on_sc=False),
    )


def _mlp_t_body(gf_ref, gp_ref, a8_ref, w8_ref, b1_ref, w2d_ref, b2_ref, out_ref):
    q8 = jnp.dot(a8_ref[...], w8_ref[...], preferred_element_type=jnp.float32)
    q2 = q8.reshape(BE_T // 2, 128)
    h = jnp.maximum(gf_ref[...] + gp_ref[...] + q2 + b1_ref[...], 0.0)
    m = BE_T // 4
    lo = jnp.dot(h[0:m], w2d_ref[...], preferred_element_type=jnp.float32)
    hi = jnp.dot(h[m:2 * m], w2d_ref[...], preferred_element_type=jnp.float32)
    out_ref[...] = jnp.maximum(jnp.concatenate([lo, hi], axis=1) + b2_ref[...], 0.0)


def _mlp_t(g2f, g2p, attr8, w8, b1t, w2d, b2t):
    be = BE_T
    wspec = lambda shape: pl.BlockSpec(shape, lambda i: (0, 0))
    return pl.pallas_call(
        _mlp_t_body,
        grid=(E // be,),
        in_specs=[
            pl.BlockSpec((be // 2, 128), lambda i: (i, 0)),
            pl.BlockSpec((be // 2, 128), lambda i: (i, 0)),
            pl.BlockSpec((be // 8, 128), lambda i: (i, 0)),
            wspec((128, 512)), wspec((1, 128)), wspec((128, 64)), wspec((1, 128)),
        ],
        out_specs=pl.BlockSpec((be // 4, 128), lambda i: (i, 0)),
        out_shape=jax.ShapeDtypeStruct((E // 4, 128), jnp.float32),
    )(g2f, g2p, attr8, w8, b1t, w2d, b2t)


def _mlp_f_body(ge_ref, gl_ref, a8_ref, w8_ref, b1_ref, w2d_ref, b2_ref, out_ref):
    q8 = jnp.dot(a8_ref[...], w8_ref[...], preferred_element_type=jnp.float32)
    q4 = q8.reshape(BE_F // 4, 128)
    h = jnp.maximum(ge_ref[...] + gl_ref[...] + q4 + b1_ref[...], 0.0)
    m = BE_F // 8
    lo = jnp.dot(h[0:m], w2d_ref[...], preferred_element_type=jnp.float32)
    hi = jnp.dot(h[m:2 * m], w2d_ref[...], preferred_element_type=jnp.float32)
    out_ref[...] = jnp.maximum(jnp.concatenate([lo, hi], axis=1) + b2_ref[...], 0.0)


def _mlp_f(g4e, g4l, attr8, w8, b1t, w2d, b2t):
    be = BE_F
    wspec = lambda shape: pl.BlockSpec(shape, lambda i: (0, 0))
    return pl.pallas_call(
        _mlp_f_body,
        grid=(ESF // be,),
        in_specs=[
            pl.BlockSpec((be // 4, 128), lambda i: (i, 0)),
            pl.BlockSpec((be // 4, 128), lambda i: (i, 0)),
            pl.BlockSpec((be // 8, 128), lambda i: (i, 0)),
            wspec((128, 256)), wspec((1, 128)), wspec((128, 64)), wspec((1, 128)),
        ],
        out_specs=pl.BlockSpec((be // 8, 128), lambda i: (i, 0)),
        out_shape=jax.ShapeDtypeStruct((ESF // 8, 128), jnp.float32),
    )(g4e, g4l, attr8, w8, b1t, w2d, b2t)


ZPW_T = 2 * N // NS
ZPW_F = N // NS


def _sc_scatter_t_body(fl_t, idxc2, zrows, out,
                       acc, idxc_v, fb0, fb1, sem0, sem1):
    c = lax.axis_index("c")
    s = lax.axis_index("s")
    r0 = s * ZPW_T

    pltpu.sync_copy(zrows.at[pl.ds(r0, ZPW_T)], acc.at[pl.ds(r0, ZPW_T)])

    w = c * NS + s
    bt = w * SPW
    pltpu.sync_copy(idxc2.at[pl.ds(w * NSC, NSC)], idxc_v)
    plsc.subcore_barrier()

    pltpu.async_copy(fl_t.at[pl.ds(bt, CH_T)], fb0, sem0)
    pltpu.async_copy(fl_t.at[pl.ds(bt + CH_T, CH_T)], fb1, sem1)

    def t_pair(k, _):
        i0 = 2 * k
        b0 = bt + i0 * CH_T
        pltpu.make_async_copy(fl_t.at[pl.ds(b0, CH_T)], fb0, sem0).wait()
        pltpu.sync_copy(fb0, acc.at[idxc_v.at[i0]], add=True)

        @pl.when(k + 1 < NSC // 2)
        def _():
            pltpu.async_copy(fl_t.at[pl.ds(b0 + 2 * CH_T, CH_T)], fb0, sem0)

        pltpu.make_async_copy(fl_t.at[pl.ds(b0, CH_T)], fb1, sem1).wait()
        pltpu.sync_copy(fb1, acc.at[idxc_v.at[i0 + 1]], add=True)

        @pl.when(k + 1 < NSC // 2)
        def _():
            pltpu.async_copy(fl_t.at[pl.ds(b0 + 3 * CH_T, CH_T)], fb1, sem1)

        return 0

    lax.fori_loop(0, NSC // 2, t_pair, 0)
    plsc.subcore_barrier()
    pltpu.sync_copy(acc.at[pl.ds(r0, ZPW_T)], out.at[c, pl.ds(r0, ZPW_T)])


def _sc_scatter_f_body(fl_f, idxe2, idxl2, zrows, out,
                       acc, idxe_v, idxl_v, ff0, ff1, sem2, sem3):
    c = lax.axis_index("c")
    s = lax.axis_index("s")
    r0 = s * ZPW_F

    pltpu.sync_copy(zrows.at[pl.ds(r0, ZPW_F)], acc.at[pl.ds(r0, ZPW_F)])

    w = c * NS + s
    bf = w * FPW
    pltpu.sync_copy(idxe2.at[pl.ds(w * NF, NF)], idxe_v)
    pltpu.sync_copy(idxl2.at[pl.ds(w * NF, NF)], idxl_v)
    plsc.subcore_barrier()

    pltpu.async_copy(fl_f.at[pl.ds(bf, CH_F)], ff0, sem2)
    pltpu.async_copy(fl_f.at[pl.ds(bf + CH_F, CH_F)], ff1, sem3)

    def f_pair(k, _):
        i0 = 2 * k
        b0 = bf + i0 * CH_F
        pltpu.make_async_copy(fl_f.at[pl.ds(b0, CH_F)], ff0, sem2).wait()
        pltpu.sync_copy(ff0, acc.at[idxe_v.at[i0]], add=True)
        pltpu.sync_copy(ff0, acc.at[idxl_v.at[i0]], add=True)

        @pl.when(k + 1 < NF // 2)
        def _():
            pltpu.async_copy(fl_f.at[pl.ds(b0 + 2 * CH_F, CH_F)], ff0, sem2)

        pltpu.make_async_copy(fl_f.at[pl.ds(b0, CH_F)], ff1, sem3).wait()
        pltpu.sync_copy(ff1, acc.at[idxe_v.at[i0 + 1]], add=True)
        pltpu.sync_copy(ff1, acc.at[idxl_v.at[i0 + 1]], add=True)

        @pl.when(k + 1 < NF // 2)
        def _():
            pltpu.async_copy(fl_f.at[pl.ds(b0 + 3 * CH_F, CH_F)], ff1, sem3)

        return 0

    lax.fori_loop(0, NF // 2, f_pair, 0)

    bl = bf + (NF - 1) * CH_F
    pltpu.async_copy(fl_f.at[pl.ds(bl, CH_F)], ff0, sem2).wait()
    pltpu.sync_copy(ff0, acc.at[idxe_v.at[NF - 1]], add=True)
    pltpu.sync_copy(ff0, acc.at[idxl_v.at[NF - 1]], add=True)

    plsc.subcore_barrier()
    pltpu.sync_copy(acc.at[pl.ds(r0, ZPW_F)], out.at[c, pl.ds(r0, ZPW_F)])


@functools.cache
def _sc_scatter_t():
    return pl.kernel(
        _sc_scatter_t_body,
        out_type=jax.ShapeDtypeStruct((NC, 2 * N, 16), jnp.float32),
        mesh=_mesh(),
        scratch_types=[
            pltpu.VMEM_SHARED((2 * N, 16), jnp.float32),
            pltpu.VMEM((NSC, CH_T), jnp.int32),
            pltpu.VMEM((CH_T, 16), jnp.float32),
            pltpu.VMEM((CH_T, 16), jnp.float32),
            pltpu.SemaphoreType.DMA,
            pltpu.SemaphoreType.DMA,
        ],
        compiler_params=pltpu.CompilerParams(use_tc_tiling_on_sc=False),
    )


@functools.cache
def _sc_scatter_f():
    return pl.kernel(
        _sc_scatter_f_body,
        out_type=jax.ShapeDtypeStruct((NC, N, 16), jnp.float32),
        mesh=_mesh(),
        scratch_types=[
            pltpu.VMEM_SHARED((N, 16), jnp.float32),
            pltpu.VMEM((NF, CH_F), jnp.int32),
            pltpu.VMEM((NF, CH_F), jnp.int32),
            pltpu.VMEM((CH_F, 16), jnp.float32),
            pltpu.VMEM((CH_F, 16), jnp.float32),
            pltpu.SemaphoreType.DMA,
            pltpu.SemaphoreType.DMA,
        ],
        compiler_params=pltpu.CompilerParams(use_tc_tiling_on_sc=False),
    )


def _final_body(pt_ref, pf_ref, k0_ref, k1_ref, k2_ref, bt_ref, out_ref):
    r = N // 8
    tot = pt_ref[0] + pt_ref[1]
    fr = pf_ref[0] + pf_ref[1]
    acc = jnp.dot(tot[0:r], k0_ref[...], preferred_element_type=jnp.float32)
    acc += jnp.dot(tot[r:2 * r], k1_ref[...], preferred_element_type=jnp.float32)
    acc += jnp.dot(fr, k2_ref[...], preferred_element_type=jnp.float32)
    out_ref[...] = jnp.maximum(acc + bt_ref[...], 0.0)


def _final(pt, pf, k0, k1, k2, btile):
    return pl.pallas_call(
        _final_body,
        out_shape=jax.ShapeDtypeStruct((N // 8, 1024), jnp.float32),
    )(pt, pf, k0, k1, k2, btile)


def kernel(x, edge_index, edge_attr, same_frame_edge_index, same_frame_edge_attr,
           Wff1, bff1, Wff2, bff2,
           Wfb1, bfb1, Wfb2, bfb2,
           Wfr1, bfr1, Wfr2, bfr2,
           Wt1, bt1):
    f32 = jnp.float32
    past = edge_index[0]
    fut = edge_index[1]
    early = same_frame_edge_index[0]
    later = same_frame_edge_index[1]

    wcat = jnp.concatenate([
        Wff1[:D], Wfb1[D:2 * D],
        Wff1[D:2 * D], Wfb1[:D],
        Wfr1[:D], Wfr1[D:2 * D],
    ], axis=1)

    tf_, tp_, te_, tl_ = _proj(x, wcat)
    g_fut, g_past = _sc_gather_t()(
        tf_, tp_, fut.reshape(E // CH_T, CH_T), past.reshape(E // CH_T, CH_T))
    g_early, g_later = _sc_gather_f()(
        te_, tl_, early.reshape(ESF // CH_F, CH_F), later.reshape(ESF // CH_F, CH_F))

    eye8 = jnp.eye(8, dtype=f32)
    cboth = jnp.concatenate([Wff1[2 * D:], Wfb1[2 * D:]], axis=1)
    w8_t = jnp.kron(eye8, cboth)
    b1_t = jnp.tile(jnp.concatenate([bff1, bfb1]), 2)[None]
    w2d_t = jnp.kron(jnp.eye(2, dtype=f32),
                     jnp.concatenate([
                         jnp.concatenate([Wff2, jnp.zeros((H1, H2), f32)], axis=1),
                         jnp.concatenate([jnp.zeros((H1, H2), f32), Wfb2], axis=1),
                     ], axis=0))
    b2_t = jnp.tile(jnp.concatenate([bff2, bfb2]), 4)[None]

    fl_t = _mlp_t(g_fut.reshape(E // 2, 128), g_past.reshape(E // 2, 128),
                  edge_attr.reshape(E // 8, 128), w8_t, b1_t, w2d_t, b2_t)

    w8_f = jnp.kron(eye8, Wfr1[2 * D:])
    b1_f = jnp.tile(bfr1, 4)[None]
    w2d_f = jnp.kron(jnp.eye(4, dtype=f32), Wfr2)
    b2_f = jnp.tile(bfr2, 8)[None]

    fl_f = _mlp_f(g_early.reshape(ESF // 4, 128), g_later.reshape(ESF // 4, 128),
                  same_frame_edge_attr.reshape(ESF // 8, 128),
                  w8_f, b1_f, w2d_f, b2_f)

    idx_comb = jnp.take(jnp.concatenate([fut, past + N]), jnp.asarray(_T_PERM))
    idx_e2 = jnp.take(early, jnp.asarray(_F_PERM))
    idx_l2 = jnp.take(later, jnp.asarray(_F_PERM))
    zrows_t = jnp.zeros((2 * N, 16), f32)
    zrows_f = jnp.zeros((N, 16), f32)

    pt = _sc_scatter_t()(fl_t.reshape(2 * E, 16),
                         idx_comb.reshape(2 * E // CH_T, CH_T), zrows_t)
    pf = _sc_scatter_f()(fl_f.reshape(ESF, 16),
                         idx_e2.reshape(ESF // CH_F, CH_F),
                         idx_l2.reshape(ESF // CH_F, CH_F), zrows_f)

    k0 = jnp.kron(eye8, Wt1[0:16])
    k1 = jnp.kron(eye8, Wt1[32:48])
    k2 = jnp.kron(eye8, Wt1[16:32])
    btile = jnp.tile(bt1, 8)[None]

    out_p = _final(pt.reshape(NC, 2 * N // 8, 128), pf.reshape(NC, N // 8, 128),
                   k0, k1, k2, btile)
    return out_p.reshape(N, 128)

# --- scband reference (transcript-rebuilt; emitter-appended) ---
"""Pipeline reference for scband-contextual-node-model-4587025072755 (READ-ONLY COPY).

The authoritative reference and input builder live on the scoring server;
editing this copy changes nothing except your own understanding.
"""

import jax, jax.numpy as jnp
import numpy as np

N = 10000
E = 320000
ESF = 160000
D = 128
DE = 16
MLP_IN = 2 * D + DE  # 272
H1 = 32
H2 = 16
TOT_IN = 3 * H2  # 48
TOT_OUT = 128


def _relu(v):
    return jnp.maximum(v, 0.0)


def _mlp2(v, W1, b1, W2, b2):
    # MLP with fc_dims=[32,16], nonlinearity after every Linear (last_output_free=False)
    h = _relu(v @ W1 + b1)
    return _relu(h @ W2 + b2)


def _mlp1(v, W1, b1):
    return _relu(v @ W1 + b1)


def setup_inputs(seed: int = 0) -> dict:
    key = jax.random.key(seed)
    ks = jax.random.split(key, 24)
    inp = {}
    inp["x"] = jax.random.normal(ks[0], (N, D), dtype=jnp.float32)
    inp["edge_index"] = jax.random.randint(ks[1], (2, E), 0, N, dtype=jnp.int32)
    inp["edge_attr"] = jax.random.normal(ks[2], (E, DE), dtype=jnp.float32)
    inp["same_frame_edge_index"] = jax.random.randint(ks[3], (2, ESF), 0, N, dtype=jnp.int32)
    inp["same_frame_edge_attr"] = jax.random.normal(ks[4], (ESF, DE), dtype=jnp.float32)
    s = 0.05
    # flow_forward_model params
    inp["Wff1"] = jax.random.normal(ks[5], (MLP_IN, H1), dtype=jnp.float32) * s
    inp["bff1"] = jnp.zeros((H1,), dtype=jnp.float32)
    inp["Wff2"] = jax.random.normal(ks[6], (H1, H2), dtype=jnp.float32) * s
    inp["bff2"] = jnp.zeros((H2,), dtype=jnp.float32)
    # flow_backward_model params
    inp["Wfb1"] = jax.random.normal(ks[7], (MLP_IN, H1), dtype=jnp.float32) * s
    inp["bfb1"] = jnp.zeros((H1,), dtype=jnp.float32)
    inp["Wfb2"] = jax.random.normal(ks[8], (H1, H2), dtype=jnp.float32) * s
    inp["bfb2"] = jnp.zeros((H2,), dtype=jnp.float32)
    # flow_frame_model params
    inp["Wfr1"] = jax.random.normal(ks[9], (MLP_IN, H1), dtype=jnp.float32) * s
    inp["bfr1"] = jnp.zeros((H1,), dtype=jnp.float32)
    inp["Wfr2"] = jax.random.normal(ks[10], (H1, H2), dtype=jnp.float32) * s
    inp["bfr2"] = jnp.zeros((H2,), dtype=jnp.float32)
    # total_flow_model params
    inp["Wt1"] = jax.random.normal(ks[11], (TOT_IN, TOT_OUT), dtype=jnp.float32) * s
    inp["bt1"] = jnp.zeros((TOT_OUT,), dtype=jnp.float32)
    return inp


def reference(x, edge_index, edge_attr, same_frame_edge_index, same_frame_edge_attr,
              Wff1, bff1, Wff2, bff2,
              Wfb1, bfb1, Wfb2, bfb2,
              Wfr1, bfr1, Wfr2, bfr2,
              Wt1, bt1):
    past_nodes = edge_index[0]
    future_nodes = edge_index[1]
    early_frame_nodes = same_frame_edge_index[0]
    later_frame_nodes = same_frame_edge_index[1]

    x_past = jnp.take(x, past_nodes, axis=0)
    x_future = jnp.take(x, future_nodes, axis=0)
    x_early = jnp.take(x, early_frame_nodes, axis=0)
    x_later = jnp.take(x, later_frame_nodes, axis=0)

    flow_forward_input = jnp.concatenate([x_future, x_past, edge_attr], axis=1)
    flow_forward = _mlp2(flow_forward_input, Wff1, bff1, Wff2, bff2)

    flow_backward_input = jnp.concatenate([x_past, x_future, edge_attr], axis=1)
    flow_backward = _mlp2(flow_backward_input, Wfb1, bfb1, Wfb2, bfb2)

    flow_frame_input = jnp.concatenate([x_early, x_later, same_frame_edge_attr], axis=1)
    flow_frame = _mlp2(flow_frame_input, Wfr1, bfr1, Wfr2, bfr2)

    # node_aggr_sections == 3, node_agg_mode == 'sum'
    flow_forward_aggregated = jax.ops.segment_sum(flow_forward, future_nodes, num_segments=N)
    flow_backward_aggregated = jax.ops.segment_sum(flow_backward, past_nodes, num_segments=N)
    flow_frame_aggregated = jax.ops.segment_sum(
        jnp.concatenate([flow_frame, flow_frame], axis=0),
        jnp.concatenate([early_frame_nodes, later_frame_nodes], axis=0),
        num_segments=N)

    flow_total = jnp.concatenate([flow_forward_aggregated, flow_frame_aggregated, flow_backward_aggregated], axis=1)
    return _mlp1(flow_total, Wt1, bt1)

if __name__ == "__main__":
    import jax
    _d = setup_inputs()
    print(jax.jit(kernel)(*tuple(_d.values())))

</pallas_src>

<mosaic_0001>
#map = affine_map<(d0, d1) -> (0, 0)>
module attributes {stable_mosaic.version = 14 : i64} {
  func.func @_sc_gather_t_body(%arg0: i32, %arg1: i32, %arg2: memref<10000x64xf32, #tpu.memory_space<hbm>>, %arg3: memref<10000x64xf32, #tpu.memory_space<hbm>>, %arg4: memref<4000x80xi32, #tpu.memory_space<hbm>>, %arg5: memref<4000x80xi32, #tpu.memory_space<hbm>>, %arg6: memref<320000x64xf32, #tpu.memory_space<hbm>>, %arg7: memref<320000x64xf32, #tpu.memory_space<hbm>>, %arg8: memref<125x80xi32, #tpu.memory_space<vmem>>, %arg9: memref<125x80xi32, #tpu.memory_space<vmem>>, %arg10: memref<80x64xf32, #tpu.memory_space<vmem>>, %arg11: memref<80x64xf32, #tpu.memory_space<vmem>>, %arg12: memref<80x64xf32, #tpu.memory_space<vmem>>, %arg13: memref<80x64xf32, #tpu.memory_space<vmem>>, %arg14: memref<80x64xf32, #tpu.memory_space<vmem>>, %arg15: memref<80x64xf32, #tpu.memory_space<vmem>>, %arg16: memref<80x64xf32, #tpu.memory_space<vmem>>, %arg17: memref<80x64xf32, #tpu.memory_space<vmem>>, %arg18: memref<!tpu.dma_semaphore, #tpu.memory_space<semaphore_mem>>, %arg19: memref<!tpu.dma_semaphore, #tpu.memory_space<semaphore_mem>>, %arg20: memref<!tpu.dma_semaphore, #tpu.memory_space<semaphore_mem>>, %arg21: memref<!tpu.dma_semaphore, #tpu.memory_space<semaphore_mem>>, %arg22: memref<!tpu.dma_semaphore, #tpu.memory_space<semaphore_mem>>) attributes {dimension_semantics = [#tpu.dimension_semantics<core_parallel>, #tpu.dimension_semantics<subcore_parallel>], iteration_bounds = array<i64: 2, 16>, scalar_prefetch = 0 : i64, scratch_operands = 15 : i64, tpu.core_type = #tpu.core_type<sc_vector_subcore>, window_params = [{transform_indices = #map}, {transform_indices = #map}, {transform_indices = #map}, {transform_indices = #map}, {transform_indices = #map}, {transform_indices = #map}]} {
    %mul3A = arith.constant 2 : i32
    %mul3A_0 = arith.muli %arg1, %mul3A : i32
    %add3A = arith.addi %mul3A_0, %arg0 : i32
    %mul3A_1 = arith.constant 10000 : i32
    %mul3A_2 = arith.muli %add3A, %mul3A_1 : i32
    %mul3A_3 = arith.constant 125 : i32
    %mul3A_4 = arith.muli %add3A, %mul3A_3 : i32
    "tpu.region"() ({
      %run_scoped3A = tpu.sem_alloc : memref<!tpu.dma_semaphore, #tpu.memory_space<semaphore_mem>>
      %dma_start3A_89 = arith.constant 0 : i32
      %dma_start3A_90 = tpu.memref_slice %arg4[%mul3A_4, %dma_start3A_89] : memref<4000x80xi32, #tpu.memory_space<hbm>> -> memref<125x80xi32, #tpu.memory_space<hbm>>
      %dma_start3A_91 = arith.constant 0 : i32
      %dma_start3A_92 = tpu.memref_slice %arg4[%mul3A_4, %dma_start3A_91] : memref<4000x80xi32, #tpu.memory_space<hbm>> -> memref<125x80xi32, #tpu.memory_space<hbm>>
      tpu.enqueue_dma source(%dma_start3A_92 : memref<125x80xi32, #tpu.memory_space<hbm>>) target(%arg8 : memref<125x80xi32, #tpu.memory_space<vmem>>) target_semaphore(%run_scoped3A : memref<!tpu.dma_semaphore, #tpu.memory_space<semaphore_mem>>)
      %dma_wait3A_93 = arith.constant 0 : i32
      %dma_wait3A_94 = tpu.memref_slice %arg4[%mul3A_4, %dma_wait3A_93] : memref<4000x80xi32, #tpu.memory_space<hbm>> -> memref<125x80xi32, #tpu.memory_space<hbm>>
      %dma_wait3A_95 = arith.constant 0 : i32
      %dma_wait3A_96 = tpu.memref_slice %arg4[%mul3A_4, %dma_wait3A_95] : memref<4000x80xi32, #tpu.memory_space<hbm>> -> memref<125x80xi32, #tpu.memory_space<hbm>>
      tpu.wait_dma2 semaphore(%run_scoped3A : memref<!tpu.dma_semaphore, #tpu.memory_space<semaphore_mem>>) src(%dma_wait3A_96 : memref<125x80xi32, #tpu.memory_space<hbm>>) dst(%arg8 : memref<125x80xi32, #tpu.memory_space<vmem>>)
      tpu.yield
    }) : () -> ()
    %mul3A_5 = arith.constant 125 : i32
    %mul3A_6 = arith.muli %add3A, %mul3A_5 : i32
    "tpu.region"() ({
      %run_scoped3A = tpu.sem_alloc : memref<!tpu.dma_semaphore, #tpu.memory_space<semaphore_mem>>
      %dma_start3A_89 = arith.constant 0 : i32
      %dma_start3A_90 = tpu.memref_slice %arg5[%mul3A_6, %dma_start3A_89] : memref<4000x80xi32, #tpu.memory_space<hbm>> -> memref<125x80xi32, #tpu.memory_space<hbm>>
      %dma_start3A_91 = arith.constant 0 : i32
      %dma_start3A_92 = tpu.memref_slice %arg5[%mul3A_6, %dma_start3A_91] : memref<4000x80xi32, #tpu.memory_space<hbm>> -> memref<125x80xi32, #tpu.memory_space<hbm>>
      tpu.enqueue_dma source(%dma_start3A_92 : memref<125x80xi32, #tpu.memory_space<hbm>>) target(%arg9 : memref<125x80xi32, #tpu.memory_space<vmem>>) target_semaphore(%run_scoped3A : memref<!tpu.dma_semaphore, #tpu.memory_space<semaphore_mem>>)
      %dma_wait3A_93 = arith.constant 0 : i32
      %dma_wait3A_94 = tpu.memref_slice %arg5[%mul3A_6, %dma_wait3A_93] : memref<4000x80xi32, #tpu.memory_space<hbm>> -> memref<125x80xi32, #tpu.memory_space<hbm>>
      %dma_wait3A_95 = arith.constant 0 : i32
      %dma_wait3A_96 = tpu.memref_slice %arg5[%mul3A_6, %dma_wait3A_95] : memref<4000x80xi32, #tpu.memory_space<hbm>> -> memref<125x80xi32, #tpu.memory_space<hbm>>
      tpu.wait_dma2 semaphore(%run_scoped3A : memref<!tpu.dma_semaphore, #tpu.memory_space<semaphore_mem>>) src(%dma_wait3A_96 : memref<125x80xi32, #tpu.memory_space<hbm>>) dst(%arg9 : memref<125x80xi32, #tpu.memory_space<vmem>>)
      tpu.yield
    }) : () -> ()
    %scan3A = arith.constant 0 : i32
    %scan3A_7 = arith.constant 0 : i32
    %scan3A_8 = arith.constant 31 : i32
    %scan3A_9 = arith.addi %scan3A_7, %scan3A_8 : i32
    %scan3A_10 = arith.constant 1 : i32
    %scan3A_11 = scf.for %scan3A_89 = %scan3A_7 to %scan3A_9 step %scan3A_10 iter_args(%scan3A_90 = %scan3A) -> (i32)  : i32 {
      %mul3A_91 = arith.constant 4 : i32
      %mul3A_92 = arith.muli %mul3A_91, %scan3A_89 : i32
      %mul3A_93 = arith.constant 80 : i32
      %mul3A_94 = arith.muli %mul3A_92, %mul3A_93 : i32
      %add3A_95 = arith.addi %mul3A_2, %mul3A_94 : i32
      %gt3A = arith.constant 0 : i32
      %gt3A_96 = arith.cmpi sgt, %scan3A_89, %gt3A : i32
      %convert_element_type3A = arith.extui %gt3A_96 : i1 to i32
      %cond3A = arith.constant 0 : i32
      %cond3A_97 = arith.cmpi ne, %convert_element_type3A, %cond3A : i32
      scf.if %cond3A_97 {
        %dma_wait3A_251 = arith.constant 0 : i32
        %dma_wait3A_252 = tpu.memref_slice %arg6[%add3A_95, %dma_wait3A_251] : memref<320000x64xf32, #tpu.memory_space<hbm>> -> memref<80x64xf32, #tpu.memory_space<hbm>>
        %dma_wait3A_253 = arith.constant 0 : i32
        %dma_wait3A_254 = tpu.memref_slice %arg6[%add3A_95, %dma_wait3A_253] : memref<320000x64xf32, #tpu.memory_space<hbm>> -> memref<80x64xf32, #tpu.memory_space<hbm>>
        tpu.wait_dma2 semaphore(%arg22 : memref<!tpu.dma_semaphore, #tpu.memory_space<semaphore_mem>>) src(%arg10 : memref<80x64xf32, #tpu.memory_space<vmem>>) dst(%dma_wait3A_254 : memref<80x64xf32, #tpu.memory_space<hbm>>)
        %dma_wait3A_255 = arith.constant 0 : i32
        %dma_wait3A_256 = tpu.memref_slice %arg7[%add3A_95, %dma_wait3A_255] : memref<320000x64xf32, #tpu.memory_space<hbm>> -> memref<80x64xf32, #tpu.memory_space<hbm>>
        %dma_wait3A_257 = arith.constant 0 : i32
        %dma_wait3A_258 = tpu.memref_slice %arg7[%add3A_95, %dma_wait3A_257] : memref<320000x64xf32, #tpu.memory_space<hbm>> -> memref<80x64xf32, #tpu.memory_space<hbm>>
        tpu.wait_dma2 semaphore(%arg22 : memref<!tpu.dma_semaphore, #tpu.memory_space<semaphore_mem>>) src(%arg14 : memref<80x64xf32, #tpu.memory_space<vmem>>) dst(%dma_wait3A_258 : memref<80x64xf32, #tpu.memory_space<hbm>>)
        %dma_wait3A_259 = arith.constant 0 : i32
        %dma_wait3A_260 = tpu.memref_slice %arg6[%add3A_95, %dma_wait3A_259] : memref<320000x64xf32, #tpu.memory_space<hbm>> -> memref<80x64xf32, #tpu.memory_space<hbm>>
        %dma_wait3A_261 = arith.constant 0 : i32
        %dma_wait3A_262 = tpu.memref_slice %arg6[%add3A_95, %dma_wait3A_261] : memref<320000x64xf32, #tpu.memory_space<hbm>> -> memref<80x64xf32, #tpu.memory_space<hbm>>
        tpu.wait_dma2 semaphore(%arg22 : memref<!tpu.dma_semaphore, #tpu.memory_space<semaphore_mem>>) src(%arg11 : memref<80x64xf32, #tpu.memory_space<vmem>>) dst(%dma_wait3A_262 : memref<80x64xf32, #tpu.memory_space<hbm>>)
        %dma_wait3A_263 = arith.constant 0 : i32
        %dma_wait3A_264 = tpu.memref_slice %arg7[%add3A_95, %dma_wait3A_263] : memref<320000x64xf32, #tpu.memory_space<hbm>> -> memref<80x64xf32, #tpu.memory_space<hbm>>
        %dma_wait3A_265 = arith.constant 0 : i32
        %dma_wait3A_266 = tpu.memref_slice %arg7[%add3A_95, %dma_wait3A_265] : memref<320000x64xf32, #tpu.memory_space<hbm>> -> memref<80x64xf32, #tpu.memory_space<hbm>>
        tpu.wait_dma2 semaphore(%arg22 : memref<!tpu.dma_semaphore, #tpu.memory_space<semaphore_mem>>) src(%arg15 : memref<80x64xf32, #tpu.memory_space<vmem>>) dst(%dma_wait3A_266 : memref<80x64xf32, #tpu.memory_space<hbm>>)
        %dma_wait3A_267 = arith.constant 0 : i32
        %dma_wait3A_268 = tpu.memref_slice %arg6[%add3A_95, %dma_wait3A_267] : memref<320000x64xf32, #tpu.memory_space<hbm>> -> memref<80x64xf32, #tpu.memory_space<hbm>>
        %dma_wait3A_269 = arith.constant 0 : i32
        %dma_wait3A_270 = tpu.memref_slice %arg6[%add3A_95, %dma_wait3A_269] : memref<320000x64xf32, #tpu.memory_space<hbm>> -> memref<80x64xf32, #tpu.memory_space<hbm>>
        tpu.wait_dma2 semaphore(%arg22 : memref<!tpu.dma_semaphore, #tpu.memory_space<semaphore_mem>>) src(%arg12 : memref<80x64xf32, #tpu.memory_space<vmem>>) dst(%dma_wait3A_270 : memref<80x64xf32, #tpu.memory_space<hbm>>)
        %dma_wait3A_271 = arith.constant 0 : i32
        %dma_wait3A_272 = tpu.memref_slice %arg7[%add3A_95, %dma_wait3A_271] : memref<320000x64xf32, #tpu.memory_space<hbm>> -> memref<80x64xf32, #tpu.memory_space<hbm>>
        %dma_wait3A_273 = arith.constant 0 : i32
        %dma_wait3A_274 = tpu.memref_slice %arg7[%add3A_95, %dma_wait3A_273] : memref<320000x64xf32, #tpu.memory_space<hbm>> -> memref<80x64xf32, #tpu.memory_space<hbm>>
        tpu.wait_dma2 semaphore(%arg22 : memref<!tpu.dma_semaphore, #tpu.memory_space<semaphore_mem>>) src(%arg16 : memref<80x64xf32, #tpu.memory_space<vmem>>) dst(%dma_wait3A_274 : memref<80x64xf32, #tpu.memory_space<hbm>>)
        %dma_wait3A_275 = arith.constant 0 : i32
        %dma_wait3A_276 = tpu.memref_slice %arg6[%add3A_95, %dma_wait3A_275] : memref<320000x64xf32, #tpu.memory_space<hbm>> -> memref<80x64xf32, #tpu.memory_space<hbm>>
        %dma_wait3A_277 = arith.constant 0 : i32
        %dma_wait3A_278 = tpu.memref_slice %arg6[%add3A_95, %dma_wait3A_277] : memref<320000x64xf32, #tpu.memory_space<hbm>> -> memref<80x64xf32, #tpu.memory_space<hbm>>
        tpu.wait_dma2 semaphore(%arg22 : memref<!tpu.dma_semaphore, #tpu.memory_space<semaphore_mem>>) src(%arg13 : memref<80x64xf32, #tpu.memory_space<vmem>>) dst(%dma_wait3A_278 : memref<80x64xf32, #tpu.memory_space<hbm>>)
        %dma_wait3A_279 = arith.constant 0 : i32
        %dma_wait3A_280 = tpu.memref_slice %arg7[%add3A_95, %dma_wait3A_279] : memref<320000x64xf32, #tpu.memory_space<hbm>> -> memref<80x64xf32, #tpu.memory_space<hbm>>
        %dma_wait3A_281 = arith.constant 0 : i32
        %dma_wait3A_282 = tpu.memref_slice %arg7[%add3A_95, %dma_wait3A_281] : memref<320000x64xf32, #tpu.memory_space<hbm>> -> memref<80x64xf32, #tpu.memory_space<hbm>>
        tpu.wait_dma2 semaphore(%arg22 : memref<!tpu.dma_semaphore, #tpu.memory_space<semaphore_mem>>) src(%arg17 : memref<80x64xf32, #tpu.memory_space<vmem>>) dst(%dma_wait3A_282 : memref<80x64xf32, #tpu.memory_space<hbm>>)
      } else {
      }
      %add3A_98 = arith.constant 0 : i32
      %add3A_99 = arith.addi %mul3A_92, %add3A_98 : i32
      %dma_start3A_100 = arith.constant 0 : i32
      %dma_start3A_101 = tpu.memref_slice %arg8[%add3A_99, %dma_start3A_100] : memref<125x80xi32, #tpu.memory_space<vmem>> -> memref<1x80xi32, #tpu.memory_space<vmem>>
      %dma_start3A_102 = tpu.memref_squeeze %dma_start3A_101 : memref<1x80xi32, #tpu.memory_space<vmem>> -> memref<80xi32, #tpu.memory_space<vmem>>
      %dma_start3A_103 = arith.constant 0 : i32
      %dma_start3A_104 = arith.constant 0 : i32
      %dma_start3A_105 = tpu.memref_slice %arg2[%dma_start3A_103, %dma_start3A_104] : memref<10000x64xf32, #tpu.memory_space<hbm>> -> memref<10000x64xf32, #tpu.memory_space<hbm>>
      tpu.enqueue_indirect_dma source(%dma_start3A_105 : memref<10000x64xf32, #tpu.memory_space<hbm>>) target(%arg10 : memref<80x64xf32, #tpu.memory_space<vmem>>) offsets(%dma_start3A_102 : memref<80xi32, #tpu.memory_space<vmem>>) semaphore(%arg18 : memref<!tpu.dma_semaphore, #tpu.memory_space<semaphore_mem>>)
      %add3A_106 = arith.constant 0 : i32
      %add3A_107 = arith.addi %mul3A_92, %add3A_106 : i32
      %dma_start3A_108 = arith.constant 0 : i32
      %dma_start3A_109 = tpu.memref_slice %arg9[%add3A_107, %dma_start3A_108] : memref<125x80xi32, #tpu.memory_space<vmem>> -> memref<1x80xi32, #tpu.memory_space<vmem>>
      %dma_start3A_110 = tpu.memref_squeeze %dma_start3A_109 : memref<1x80xi32, #tpu.memory_space<vmem>> -> memref<80xi32, #tpu.memory_space<vmem>>
      %dma_start3A_111 = arith.constant 0 : i32
      %dma_start3A_112 = arith.constant 0 : i32
      %dma_start3A_113 = tpu.memref_slice %arg3[%dma_start3A_111, %dma_start3A_112] : memref<10000x64xf32, #tpu.memory_space<hbm>> -> memref<10000x64xf32, #tpu.memory_space<hbm>>
      tpu.enqueue_indirect_dma source(%dma_start3A_113 : memref<10000x64xf32, #tpu.memory_space<hbm>>) target(%arg14 : memref<80x64xf32, #tpu.memory_space<vmem>>) offsets(%dma_start3A_110 : memref<80xi32, #tpu.memory_space<vmem>>) semaphore(%arg18 : memref<!tpu.dma_semaphore, #tpu.memory_space<semaphore_mem>>)
      %add3A_114 = arith.constant 1 : i32
      %add3A_115 = arith.addi %mul3A_92, %add3A_114 : i32
      %dma_start3A_116 = arith.constant 0 : i32
      %dma_start3A_117 = tpu.memref_slice %arg8[%add3A_115, %dma_start3A_116] : memref<125x80xi32, #tpu.memory_space<vmem>> -> memref<1x80xi32, #tpu.memory_space<vmem>>
      %dma_start3A_118 = tpu.memref_squeeze %dma_start3A_117 : memref<1x80xi32, #tpu.memory_space<vmem>> -> memref<80xi32, #tpu.memory_space<vmem>>
      %dma_start3A_119 = arith.constant 0 : i32
      %dma_start3A_120 = arith.constant 0 : i32
      %dma_start3A_121 = tpu.memref_slice %arg2[%dma_start3A_119, %dma_start3A_120] : memref<10000x64xf32, #tpu.memory_space<hbm>> -> memref<10000x64xf32, #tpu.memory_space<hbm>>
      tpu.enqueue_indirect_dma source(%dma_start3A_121 : memref<10000x64xf32, #tpu.memory_space<hbm>>) target(%arg11 : memref<80x64xf32, #tpu.memory_space<vmem>>) offsets(%dma_start3A_118 : memref<80xi32, #tpu.memory_space<vmem>>) semaphore(%arg19 : memref<!tpu.dma_semaphore, #tpu.memory_space<semaphore_mem>>)
      %add3A_122 = arith.constant 1 : i32
      %add3A_123 = arith.addi %mul3A_92, %add3A_122 : i32
      %dma_start3A_124 = arith.constant 0 : i32
      %dma_start3A_125 = tpu.memref_slice %arg9[%add3A_123, %dma_start3A_124] : memref<125x80xi32, #tpu.memory_space<vmem>> -> memref<1x80xi32, #tpu.memory_space<vmem>>
      %dma_start3A_126 = tpu.memref_squeeze %dma_start3A_125 : memref<1x80xi32, #tpu.memory_space<vmem>> -> memref<80xi32, #tpu.memory_space<vmem>>
      %dma_start3A_127 = arith.constant 0 : i32
      %dma_start3A_128 = arith.constant 0 : i32
      %dma_start3A_129 = tpu.memref_slice %arg3[%dma_start3A_127, %dma_start3A_128] : memref<10000x64xf32, #tpu.memory_space<hbm>> -> memref<10000x64xf32, #tpu.memory_space<hbm>>
      tpu.enqueue_indirect_dma source(%dma_start3A_129 : memref<10000x64xf32, #tpu.memory_space<hbm>>) target(%arg15 : memref<80x64xf32, #tpu.memory_space<vmem>>) offsets(%dma_start3A_126 : memref<80xi32, #tpu.memory_space<vmem>>) semaphore(%arg19 : memref<!tpu.dma_semaphore, #tpu.memory_space<semaphore_mem>>)
      %add3A_130 = arith.constant 2 : i32
      %add3A_131 = arith.addi %mul3A_92, %add3A_130 : i32
      %dma_start3A_132 = arith.constant 0 : i32
      %dma_start3A_133 = tpu.memref_slice %arg8[%add3A_131, %dma_start3A_132] : memref<125x80xi32, #tpu.memory_space<vmem>> -> memref<1x80xi32, #tpu.memory_space<vmem>>
      %dma_start3A_134 = tpu.memref_squeeze %dma_start3A_133 : memref<1x80xi32, #tpu.memory_space<vmem>> -> memref<80xi32, #tpu.memory_space<vmem>>
      %dma_start3A_135 = arith.constant 0 : i32
      %dma_start3A_136 = arith.constant 0 : i32
      %dma_start3A_137 = tpu.memref_slice %arg2[%dma_start3A_135, %dma_start3A_136] : memref<10000x64xf32, #tpu.memory_space<hbm>> -> memref<10000x64xf32, #tpu.memory_space<hbm>>
      tpu.enqueue_indirect_dma source(%dma_start3A_137 : memref<10000x64xf32, #tpu.memory_space<hbm>>) target(%arg12 : memref<80x64xf32, #tpu.memory_space<vmem>>) offsets(%dma_start3A_134 : memref<80xi32, #tpu.memory_space<vmem>>) semaphore(%arg20 : memref<!tpu.dma_semaphore, #tpu.memory_space<semaphore_mem>>)
      %add3A_138 = arith.constant 2 : i32
      %add3A_139 = arith.addi %mul3A_92, %add3A_138 : i32
      %dma_start3A_140 = arith.constant 0 : i32
      %dma_start3A_141 = tpu.memref_slice %arg9[%add3A_139, %dma_start3A_140] : memref<125x80xi32, #tpu.memory_space<vmem>> -> memref<1x80xi32, #tpu.memory_space<vmem>>
      %dma_start3A_142 = tpu.memref_squeeze %dma_start3A_141 : memref<1x80xi32, #tpu.memory_space<vmem>> -> memref<80xi32, #tpu.memory_space<vmem>>
      %dma_start3A_143 = arith.constant 0 : i32
      %dma_start3A_144 = arith.constant 0 : i32
      %dma_start3A_145 = tpu.memref_slice %arg3[%dma_start3A_143, %dma_start3A_144] : memref<10000x64xf32, #tpu.memory_space<hbm>> -> memref<10000x64xf32, #tpu.memory_space<hbm>>
      tpu.enqueue_indirect_dma source(%dma_start3A_145 : memref<10000x64xf32, #tpu.memory_space<hbm>>) target(%arg16 : memref<80x64xf32, #tpu.memory_space<vmem>>) offsets(%dma_start3A_142 : memref<80xi32, #tpu.memory_space<vmem>>) semaphore(%arg20 : memref<!tpu.dma_semaphore, #tpu.memory_space<semaphore_mem>>)
      %add3A_146 = arith.constant 3 : i32
      %add3A_147 = arith.addi %mul3A_92, %add3A_146 : i32
      %dma_start3A_148 = arith.constant 0 : i32
      %dma_start3A_149 = tpu.memref_slice %arg8[%add3A_147, %dma_start3A_148] : memref<125x80xi32, #tpu.memory_space<vmem>> -> memref<1x80xi32, #tpu.memory_space<vmem>>
      %dma_start3A_150 = tpu.memref_squeeze %dma_start3A_149 : memref<1x80xi32, #tpu.memory_space<vmem>> -> memref<80xi32, #tpu.memory_space<vmem>>
      %dma_start3A_151 = arith.constant 0 : i32
      %dma_start3A_152 = arith.constant 0 : i32
      %dma_start3A_153 = tpu.memref_slice %arg2[%dma_start3A_151, %dma_start3A_152] : memref<10000x64xf32, #tpu.memory_space<hbm>> -> memref<10000x64xf32, #tpu.memory_space<hbm>>
      tpu.enqueue_indirect_dma source(%dma_start3A_153 : memref<10000x64xf32, #tpu.memory_space<hbm>>) target(%arg13 : memref<80x64xf32, #tpu.memory_space<vmem>>) offsets(%dma_start3A_150 : memref<80xi32, #tpu.memory_space<vmem>>) semaphore(%arg21 : memref<!tpu.dma_semaphore, #tpu.memory_space<semaphore_mem>>)
      %add3A_154 = arith.constant 3 : i32
      %add3A_155 = arith.addi %mul3A_92, %add3A_154 : i32
      %dma_start3A_156 = arith.constant 0 : i32
      %dma_start3A_157 = tpu.memref_slice %arg9[%add3A_155, %dma_start3A_156] : memref<125x80xi32, #tpu.memory_space<vmem>> -> memref<1x80xi32, #tpu.memory_space<vmem>>
      %dma_start3A_158 = tpu.memref_squeeze %dma_start3A_157 : memref<1x80xi32, #tpu.memory_space<vmem>> -> memref<80xi32, #tpu.memory_space<vmem>>
      %dma_start3A_159 = arith.constant 0 : i32
      %dma_start3A_160 = arith.constant 0 : i32
      %dma_start3A_161 = tpu.memref_slice %arg3[%dma_start3A_159, %dma_start3A_160] : memref<10000x64xf32, #tpu.memory_space<hbm>> -> memref<10000x64xf32, #tpu.memory_space<hbm>>
      tpu.enqueue_indirect_dma source(%dma_start3A_161 : memref<10000x64xf32, #tpu.memory_space<hbm>>) target(%arg17 : memref<80x64xf32, #tpu.memory_space<vmem>>) offsets(%dma_start3A_158 : memref<80xi32, #tpu.memory_space<vmem>>) semaphore(%arg21 : memref<!tpu.dma_semaphore, #tpu.memory_space<semaphore_mem>>)
      %dma_wait3A_162 = arith.constant 0 : i32
      %dma_wait3A_163 = tpu.memref_slice %arg8[%add3A_99, %dma_wait3A_162] : memref<125x80xi32, #tpu.memory_space<vmem>> -> memref<1x80xi32, #tpu.memory_space<vmem>>
      %dma_wait3A_164 = tpu.memref_squeeze %dma_wait3A_163 : memref<1x80xi32, #tpu.memory_space<vmem>> -> memref<80xi32, #tpu.memory_space<vmem>>
      %dma_wait3A_165 = arith.constant 0 : i32
      %dma_wait3A_166 = arith.constant 0 : i32
      %dma_wait3A_167 = tpu.memref_slice %arg2[%dma_wait3A_165, %dma_wait3A_166] : memref<10000x64xf32, #tpu.memory_space<hbm>> -> memref<10000x64xf32, #tpu.memory_space<hbm>>
      tpu.wait_indirect_dma semaphore(%arg18 : memref<!tpu.dma_semaphore, #tpu.memory_space<semaphore_mem>>) src(%dma_wait3A_167 : memref<10000x64xf32, #tpu.memory_space<hbm>>) dst(%arg10 : memref<80x64xf32, #tpu.memory_space<vmem>>)
      %dma_wait3A_168 = arith.constant 0 : i32
      %dma_wait3A_169 = tpu.memref_slice %arg9[%add3A_107, %dma_wait3A_168] : memref<125x80xi32, #tpu.memory_space<vmem>> -> memref<1x80xi32, #tpu.memory_space<vmem>>
      %dma_wait3A_170 = tpu.memref_squeeze %dma_wait3A_169 : memref<1x80xi32, #tpu.memory_space<vmem>> -> memref<80xi32, #tpu.memory_space<vmem>>
      %dma_wait3A_171 = arith.constant 0 : i32
      %dma_wait3A_172 = arith.constant 0 : i32
      %dma_wait3A_173 = tpu.memref_slice %arg3[%dma_wait3A_171, %dma_wait3A_172] : memref<10000x64xf32, #tpu.memory_space<hbm>> -> memref<10000x64xf32, #tpu.memory_space<hbm>>
      tpu.wait_indirect_dma semaphore(%arg18 : memref<!tpu.dma_semaphore, #tpu.memory_space<semaphore_mem>>) src(%dma_wait3A_173 : memref<10000x64xf32, #tpu.memory_space<hbm>>) dst(%arg14 : memref<80x64xf32, #tpu.memory_space<vmem>>)
      %add3A_174 = arith.constant 0 : i32
      %add3A_175 = arith.addi %add3A_95, %add3A_174 : i32
      %dma_start3A_176 = arith.constant 0 : i32
      %dma_start3A_177 = tpu.memref_slice %arg6[%add3A_175, %dma_start3A_176] : memref<320000x64xf32, #tpu.memory_space<hbm>> -> memref<80x64xf32, #tpu.memory_space<hbm>>
      %dma_start3A_178 = arith.constant 0 : i32
      %dma_start3A_179 = tpu.memref_slice %arg6[%add3A_175, %dma_start3A_178] : memref<320000x64xf32, #tpu.memory_space<hbm>> -> memref<80x64xf32, #tpu.memory_space<hbm>>
      tpu.enqueue_dma source(%arg10 : memref<80x64xf32, #tpu.memory_space<vmem>>) target(%dma_start3A_179 : memref<80x64xf32, #tpu.memory_space<hbm>>) target_semaphore(%arg22 : memref<!tpu.dma_semaphore, #tpu.memory_space<semaphore_mem>>)
      %dma_start3A_180 = arith.constant 0 : i32
      %dma_start3A_181 = tpu.memref_slice %arg7[%add3A_175, %dma_start3A_180] : memref<320000x64xf32, #tpu.memory_space<hbm>> -> memref<80x64xf32, #tpu.memory_space<hbm>>
      %dma_start3A_182 = arith.constant 0 : i32
      %dma_start3A_183 = tpu.memref_slice %arg7[%add3A_175, %dma_start3A_182] : memref<320000x64xf32, #tpu.memory_space<hbm>> -> memref<80x64xf32, #tpu.memory_space<hbm>>
      tpu.enqueue_dma source(%arg14 : memref<80x64xf32, #tpu.memory_space<vmem>>) target(%dma_start3A_183 : memref<80x64xf32, #tpu.memory_space<hbm>>) target_semaphore(%arg22 : memref<!tpu.dma_semaphore, #tpu.memory_space<semaphore_mem>>)
      %dma_wait3A_184 = arith.constant 0 : i32
      %dma_wait3A_185 = tpu.memref_slice %arg8[%add3A_115, %dma_wait3A_184] : memref<125x80xi32, #tpu.memory_space<vmem>> -> memref<1x80xi32, #tpu.memory_space<vmem>>
      %dma_wait3A_186 = tpu.memref_squeeze %dma_wait3A_185 : memref<1x80xi32, #tpu.memory_space<vmem>> -> memref<80xi32, #tpu.memory_space<vmem>>
      %dma_wait3A_187 = arith.constant 0 : i32
      %dma_wait3A_188 = arith.constant 0 : i32
      %dma_wait3A_189 = tpu.memref_slice %arg2[%dma_wait3A_187, %dma_wait3A_188] : memref<10000x64xf32, #tpu.memory_space<hbm>> -> memref<10000x64xf32, #tpu.memory_space<hbm>>
      tpu.wait_indirect_dma semaphore(%arg19 : memref<!tpu.dma_semaphore, #tpu.memory_space<semaphore_mem>>) src(%dma_wait3A_189 : memref<10000x64xf32, #tpu.memory_space<hbm>>) dst(%arg11 : memref<80x64xf32, #tpu.memory_space<vmem>>)
      %dma_wait3A_190 = arith.constant 0 : i32
      %dma_wait3A_191 = tpu.memref_slice %arg9[%add3A_123, %dma_wait3A_190] : memref<125x80xi32, #tpu.memory_space<vmem>> -> memref<1x80xi32, #tpu.memory_space<vmem>>
      %dma_wait3A_192 = tpu.memref_squeeze %dma_wait3A_191 : memref<1x80xi32, #tpu.memory_space<vmem>> -> memref<80xi32, #tpu.memory_space<vmem>>
      %dma_wait3A_193 = arith.constant 0 : i32
      %dma_wait3A_194 = arith.constant 0 : i32
      %dma_wait3A_195 = tpu.memref_slice %arg3[%dma_wait3A_193, %dma_wait3A_194] : memref<10000x64xf32, #tpu.memory_space<hbm>> -> memref<10000x64xf32, #tpu.memory_space<hbm>>
      tpu.wait_indirect_dma semaphore(%arg19 : memref<!tpu.dma_semaphore, #tpu.memory_space<semaphore_mem>>) src(%dma_wait3A_195 : memref<10000x64xf32, #tpu.memory_space<hbm>>) dst(%arg15 : memref<80x64xf32, #tpu.memory_space<vmem>>)
      %add3A_196 = arith.constant 80 : i32
      %add3A_197 = arith.addi %add3A_95, %add3A_196 : i32
      %dma_start3A_198 = arith.constant 0 : i32
      %dma_start3A_199 = tpu.memref_slice %arg6[%add3A_197, %dma_start3A_198] : memref<320000x64xf32, #tpu.memory_space<hbm>> -> memref<80x64xf32, #tpu.memory_space<hbm>>
      %dma_start3A_200 = arith.constant 0 : i32
      %dma_start3A_201 = tpu.memref_slice %arg6[%add3A_197, %dma_start3A_200] : memref<320000x64xf32, #tpu.memory_space<hbm>> -> memref<80x64xf32, #tpu.memory_space<hbm>>
      tpu.enqueue_dma source(%arg11 : memref<80x64xf32, #tpu.memory_space<vmem>>) target(%dma_start3A_201 : memref<80x64xf32, #tpu.memory_space<hbm>>) target_semaphore(%arg22 : memref<!tpu.dma_semaphore, #tpu.memory_space<semaphore_mem>>)
      %dma_start3A_202 = arith.constant 0 : i32
      %dma_start3A_203 = tpu.memref_slice %arg7[%add3A_197, %dma_start3A_202] : memref<320000x64xf32, #tpu.memory_space<hbm>> -> memref<80x64xf32, #tpu.memory_space<hbm>>
      %dma_start3A_204 = arith.constant 0 : i32
      %dma_start3A_205 = tpu.memref_slice %arg7[%add3A_197, %dma_start3A_204] : memref<320000x64xf32, #tpu.memory_space<hbm>> -> memref<80x64xf32, #tpu.memory_space<hbm>>
      tpu.enqueue_dma source(%arg15 : memref<80x64xf32, #tpu.memory_space<vmem>>) target(%dma_start3A_205 : memref<80x64xf32, #tpu.memory_space<hbm>>) target_semaphore(%arg22 : memref<!tpu.dma_semaphore, #tpu.memory_space<semaphore_mem>>)
      %dma_wait3A_206 = arith.constant 0 : i32
      %dma_wait3A_207 = tpu.memref_slice %arg8[%add3A_131, %dma_wait3A_206] : memref<125x80xi32, #tpu.memory_space<vmem>> -> memref<1x80xi32, #tpu.memory_space<vmem>>
      %dma_wait3A_208 = tpu.memref_squeeze %dma_wait3A_207 : memref<1x80xi32, #tpu.memory_space<vmem>> -> memref<80xi32, #tpu.memory_space<vmem>>
      %dma_wait3A_209 = arith.constant 0 : i32
      %dma_wait3A_210 = arith.constant 0 : i32
      %dma_wait3A_211 = tpu.memref_slice %arg2[%dma_wait3A_209, %dma_wait3A_210] : memref<10000x64xf32, #tpu.memory_space<hbm>> -> memref<10000x64xf32, #tpu.memory_space<hbm>>
      tpu.wait_indirect_dma semaphore(%arg20 : memref<!tpu.dma_semaphore, #tpu.memory_space<semaphore_mem>>) src(%dma_wait3A_211 : memref<10000x64xf32, #tpu.memory_space<hbm>>) dst(%arg12 : memref<80x64xf32, #tpu.memory_space<vmem>>)
      %dma_wait3A_212 = arith.constant 0 : i32
      %dma_wait3A_213 = tpu.memref_slice %arg9[%add3A_139, %dma_wait3A_212] : memref<125x80xi32, #tpu.memory_space<vmem>> -> memref<1x80xi32, #tpu.memory_space<vmem>>
      %dma_wait3A_214 = tpu.memref_squeeze %dma_wait3A_213 : memref<1x80xi32, #tpu.memory_space<vmem>> -> memref<80xi32, #tpu.memory_space<vmem>>
      %dma_wait3A_215 = arith.constant 0 : i32
      %dma_wait3A_216 = arith.constant 0 : i32
      %dma_wait3A_217 = tpu.memref_slice %arg3[%dma_wait3A_215, %dma_wait3A_216] : memref<10000x64xf32, #tpu.memory_space<hbm>> -> memref<10000x64xf32, #tpu.memory_space<hbm>>
      tpu.wait_indirect_dma semaphore(%arg20 : memref<!tpu.dma_semaphore, #tpu.memory_space<semaphore_mem>>) src(%dma_wait3A_217 : memref<10000x64xf32, #tpu.memory_space<hbm>>) dst(%arg16 : memref<80x64xf32, #tpu.memory_space<vmem>>)
      %add3A_218 = arith.constant 160 : i32
      %add3A_219 = arith.addi %add3A_95, %add3A_218 : i32
      %dma_start3A_220 = arith.constant 0 : i32
      %dma_start3A_221 = tpu.memref_slice %arg6[%add3A_219, %dma_start3A_220] : memref<320000x64xf32, #tpu.memory_space<hbm>> -> memref<80x64xf32, #tpu.memory_space<hbm>>
      %dma_start3A_222 = arith.constant 0 : i32
      %dma_start3A_223 = tpu.memref_slice %arg6[%add3A_219, %dma_start3A_222] : memref<320000x64xf32, #tpu.memory_space<hbm>> -> memref<80x64xf32, #tpu.memory_space<hbm>>
      tpu.enqueue_dma source(%arg12 : memref<80x64xf32, #tpu.memory_space<vmem>>) target(%dma_start3A_223 : memref<80x64xf32, #tpu.memory_space<hbm>>) target_semaphore(%arg22 : memref<!tpu.dma_semaphore, #tpu.memory_space<semaphore_mem>>)
      %dma_start3A_224 = arith.constant 0 : i32
      %dma_start3A_225 = tpu.memref_slice %arg7[%add3A_219, %dma_start3A_224] : memref<320000x64xf32, #tpu.memory_space<hbm>> -> memref<80x64xf32, #tpu.memory_space<hbm>>
      %dma_start3A_226 = arith.constant 0 : i32
      %dma_start3A_227 = tpu.memref_slice %arg7[%add3A_219, %dma_start3A_226] : memref<320000x64xf32, #tpu.memory_space<hbm>> -> memref<80x64xf32, #tpu.memory_space<hbm>>
      tpu.enqueue_dma source(%arg16 : memref<80x64xf32, #tpu.memory_space<vmem>>) target(%dma_start3A_227 : memref<80x64xf32, #tpu.memory_space<hbm>>) target_semaphore(%arg22 : memref<!tpu.dma_semaphore, #tpu.memory_space<semaphore_mem>>)
      %dma_wait3A_228 = arith.constant 0 : i32
      %dma_wait3A_229 = tpu.memref_slice %arg8[%add3A_147, %dma_wait3A_228] : memref<125x80xi32, #tpu.memory_space<vmem>> -> memref<1x80xi32, #tpu.memory_space<vmem>>
      %dma_wait3A_230 = tpu.memref_squeeze %dma_wait3A_229 : memref<1x80xi32, #tpu.memory_space<vmem>> -> memref<80xi32, #tpu.memory_space<vmem>>
      %dma_wait3A_231 = arith.constant 0 : i32
      %dma_wait3A_232 = arith.constant 0 : i32
      %dma_wait3A_233 = tpu.memref_slice %arg2[%dma_wait3A_231, %dma_wait3A_232] : memref<10000x64xf32, #tpu.memory_space<hbm>> -> memref<10000x64xf32, #tpu.memory_space<hbm>>
      tpu.wait_indirect_dma semaphore(%arg21 : memref<!tpu.dma_semaphore, #tpu.memory_space<semaphore_mem>>) src(%dma_wait3A_233 : memref<10000x64xf32, #tpu.memory_space<hbm>>) dst(%arg13 : memref<80x64xf32, #tpu.memory_space<vmem>>)
      %dma_wait3A_234 = arith.constant 0 : i32
      %dma_wait3A_235 = tpu.memref_slice %arg9[%add3A_155, %dma_wait3A_234] : memref<125x80xi32, #tpu.memory_space<vmem>> -> memref<1x80xi32, #tpu.memory_space<vmem>>
      %dma_wait3A_236 = tpu.memref_squeeze %dma_wait3A_235 : memref<1x80xi32, #tpu.memory_space<vmem>> -> memref<80xi32, #tpu.memory_space<vmem>>
      %dma_wait3A_237 = arith.constant 0 : i32
      %dma_wait3A_238 = arith.constant 0 : i32
      %dma_wait3A_239 = tpu.memref_slice %arg3[%dma_wait3A_237, %dma_wait3A_238] : memref<10000x64xf32, #tpu.memory_space<hbm>> -> memref<10000x64xf32, #tpu.memory_space<hbm>>
      tpu.wait_indirect_dma semaphore(%arg21 : memref<!tpu.dma_semaphore, #tpu.memory_space<semaphore_mem>>) src(%dma_wait3A_239 : memref<10000x64xf32, #tpu.memory_space<hbm>>) dst(%arg17 : memref<80x64xf32, #tpu.memory_space<vmem>>)
      %add3A_240 = arith.constant 240 : i32
      %add3A_241 = arith.addi %add3A_95, %add3A_240 : i32
      %dma_start3A_242 = arith.constant 0 : i32
      %dma_start3A_243 = tpu.memref_slice %arg6[%add3A_241, %dma_start3A_242] : memref<320000x64xf32, #tpu.memory_space<hbm>> -> memref<80x64xf32, #tpu.memory_space<hbm>>
      %dma_start3A_244 = arith.constant 0 : i32
      %dma_start3A_245 = tpu.memref_slice %arg6[%add3A_241, %dma_start3A_244] : memref<320000x64xf32, #tpu.memory_space<hbm>> -> memref<80x64xf32, #tpu.memory_space<hbm>>
      tpu.enqueue_dma source(%arg13 : memref<80x64xf32, #tpu.memory_space<vmem>>) target(%dma_start3A_245 : memref<80x64xf32, #tpu.memory_space<hbm>>) target_semaphore(%arg22 : memref<!tpu.dma_semaphore, #tpu.memory_space<semaphore_mem>>)
      %dma_start3A_246 = arith.constant 0 : i32
      %dma_start3A_247 = tpu.memref_slice %arg7[%add3A_241, %dma_start3A_246] : memref<320000x64xf32, #tpu.memory_space<hbm>> -> memref<80x64xf32, #tpu.memory_space<hbm>>
      %dma_start3A_248 = arith.constant 0 : i32
      %dma_start3A_249 = tpu.memref_slice %arg7[%add3A_241, %dma_start3A_248] : memref<320000x64xf32, #tpu.memory_space<hbm>> -> memref<80x64xf32, #tpu.memory_space<hbm>>
      tpu.enqueue_dma source(%arg17 : memref<80x64xf32, #tpu.memory_space<vmem>>) target(%dma_start3A_249 : memref<80x64xf32, #tpu.memory_space<hbm>>) target_semaphore(%arg22 : memref<!tpu.dma_semaphore, #tpu.memory_space<semaphore_mem>>)
      %scan3A_250 = arith.constant 0 : i32
      scf.yield %scan3A_250 : i32
    }
    %scan3A_12 = arith.constant 31 : i32
    %dma_wait3A = arith.constant 0 : i32
    %dma_wait3A_13 = tpu.memref_slice %arg6[%mul3A_2, %dma_wait3A] : memref<320000x64xf32, #tpu.memory_space<hbm>> -> memref<80x64xf32, #tpu.memory_space<hbm>>
    %dma_wait3A_14 = arith.constant 0 : i32
    %dma_wait3A_15 = tpu.memref_slice %arg6[%mul3A_2, %dma_wait3A_14] : memref<320000x64xf32, #tpu.memory_space<hbm>> -> memref<80x64xf32, #tpu.memory_space<hbm>>
    tpu.wait_dma2 semaphore(%arg22 : memref<!tpu.dma_semaphore, #tpu.memory_space<semaphore_mem>>) src(%arg10 : memref<80x64xf32, #tpu.memory_space<vmem>>) dst(%dma_wait3A_15 : memref<80x64xf32, #tpu.memory_space<hbm>>)
    %dma_wait3A_16 = arith.constant 0 : i32
    %dma_wait3A_17 = tpu.memref_slice %arg7[%mul3A_2, %dma_wait3A_16] : memref<320000x64xf32, #tpu.memory_space<hbm>> -> memref<80x64xf32, #tpu.memory_space<hbm>>
    %dma_wait3A_18 = arith.constant 0 : i32
    %dma_wait3A_19 = tpu.memref_slice %arg7[%mul3A_2, %dma_wait3A_18] : memref<320000x64xf32, #tpu.memory_space<hbm>> -> memref<80x64xf32, #tpu.memory_space<hbm>>
    tpu.wait_dma2 semaphore(%arg22 : memref<!tpu.dma_semaphore, #tpu.memory_space<semaphore_mem>>) src(%arg14 : memref<80x64xf32, #tpu.memory_space<vmem>>) dst(%dma_wait3A_19 : memref<80x64xf32, #tpu.memory_space<hbm>>)
    %dma_wait3A_20 = arith.constant 0 : i32
    %dma_wait3A_21 = tpu.memref_slice %arg6[%mul3A_2, %dma_wait3A_20] : memref<320000x64xf32, #tpu.memory_space<hbm>> -> memref<80x64xf32, #tpu.memory_space<hbm>>
    %dma_wait3A_22 = arith.constant 0 : i32
    %dma_wait3A_23 = tpu.memref_slice %arg6[%mul3A_2, %dma_wait3A_22] : memref<320000x64xf32, #tpu.memory_space<hbm>> -> memref<80x64xf32, #tpu.memory_space<hbm>>
    tpu.wait_dma2 semaphore(%arg22 : memref<!tpu.dma_semaphore, #tpu.memory_space<semaphore_mem>>) src(%arg11 : memref<80x64xf32, #tpu.memory_space<vmem>>) dst(%dma_wait3A_23 : memref<80x64xf32, #tpu.memory_space<hbm>>)
    %dma_wait3A_24 = arith.constant 0 : i32
    %dma_wait3A_25 = tpu.memref_slice %arg7[%mul3A_2, %dma_wait3A_24] : memref<320000x64xf32, #tpu.memory_space<hbm>> -> memref<80x64xf32, #tpu.memory_space<hbm>>
    %dma_wait3A_26 = arith.constant 0 : i32
    %dma_wait3A_27 = tpu.memref_slice %arg7[%mul3A_2, %dma_wait3A_26] : memref<320000x64xf32, #tpu.memory_space<hbm>> -> memref<80x64xf32, #tpu.memory_space<hbm>>
    tpu.wait_dma2 semaphore(%arg22 : memref<!tpu.dma_semaphore, #tpu.memory_space<semaphore_mem>>) src(%arg15 : memref<80x64xf32, #tpu.memory_space<vmem>>) dst(%dma_wait3A_27 : memref<80x64xf32, #tpu.memory_space<hbm>>)
    %dma_wait3A_28 = arith.constant 0 : i32
    %dma_wait3A_29 = tpu.memref_slice %arg6[%mul3A_2, %dma_wait3A_28] : memref<320000x64xf32, #tpu.memory_space<hbm>> -> memref<80x64xf32, #tpu.memory_space<hbm>>
    %dma_wait3A_30 = arith.constant 0 : i32
    %dma_wait3A_31 = tpu.memref_slice %arg6[%mul3A_2, %dma_wait3A_30] : memref<320000x64xf32, #tpu.memory_space<hbm>> -> memref<80x64xf32, #tpu.memory_space<hbm>>
    tpu.wait_dma2 semaphore(%arg22 : memref<!tpu.dma_semaphore, #tpu.memory_space<semaphore_mem>>) src(%arg12 : memref<80x64xf32, #tpu.memory_space<vmem>>) dst(%dma_wait3A_31 : memref<80x64xf32, #tpu.memory_space<hbm>>)
    %dma_wait3A_32 = arith.constant 0 : i32
    %dma_wait3A_33 = tpu.memref_slice %arg7[%mul3A_2, %dma_wait3A_32] : memref<320000x64xf32, #tpu.memory_space<hbm>> -> memref<80x64xf32, #tpu.memory_space<hbm>>
    %dma_wait3A_34 = arith.constant 0 : i32
    %dma_wait3A_35 = tpu.memref_slice %arg7[%mul3A_2, %dma_wait3A_34] : memref<320000x64xf32, #tpu.memory_space<hbm>> -> memref<80x64xf32, #tpu.memory_space<hbm>>
    tpu.wait_dma2 semaphore(%arg22 : memref<!tpu.dma_semaphore, #tpu.memory_space<semaphore_mem>>) src(%arg16 : memref<80x64xf32, #tpu.memory_space<vmem>>) dst(%dma_wait3A_35 : memref<80x64xf32, #tpu.memory_space<hbm>>)
    %dma_wait3A_36 = arith.constant 0 : i32
    %dma_wait3A_37 = tpu.memref_slice %arg6[%mul3A_2, %dma_wait3A_36] : memref<320000x64xf32, #tpu.memory_space<hbm>> -> memref<80x64xf32, #tpu.memory_space<hbm>>
    %dma_wait3A_38 = arith.constant 0 : i32
    %dma_wait3A_39 = tpu.memref_slice %arg6[%mul3A_2, %dma_wait3A_38] : memref<320000x64xf32, #tpu.memory_space<hbm>> -> memref<80x64xf32, #tpu.memory_space<hbm>>
    tpu.wait_dma2 semaphore(%arg22 : memref<!tpu.dma_semaphore, #tpu.memory_space<semaphore_mem>>) src(%arg13 : memref<80x64xf32, #tpu.memory_space<vmem>>) dst(%dma_wait3A_39 : memref<80x64xf32, #tpu.memory_space<hbm>>)
    %dma_wait3A_40 = arith.constant 0 : i32
    %dma_wait3A_41 = tpu.memref_slice %arg7[%mul3A_2, %dma_wait3A_40] : memref<320000x64xf32, #tpu.memory_space<hbm>> -> memref<80x64xf32, #tpu.memory_space<hbm>>
    %dma_wait3A_42 = arith.constant 0 : i32
    %dma_wait3A_43 = tpu.memref_slice %arg7[%mul3A_2, %dma_wait3A_42] : memref<320000x64xf32, #tpu.memory_space<hbm>> -> memref<80x64xf32, #tpu.memory_space<hbm>>
    tpu.wait_dma2 semaphore(%arg22 : memref<!tpu.dma_semaphore, #tpu.memory_space<semaphore_mem>>) src(%arg17 : memref<80x64xf32, #tpu.memory_space<vmem>>) dst(%dma_wait3A_43 : memref<80x64xf32, #tpu.memory_space<hbm>>)
    %add3A_44 = arith.constant 9920 : i32
    %add3A_45 = arith.addi %mul3A_2, %add3A_44 : i32
    %dma_start3A = arith.constant 124 : i32
    %dma_start3A_46 = arith.constant 0 : i32
    %dma_start3A_47 = tpu.memref_slice %arg8[%dma_start3A, %dma_start3A_46] : memref<125x80xi32, #tpu.memory_space<vmem>> -> memref<1x80xi32, #tpu.memory_space<vmem>>
    %dma_start3A_48 = tpu.memref_squeeze %dma_start3A_47 : memref<1x80xi32, #tpu.memory_space<vmem>> -> memref<80xi32, #tpu.memory_space<vmem>>
    %dma_start3A_49 = arith.constant 0 : i32
    %dma_start3A_50 = arith.constant 0 : i32
    %dma_start3A_51 = tpu.memref_slice %arg2[%dma_start3A_49, %dma_start3A_50] : memref<10000x64xf32, #tpu.memory_space<hbm>> -> memref<10000x64xf32, #tpu.memory_space<hbm>>
    tpu.enqueue_indirect_dma source(%dma_start3A_51 : memref<10000x64xf32, #tpu.memory_space<hbm>>) target(%arg10 : memref<80x64xf32, #tpu.memory_space<vmem>>) offsets(%dma_start3A_48 : memref<80xi32, #tpu.memory_space<vmem>>) semaphore(%arg18 : memref<!tpu.dma_semaphore, #tpu.memory_space<semaphore_mem>>)
    %dma_wait3A_52 = arith.constant 124 : i32
    %dma_wait3A_53 = arith.constant 0 : i32
    %dma_wait3A_54 = tpu.memref_slice %arg8[%dma_wait3A_52, %dma_wait3A_53] : memref<125x80xi32, #tpu.memory_space<vmem>> -> memref<1x80xi32, #tpu.memory_space<vmem>>
    %dma_wait3A_55 = tpu.memref_squeeze %dma_wait3A_54 : memref<1x80xi32, #tpu.memory_space<vmem>> -> memref<80xi32, #tpu.memory_space<vmem>>
    %dma_wait3A_56 = arith.constant 0 : i32
    %dma_wait3A_57 = arith.constant 0 : i32
    %dma_wait3A_58 = tpu.memref_slice %arg2[%dma_wait3A_56, %dma_wait3A_57] : memref<10000x64xf32, #tpu.memory_space<hbm>> -> memref<10000x64xf32, #tpu.memory_space<hbm>>
    tpu.wait_indirect_dma semaphore(%arg18 : memref<!tpu.dma_semaphore, #tpu.memory_space<semaphore_mem>>) src(%dma_wait3A_58 : memref<10000x64xf32, #tpu.memory_space<hbm>>) dst(%arg10 : memref<80x64xf32, #tpu.memory_space<vmem>>)
    %dma_start3A_59 = arith.constant 0 : i32
    %dma_start3A_60 = tpu.memref_slice %arg6[%add3A_45, %dma_start3A_59] : memref<320000x64xf32, #tpu.memory_space<hbm>> -> memref<80x64xf32, #tpu.memory_space<hbm>>
    %dma_start3A_61 = arith.constant 0 : i32
    %dma_start3A_62 = tpu.memref_slice %arg6[%add3A_45, %dma_start3A_61] : memref<320000x64xf32, #tpu.memory_space<hbm>> -> memref<80x64xf32, #tpu.memory_space<hbm>>
    tpu.enqueue_dma source(%arg10 : memref<80x64xf32, #tpu.memory_space<vmem>>) target(%dma_start3A_62 : memref<80x64xf32, #tpu.memory_space<hbm>>) target_semaphore(%arg22 : memref<!tpu.dma_semaphore, #tpu.memory_space<semaphore_mem>>)
    %dma_wait3A_63 = arith.constant 0 : i32
    %dma_wait3A_64 = tpu.memref_slice %arg6[%add3A_45, %dma_wait3A_63] : memref<320000x64xf32, #tpu.memory_space<hbm>> -> memref<80x64xf32, #tpu.memory_space<hbm>>
    %dma_wait3A_65 = arith.constant 0 : i32
    %dma_wait3A_66 = tpu.memref_slice %arg6[%add3A_45, %dma_wait3A_65] : memref<320000x64xf32, #tpu.memory_space<hbm>> -> memref<80x64xf32, #tpu.memory_space<hbm>>
    tpu.wait_dma2 semaphore(%arg22 : memref<!tpu.dma_semaphore, #tpu.memory_space<semaphore_mem>>) src(%arg10 : memref<80x64xf32, #tpu.memory_space<vmem>>) dst(%dma_wait3A_66 : memref<80x64xf32, #tpu.memory_space<hbm>>)
    %dma_start3A_67 = arith.constant 124 : i32
    %dma_start3A_68 = arith.constant 0 : i32
    %dma_start3A_69 = tpu.memref_slice %arg9[%dma_start3A_67, %dma_start3A_68] : memref<125x80xi32, #tpu.memory_space<vmem>> -> memref<1x80xi32, #tpu.memory_space<vmem>>
    %dma_start3A_70 = tpu.memref_squeeze %dma_start3A_69 : memref<1x80xi32, #tpu.memory_space<vmem>> -> memref<80xi32, #tpu.memory_space<vmem>>
    %dma_start3A_71 = arith.constant 0 : i32
    %dma_start3A_72 = arith.constant 0 : i32
    %dma_start3A_73 = tpu.memref_slice %arg3[%dma_start3A_71, %dma_start3A_72] : memref<10000x64xf32, #tpu.memory_space<hbm>> -> memref<10000x64xf32, #tpu.memory_space<hbm>>
    tpu.enqueue_indirect_dma source(%dma_start3A_73 : memref<10000x64xf32, #tpu.memory_space<hbm>>) target(%arg14 : memref<80x64xf32, #tpu.memory_space<vmem>>) offsets(%dma_start3A_70 : memref<80xi32, #tpu.memory_space<vmem>>) semaphore(%arg18 : memref<!tpu.dma_semaphore, #tpu.memory_space<semaphore_mem>>)
    %dma_wait3A_74 = arith.constant 124 : i32
    %dma_wait3A_75 = arith.constant 0 : i32
    %dma_wait3A_76 = tpu.memref_slice %arg9[%dma_wait3A_74, %dma_wait3A_75] : memref<125x80xi32, #tpu.memory_space<vmem>> -> memref<1x80xi32, #tpu.memory_space<vmem>>
    %dma_wait3A_77 = tpu.memref_squeeze %dma_wait3A_76 : memref<1x80xi32, #tpu.memory_space<vmem>> -> memref<80xi32, #tpu.memory_space<vmem>>
    %dma_wait3A_78 = arith.constant 0 : i32
    %dma_wait3A_79 = arith.constant 0 : i32
    %dma_wait3A_80 = tpu.memref_slice %arg3[%dma_wait3A_78, %dma_wait3A_79] : memref<10000x64xf32, #tpu.memory_space<hbm>> -> memref<10000x64xf32, #tpu.memory_space<hbm>>
    tpu.wait_indirect_dma semaphore(%arg18 : memref<!tpu.dma_semaphore, #tpu.memory_space<semaphore_mem>>) src(%dma_wait3A_80 : memref<10000x64xf32, #tpu.memory_space<hbm>>) dst(%arg14 : memref<80x64xf32, #tpu.memory_space<vmem>>)
    %dma_start3A_81 = arith.constant 0 : i32
    %dma_start3A_82 = tpu.memref_slice %arg7[%add3A_45, %dma_start3A_81] : memref<320000x64xf32, #tpu.memory_space<hbm>> -> memref<80x64xf32, #tpu.memory_space<hbm>>
    %dma_start3A_83 = arith.constant 0 : i32
    %dma_start3A_84 = tpu.memref_slice %arg7[%add3A_45, %dma_start3A_83] : memref<320000x64xf32, #tpu.memory_space<hbm>> -> memref<80x64xf32, #tpu.memory_space<hbm>>
    tpu.enqueue_dma source(%arg14 : memref<80x64xf32, #tpu.memory_space<vmem>>) target(%dma_start3A_84 : memref<80x64xf32, #tpu.memory_space<hbm>>) target_semaphore(%arg22 : memref<!tpu.dma_semaphore, #tpu.memory_space<semaphore_mem>>)
    %dma_wait3A_85 = arith.constant 0 : i32
    %dma_wait3A_86 = tpu.memref_slice %arg7[%add3A_45, %dma_wait3A_85] : memref<320000x64xf32, #tpu.memory_space<hbm>> -> memref<80x64xf32, #tpu.memory_space<hbm>>
    %dma_wait3A_87 = arith.constant 0 : i32
    %dma_wait3A_88 = tpu.memref_slice %arg7[%add3A_45, %dma_wait3A_87] : memref<320000x64xf32, #tpu.memory_space<hbm>> -> memref<80x64xf32, #tpu.memory_space<hbm>>
    tpu.wait_dma2 semaphore(%arg22 : memref<!tpu.dma_semaphore, #tpu.memory_space<semaphore_mem>>) src(%arg14 : memref<80x64xf32, #tpu.memory_space<vmem>>) dst(%dma_wait3A_88 : memref<80x64xf32, #tpu.memory_space<hbm>>)
    return
  }
}

#map = affine_map<(d0, d1) -> (0, 0)>
module attributes {stable_mosaic.version = 14 : i64} {
  func.func @_sc_gather_f_body(%arg0: i32, %arg1: i32, %arg2: memref<10000x32xf32, #tpu.memory_space<hbm>>, %arg3: memref<10000x32xf32, #tpu.memory_space<hbm>>, %arg4: memref<4000x40xi32, #tpu.memory_space<hbm>>, %arg5: memref<4000x40xi32, #tpu.memory_space<hbm>>, %arg6: memref<160000x32xf32, #tpu.memory_space<hbm>>, %arg7: memref<160000x32xf32, #tpu.memory_space<hbm>>, %arg8: memref<125x40xi32, #tpu.memory_space<vmem>>, %arg9: memref<125x40xi32, #tpu.memory_space<vmem>>, %arg10: memref<40x32xf32, #tpu.memory_space<vmem>>, %arg11: memref<40x32xf32, #tpu.memory_space<vmem>>, %arg12: memref<40x32xf32, #tpu.memory_space<vmem>>, %arg13: memref<40x32xf32, #tpu.memory_space<vmem>>, %arg14: memref<!tpu.dma_semaphore, #tpu.memory_space<semaphore_mem>>, %arg15: memref<!tpu.dma_semaphore, #tpu.memory_space<semaphore_mem>>, %arg16: memref<!tpu.dma_semaphore, #tpu.memory_space<semaphore_mem>>) attributes {dimension_semantics = [#tpu.dimension_semantics<core_parallel>, #tpu.dimension_semantics<subcore_parallel>], iteration_bounds = array<i64: 2, 16>, scalar_prefetch = 0 : i64, scratch_operands = 9 : i64, tpu.core_type = #tpu.core_type<sc_vector_subcore>, window_params = [{transform_indices = #map}, {transform_indices = #map}, {transform_indices = #map}, {transform_indices = #map}, {transform_indices = #map}, {transform_indices = #map}]} {
    %mul3A = arith.constant 2 : i32
    %mul3A_0 = arith.muli %arg1, %mul3A : i32
    %add3A = arith.addi %mul3A_0, %arg0 : i32
    %mul3A_1 = arith.constant 5000 : i32
    %mul3A_2 = arith.muli %add3A, %mul3A_1 : i32
    %mul3A_3 = arith.constant 125 : i32
    %mul3A_4 = arith.muli %add3A, %mul3A_3 : i32
    "tpu.region"() ({
      %run_scoped3A = tpu.sem_alloc : memref<!tpu.dma_semaphore, #tpu.memory_space<semaphore_mem>>
      %dma_start3A_73 = arith.constant 0 : i32
      %dma_start3A_74 = tpu.memref_slice %arg4[%mul3A_4, %dma_start3A_73] : memref<4000x40xi32, #tpu.memory_space<hbm>> -> memref<125x40xi32, #tpu.memory_space<hbm>>
      %dma_start3A_75 = arith.constant 0 : i32
      %dma_start3A_76 = tpu.memref_slice %arg4[%mul3A_4, %dma_start3A_75] : memref<4000x40xi32, #tpu.memory_space<hbm>> -> memref<125x40xi32, #tpu.memory_space<hbm>>
      tpu.enqueue_dma source(%dma_start3A_76 : memref<125x40xi32, #tpu.memory_space<hbm>>) target(%arg8 : memref<125x40xi32, #tpu.memory_space<vmem>>) target_semaphore(%run_scoped3A : memref<!tpu.dma_semaphore, #tpu.memory_space<semaphore_mem>>)
      %dma_wait3A_77 = arith.constant 0 : i32
      %dma_wait3A_78 = tpu.memref_slice %arg4[%mul3A_4, %dma_wait3A_77] : memref<4000x40xi32, #tpu.memory_space<hbm>> -> memref<125x40xi32, #tpu.memory_space<hbm>>
      %dma_wait3A_79 = arith.constant 0 : i32
      %dma_wait3A_80 = tpu.memref_slice %arg4[%mul3A_4, %dma_wait3A_79] : memref<4000x40xi32, #tpu.memory_space<hbm>> -> memref<125x40xi32, #tpu.memory_space<hbm>>
      tpu.wait_dma2 semaphore(%run_scoped3A : memref<!tpu.dma_semaphore, #tpu.memory_space<semaphore_mem>>) src(%dma_wait3A_80 : memref<125x40xi32, #tpu.memory_space<hbm>>) dst(%arg8 : memref<125x40xi32, #tpu.memory_space<vmem>>)
      tpu.yield
    }) : () -> ()
    %mul3A_5 = arith.constant 125 : i32
    %mul3A_6 = arith.muli %add3A, %mul3A_5 : i32
    "tpu.region"() ({
      %run_scoped3A = tpu.sem_alloc : memref<!tpu.dma_semaphore, #tpu.memory_space<semaphore_mem>>
      %dma_start3A_73 = arith.constant 0 : i32
      %dma_start3A_74 = tpu.memref_slice %arg5[%mul3A_6, %dma_start3A_73] : memref<4000x40xi32, #tpu.memory_space<hbm>> -> memref<125x40xi32, #tpu.memory_space<hbm>>
      %dma_start3A_75 = arith.constant 0 : i32
      %dma_start3A_76 = tpu.memref_slice %arg5[%mul3A_6, %dma_start3A_75] : memref<4000x40xi32, #tpu.memory_space<hbm>> -> memref<125x40xi32, #tpu.memory_space<hbm>>
      tpu.enqueue_dma source(%dma_start3A_76 : memref<125x40xi32, #tpu.memory_space<hbm>>) target(%arg9 : memref<125x40xi32, #tpu.memory_space<vmem>>) target_semaphore(%run_scoped3A : memref<!tpu.dma_semaphore, #tpu.memory_space<semaphore_mem>>)
      %dma_wait3A_77 = arith.constant 0 : i32
      %dma_wait3A_78 = tpu.memref_slice %arg5[%mul3A_6, %dma_wait3A_77] : memref<4000x40xi32, #tpu.memory_space<hbm>> -> memref<125x40xi32, #tpu.memory_space<hbm>>
      %dma_wait3A_79 = arith.constant 0 : i32
      %dma_wait3A_80 = tpu.memref_slice %arg5[%mul3A_6, %dma_wait3A_79] : memref<4000x40xi32, #tpu.memory_space<hbm>> -> memref<125x40xi32, #tpu.memory_space<hbm>>
      tpu.wait_dma2 semaphore(%run_scoped3A : memref<!tpu.dma_semaphore, #tpu.memory_space<semaphore_mem>>) src(%dma_wait3A_80 : memref<125x40xi32, #tpu.memory_space<hbm>>) dst(%arg9 : memref<125x40xi32, #tpu.memory_space<vmem>>)
      tpu.yield
    }) : () -> ()
    %scan3A = arith.constant 0 : i32
    %scan3A_7 = arith.constant 0 : i32
    %scan3A_8 = arith.constant 62 : i32
    %scan3A_9 = arith.addi %scan3A_7, %scan3A_8 : i32
    %scan3A_10 = arith.constant 1 : i32
    %scan3A_11 = scf.for %scan3A_73 = %scan3A_7 to %scan3A_9 step %scan3A_10 iter_args(%scan3A_74 = %scan3A) -> (i32)  : i32 {
      %mul3A_75 = arith.constant 2 : i32
      %mul3A_76 = arith.muli %mul3A_75, %scan3A_73 : i32
      %mul3A_77 = arith.constant 40 : i32
      %mul3A_78 = arith.muli %mul3A_76, %mul3A_77 : i32
      %add3A_79 = arith.addi %mul3A_2, %mul3A_78 : i32
      %add3A_80 = arith.constant 40 : i32
      %add3A_81 = arith.addi %add3A_79, %add3A_80 : i32
      %gt3A = arith.constant 0 : i32
      %gt3A_82 = arith.cmpi sgt, %scan3A_73, %gt3A : i32
      %convert_element_type3A = arith.extui %gt3A_82 : i1 to i32
      %cond3A = arith.constant 0 : i32
      %cond3A_83 = arith.cmpi ne, %convert_element_type3A, %cond3A : i32
      scf.if %cond3A_83 {
        %dma_wait3A_153 = arith.constant 0 : i32
        %dma_wait3A_154 = tpu.memref_slice %arg6[%add3A_79, %dma_wait3A_153] : memref<160000x32xf32, #tpu.memory_space<hbm>> -> memref<40x32xf32, #tpu.memory_space<hbm>>
        %dma_wait3A_155 = arith.constant 0 : i32
        %dma_wait3A_156 = tpu.memref_slice %arg6[%add3A_79, %dma_wait3A_155] : memref<160000x32xf32, #tpu.memory_space<hbm>> -> memref<40x32xf32, #tpu.memory_space<hbm>>
        tpu.wait_dma2 semaphore(%arg16 : memref<!tpu.dma_semaphore, #tpu.memory_space<semaphore_mem>>) src(%arg10 : memref<40x32xf32, #tpu.memory_space<vmem>>) dst(%dma_wait3A_156 : memref<40x32xf32, #tpu.memory_space<hbm>>)
        %dma_wait3A_157 = arith.constant 0 : i32
        %dma_wait3A_158 = tpu.memref_slice %arg7[%add3A_79, %dma_wait3A_157] : memref<160000x32xf32, #tpu.memory_space<hbm>> -> memref<40x32xf32, #tpu.memory_space<hbm>>
        %dma_wait3A_159 = arith.constant 0 : i32
        %dma_wait3A_160 = tpu.memref_slice %arg7[%add3A_79, %dma_wait3A_159] : memref<160000x32xf32, #tpu.memory_space<hbm>> -> memref<40x32xf32, #tpu.memory_space<hbm>>
        tpu.wait_dma2 semaphore(%arg16 : memref<!tpu.dma_semaphore, #tpu.memory_space<semaphore_mem>>) src(%arg12 : memref<40x32xf32, #tpu.memory_space<vmem>>) dst(%dma_wait3A_160 : memref<40x32xf32, #tpu.memory_space<hbm>>)
        %dma_wait3A_161 = arith.constant 0 : i32
        %dma_wait3A_162 = tpu.memref_slice %arg6[%add3A_79, %dma_wait3A_161] : memref<160000x32xf32, #tpu.memory_space<hbm>> -> memref<40x32xf32, #tpu.memory_space<hbm>>
        %dma_wait3A_163 = arith.constant 0 : i32
        %dma_wait3A_164 = tpu.memref_slice %arg6[%add3A_79, %dma_wait3A_163] : memref<160000x32xf32, #tpu.memory_space<hbm>> -> memref<40x32xf32, #tpu.memory_space<hbm>>
        tpu.wait_dma2 semaphore(%arg16 : memref<!tpu.dma_semaphore, #tpu.memory_space<semaphore_mem>>) src(%arg11 : memref<40x32xf32, #tpu.memory_space<vmem>>) dst(%dma_wait3A_164 : memref<40x32xf32, #tpu.memory_space<hbm>>)
        %dma_wait3A_165 = arith.constant 0 : i32
        %dma_wait3A_166 = tpu.memref_slice %arg7[%add3A_79, %dma_wait3A_165] : memref<160000x32xf32, #tpu.memory_space<hbm>> -> memref<40x32xf32, #tpu.memory_space<hbm>>
        %dma_wait3A_167 = arith.constant 0 : i32
        %dma_wait3A_168 = tpu.memref_slice %arg7[%add3A_79, %dma_wait3A_167] : memref<160000x32xf32, #tpu.memory_space<hbm>> -> memref<40x32xf32, #tpu.memory_space<hbm>>
        tpu.wait_dma2 semaphore(%arg16 : memref<!tpu.dma_semaphore, #tpu.memory_space<semaphore_mem>>) src(%arg13 : memref<40x32xf32, #tpu.memory_space<vmem>>) dst(%dma_wait3A_168 : memref<40x32xf32, #tpu.memory_space<hbm>>)
      } else {
      }
      %dma_start3A_84 = arith.constant 0 : i32
      %dma_start3A_85 = tpu.memref_slice %arg8[%mul3A_76, %dma_start3A_84] : memref<125x40xi32, #tpu.memory_space<vmem>> -> memref<1x40xi32, #tpu.memory_space<vmem>>
      %dma_start3A_86 = tpu.memref_squeeze %dma_start3A_85 : memref<1x40xi32, #tpu.memory_space<vmem>> -> memref<40xi32, #tpu.memory_space<vmem>>
      %dma_start3A_87 = arith.constant 0 : i32
      %dma_start3A_88 = arith.constant 0 : i32
      %dma_start3A_89 = tpu.memref_slice %arg2[%dma_start3A_87, %dma_start3A_88] : memref<10000x32xf32, #tpu.memory_space<hbm>> -> memref<10000x32xf32, #tpu.memory_space<hbm>>
      tpu.enqueue_indirect_dma source(%dma_start3A_89 : memref<10000x32xf32, #tpu.memory_space<hbm>>) target(%arg10 : memref<40x32xf32, #tpu.memory_space<vmem>>) offsets(%dma_start3A_86 : memref<40xi32, #tpu.memory_space<vmem>>) semaphore(%arg14 : memref<!tpu.dma_semaphore, #tpu.memory_space<semaphore_mem>>)
      %dma_start3A_90 = arith.constant 0 : i32
      %dma_start3A_91 = tpu.memref_slice %arg9[%mul3A_76, %dma_start3A_90] : memref<125x40xi32, #tpu.memory_space<vmem>> -> memref<1x40xi32, #tpu.memory_space<vmem>>
      %dma_start3A_92 = tpu.memref_squeeze %dma_start3A_91 : memref<1x40xi32, #tpu.memory_space<vmem>> -> memref<40xi32, #tpu.memory_space<vmem>>
      %dma_start3A_93 = arith.constant 0 : i32
      %dma_start3A_94 = arith.constant 0 : i32
      %dma_start3A_95 = tpu.memref_slice %arg3[%dma_start3A_93, %dma_start3A_94] : memref<10000x32xf32, #tpu.memory_space<hbm>> -> memref<10000x32xf32, #tpu.memory_space<hbm>>
      tpu.enqueue_indirect_dma source(%dma_start3A_95 : memref<10000x32xf32, #tpu.memory_space<hbm>>) target(%arg12 : memref<40x32xf32, #tpu.memory_space<vmem>>) offsets(%dma_start3A_92 : memref<40xi32, #tpu.memory_space<vmem>>) semaphore(%arg14 : memref<!tpu.dma_semaphore, #tpu.memory_space<semaphore_mem>>)
      %add3A_96 = arith.constant 1 : i32
      %add3A_97 = arith.addi %mul3A_76, %add3A_96 : i32
      %dma_start3A_98 = arith.constant 0 : i32
      %dma_start3A_99 = tpu.memref_slice %arg8[%add3A_97, %dma_start3A_98] : memref<125x40xi32, #tpu.memory_space<vmem>> -> memref<1x40xi32, #tpu.memory_space<vmem>>
      %dma_start3A_100 = tpu.memref_squeeze %dma_start3A_99 : memref<1x40xi32, #tpu.memory_space<vmem>> -> memref<40xi32, #tpu.memory_space<vmem>>
      %dma_start3A_101 = arith.constant 0 : i32
      %dma_start3A_102 = arith.constant 0 : i32
      %dma_start3A_103 = tpu.memref_slice %arg2[%dma_start3A_101, %dma_start3A_102] : memref<10000x32xf32, #tpu.memory_space<hbm>> -> memref<10000x32xf32, #tpu.memory_space<hbm>>
      tpu.enqueue_indirect_dma source(%dma_start3A_103 : memref<10000x32xf32, #tpu.memory_space<hbm>>) target(%arg11 : memref<40x32xf32, #tpu.memory_space<vmem>>) offsets(%dma_start3A_100 : memref<40xi32, #tpu.memory_space<vmem>>) semaphore(%arg15 : memref<!tpu.dma_semaphore, #tpu.memory_space<semaphore_mem>>)
      %add3A_104 = arith.constant 1 : i32
      %add3A_105 = arith.addi %mul3A_76, %add3A_104 : i32
      %dma_start3A_106 = arith.constant 0 : i32
      %dma_start3A_107 = tpu.memref_slice %arg9[%add3A_105, %dma_start3A_106] : memref<125x40xi32, #tpu.memory_space<vmem>> -> memref<1x40xi32, #tpu.memory_space<vmem>>
      %dma_start3A_108 = tpu.memref_squeeze %dma_start3A_107 : memref<1x40xi32, #tpu.memory_space<vmem>> -> memref<40xi32, #tpu.memory_space<vmem>>
      %dma_start3A_109 = arith.constant 0 : i32
      %dma_start3A_110 = arith.constant 0 : i32
      %dma_start3A_111 = tpu.memref_slice %arg3[%dma_start3A_109, %dma_start3A_110] : memref<10000x32xf32, #tpu.memory_space<hbm>> -> memref<10000x32xf32, #tpu.memory_space<hbm>>
      tpu.enqueue_indirect_dma source(%dma_start3A_111 : memref<10000x32xf32, #tpu.memory_space<hbm>>) target(%arg13 : memref<40x32xf32, #tpu.memory_space<vmem>>) offsets(%dma_start3A_108 : memref<40xi32, #tpu.memory_space<vmem>>) semaphore(%arg15 : memref<!tpu.dma_semaphore, #tpu.memory_space<semaphore_mem>>)
      %dma_wait3A_112 = arith.constant 0 : i32
      %dma_wait3A_113 = tpu.memref_slice %arg8[%mul3A_76, %dma_wait3A_112] : memref<125x40xi32, #tpu.memory_space<vmem>> -> memref<1x40xi32, #tpu.memory_space<vmem>>
      %dma_wait3A_114 = tpu.memref_squeeze %dma_wait3A_113 : memref<1x40xi32, #tpu.memory_space<vmem>> -> memref<40xi32, #tpu.memory_space<vmem>>
      %dma_wait3A_115 = arith.constant 0 : i32
      %dma_wait3A_116 = arith.constant 0 : i32
      %dma_wait3A_117 = tpu.memref_slice %arg2[%dma_wait3A_115, %dma_wait3A_116] : memref<10000x32xf32, #tpu.memory_space<hbm>> -> memref<10000x32xf32, #tpu.memory_space<hbm>>
      tpu.wait_indirect_dma semaphore(%arg14 : memref<!tpu.dma_semaphore, #tpu.memory_space<semaphore_mem>>) src(%dma_wait3A_117 : memref<10000x32xf32, #tpu.memory_space<hbm>>) dst(%arg10 : memref<40x32xf32, #tpu.memory_space<vmem>>)
      %dma_wait3A_118 = arith.constant 0 : i32
      %dma_wait3A_119 = tpu.memref_slice %arg9[%mul3A_76, %dma_wait3A_118] : memref<125x40xi32, #tpu.memory_space<vmem>> -> memref<1x40xi32, #tpu.memory_space<vmem>>
      %dma_wait3A_120 = tpu.memref_squeeze %dma_wait3A_119 : memref<1x40xi32, #tpu.memory_space<vmem>> -> memref<40xi32, #tpu.memory_space<vmem>>
      %dma_wait3A_121 = arith.constant 0 : i32
      %dma_wait3A_122 = arith.constant 0 : i32
      %dma_wait3A_123 = tpu.memref_slice %arg3[%dma_wait3A_121, %dma_wait3A_122] : memref<10000x32xf32, #tpu.memory_space<hbm>> -> memref<10000x32xf32, #tpu.memory_space<hbm>>
      tpu.wait_indirect_dma semaphore(%arg14 : memref<!tpu.dma_semaphore, #tpu.memory_space<semaphore_mem>>) src(%dma_wait3A_123 : memref<10000x32xf32, #tpu.memory_space<hbm>>) dst(%arg12 : memref<40x32xf32, #tpu.memory_space<vmem>>)
      %dma_start3A_124 = arith.constant 0 : i32
      %dma_start3A_125 = tpu.memref_slice %arg6[%add3A_79, %dma_start3A_124] : memref<160000x32xf32, #tpu.memory_space<hbm>> -> memref<40x32xf32, #tpu.memory_space<hbm>>
      %dma_start3A_126 = arith.constant 0 : i32
      %dma_start3A_127 = tpu.memref_slice %arg6[%add3A_79, %dma_start3A_126] : memref<160000x32xf32, #tpu.memory_space<hbm>> -> memref<40x32xf32, #tpu.memory_space<hbm>>
      tpu.enqueue_dma source(%arg10 : memref<40x32xf32, #tpu.memory_space<vmem>>) target(%dma_start3A_127 : memref<40x32xf32, #tpu.memory_space<hbm>>) target_semaphore(%arg16 : memref<!tpu.dma_semaphore, #tpu.memory_space<semaphore_mem>>)
      %dma_start3A_128 = arith.constant 0 : i32
      %dma_start3A_129 = tpu.memref_slice %arg7[%add3A_79, %dma_start3A_128] : memref<160000x32xf32, #tpu.memory_space<hbm>> -> memref<40x32xf32, #tpu.memory_space<hbm>>
      %dma_start3A_130 = arith.constant 0 : i32
      %dma_start3A_131 = tpu.memref_slice %arg7[%add3A_79, %dma_start3A_130] : memref<160000x32xf32, #tpu.memory_space<hbm>> -> memref<40x32xf32, #tpu.memory_space<hbm>>
      tpu.enqueue_dma source(%arg12 : memref<40x32xf32, #tpu.memory_space<vmem>>) target(%dma_start3A_131 : memref<40x32xf32, #tpu.memory_space<hbm>>) target_semaphore(%arg16 : memref<!tpu.dma_semaphore, #tpu.memory_space<semaphore_mem>>)
      %dma_wait3A_132 = arith.constant 0 : i32
      %dma_wait3A_133 = tpu.memref_slice %arg8[%add3A_97, %dma_wait3A_132] : memref<125x40xi32, #tpu.memory_space<vmem>> -> memref<1x40xi32, #tpu.memory_space<vmem>>
      %dma_wait3A_134 = tpu.memref_squeeze %dma_wait3A_133 : memref<1x40xi32, #tpu.memory_space<vmem>> -> memref<40xi32, #tpu.memory_space<vmem>>
      %dma_wait3A_135 = arith.constant 0 : i32
      %dma_wait3A_136 = arith.constant 0 : i32
      %dma_wait3A_137 = tpu.memref_slice %arg2[%dma_wait3A_135, %dma_wait3A_136] : memref<10000x32xf32, #tpu.memory_space<hbm>> -> memref<10000x32xf32, #tpu.memory_space<hbm>>
      tpu.wait_indirect_dma semaphore(%arg15 : memref<!tpu.dma_semaphore, #tpu.memory_space<semaphore_mem>>) src(%dma_wait3A_137 : memref<10000x32xf32, #tpu.memory_space<hbm>>) dst(%arg11 : memref<40x32xf32, #tpu.memory_space<vmem>>)
      %dma_wait3A_138 = arith.constant 0 : i32
      %dma_wait3A_139 = tpu.memref_slice %arg9[%add3A_105, %dma_wait3A_138] : memref<125x40xi32, #tpu.memory_space<vmem>> -> memref<1x40xi32, #tpu.memory_space<vmem>>
      %dma_wait3A_140 = tpu.memref_squeeze %dma_wait3A_139 : memref<1x40xi32, #tpu.memory_space<vmem>> -> memref<40xi32, #tpu.memory_space<vmem>>
      %dma_wait3A_141 = arith.constant 0 : i32
      %dma_wait3A_142 = arith.constant 0 : i32
      %dma_wait3A_143 = tpu.memref_slice %arg3[%dma_wait3A_141, %dma_wait3A_142] : memref<10000x32xf32, #tpu.memory_space<hbm>> -> memref<10000x32xf32, #tpu.memory_space<hbm>>
      tpu.wait_indirect_dma semaphore(%arg15 : memref<!tpu.dma_semaphore, #tpu.memory_space<semaphore_mem>>) src(%dma_wait3A_143 : memref<10000x32xf32, #tpu.memory_space<hbm>>) dst(%arg13 : memref<40x32xf32, #tpu.memory_space<vmem>>)
      %dma_start3A_144 = arith.constant 0 : i32
      %dma_start3A_145 = tpu.memref_slice %arg6[%add3A_81, %dma_start3A_144] : memref<160000x32xf32, #tpu.memory_space<hbm>> -> memref<40x32xf32, #tpu.memory_space<hbm>>
      %dma_start3A_146 = arith.constant 0 : i32
      %dma_start3A_147 = tpu.memref_slice %arg6[%add3A_81, %dma_start3A_146] : memref<160000x32xf32, #tpu.memory_space<hbm>> -> memref<40x32xf32, #tpu.memory_space<hbm>>
      tpu.enqueue_dma source(%arg11 : memref<40x32xf32, #tpu.memory_space<vmem>>) target(%dma_start3A_147 : memref<40x32xf32, #tpu.memory_space<hbm>>) target_semaphore(%arg16 : memref<!tpu.dma_semaphore, #tpu.memory_space<semaphore_mem>>)
      %dma_start3A_148 = arith.constant 0 : i32
      %dma_start3A_149 = tpu.memref_slice %arg7[%add3A_81, %dma_start3A_148] : memref<160000x32xf32, #tpu.memory_space<hbm>> -> memref<40x32xf32, #tpu.memory_space<hbm>>
      %dma_start3A_150 = arith.constant 0 : i32
      %dma_start3A_151 = tpu.memref_slice %arg7[%add3A_81, %dma_start3A_150] : memref<160000x32xf32, #tpu.memory_space<hbm>> -> memref<40x32xf32, #tpu.memory_space<hbm>>
      tpu.enqueue_dma source(%arg13 : memref<40x32xf32, #tpu.memory_space<vmem>>) target(%dma_start3A_151 : memref<40x32xf32, #tpu.memory_space<hbm>>) target_semaphore(%arg16 : memref<!tpu.dma_semaphore, #tpu.memory_space<semaphore_mem>>)
      %scan3A_152 = arith.constant 0 : i32
      scf.yield %scan3A_152 : i32
    }
    %scan3A_12 = arith.constant 62 : i32
    %dma_wait3A = arith.constant 0 : i32
    %dma_wait3A_13 = tpu.memref_slice %arg6[%mul3A_2, %dma_wait3A] : memref<160000x32xf32, #tpu.memory_space<hbm>> -> memref<40x32xf32, #tpu.memory_space<hbm>>
    %dma_wait3A_14 = arith.constant 0 : i32
    %dma_wait3A_15 = tpu.memref_slice %arg6[%mul3A_2, %dma_wait3A_14] : memref<160000x32xf32, #tpu.memory_space<hbm>> -> memref<40x32xf32, #tpu.memory_space<hbm>>
    tpu.wait_dma2 semaphore(%arg16 : memref<!tpu.dma_semaphore, #tpu.memory_space<semaphore_mem>>) src(%arg10 : memref<40x32xf32, #tpu.memory_space<vmem>>) dst(%dma_wait3A_15 : memref<40x32xf32, #tpu.memory_space<hbm>>)
    %dma_wait3A_16 = arith.constant 0 : i32
    %dma_wait3A_17 = tpu.memref_slice %arg7[%mul3A_2, %dma_wait3A_16] : memref<160000x32xf32, #tpu.memory_space<hbm>> -> memref<40x32xf32, #tpu.memory_space<hbm>>
    %dma_wait3A_18 = arith.constant 0 : i32
    %dma_wait3A_19 = tpu.memref_slice %arg7[%mul3A_2, %dma_wait3A_18] : memref<160000x32xf32, #tpu.memory_space<hbm>> -> memref<40x32xf32, #tpu.memory_space<hbm>>
    tpu.wait_dma2 semaphore(%arg16 : memref<!tpu.dma_semaphore, #tpu.memory_space<semaphore_mem>>) src(%arg12 : memref<40x32xf32, #tpu.memory_space<vmem>>) dst(%dma_wait3A_19 : memref<40x32xf32, #tpu.memory_space<hbm>>)
    %dma_wait3A_20 = arith.constant 0 : i32
    %dma_wait3A_21 = tpu.memref_slice %arg6[%mul3A_2, %dma_wait3A_20] : memref<160000x32xf32, #tpu.memory_space<hbm>> -> memref<40x32xf32, #tpu.memory_space<hbm>>
    %dma_wait3A_22 = arith.constant 0 : i32
    %dma_wait3A_23 = tpu.memref_slice %arg6[%mul3A_2, %dma_wait3A_22] : memref<160000x32xf32, #tpu.memory_space<hbm>> -> memref<40x32xf32, #tpu.memory_space<hbm>>
    tpu.wait_dma2 semaphore(%arg16 : memref<!tpu.dma_semaphore, #tpu.memory_space<semaphore_mem>>) src(%arg11 : memref<40x32xf32, #tpu.memory_space<vmem>>) dst(%dma_wait3A_23 : memref<40x32xf32, #tpu.memory_space<hbm>>)
    %dma_wait3A_24 = arith.constant 0 : i32
    %dma_wait3A_25 = tpu.memref_slice %arg7[%mul3A_2, %dma_wait3A_24] : memref<160000x32xf32, #tpu.memory_space<hbm>> -> memref<40x32xf32, #tpu.memory_space<hbm>>
    %dma_wait3A_26 = arith.constant 0 : i32
    %dma_wait3A_27 = tpu.memref_slice %arg7[%mul3A_2, %dma_wait3A_26] : memref<160000x32xf32, #tpu.memory_space<hbm>> -> memref<40x32xf32, #tpu.memory_space<hbm>>
    tpu.wait_dma2 semaphore(%arg16 : memref<!tpu.dma_semaphore, #tpu.memory_space<semaphore_mem>>) src(%arg13 : memref<40x32xf32, #tpu.memory_space<vmem>>) dst(%dma_wait3A_27 : memref<40x32xf32, #tpu.memory_space<hbm>>)
    %add3A_28 = arith.constant 4960 : i32
    %add3A_29 = arith.addi %mul3A_2, %add3A_28 : i32
    %dma_start3A = arith.constant 124 : i32
    %dma_start3A_30 = arith.constant 0 : i32
    %dma_start3A_31 = tpu.memref_slice %arg8[%dma_start3A, %dma_start3A_30] : memref<125x40xi32, #tpu.memory_space<vmem>> -> memref<1x40xi32, #tpu.memory_space<vmem>>
    %dma_start3A_32 = tpu.memref_squeeze %dma_start3A_31 : memref<1x40xi32, #tpu.memory_space<vmem>> -> memref<40xi32, #tpu.memory_space<vmem>>
    %dma_start3A_33 = arith.constant 0 : i32
    %dma_start3A_34 = arith.constant 0 : i32
    %dma_start3A_35 = tpu.memref_slice %arg2[%dma_start3A_33, %dma_start3A_34] : memref<10000x32xf32, #tpu.memory_space<hbm>> -> memref<10000x32xf32, #tpu.memory_space<hbm>>
    tpu.enqueue_indirect_dma source(%dma_start3A_35 : memref<10000x32xf32, #tpu.memory_space<hbm>>) target(%arg10 : memref<40x32xf32, #tpu.memory_space<vmem>>) offsets(%dma_start3A_32 : memref<40xi32, #tpu.memory_space<vmem>>) semaphore(%arg14 : memref<!tpu.dma_semaphore, #tpu.memory_space<semaphore_mem>>)
    %dma_wait3A_36 = arith.constant 124 : i32
    %dma_wait3A_37 = arith.constant 0 : i32
    %dma_wait3A_38 = tpu.memref_slice %arg8[%dma_wait3A_36, %dma_wait3A_37] : memref<125x40xi32, #tpu.memory_space<vmem>> -> memref<1x40xi32, #tpu.memory_space<vmem>>
    %dma_wait3A_39 = tpu.memref_squeeze %dma_wait3A_38 : memref<1x40xi32, #tpu.memory_space<vmem>> -> memref<40xi32, #tpu.memory_space<vmem>>
    %dma_wait3A_40 = arith.constant 0 : i32
    %dma_wait3A_41 = arith.constant 0 : i32
    %dma_wait3A_42 = tpu.memref_slice %arg2[%dma_wait3A_40, %dma_wait3A_41] : memref<10000x32xf32, #tpu.memory_space<hbm>> -> memref<10000x32xf32, #tpu.memory_space<hbm>>
    tpu.wait_indirect_dma semaphore(%arg14 : memref<!tpu.dma_semaphore, #tpu.memory_space<semaphore_mem>>) src(%dma_wait3A_42 : memref<10000x32xf32, #tpu.memory_space<hbm>>) dst(%arg10 : memref<40x32xf32, #tpu.memory_space<vmem>>)
    %dma_start3A_43 = arith.constant 0 : i32
    %dma_start3A_44 = tpu.memref_slice %arg6[%add3A_29, %dma_start3A_43] : memref<160000x32xf32, #tpu.memory_space<hbm>> -> memref<40x32xf32, #tpu.memory_space<hbm>>
    %dma_start3A_45 = arith.constant 0 : i32
    %dma_start3A_46 = tpu.memref_slice %arg6[%add3A_29, %dma_start3A_45] : memref<160000x32xf32, #tpu.memory_space<hbm>> -> memref<40x32xf32, #tpu.memory_space<hbm>>
    tpu.enqueue_dma source(%arg10 : memref<40x32xf32, #tpu.memory_space<vmem>>) target(%dma_start3A_46 : memref<40x32xf32, #tpu.memory_space<hbm>>) target_semaphore(%arg16 : memref<!tpu.dma_semaphore, #tpu.memory_space<semaphore_mem>>)
    %dma_wait3A_47 = arith.constant 0 : i32
    %dma_wait3A_48 = tpu.memref_slice %arg6[%add3A_29, %dma_wait3A_47] : memref<160000x32xf32, #tpu.memory_space<hbm>> -> memref<40x32xf32, #tpu.memory_space<hbm>>
    %dma_wait3A_49 = arith.constant 0 : i32
    %dma_wait3A_50 = tpu.memref_slice %arg6[%add3A_29, %dma_wait3A_49] : memref<160000x32xf32, #tpu.memory_space<hbm>> -> memref<40x32xf32, #tpu.memory_space<hbm>>
    tpu.wait_dma2 semaphore(%arg16 : memref<!tpu.dma_semaphore, #tpu.memory_space<semaphore_mem>>) src(%arg10 : memref<40x32xf32, #tpu.memory_space<vmem>>) dst(%dma_wait3A_50 : memref<40x32xf32, #tpu.memory_space<hbm>>)
    %dma_start3A_51 = arith.constant 124 : i32
    %dma_start3A_52 = arith.constant 0 : i32
    %dma_start3A_53 = tpu.memref_slice %arg9[%dma_start3A_51, %dma_start3A_52] : memref<125x40xi32, #tpu.memory_space<vmem>> -> memref<1x40xi32, #tpu.memory_space<vmem>>
    %dma_start3A_54 = tpu.memref_squeeze %dma_start3A_53 : memref<1x40xi32, #tpu.memory_space<vmem>> -> memref<40xi32, #tpu.memory_space<vmem>>
    %dma_start3A_55 = arith.constant 0 : i32
    %dma_start3A_56 = arith.constant 0 : i32
    %dma_start3A_57 = tpu.memref_slice %arg3[%dma_start3A_55, %dma_start3A_56] : memref<10000x32xf32, #tpu.memory_space<hbm>> -> memref<10000x32xf32, #tpu.memory_space<hbm>>
    tpu.enqueue_indirect_dma source(%dma_start3A_57 : memref<10000x32xf32, #tpu.memory_space<hbm>>) target(%arg12 : memref<40x32xf32, #tpu.memory_space<vmem>>) offsets(%dma_start3A_54 : memref<40xi32, #tpu.memory_space<vmem>>) semaphore(%arg14 : memref<!tpu.dma_semaphore, #tpu.memory_space<semaphore_mem>>)
    %dma_wait3A_58 = arith.constant 124 : i32
    %dma_wait3A_59 = arith.constant 0 : i32
    %dma_wait3A_60 = tpu.memref_slice %arg9[%dma_wait3A_58, %dma_wait3A_59] : memref<125x40xi32, #tpu.memory_space<vmem>> -> memref<1x40xi32, #tpu.memory_space<vmem>>
    %dma_wait3A_61 = tpu.memref_squeeze %dma_wait3A_60 : memref<1x40xi32, #tpu.memory_space<vmem>> -> memref<40xi32, #tpu.memory_space<vmem>>
    %dma_wait3A_62 = arith.constant 0 : i32
    %dma_wait3A_63 = arith.constant 0 : i32
    %dma_wait3A_64 = tpu.memref_slice %arg3[%dma_wait3A_62, %dma_wait3A_63] : memref<10000x32xf32, #tpu.memory_space<hbm>> -> memref<10000x32xf32, #tpu.memory_space<hbm>>
    tpu.wait_indirect_dma semaphore(%arg14 : memref<!tpu.dma_semaphore, #tpu.memory_space<semaphore_mem>>) src(%dma_wait3A_64 : memref<10000x32xf32, #tpu.memory_space<hbm>>) dst(%arg12 : memref<40x32xf32, #tpu.memory_space<vmem>>)
    %dma_start3A_65 = arith.constant 0 : i32
    %dma_start3A_66 = tpu.memref_slice %arg7[%add3A_29, %dma_start3A_65] : memref<160000x32xf32, #tpu.memory_space<hbm>> -> memref<40x32xf32, #tpu.memory_space<hbm>>
    %dma_start3A_67 = arith.constant 0 : i32
    %dma_start3A_68 = tpu.memref_slice %arg7[%add3A_29, %dma_start3A_67] : memref<160000x32xf32, #tpu.memory_space<hbm>> -> memref<40x32xf32, #tpu.memory_space<hbm>>
    tpu.enqueue_dma source(%arg12 : memref<40x32xf32, #tpu.memory_space<vmem>>) target(%dma_start3A_68 : memref<40x32xf32, #tpu.memory_space<hbm>>) target_semaphore(%arg16 : memref<!tpu.dma_semaphore, #tpu.memory_space<semaphore_mem>>)
    %dma_wait3A_69 = arith.constant 0 : i32
    %dma_wait3A_70 = tpu.memref_slice %arg7[%add3A_29, %dma_wait3A_69] : memref<160000x32xf32, #tpu.memory_space<hbm>> -> memref<40x32xf32, #tpu.memory_space<hbm>>
    %dma_wait3A_71 = arith.constant 0 : i32
    %dma_wait3A_72 = tpu.memref_slice %arg7[%add3A_29, %dma_wait3A_71] : memref<160000x32xf32, #tpu.memory_space<hbm>> -> memref<40x32xf32, #tpu.memory_space<hbm>>
    tpu.wait_dma2 semaphore(%arg16 : memref<!tpu.dma_semaphore, #tpu.memory_space<semaphore_mem>>) src(%arg12 : memref<40x32xf32, #tpu.memory_space<vmem>>) dst(%dma_wait3A_72 : memref<40x32xf32, #tpu.memory_space<hbm>>)
    return
  }
}

#map = affine_map<(d0, d1) -> (0, 0)>
#map1 = affine_map<(d0, d1) -> (0, 0, 0)>
module attributes {stable_mosaic.version = 14 : i64} {
  func.func @_sc_scatter_t_body(%arg0: i32, %arg1: i32, %arg2: memref<640000x16xf32, #tpu.memory_space<hbm>>, %arg3: memref<8000x80xi32, #tpu.memory_space<hbm>>, %arg4: memref<20000x16xf32, #tpu.memory_space<hbm>>, %arg5: memref<2x20000x16xf32, #tpu.memory_space<hbm>>, %arg6: memref<20000x16xf32, #tpu.memory_space<vmem_shared>>, %arg7: memref<250x80xi32, #tpu.memory_space<vmem>>, %arg8: memref<80x16xf32, #tpu.memory_space<vmem>>, %arg9: memref<80x16xf32, #tpu.memory_space<vmem>>, %arg10: memref<!tpu.dma_semaphore, #tpu.memory_space<semaphore_mem>>, %arg11: memref<!tpu.dma_semaphore, #tpu.memory_space<semaphore_mem>>) attributes {dimension_semantics = [#tpu.dimension_semantics<core_parallel>, #tpu.dimension_semantics<subcore_parallel>], iteration_bounds = array<i64: 2, 16>, scalar_prefetch = 0 : i64, scratch_operands = 6 : i64, tpu.core_type = #tpu.core_type<sc_vector_subcore>, window_params = [{transform_indices = #map}, {transform_indices = #map}, {transform_indices = #map}, {transform_indices = #map1}]} {
    %mul3A = arith.constant 1250 : i32
    %mul3A_0 = arith.muli %arg1, %mul3A : i32
    "tpu.region"() ({
      %run_scoped3A = tpu.sem_alloc : memref<!tpu.dma_semaphore, #tpu.memory_space<semaphore_mem>>
      %dma_start3A_23 = arith.constant 0 : i32
      %dma_start3A_24 = tpu.memref_slice %arg6[%mul3A_0, %dma_start3A_23] : memref<20000x16xf32, #tpu.memory_space<vmem_shared>> -> memref<1250x16xf32, #tpu.memory_space<vmem_shared>>
      %dma_start3A_25 = arith.constant 0 : i32
      %dma_start3A_26 = tpu.memref_slice %arg4[%mul3A_0, %dma_start3A_25] : memref<20000x16xf32, #tpu.memory_space<hbm>> -> memref<1250x16xf32, #tpu.memory_space<hbm>>
      tpu.enqueue_dma source(%dma_start3A_26 : memref<1250x16xf32, #tpu.memory_space<hbm>>) target(%dma_start3A_24 : memref<1250x16xf32, #tpu.memory_space<vmem_shared>>) target_semaphore(%run_scoped3A : memref<!tpu.dma_semaphore, #tpu.memory_space<semaphore_mem>>)
      %dma_wait3A = arith.constant 0 : i32
      %dma_wait3A_27 = tpu.memref_slice %arg6[%mul3A_0, %dma_wait3A] : memref<20000x16xf32, #tpu.memory_space<vmem_shared>> -> memref<1250x16xf32, #tpu.memory_space<vmem_shared>>
      %dma_wait3A_28 = arith.constant 0 : i32
      %dma_wait3A_29 = tpu.memref_slice %arg4[%mul3A_0, %dma_wait3A_28] : memref<20000x16xf32, #tpu.memory_space<hbm>> -> memref<1250x16xf32, #tpu.memory_space<hbm>>
      tpu.wait_dma2 semaphore(%run_scoped3A : memref<!tpu.dma_semaphore, #tpu.memory_space<semaphore_mem>>) src(%dma_wait3A_29 : memref<1250x16xf32, #tpu.memory_space<hbm>>) dst(%dma_wait3A_27 : memref<1250x16xf32, #tpu.memory_space<vmem_shared>>)
      tpu.yield
    }) : () -> ()
    %mul3A_1 = arith.constant 16 : i32
    %mul3A_2 = arith.muli %arg0, %mul3A_1 : i32
    %add3A = arith.addi %mul3A_2, %arg1 : i32
    %mul3A_3 = arith.constant 20000 : i32
    %mul3A_4 = arith.muli %add3A, %mul3A_3 : i32
    %mul3A_5 = arith.constant 250 : i32
    %mul3A_6 = arith.muli %add3A, %mul3A_5 : i32
    "tpu.region"() ({
      %run_scoped3A = tpu.sem_alloc : memref<!tpu.dma_semaphore, #tpu.memory_space<semaphore_mem>>
      %dma_start3A_23 = arith.constant 0 : i32
      %dma_start3A_24 = tpu.memref_slice %arg3[%mul3A_6, %dma_start3A_23] : memref<8000x80xi32, #tpu.memory_space<hbm>> -> memref<250x80xi32, #tpu.memory_space<hbm>>
      %dma_start3A_25 = arith.constant 0 : i32
      %dma_start3A_26 = tpu.memref_slice %arg3[%mul3A_6, %dma_start3A_25] : memref<8000x80xi32, #tpu.memory_space<hbm>> -> memref<250x80xi32, #tpu.memory_space<hbm>>
      tpu.enqueue_dma source(%dma_start3A_26 : memref<250x80xi32, #tpu.memory_space<hbm>>) target(%arg7 : memref<250x80xi32, #tpu.memory_space<vmem>>) target_semaphore(%run_scoped3A : memref<!tpu.dma_semaphore, #tpu.memory_space<semaphore_mem>>)
      %dma_wait3A = arith.constant 0 : i32
      %dma_wait3A_27 = tpu.memref_slice %arg3[%mul3A_6, %dma_wait3A] : memref<8000x80xi32, #tpu.memory_space<hbm>> -> memref<250x80xi32, #tpu.memory_space<hbm>>
      %dma_wait3A_28 = arith.constant 0 : i32
      %dma_wait3A_29 = tpu.memref_slice %arg3[%mul3A_6, %dma_wait3A_28] : memref<8000x80xi32, #tpu.memory_space<hbm>> -> memref<250x80xi32, #tpu.memory_space<hbm>>
      tpu.wait_dma2 semaphore(%run_scoped3A : memref<!tpu.dma_semaphore, #tpu.memory_space<semaphore_mem>>) src(%dma_wait3A_29 : memref<250x80xi32, #tpu.memory_space<hbm>>) dst(%arg7 : memref<250x80xi32, #tpu.memory_space<vmem>>)
      tpu.yield
    }) : () -> ()
    %barrier3A = arith.constant 0 : index
    tpu.barrier barrier_id(%barrier3A)
    %dma_start3A = arith.constant 0 : i32
    %dma_start3A_7 = tpu.memref_slice %arg2[%mul3A_4, %dma_start3A] : memref<640000x16xf32, #tpu.memory_space<hbm>> -> memref<80x16xf32, #tpu.memory_space<hbm>>
    %dma_start3A_8 = arith.constant 0 : i32
    %dma_start3A_9 = tpu.memref_slice %arg2[%mul3A_4, %dma_start3A_8] : memref<640000x16xf32, #tpu.memory_space<hbm>> -> memref<80x16xf32, #tpu.memory_space<hbm>>
    tpu.enqueue_dma source(%dma_start3A_9 : memref<80x16xf32, #tpu.memory_space<hbm>>) target(%arg8 : memref<80x16xf32, #tpu.memory_space<vmem>>) target_semaphore(%arg10 : memref<!tpu.dma_semaphore, #tpu.memory_space<semaphore_mem>>)
    %add3A_10 = arith.constant 80 : i32
    %add3A_11 = arith.addi %mul3A_4, %add3A_10 : i32
    %dma_start3A_12 = arith.constant 0 : i32
    %dma_start3A_13 = tpu.memref_slice %arg2[%add3A_11, %dma_start3A_12] : memref<640000x16xf32, #tpu.memory_space<hbm>> -> memref<80x16xf32, #tpu.memory_space<hbm>>
    %dma_start3A_14 = arith.constant 0 : i32
    %dma_start3A_15 = tpu.memref_slice %arg2[%add3A_11, %dma_start3A_14] : memref<640000x16xf32, #tpu.memory_space<hbm>> -> memref<80x16xf32, #tpu.memory_space<hbm>>
    tpu.enqueue_dma source(%dma_start3A_15 : memref<80x16xf32, #tpu.memory_space<hbm>>) target(%arg9 : memref<80x16xf32, #tpu.memory_space<vmem>>) target_semaphore(%arg11 : memref<!tpu.dma_semaphore, #tpu.memory_space<semaphore_mem>>)
    %scan3A = arith.constant 0 : i32
    %scan3A_16 = arith.constant 0 : i32
    %scan3A_17 = arith.constant 125 : i32
    %scan3A_18 = arith.addi %scan3A_16, %scan3A_17 : i32
    %scan3A_19 = arith.constant 1 : i32
    %scan3A_20 = scf.for %scan3A_23 = %scan3A_16 to %scan3A_18 step %scan3A_19 iter_args(%scan3A_24 = %scan3A) -> (i32)  : i32 {
      %mul3A_25 = arith.constant 2 : i32
      %mul3A_26 = arith.muli %mul3A_25, %scan3A_23 : i32
      %mul3A_27 = arith.constant 80 : i32
      %mul3A_28 = arith.muli %mul3A_26, %mul3A_27 : i32
      %add3A_29 = arith.addi %mul3A_4, %mul3A_28 : i32
      %dma_wait3A = arith.constant 0 : i32
      %dma_wait3A_30 = tpu.memref_slice %arg2[%add3A_29, %dma_wait3A] : memref<640000x16xf32, #tpu.memory_space<hbm>> -> memref<80x16xf32, #tpu.memory_space<hbm>>
      %dma_wait3A_31 = arith.constant 0 : i32
      %dma_wait3A_32 = tpu.memref_slice %arg2[%add3A_29, %dma_wait3A_31] : memref<640000x16xf32, #tpu.memory_space<hbm>> -> memref<80x16xf32, #tpu.memory_space<hbm>>
      tpu.wait_dma2 semaphore(%arg10 : memref<!tpu.dma_semaphore, #tpu.memory_space<semaphore_mem>>) src(%dma_wait3A_32 : memref<80x16xf32, #tpu.memory_space<hbm>>) dst(%arg8 : memref<80x16xf32, #tpu.memory_space<vmem>>)
      "tpu.region"() ({
        %run_scoped3A = tpu.sem_alloc : memref<!tpu.dma_semaphore, #tpu.memory_space<semaphore_mem>>
        %dma_start3A_51 = arith.constant 0 : i32
        %dma_start3A_52 = tpu.memref_slice %arg7[%mul3A_26, %dma_start3A_51] : memref<250x80xi32, #tpu.memory_space<vmem>> -> memref<1x80xi32, #tpu.memory_space<vmem>>
        %dma_start3A_53 = tpu.memref_squeeze %dma_start3A_52 : memref<1x80xi32, #tpu.memory_space<vmem>> -> memref<80xi32, #tpu.memory_space<vmem>>
        %dma_start3A_54 = arith.constant 0 : i32
        %dma_start3A_55 = arith.constant 0 : i32
        %dma_start3A_56 = tpu.memref_slice %arg6[%dma_start3A_54, %dma_start3A_55] : memref<20000x16xf32, #tpu.memory_space<vmem_shared>> -> memref<20000x16xf32, #tpu.memory_space<vmem_shared>>
        tpu.enqueue_indirect_dma source(%arg8 : memref<80x16xf32, #tpu.memory_space<vmem>>) target(%dma_start3A_56 : memref<20000x16xf32, #tpu.memory_space<vmem_shared>>) offsets(%dma_start3A_53 : memref<80xi32, #tpu.memory_space<vmem>>) semaphore(%run_scoped3A : memref<!tpu.dma_semaphore, #tpu.memory_space<semaphore_mem>>) {add = true}
        %dma_wait3A_57 = arith.constant 0 : i32
        %dma_wait3A_58 = tpu.memref_slice %arg7[%mul3A_26, %dma_wait3A_57] : memref<250x80xi32, #tpu.memory_space<vmem>> -> memref<1x80xi32, #tpu.memory_space<vmem>>
        %dma_wait3A_59 = tpu.memref_squeeze %dma_wait3A_58 : memref<1x80xi32, #tpu.memory_space<vmem>> -> memref<80xi32, #tpu.memory_space<vmem>>
        %dma_wait3A_60 = arith.constant 0 : i32
        %dma_wait3A_61 = arith.constant 0 : i32
        %dma_wait3A_62 = tpu.memref_slice %arg6[%dma_wait3A_60, %dma_wait3A_61] : memref<20000x16xf32, #tpu.memory_space<vmem_shared>> -> memref<20000x16xf32, #tpu.memory_space<vmem_shared>>
        tpu.wait_indirect_dma semaphore(%run_scoped3A : memref<!tpu.dma_semaphore, #tpu.memory_space<semaphore_mem>>) src(%arg8 : memref<80x16xf32, #tpu.memory_space<vmem>>) dst(%dma_wait3A_62 : memref<20000x16xf32, #tpu.memory_space<vmem_shared>>)
        tpu.yield
      }) : () -> ()
      %add3A_33 = arith.constant 1 : i32
      %add3A_34 = arith.addi %scan3A_23, %add3A_33 : i32
      %lt3A = arith.constant 125 : i32
      %lt3A_35 = arith.cmpi slt, %add3A_34, %lt3A : i32
      %convert_element_type3A = arith.extui %lt3A_35 : i1 to i32
      %cond3A = arith.constant 0 : i32
      %cond3A_36 = arith.cmpi ne, %convert_element_type3A, %cond3A : i32
      scf.if %cond3A_36 {
        %add3A_51 = arith.constant 160 : i32
        %add3A_52 = arith.addi %add3A_29, %add3A_51 : i32
        %dma_start3A_53 = arith.constant 0 : i32
        %dma_start3A_54 = tpu.memref_slice %arg2[%add3A_52, %dma_start3A_53] : memref<640000x16xf32, #tpu.memory_space<hbm>> -> memref<80x16xf32, #tpu.memory_space<hbm>>
        %dma_start3A_55 = arith.constant 0 : i32
        %dma_start3A_56 = tpu.memref_slice %arg2[%add3A_52, %dma_start3A_55] : memref<640000x16xf32, #tpu.memory_space<hbm>> -> memref<80x16xf32, #tpu.memory_space<hbm>>
        tpu.enqueue_dma source(%dma_start3A_56 : memref<80x16xf32, #tpu.memory_space<hbm>>) target(%arg8 : memref<80x16xf32, #tpu.memory_space<vmem>>) target_semaphore(%arg10 : memref<!tpu.dma_semaphore, #tpu.memory_space<semaphore_mem>>)
      } else {
      }
      %dma_wait3A_37 = arith.constant 0 : i32
      %dma_wait3A_38 = tpu.memref_slice %arg2[%add3A_29, %dma_wait3A_37] : memref<640000x16xf32, #tpu.memory_space<hbm>> -> memref<80x16xf32, #tpu.memory_space<hbm>>
      %dma_wait3A_39 = arith.constant 0 : i32
      %dma_wait3A_40 = tpu.memref_slice %arg2[%add3A_29, %dma_wait3A_39] : memref<640000x16xf32, #tpu.memory_space<hbm>> -> memref<80x16xf32, #tpu.memory_space<hbm>>
      tpu.wait_dma2 semaphore(%arg11 : memref<!tpu.dma_semaphore, #tpu.memory_space<semaphore_mem>>) src(%dma_wait3A_40 : memref<80x16xf32, #tpu.memory_space<hbm>>) dst(%arg9 : memref<80x16xf32, #tpu.memory_space<vmem>>)
      %add3A_41 = arith.constant 1 : i32
      %add3A_42 = arith.addi %mul3A_26, %add3A_41 : i32
      "tpu.region"() ({
        %run_scoped3A = tpu.sem_alloc : memref<!tpu.dma_semaphore, #tpu.memory_space<semaphore_mem>>
        %dma_start3A_51 = arith.constant 0 : i32
        %dma_start3A_52 = tpu.memref_slice %arg7[%add3A_42, %dma_start3A_51] : memref<250x80xi32, #tpu.memory_space<vmem>> -> memref<1x80xi32, #tpu.memory_space<vmem>>
        %dma_start3A_53 = tpu.memref_squeeze %dma_start3A_52 : memref<1x80xi32, #tpu.memory_space<vmem>> -> memref<80xi32, #tpu.memory_space<vmem>>
        %dma_start3A_54 = arith.constant 0 : i32
        %dma_start3A_55 = arith.constant 0 : i32
        %dma_start3A_56 = tpu.memref_slice %arg6[%dma_start3A_54, %dma_start3A_55] : memref<20000x16xf32, #tpu.memory_space<vmem_shared>> -> memref<20000x16xf32, #tpu.memory_space<vmem_shared>>
        tpu.enqueue_indirect_dma source(%arg9 : memref<80x16xf32, #tpu.memory_space<vmem>>) target(%dma_start3A_56 : memref<20000x16xf32, #tpu.memory_space<vmem_shared>>) offsets(%dma_start3A_53 : memref<80xi32, #tpu.memory_space<vmem>>) semaphore(%run_scoped3A : memref<!tpu.dma_semaphore, #tpu.memory_space<semaphore_mem>>) {add = true}
        %dma_wait3A_57 = arith.constant 0 : i32
        %dma_wait3A_58 = tpu.memref_slice %arg7[%add3A_42, %dma_wait3A_57] : memref<250x80xi32, #tpu.memory_space<vmem>> -> memref<1x80xi32, #tpu.memory_space<vmem>>
        %dma_wait3A_59 = tpu.memref_squeeze %dma_wait3A_58 : memref<1x80xi32, #tpu.memory_space<vmem>> -> memref<80xi32, #tpu.memory_space<vmem>>
        %dma_wait3A_60 = arith.constant 0 : i32
        %dma_wait3A_61 = arith.constant 0 : i32
        %dma_wait3A_62 = tpu.memref_slice %arg6[%dma_wait3A_60, %dma_wait3A_61] : memref<20000x16xf32, #tpu.memory_space<vmem_shared>> -> memref<20000x16xf32, #tpu.memory_space<vmem_shared>>
        tpu.wait_indirect_dma semaphore(%run_scoped3A : memref<!tpu.dma_semaphore, #tpu.memory_space<semaphore_mem>>) src(%arg9 : memref<80x16xf32, #tpu.memory_space<vmem>>) dst(%dma_wait3A_62 : memref<20000x16xf32, #tpu.memory_space<vmem_shared>>)
        tpu.yield
      }) : () -> ()
      %add3A_43 = arith.constant 1 : i32
      %add3A_44 = arith.addi %scan3A_23, %add3A_43 : i32
      %lt3A_45 = arith.constant 125 : i32
      %lt3A_46 = arith.cmpi slt, %add3A_44, %lt3A_45 : i32
      %convert_element_type3A_47 = arith.extui %lt3A_46 : i1 to i32
      %cond3A_48 = arith.constant 0 : i32
      %cond3A_49 = arith.cmpi ne, %convert_element_type3A_47, %cond3A_48 : i32
      scf.if %cond3A_49 {
        %add3A_51 = arith.constant 240 : i32
        %add3A_52 = arith.addi %add3A_29, %add3A_51 : i32
        %dma_start3A_53 = arith.constant 0 : i32
        %dma_start3A_54 = tpu.memref_slice %arg2[%add3A_52, %dma_start3A_53] : memref<640000x16xf32, #tpu.memory_space<hbm>> -> memref<80x16xf32, #tpu.memory_space<hbm>>
        %dma_start3A_55 = arith.constant 0 : i32
        %dma_start3A_56 = tpu.memref_slice %arg2[%add3A_52, %dma_start3A_55] : memref<640000x16xf32, #tpu.memory_space<hbm>> -> memref<80x16xf32, #tpu.memory_space<hbm>>
        tpu.enqueue_dma source(%dma_start3A_56 : memref<80x16xf32, #tpu.memory_space<hbm>>) target(%arg9 : memref<80x16xf32, #tpu.memory_space<vmem>>) target_semaphore(%arg11 : memref<!tpu.dma_semaphore, #tpu.memory_space<semaphore_mem>>)
      } else {
      }
      %scan3A_50 = arith.constant 0 : i32
      scf.yield %scan3A_50 : i32
    }
    %scan3A_21 = arith.constant 125 : i32
    %barrier3A_22 = arith.constant 0 : index
    tpu.barrier barrier_id(%barrier3A_22)
    "tpu.region"() ({
      %run_scoped3A = tpu.sem_alloc : memref<!tpu.dma_semaphore, #tpu.memory_space<semaphore_mem>>
      %dma_start3A_23 = arith.constant 0 : i32
      %dma_start3A_24 = tpu.memref_slice %arg5[%arg0, %mul3A_0, %dma_start3A_23] : memref<2x20000x16xf32, #tpu.memory_space<hbm>> -> memref<1x1250x16xf32, #tpu.memory_space<hbm>>
      %dma_start3A_25 = tpu.memref_squeeze %dma_start3A_24 : memref<1x1250x16xf32, #tpu.memory_space<hbm>> -> memref<1250x16xf32, #tpu.memory_space<hbm>>
      %dma_start3A_26 = arith.constant 0 : i32
      %dma_start3A_27 = tpu.memref_slice %arg6[%mul3A_0, %dma_start3A_26] : memref<20000x16xf32, #tpu.memory_space<vmem_shared>> -> memref<1250x16xf32, #tpu.memory_space<vmem_shared>>
      tpu.enqueue_dma source(%dma_start3A_27 : memref<1250x16xf32, #tpu.memory_space<vmem_shared>>) target(%dma_start3A_25 : memref<1250x16xf32, #tpu.memory_space<hbm>>) target_semaphore(%run_scoped3A : memref<!tpu.dma_semaphore, #tpu.memory_space<semaphore_mem>>)
      %dma_wait3A = arith.constant 0 : i32
      %dma_wait3A_28 = tpu.memref_slice %arg5[%arg0, %mul3A_0, %dma_wait3A] : memref<2x20000x16xf32, #tpu.memory_space<hbm>> -> memref<1x1250x16xf32, #tpu.memory_space<hbm>>
      %dma_wait3A_29 = tpu.memref_squeeze %dma_wait3A_28 : memref<1x1250x16xf32, #tpu.memory_space<hbm>> -> memref<1250x16xf32, #tpu.memory_space<hbm>>
      %dma_wait3A_30 = arith.constant 0 : i32
      %dma_wait3A_31 = tpu.memref_slice %arg6[%mul3A_0, %dma_wait3A_30] : memref<20000x16xf32, #tpu.memory_space<vmem_shared>> -> memref<1250x16xf32, #tpu.memory_space<vmem_shared>>
      tpu.wait_dma2 semaphore(%run_scoped3A : memref<!tpu.dma_semaphore, #tpu.memory_space<semaphore_mem>>) src(%dma_wait3A_31 : memref<1250x16xf32, #tpu.memory_space<vmem_shared>>) dst(%dma_wait3A_29 : memref<1250x16xf32, #tpu.memory_space<hbm>>)
      tpu.yield
    }) : () -> ()
    return
  }
}

#map = affine_map<(d0, d1) -> (0, 0)>
#map1 = affine_map<(d0, d1) -> (0, 0, 0)>
module attributes {stable_mosaic.version = 14 : i64} {
  func.func @_sc_scatter_f_body(%arg0: i32, %arg1: i32, %arg2: memref<160000x16xf32, #tpu.memory_space<hbm>>, %arg3: memref<4000x40xi32, #tpu.memory_space<hbm>>, %arg4: memref<4000x40xi32, #tpu.memory_space<hbm>>, %arg5: memref<10000x16xf32, #tpu.memory_space<hbm>>, %arg6: memref<2x10000x16xf32, #tpu.memory_space<hbm>>, %arg7: memref<10000x16xf32, #tpu.memory_space<vmem_shared>>, %arg8: memref<125x40xi32, #tpu.memory_space<vmem>>, %arg9: memref<125x40xi32, #tpu.memory_space<vmem>>, %arg10: memref<40x16xf32, #tpu.memory_space<vmem>>, %arg11: memref<40x16xf32, #tpu.memory_space<vmem>>, %arg12: memref<!tpu.dma_semaphore, #tpu.memory_space<semaphore_mem>>, %arg13: memref<!tpu.dma_semaphore, #tpu.memory_space<semaphore_mem>>) attributes {dimension_semantics = [#tpu.dimension_semantics<core_parallel>, #tpu.dimension_semantics<subcore_parallel>], iteration_bounds = array<i64: 2, 16>, scalar_prefetch = 0 : i64, scratch_operands = 7 : i64, tpu.core_type = #tpu.core_type<sc_vector_subcore>, window_params = [{transform_indices = #map}, {transform_indices = #map}, {transform_indices = #map}, {transform_indices = #map}, {transform_indices = #map1}]} {
    %mul3A = arith.constant 625 : i32
    %mul3A_0 = arith.muli %arg1, %mul3A : i32
    "tpu.region"() ({
      %run_scoped3A_35 = tpu.sem_alloc : memref<!tpu.dma_semaphore, #tpu.memory_space<semaphore_mem>>
      %dma_start3A_36 = arith.constant 0 : i32
      %dma_start3A_37 = tpu.memref_slice %arg7[%mul3A_0, %dma_start3A_36] : memref<10000x16xf32, #tpu.memory_space<vmem_shared>> -> memref<625x16xf32, #tpu.memory_space<vmem_shared>>
      %dma_start3A_38 = arith.constant 0 : i32
      %dma_start3A_39 = tpu.memref_slice %arg5[%mul3A_0, %dma_start3A_38] : memref<10000x16xf32, #tpu.memory_space<hbm>> -> memref<625x16xf32, #tpu.memory_space<hbm>>
      tpu.enqueue_dma source(%dma_start3A_39 : memref<625x16xf32, #tpu.memory_space<hbm>>) target(%dma_start3A_37 : memref<625x16xf32, #tpu.memory_space<vmem_shared>>) target_semaphore(%run_scoped3A_35 : memref<!tpu.dma_semaphore, #tpu.memory_space<semaphore_mem>>)
      %dma_wait3A_40 = arith.constant 0 : i32
      %dma_wait3A_41 = tpu.memref_slice %arg7[%mul3A_0, %dma_wait3A_40] : memref<10000x16xf32, #tpu.memory_space<vmem_shared>> -> memref<625x16xf32, #tpu.memory_space<vmem_shared>>
      %dma_wait3A_42 = arith.constant 0 : i32
      %dma_wait3A_43 = tpu.memref_slice %arg5[%mul3A_0, %dma_wait3A_42] : memref<10000x16xf32, #tpu.memory_space<hbm>> -> memref<625x16xf32, #tpu.memory_space<hbm>>
      tpu.wait_dma2 semaphore(%run_scoped3A_35 : memref<!tpu.dma_semaphore, #tpu.memory_space<semaphore_mem>>) src(%dma_wait3A_43 : memref<625x16xf32, #tpu.memory_space<hbm>>) dst(%dma_wait3A_41 : memref<625x16xf32, #tpu.memory_space<vmem_shared>>)
      tpu.yield
    }) : () -> ()
    %mul3A_1 = arith.constant 16 : i32
    %mul3A_2 = arith.muli %arg0, %mul3A_1 : i32
    %add3A = arith.addi %mul3A_2, %arg1 : i32
    %mul3A_3 = arith.constant 5000 : i32
    %mul3A_4 = arith.muli %add3A, %mul3A_3 : i32
    %mul3A_5 = arith.constant 125 : i32
    %mul3A_6 = arith.muli %add3A, %mul3A_5 : i32
    "tpu.region"() ({
      %run_scoped3A_35 = tpu.sem_alloc : memref<!tpu.dma_semaphore, #tpu.memory_space<semaphore_mem>>
      %dma_start3A_36 = arith.constant 0 : i32
      %dma_start3A_37 = tpu.memref_slice %arg3[%mul3A_6, %dma_start3A_36] : memref<4000x40xi32, #tpu.memory_space<hbm>> -> memref<125x40xi32, #tpu.memory_space<hbm>>
      %dma_start3A_38 = arith.constant 0 : i32
      %dma_start3A_39 = tpu.memref_slice %arg3[%mul3A_6, %dma_start3A_38] : memref<4000x40xi32, #tpu.memory_space<hbm>> -> memref<125x40xi32, #tpu.memory_space<hbm>>
      tpu.enqueue_dma source(%dma_start3A_39 : memref<125x40xi32, #tpu.memory_space<hbm>>) target(%arg8 : memref<125x40xi32, #tpu.memory_space<vmem>>) target_semaphore(%run_scoped3A_35 : memref<!tpu.dma_semaphore, #tpu.memory_space<semaphore_mem>>)
      %dma_wait3A_40 = arith.constant 0 : i32
      %dma_wait3A_41 = tpu.memref_slice %arg3[%mul3A_6, %dma_wait3A_40] : memref<4000x40xi32, #tpu.memory_space<hbm>> -> memref<125x40xi32, #tpu.memory_space<hbm>>
      %dma_wait3A_42 = arith.constant 0 : i32
      %dma_wait3A_43 = tpu.memref_slice %arg3[%mul3A_6, %dma_wait3A_42] : memref<4000x40xi32, #tpu.memory_space<hbm>> -> memref<125x40xi32, #tpu.memory_space<hbm>>
      tpu.wait_dma2 semaphore(%run_scoped3A_35 : memref<!tpu.dma_semaphore, #tpu.memory_space<semaphore_mem>>) src(%dma_wait3A_43 : memref<125x40xi32, #tpu.memory_space<hbm>>) dst(%arg8 : memref<125x40xi32, #tpu.memory_space<vmem>>)
      tpu.yield
    }) : () -> ()
    %mul3A_7 = arith.constant 125 : i32
    %mul3A_8 = arith.muli %add3A, %mul3A_7 : i32
    "tpu.region"() ({
      %run_scoped3A_35 = tpu.sem_alloc : memref<!tpu.dma_semaphore, #tpu.memory_space<semaphore_mem>>
      %dma_start3A_36 = arith.constant 0 : i32
      %dma_start3A_37 = tpu.memref_slice %arg4[%mul3A_8, %dma_start3A_36] : memref<4000x40xi32, #tpu.memory_space<hbm>> -> memref<125x40xi32, #tpu.memory_space<hbm>>
      %dma_start3A_38 = arith.constant 0 : i32
      %dma_start3A_39 = tpu.memref_slice %arg4[%mul3A_8, %dma_start3A_38] : memref<4000x40xi32, #tpu.memory_space<hbm>> -> memref<125x40xi32, #tpu.memory_space<hbm>>
      tpu.enqueue_dma source(%dma_start3A_39 : memref<125x40xi32, #tpu.memory_space<hbm>>) target(%arg9 : memref<125x40xi32, #tpu.memory_space<vmem>>) target_semaphore(%run_scoped3A_35 : memref<!tpu.dma_semaphore, #tpu.memory_space<semaphore_mem>>)
      %dma_wait3A_40 = arith.constant 0 : i32
      %dma_wait3A_41 = tpu.memref_slice %arg4[%mul3A_8, %dma_wait3A_40] : memref<4000x40xi32, #tpu.memory_space<hbm>> -> memref<125x40xi32, #tpu.memory_space<hbm>>
      %dma_wait3A_42 = arith.constant 0 : i32
      %dma_wait3A_43 = tpu.memref_slice %arg4[%mul3A_8, %dma_wait3A_42] : memref<4000x40xi32, #tpu.memory_space<hbm>> -> memref<125x40xi32, #tpu.memory_space<hbm>>
      tpu.wait_dma2 semaphore(%run_scoped3A_35 : memref<!tpu.dma_semaphore, #tpu.memory_space<semaphore_mem>>) src(%dma_wait3A_43 : memref<125x40xi32, #tpu.memory_space<hbm>>) dst(%arg9 : memref<125x40xi32, #tpu.memory_space<vmem>>)
      tpu.yield
    }) : () -> ()
    %barrier3A = arith.constant 0 : index
    tpu.barrier barrier_id(%barrier3A)
    %dma_start3A = arith.constant 0 : i32
    %dma_start3A_9 = tpu.memref_slice %arg2[%mul3A_4, %dma_start3A] : memref<160000x16xf32, #tpu.memory_space<hbm>> -> memref<40x16xf32, #tpu.memory_space<hbm>>
    %dma_start3A_10 = arith.constant 0 : i32
    %dma_start3A_11 = tpu.memref_slice %arg2[%mul3A_4, %dma_start3A_10] : memref<160000x16xf32, #tpu.memory_space<hbm>> -> memref<40x16xf32, #tpu.memory_space<hbm>>
    tpu.enqueue_dma source(%dma_start3A_11 : memref<40x16xf32, #tpu.memory_space<hbm>>) target(%arg10 : memref<40x16xf32, #tpu.memory_space<vmem>>) target_semaphore(%arg12 : memref<!tpu.dma_semaphore, #tpu.memory_space<semaphore_mem>>)
    %add3A_12 = arith.constant 40 : i32
    %add3A_13 = arith.addi %mul3A_4, %add3A_12 : i32
    %dma_start3A_14 = arith.constant 0 : i32
    %dma_start3A_15 = tpu.memref_slice %arg2[%add3A_13, %dma_start3A_14] : memref<160000x16xf32, #tpu.memory_space<hbm>> -> memref<40x16xf32, #tpu.memory_space<hbm>>
    %dma_start3A_16 = arith.constant 0 : i32
    %dma_start3A_17 = tpu.memref_slice %arg2[%add3A_13, %dma_start3A_16] : memref<160000x16xf32, #tpu.memory_space<hbm>> -> memref<40x16xf32, #tpu.memory_space<hbm>>
    tpu.enqueue_dma source(%dma_start3A_17 : memref<40x16xf32, #tpu.memory_space<hbm>>) target(%arg11 : memref<40x16xf32, #tpu.memory_space<vmem>>) target_semaphore(%arg13 : memref<!tpu.dma_semaphore, #tpu.memory_space<semaphore_mem>>)
    %scan3A = arith.constant 0 : i32
    %scan3A_18 = arith.constant 0 : i32
    %scan3A_19 = arith.constant 62 : i32
    %scan3A_20 = arith.addi %scan3A_18, %scan3A_19 : i32
    %scan3A_21 = arith.constant 1 : i32
    %scan3A_22 = scf.for %scan3A_35 = %scan3A_18 to %scan3A_20 step %scan3A_21 iter_args(%scan3A_36 = %scan3A) -> (i32)  : i32 {
      %mul3A_37 = arith.constant 2 : i32
      %mul3A_38 = arith.muli %mul3A_37, %scan3A_35 : i32
      %mul3A_39 = arith.constant 40 : i32
      %mul3A_40 = arith.muli %mul3A_38, %mul3A_39 : i32
      %add3A_41 = arith.addi %mul3A_4, %mul3A_40 : i32
      %dma_wait3A_42 = arith.constant 0 : i32
      %dma_wait3A_43 = tpu.memref_slice %arg2[%add3A_41, %dma_wait3A_42] : memref<160000x16xf32, #tpu.memory_space<hbm>> -> memref<40x16xf32, #tpu.memory_space<hbm>>
      %dma_wait3A_44 = arith.constant 0 : i32
      %dma_wait3A_45 = tpu.memref_slice %arg2[%add3A_41, %dma_wait3A_44] : memref<160000x16xf32, #tpu.memory_space<hbm>> -> memref<40x16xf32, #tpu.memory_space<hbm>>
      tpu.wait_dma2 semaphore(%arg12 : memref<!tpu.dma_semaphore, #tpu.memory_space<semaphore_mem>>) src(%dma_wait3A_45 : memref<40x16xf32, #tpu.memory_space<hbm>>) dst(%arg10 : memref<40x16xf32, #tpu.memory_space<vmem>>)
      "tpu.region"() ({
        %run_scoped3A_66 = tpu.sem_alloc : memref<!tpu.dma_semaphore, #tpu.memory_space<semaphore_mem>>
        %dma_start3A_67 = arith.constant 0 : i32
        %dma_start3A_68 = tpu.memref_slice %arg8[%mul3A_38, %dma_start3A_67] : memref<125x40xi32, #tpu.memory_space<vmem>> -> memref<1x40xi32, #tpu.memory_space<vmem>>
        %dma_start3A_69 = tpu.memref_squeeze %dma_start3A_68 : memref<1x40xi32, #tpu.memory_space<vmem>> -> memref<40xi32, #tpu.memory_space<vmem>>
        %dma_start3A_70 = arith.constant 0 : i32
        %dma_start3A_71 = arith.constant 0 : i32
        %dma_start3A_72 = tpu.memref_slice %arg7[%dma_start3A_70, %dma_start3A_71] : memref<10000x16xf32, #tpu.memory_space<vmem_shared>> -> memref<10000x16xf32, #tpu.memory_space<vmem_shared>>
        tpu.enqueue_indirect_dma source(%arg10 : memref<40x16xf32, #tpu.memory_space<vmem>>) target(%dma_start3A_72 : memref<10000x16xf32, #tpu.memory_space<vmem_shared>>) offsets(%dma_start3A_69 : memref<40xi32, #tpu.memory_space<vmem>>) semaphore(%run_scoped3A_66 : memref<!tpu.dma_semaphore, #tpu.memory_space<semaphore_mem>>) {add = true}
        %dma_wait3A_73 = arith.constant 0 : i32
        %dma_wait3A_74 = tpu.memref_slice %arg8[%mul3A_38, %dma_wait3A_73] : memref<125x40xi32, #tpu.memory_space<vmem>> -> memref<1x40xi32, #tpu.memory_space<vmem>>
        %dma_wait3A_75 = tpu.memref_squeeze %dma_wait3A_74 : memref<1x40xi32, #tpu.memory_space<vmem>> -> memref<40xi32, #tpu.memory_space<vmem>>
        %dma_wait3A_76 = arith.constant 0 : i32
        %dma_wait3A_77 = arith.constant 0 : i32
        %dma_wait3A_78 = tpu.memref_slice %arg7[%dma_wait3A_76, %dma_wait3A_77] : memref<10000x16xf32, #tpu.memory_space<vmem_shared>> -> memref<10000x16xf32, #tpu.memory_space<vmem_shared>>
        tpu.wait_indirect_dma semaphore(%run_scoped3A_66 : memref<!tpu.dma_semaphore, #tpu.memory_space<semaphore_mem>>) src(%arg10 : memref<40x16xf32, #tpu.memory_space<vmem>>) dst(%dma_wait3A_78 : memref<10000x16xf32, #tpu.memory_space<vmem_shared>>)
        tpu.yield
      }) : () -> ()
      "tpu.region"() ({
        %run_scoped3A_66 = tpu.sem_alloc : memref<!tpu.dma_semaphore, #tpu.memory_space<semaphore_mem>>
        %dma_start3A_67 = arith.constant 0 : i32
        %dma_start3A_68 = tpu.memref_slice %arg9[%mul3A_38, %dma_start3A_67] : memref<125x40xi32, #tpu.memory_space<vmem>> -> memref<1x40xi32, #tpu.memory_space<vmem>>
        %dma_start3A_69 = tpu.memref_squeeze %dma_start3A_68 : memref<1x40xi32, #tpu.memory_space<vmem>> -> memref<40xi32, #tpu.memory_space<vmem>>
        %dma_start3A_70 = arith.constant 0 : i32
        %dma_start3A_71 = arith.constant 0 : i32
        %dma_start3A_72 = tpu.memref_slice %arg7[%dma_start3A_70, %dma_start3A_71] : memref<10000x16xf32, #tpu.memory_space<vmem_shared>> -> memref<10000x16xf32, #tpu.memory_space<vmem_shared>>
        tpu.enqueue_indirect_dma source(%arg10 : memref<40x16xf32, #tpu.memory_space<vmem>>) target(%dma_start3A_72 : memref<10000x16xf32, #tpu.memory_space<vmem_shared>>) offsets(%dma_start3A_69 : memref<40xi32, #tpu.memory_space<vmem>>) semaphore(%run_scoped3A_66 : memref<!tpu.dma_semaphore, #tpu.memory_space<semaphore_mem>>) {add = true}
        %dma_wait3A_73 = arith.constant 0 : i32
        %dma_wait3A_74 = tpu.memref_slice %arg9[%mul3A_38, %dma_wait3A_73] : memref<125x40xi32, #tpu.memory_space<vmem>> -> memref<1x40xi32, #tpu.memory_space<vmem>>
        %dma_wait3A_75 = tpu.memref_squeeze %dma_wait3A_74 : memref<1x40xi32, #tpu.memory_space<vmem>> -> memref<40xi32, #tpu.memory_space<vmem>>
        %dma_wait3A_76 = arith.constant 0 : i32
        %dma_wait3A_77 = arith.constant 0 : i32
        %dma_wait3A_78 = tpu.memref_slice %arg7[%dma_wait3A_76, %dma_wait3A_77] : memref<10000x16xf32, #tpu.memory_space<vmem_shared>> -> memref<10000x16xf32, #tpu.memory_space<vmem_shared>>
        tpu.wait_indirect_dma semaphore(%run_scoped3A_66 : memref<!tpu.dma_semaphore, #tpu.memory_space<semaphore_mem>>) src(%arg10 : memref<40x16xf32, #tpu.memory_space<vmem>>) dst(%dma_wait3A_78 : memref<10000x16xf32, #tpu.memory_space<vmem_shared>>)
        tpu.yield
      }) : () -> ()
      %add3A_46 = arith.constant 1 : i32
      %add3A_47 = arith.addi %scan3A_35, %add3A_46 : i32
      %lt3A = arith.constant 62 : i32
      %lt3A_48 = arith.cmpi slt, %add3A_47, %lt3A : i32
      %convert_element_type3A = arith.extui %lt3A_48 : i1 to i32
      %cond3A = arith.constant 0 : i32
      %cond3A_49 = arith.cmpi ne, %convert_element_type3A, %cond3A : i32
      scf.if %cond3A_49 {
        %add3A_66 = arith.constant 80 : i32
        %add3A_67 = arith.addi %add3A_41, %add3A_66 : i32
        %dma_start3A_68 = arith.constant 0 : i32
        %dma_start3A_69 = tpu.memref_slice %arg2[%add3A_67, %dma_start3A_68] : memref<160000x16xf32, #tpu.memory_space<hbm>> -> memref<40x16xf32, #tpu.memory_space<hbm>>
        %dma_start3A_70 = arith.constant 0 : i32
        %dma_start3A_71 = tpu.memref_slice %arg2[%add3A_67, %dma_start3A_70] : memref<160000x16xf32, #tpu.memory_space<hbm>> -> memref<40x16xf32, #tpu.memory_space<hbm>>
        tpu.enqueue_dma source(%dma_start3A_71 : memref<40x16xf32, #tpu.memory_space<hbm>>) target(%arg10 : memref<40x16xf32, #tpu.memory_space<vmem>>) target_semaphore(%arg12 : memref<!tpu.dma_semaphore, #tpu.memory_space<semaphore_mem>>)
      } else {
      }
      %dma_wait3A_50 = arith.constant 0 : i32
      %dma_wait3A_51 = tpu.memref_slice %arg2[%add3A_41, %dma_wait3A_50] : memref<160000x16xf32, #tpu.memory_space<hbm>> -> memref<40x16xf32, #tpu.memory_space<hbm>>
      %dma_wait3A_52 = arith.constant 0 : i32
      %dma_wait3A_53 = tpu.memref_slice %arg2[%add3A_41, %dma_wait3A_52] : memref<160000x16xf32, #tpu.memory_space<hbm>> -> memref<40x16xf32, #tpu.memory_space<hbm>>
      tpu.wait_dma2 semaphore(%arg13 : memref<!tpu.dma_semaphore, #tpu.memory_space<semaphore_mem>>) src(%dma_wait3A_53 : memref<40x16xf32, #tpu.memory_space<hbm>>) dst(%arg11 : memref<40x16xf32, #tpu.memory_space<vmem>>)
      %add3A_54 = arith.constant 1 : i32
      %add3A_55 = arith.addi %mul3A_38, %add3A_54 : i32
      "tpu.region"() ({
        %run_scoped3A_66 = tpu.sem_alloc : memref<!tpu.dma_semaphore, #tpu.memory_space<semaphore_mem>>
        %dma_start3A_67 = arith.constant 0 : i32
        %dma_start3A_68 = tpu.memref_slice %arg8[%add3A_55, %dma_start3A_67] : memref<125x40xi32, #tpu.memory_space<vmem>> -> memref<1x40xi32, #tpu.memory_space<vmem>>
        %dma_start3A_69 = tpu.memref_squeeze %dma_start3A_68 : memref<1x40xi32, #tpu.memory_space<vmem>> -> memref<40xi32, #tpu.memory_space<vmem>>
        %dma_start3A_70 = arith.constant 0 : i32
        %dma_start3A_71 = arith.constant 0 : i32
        %dma_start3A_72 = tpu.memref_slice %arg7[%dma_start3A_70, %dma_start3A_71] : memref<10000x16xf32, #tpu.memory_space<vmem_shared>> -> memref<10000x16xf32, #tpu.memory_space<vmem_shared>>
        tpu.enqueue_indirect_dma source(%arg11 : memref<40x16xf32, #tpu.memory_space<vmem>>) target(%dma_start3A_72 : memref<10000x16xf32, #tpu.memory_space<vmem_shared>>) offsets(%dma_start3A_69 : memref<40xi32, #tpu.memory_space<vmem>>) semaphore(%run_scoped3A_66 : memref<!tpu.dma_semaphore, #tpu.memory_space<semaphore_mem>>) {add = true}
        %dma_wait3A_73 = arith.constant 0 : i32
        %dma_wait3A_74 = tpu.memref_slice %arg8[%add3A_55, %dma_wait3A_73] : memref<125x40xi32, #tpu.memory_space<vmem>> -> memref<1x40xi32, #tpu.memory_space<vmem>>
        %dma_wait3A_75 = tpu.memref_squeeze %dma_wait3A_74 : memref<1x40xi32, #tpu.memory_space<vmem>> -> memref<40xi32, #tpu.memory_space<vmem>>
        %dma_wait3A_76 = arith.constant 0 : i32
        %dma_wait3A_77 = arith.constant 0 : i32
        %dma_wait3A_78 = tpu.memref_slice %arg7[%dma_wait3A_76, %dma_wait3A_77] : memref<10000x16xf32, #tpu.memory_space<vmem_shared>> -> memref<10000x16xf32, #tpu.memory_space<vmem_shared>>
        tpu.wait_indirect_dma semaphore(%run_scoped3A_66 : memref<!tpu.dma_semaphore, #tpu.memory_space<semaphore_mem>>) src(%arg11 : memref<40x16xf32, #tpu.memory_space<vmem>>) dst(%dma_wait3A_78 : memref<10000x16xf32, #tpu.memory_space<vmem_shared>>)
        tpu.yield
      }) : () -> ()
      %add3A_56 = arith.constant 1 : i32
      %add3A_57 = arith.addi %mul3A_38, %add3A_56 : i32
      "tpu.region"() ({
        %run_scoped3A_66 = tpu.sem_alloc : memref<!tpu.dma_semaphore, #tpu.memory_space<semaphore_mem>>
        %dma_start3A_67 = arith.constant 0 : i32
        %dma_start3A_68 = tpu.memref_slice %arg9[%add3A_57, %dma_start3A_67] : memref<125x40xi32, #tpu.memory_space<vmem>> -> memref<1x40xi32, #tpu.memory_space<vmem>>
        %dma_start3A_69 = tpu.memref_squeeze %dma_start3A_68 : memref<1x40xi32, #tpu.memory_space<vmem>> -> memref<40xi32, #tpu.memory_space<vmem>>
        %dma_start3A_70 = arith.constant 0 : i32
        %dma_start3A_71 = arith.constant 0 : i32
        %dma_start3A_72 = tpu.memref_slice %arg7[%dma_start3A_70, %dma_start3A_71] : memref<10000x16xf32, #tpu.memory_space<vmem_shared>> -> memref<10000x16xf32, #tpu.memory_space<vmem_shared>>
        tpu.enqueue_indirect_dma source(%arg11 : memref<40x16xf32, #tpu.memory_space<vmem>>) target(%dma_start3A_72 : memref<10000x16xf32, #tpu.memory_space<vmem_shared>>) offsets(%dma_start3A_69 : memref<40xi32, #tpu.memory_space<vmem>>) semaphore(%run_scoped3A_66 : memref<!tpu.dma_semaphore, #tpu.memory_space<semaphore_mem>>) {add = true}
        %dma_wait3A_73 = arith.constant 0 : i32
        %dma_wait3A_74 = tpu.memref_slice %arg9[%add3A_57, %dma_wait3A_73] : memref<125x40xi32, #tpu.memory_space<vmem>> -> memref<1x40xi32, #tpu.memory_space<vmem>>
        %dma_wait3A_75 = tpu.memref_squeeze %dma_wait3A_74 : memref<1x40xi32, #tpu.memory_space<vmem>> -> memref<40xi32, #tpu.memory_space<vmem>>
        %dma_wait3A_76 = arith.constant 0 : i32
        %dma_wait3A_77 = arith.constant 0 : i32
        %dma_wait3A_78 = tpu.memref_slice %arg7[%dma_wait3A_76, %dma_wait3A_77] : memref<10000x16xf32, #tpu.memory_space<vmem_shared>> -> memref<10000x16xf32, #tpu.memory_space<vmem_shared>>
        tpu.wait_indirect_dma semaphore(%run_scoped3A_66 : memref<!tpu.dma_semaphore, #tpu.memory_space<semaphore_mem>>) src(%arg11 : memref<40x16xf32, #tpu.memory_space<vmem>>) dst(%dma_wait3A_78 : memref<10000x16xf32, #tpu.memory_space<vmem_shared>>)
        tpu.yield
      }) : () -> ()
      %add3A_58 = arith.constant 1 : i32
      %add3A_59 = arith.addi %scan3A_35, %add3A_58 : i32
      %lt3A_60 = arith.constant 62 : i32
      %lt3A_61 = arith.cmpi slt, %add3A_59, %lt3A_60 : i32
      %convert_element_type3A_62 = arith.extui %lt3A_61 : i1 to i32
      %cond3A_63 = arith.constant 0 : i32
      %cond3A_64 = arith.cmpi ne, %convert_element_type3A_62, %cond3A_63 : i32
      scf.if %cond3A_64 {
        %add3A_66 = arith.constant 120 : i32
        %add3A_67 = arith.addi %add3A_41, %add3A_66 : i32
        %dma_start3A_68 = arith.constant 0 : i32
        %dma_start3A_69 = tpu.memref_slice %arg2[%add3A_67, %dma_start3A_68] : memref<160000x16xf32, #tpu.memory_space<hbm>> -> memref<40x16xf32, #tpu.memory_space<hbm>>
        %dma_start3A_70 = arith.constant 0 : i32
        %dma_start3A_71 = tpu.memref_slice %arg2[%add3A_67, %dma_start3A_70] : memref<160000x16xf32, #tpu.memory_space<hbm>> -> memref<40x16xf32, #tpu.memory_space<hbm>>
        tpu.enqueue_dma source(%dma_start3A_71 : memref<40x16xf32, #tpu.memory_space<hbm>>) target(%arg11 : memref<40x16xf32, #tpu.memory_space<vmem>>) target_semaphore(%arg13 : memref<!tpu.dma_semaphore, #tpu.memory_space<semaphore_mem>>)
      } else {
      }
      %scan3A_65 = arith.constant 0 : i32
      scf.yield %scan3A_65 : i32
    }
    %scan3A_23 = arith.constant 62 : i32
    %add3A_24 = arith.constant 4960 : i32
    %add3A_25 = arith.addi %mul3A_4, %add3A_24 : i32
    %dma_start3A_26 = arith.constant 0 : i32
    %dma_start3A_27 = tpu.memref_slice %arg2[%add3A_25, %dma_start3A_26] : memref<160000x16xf32, #tpu.memory_space<hbm>> -> memref<40x16xf32, #tpu.memory_space<hbm>>
    %dma_start3A_28 = arith.constant 0 : i32
    %dma_start3A_29 = tpu.memref_slice %arg2[%add3A_25, %dma_start3A_28] : memref<160000x16xf32, #tpu.memory_space<hbm>> -> memref<40x16xf32, #tpu.memory_space<hbm>>
    tpu.enqueue_dma source(%dma_start3A_29 : memref<40x16xf32, #tpu.memory_space<hbm>>) target(%arg10 : memref<40x16xf32, #tpu.memory_space<vmem>>) target_semaphore(%arg12 : memref<!tpu.dma_semaphore, #tpu.memory_space<semaphore_mem>>)
    %dma_wait3A = arith.constant 0 : i32
    %dma_wait3A_30 = tpu.memref_slice %arg2[%add3A_25, %dma_wait3A] : memref<160000x16xf32, #tpu.memory_space<hbm>> -> memref<40x16xf32, #tpu.memory_space<hbm>>
    %dma_wait3A_31 = arith.constant 0 : i32
    %dma_wait3A_32 = tpu.memref_slice %arg2[%add3A_25, %dma_wait3A_31] : memref<160000x16xf32, #tpu.memory_space<hbm>> -> memref<40x16xf32, #tpu.memory_space<hbm>>
    tpu.wait_dma2 semaphore(%arg12 : memref<!tpu.dma_semaphore, #tpu.memory_space<semaphore_mem>>) src(%dma_wait3A_32 : memref<40x16xf32, #tpu.memory_space<hbm>>) dst(%arg10 : memref<40x16xf32, #tpu.memory_space<vmem>>)
    %run_scoped3A = arith.constant 124 : i32
    "tpu.region"() ({
      %run_scoped3A_35 = tpu.sem_alloc : memref<!tpu.dma_semaphore, #tpu.memory_space<semaphore_mem>>
      %dma_start3A_36 = arith.constant 0 : i32
      %dma_start3A_37 = tpu.memref_slice %arg8[%run_scoped3A, %dma_start3A_36] : memref<125x40xi32, #tpu.memory_space<vmem>> -> memref<1x40xi32, #tpu.memory_space<vmem>>
      %dma_start3A_38 = tpu.memref_squeeze %dma_start3A_37 : memref<1x40xi32, #tpu.memory_space<vmem>> -> memref<40xi32, #tpu.memory_space<vmem>>
      %dma_start3A_39 = arith.constant 0 : i32
      %dma_start3A_40 = arith.constant 0 : i32
      %dma_start3A_41 = tpu.memref_slice %arg7[%dma_start3A_39, %dma_start3A_40] : memref<10000x16xf32, #tpu.memory_space<vmem_shared>> -> memref<10000x16xf32, #tpu.memory_space<vmem_shared>>
      tpu.enqueue_indirect_dma source(%arg10 : memref<40x16xf32, #tpu.memory_space<vmem>>) target(%dma_start3A_41 : memref<10000x16xf32, #tpu.memory_space<vmem_shared>>) offsets(%dma_start3A_38 : memref<40xi32, #tpu.memory_space<vmem>>) semaphore(%run_scoped3A_35 : memref<!tpu.dma_semaphore, #tpu.memory_space<semaphore_mem>>) {add = true}
      %dma_wait3A_42 = arith.constant 0 : i32
      %dma_wait3A_43 = tpu.memref_slice %arg8[%run_scoped3A, %dma_wait3A_42] : memref<125x40xi32, #tpu.memory_space<vmem>> -> memref<1x40xi32, #tpu.memory_space<vmem>>
      %dma_wait3A_44 = tpu.memref_squeeze %dma_wait3A_43 : memref<1x40xi32, #tpu.memory_space<vmem>> -> memref<40xi32, #tpu.memory_space<vmem>>
      %dma_wait3A_45 = arith.constant 0 : i32
      %dma_wait3A_46 = arith.constant 0 : i32
      %dma_wait3A_47 = tpu.memref_slice %arg7[%dma_wait3A_45, %dma_wait3A_46] : memref<10000x16xf32, #tpu.memory_space<vmem_shared>> -> memref<10000x16xf32, #tpu.memory_space<vmem_shared>>
      tpu.wait_indirect_dma semaphore(%run_scoped3A_35 : memref<!tpu.dma_semaphore, #tpu.memory_space<semaphore_mem>>) src(%arg10 : memref<40x16xf32, #tpu.memory_space<vmem>>) dst(%dma_wait3A_47 : memref<10000x16xf32, #tpu.memory_space<vmem_shared>>)
      tpu.yield
    }) : () -> ()
    %run_scoped3A_33 = arith.constant 124 : i32
    "tpu.region"() ({
      %run_scoped3A_35 = tpu.sem_alloc : memref<!tpu.dma_semaphore, #tpu.memory_space<semaphore_mem>>
      %dma_start3A_36 = arith.constant 0 : i32
      %dma_start3A_37 = tpu.memref_slice %arg9[%run_scoped3A_33, %dma_start3A_36] : memref<125x40xi32, #tpu.memory_space<vmem>> -> memref<1x40xi32, #tpu.memory_space<vmem>>
      %dma_start3A_38 = tpu.memref_squeeze %dma_start3A_37 : memref<1x40xi32, #tpu.memory_space<vmem>> -> memref<40xi32, #tpu.memory_space<vmem>>
      %dma_start3A_39 = arith.constant 0 : i32
      %dma_start3A_40 = arith.constant 0 : i32
      %dma_start3A_41 = tpu.memref_slice %arg7[%dma_start3A_39, %dma_start3A_40] : memref<10000x16xf32, #tpu.memory_space<vmem_shared>> -> memref<10000x16xf32, #tpu.memory_space<vmem_shared>>
      tpu.enqueue_indirect_dma source(%arg10 : memref<40x16xf32, #tpu.memory_space<vmem>>) target(%dma_start3A_41 : memref<10000x16xf32, #tpu.memory_space<vmem_shared>>) offsets(%dma_start3A_38 : memref<40xi32, #tpu.memory_space<vmem>>) semaphore(%run_scoped3A_35 : memref<!tpu.dma_semaphore, #tpu.memory_space<semaphore_mem>>) {add = true}
      %dma_wait3A_42 = arith.constant 0 : i32
      %dma_wait3A_43 = tpu.memref_slice %arg9[%run_scoped3A_33, %dma_wait3A_42] : memref<125x40xi32, #tpu.memory_space<vmem>> -> memref<1x40xi32, #tpu.memory_space<vmem>>
      %dma_wait3A_44 = tpu.memref_squeeze %dma_wait3A_43 : memref<1x40xi32, #tpu.memory_space<vmem>> -> memref<40xi32, #tpu.memory_space<vmem>>
      %dma_wait3A_45 = arith.constant 0 : i32
      %dma_wait3A_46 = arith.constant 0 : i32
      %dma_wait3A_47 = tpu.memref_slice %arg7[%dma_wait3A_45, %dma_wait3A_46] : memref<10000x16xf32, #tpu.memory_space<vmem_shared>> -> memref<10000x16xf32, #tpu.memory_space<vmem_shared>>
      tpu.wait_indirect_dma semaphore(%run_scoped3A_35 : memref<!tpu.dma_semaphore, #tpu.memory_space<semaphore_mem>>) src(%arg10 : memref<40x16xf32, #tpu.memory_space<vmem>>) dst(%dma_wait3A_47 : memref<10000x16xf32, #tpu.memory_space<vmem_shared>>)
      tpu.yield
    }) : () -> ()
    %barrier3A_34 = arith.constant 0 : index
    tpu.barrier barrier_id(%barrier3A_34)
    "tpu.region"() ({
      %run_scoped3A_35 = tpu.sem_alloc : memref<!tpu.dma_semaphore, #tpu.memory_space<semaphore_mem>>
      %dma_start3A_36 = arith.constant 0 : i32
      %dma_start3A_37 = tpu.memref_slice %arg6[%arg0, %mul3A_0, %dma_start3A_36] : memref<2x10000x16xf32, #tpu.memory_space<hbm>> -> memref<1x625x16xf32, #tpu.memory_space<hbm>>
      %dma_start3A_38 = tpu.memref_squeeze %dma_start3A_37 : memref<1x625x16xf32, #tpu.memory_space<hbm>> -> memref<625x16xf32, #tpu.memory_space<hbm>>
      %dma_start3A_39 = arith.constant 0 : i32
      %dma_start3A_40 = tpu.memref_slice %arg7[%mul3A_0, %dma_start3A_39] : memref<10000x16xf32, #tpu.memory_space<vmem_shared>> -> memref<625x16xf32, #tpu.memory_space<vmem_shared>>
      tpu.enqueue_dma source(%dma_start3A_40 : memref<625x16xf32, #tpu.memory_space<vmem_shared>>) target(%dma_start3A_38 : memref<625x16xf32, #tpu.memory_space<hbm>>) target_semaphore(%run_scoped3A_35 : memref<!tpu.dma_semaphore, #tpu.memory_space<semaphore_mem>>)
      %dma_wait3A_41 = arith.constant 0 : i32
      %dma_wait3A_42 = tpu.memref_slice %arg6[%arg0, %mul3A_0, %dma_wait3A_41] : memref<2x10000x16xf32, #tpu.memory_space<hbm>> -> memref<1x625x16xf32, #tpu.memory_space<hbm>>
      %dma_wait3A_43 = tpu.memref_squeeze %dma_wait3A_42 : memref<1x625x16xf32, #tpu.memory_space<hbm>> -> memref<625x16xf32, #tpu.memory_space<hbm>>
      %dma_wait3A_44 = arith.constant 0 : i32
      %dma_wait3A_45 = tpu.memref_slice %arg7[%mul3A_0, %dma_wait3A_44] : memref<10000x16xf32, #tpu.memory_space<vmem_shared>> -> memref<625x16xf32, #tpu.memory_space<vmem_shared>>
      tpu.wait_dma2 semaphore(%run_scoped3A_35 : memref<!tpu.dma_semaphore, #tpu.memory_space<semaphore_mem>>) src(%dma_wait3A_45 : memref<625x16xf32, #tpu.memory_space<vmem_shared>>) dst(%dma_wait3A_43 : memref<625x16xf32, #tpu.memory_space<hbm>>)
      tpu.yield
    }) : () -> ()
    return
  }
}

module attributes {stable_mosaic.version = 14 : i64} {
  func.func @_proj_body(%arg0: memref<10000x128xf32, #tpu.memory_space<vmem>>, %arg1: memref<128x192xf32, #tpu.memory_space<vmem>>, %arg2: memref<10000x64xf32, #tpu.memory_space<vmem>>, %arg3: memref<10000x64xf32, #tpu.memory_space<vmem>>, %arg4: memref<10000x32xf32, #tpu.memory_space<vmem>>, %arg5: memref<10000x32xf32, #tpu.memory_space<vmem>>) attributes {dimension_semantics = [], scalar_prefetch = 0 : i64, scratch_operands = 0 : i64, tpu.core_type = #tpu.core_type<tc>} {
    %get3A = arith.constant 0 : index
    %get3A_0 = arith.constant 0 : index
    %get3A_1 = vector.load %arg0[%get3A, %get3A_0] : memref<10000x128xf32, #tpu.memory_space<vmem>>, vector<10000x128xf32>
    %get3A_2 = arith.constant 0 : index
    %get3A_3 = arith.constant 0 : index
    %get3A_4 = vector.load %arg1[%get3A_2, %get3A_3] : memref<128x192xf32, #tpu.memory_space<vmem>>, vector<128x192xf32>
    %dot_general3A = arith.constant dense<0.000000e+00> : vector<10000x192xf32>
    %dot_general3A_5 = tpu.matmul %get3A_1, %get3A_4, %dot_general3A {dimension_numbers = #tpu.dot_dimension_numbers<[1], [0], [0], [1], [0, 0, 1, 1], [], []>, transpose_lhs_hint = false} : vector<10000x128xf32>, vector<128x192xf32>, vector<10000x192xf32> -> vector<10000x192xf32>
    %slice3A = vector.extract_strided_slice %dot_general3A_5 {offsets = [0, 0], sizes = [10000, 64], strides = [1, 1]} : vector<10000x192xf32> to vector<10000x64xf32>
    %swap3A = arith.constant 0 : index
    %swap3A_6 = arith.constant 0 : index
    %swap3A_7 = vector.load %arg2[%swap3A, %swap3A_6] : memref<10000x64xf32, #tpu.memory_space<vmem>>, vector<10000x64xf32>
    tpu.vector_store %arg2[%swap3A, %swap3A_6], %slice3A {strides = array<i32>} : memref<10000x64xf32, #tpu.memory_space<vmem>>, vector<10000x64xf32>,
    %slice3A_8 = vector.extract_strided_slice %dot_general3A_5 {offsets = [0, 64], sizes = [10000, 64], strides = [1, 1]} : vector<10000x192xf32> to vector<10000x64xf32>
    %swap3A_9 = arith.constant 0 : index
    %swap3A_10 = arith.constant 0 : index
    %swap3A_11 = vector.load %arg3[%swap3A_9, %swap3A_10] : memref<10000x64xf32, #tpu.memory_space<vmem>>, vector<10000x64xf32>
    tpu.vector_store %arg3[%swap3A_9, %swap3A_10], %slice3A_8 {strides = array<i32>} : memref<10000x64xf32, #tpu.memory_space<vmem>>, vector<10000x64xf32>,
    %slice3A_12 = vector.extract_strided_slice %dot_general3A_5 {offsets = [0, 128], sizes = [10000, 32], strides = [1, 1]} : vector<10000x192xf32> to vector<10000x32xf32>
    %swap3A_13 = arith.constant 0 : index
    %swap3A_14 = arith.constant 0 : index
    %swap3A_15 = vector.load %arg4[%swap3A_13, %swap3A_14] : memref<10000x32xf32, #tpu.memory_space<vmem>>, vector<10000x32xf32>
    tpu.vector_store %arg4[%swap3A_13, %swap3A_14], %slice3A_12 {strides = array<i32>} : memref<10000x32xf32, #tpu.memory_space<vmem>>, vector<10000x32xf32>,
    %slice3A_16 = vector.extract_strided_slice %dot_general3A_5 {offsets = [0, 160], sizes = [10000, 32], strides = [1, 1]} : vector<10000x192xf32> to vector<10000x32xf32>
    %swap3A_17 = arith.constant 0 : index
    %swap3A_18 = arith.constant 0 : index
    %swap3A_19 = vector.load %arg5[%swap3A_17, %swap3A_18] : memref<10000x32xf32, #tpu.memory_space<vmem>>, vector<10000x32xf32>
    tpu.vector_store %arg5[%swap3A_17, %swap3A_18], %slice3A_16 {strides = array<i32>} : memref<10000x32xf32, #tpu.memory_space<vmem>>, vector<10000x32xf32>,
    return
  }
}

module attributes {stable_mosaic.version = 14 : i64} {
  func.func @_mlp_f_body(%arg0: i32, %arg1: memref<800x128xf32, #tpu.memory_space<vmem>>, %arg2: memref<800x128xf32, #tpu.memory_space<vmem>>, %arg3: memref<400x128xf32, #tpu.memory_space<vmem>>, %arg4: memref<128x256xf32, #tpu.memory_space<vmem>>, %arg5: memref<1x128xf32, #tpu.memory_space<vmem>>, %arg6: memref<128x64xf32, #tpu.memory_space<vmem>>, %arg7: memref<1x128xf32, #tpu.memory_space<vmem>>, %arg8: memref<400x128xf32, #tpu.memory_space<vmem>>) attributes {dimension_semantics = [#tpu.dimension_semantics<arbitrary>], iteration_bounds = array<i64: 50>, scalar_prefetch = 0 : i64, scratch_operands = 0 : i64, tpu.core_type = #tpu.core_type<tc>, window_params = [{transform_indices = @transform_0, window_bounds = array<i64: 800, 128>}, {transform_indices = @transform_1, window_bounds = array<i64: 800, 128>}, {transform_indices = @transform_2, window_bounds = array<i64: 400, 128>}, {pipeline_mode = #tpu.pipeline_mode<synchronous>, transform_indices = @transform_3, window_bounds = array<i64: 128, 256>}, {pipeline_mode = #tpu.pipeline_mode<synchronous>, transform_indices = @transform_4, window_bounds = array<i64: 1, 128>}, {pipeline_mode = #tpu.pipeline_mode<synchronous>, transform_indices = @transform_5, window_bounds = array<i64: 128, 64>}, {pipeline_mode = #tpu.pipeline_mode<synchronous>, transform_indices = @transform_6, window_bounds = array<i64: 1, 128>}, {transform_indices = @transform_7, window_bounds = array<i64: 400, 128>}]} {
    %get3A = arith.constant 0 : index
    %get3A_0 = arith.constant 0 : index
    %get3A_1 = vector.load %arg3[%get3A, %get3A_0] : memref<400x128xf32, #tpu.memory_space<vmem>>, vector<400x128xf32>
    %get3A_2 = arith.constant 0 : index
    %get3A_3 = arith.constant 0 : index
    %get3A_4 = vector.load %arg4[%get3A_2, %get3A_3] : memref<128x256xf32, #tpu.memory_space<vmem>>, vector<128x256xf32>
    %dot_general3A = arith.constant dense<0.000000e+00> : vector<400x256xf32>
    %dot_general3A_5 = tpu.matmul %get3A_1, %get3A_4, %dot_general3A {dimension_numbers = #tpu.dot_dimension_numbers<[1], [0], [0], [1], [0, 0, 1, 1], [], []>, transpose_lhs_hint = false} : vector<400x128xf32>, vector<128x256xf32>, vector<400x256xf32> -> vector<400x256xf32>
    %reshape3A = vector.shape_cast %dot_general3A_5 : vector<400x256xf32> to vector<800x128xf32>
    %get3A_6 = arith.constant 0 : index
    %get3A_7 = arith.constant 0 : index
    %get3A_8 = vector.load %arg1[%get3A_6, %get3A_7] : memref<800x128xf32, #tpu.memory_space<vmem>>, vector<800x128xf32>
    %get3A_9 = arith.constant 0 : index
    %get3A_10 = arith.constant 0 : index
    %get3A_11 = vector.load %arg2[%get3A_9, %get3A_10] : memref<800x128xf32, #tpu.memory_space<vmem>>, vector<800x128xf32>
    %add3A = arith.addf %get3A_8, %get3A_11 : vector<800x128xf32>
    %add3A_12 = arith.addf %add3A, %reshape3A : vector<800x128xf32>
    %get3A_13 = arith.constant 0 : index
    %get3A_14 = arith.constant 0 : index
    %get3A_15 = vector.load %arg5[%get3A_13, %get3A_14] : memref<1x128xf32, #tpu.memory_space<vmem>>, vector<1x128xf32>
    %add3A_16 = vector.broadcast %get3A_15 : vector<1x128xf32> to vector<800x128xf32>
    %add3A_17 = arith.addf %add3A_12, %add3A_16 : vector<800x128xf32>
    %max3A = arith.constant 0.000000e+00 : f32
    %max3A_18 = vector.broadcast %max3A : f32 to vector<800x128xf32>
    %max3A_19 = arith.maximumf %add3A_17, %max3A_18 : vector<800x128xf32>
    %slice3A = vector.extract_strided_slice %max3A_19 {offsets = [0, 0], sizes = [400, 128], strides = [1, 1]} : vector<800x128xf32> to vector<400x128xf32>
    %get3A_20 = arith.constant 0 : index
    %get3A_21 = arith.constant 0 : index
    %get3A_22 = vector.load %arg6[%get3A_20, %get3A_21] : memref<128x64xf32, #tpu.memory_space<vmem>>, vector<128x64xf32>
    %dot_general3A_23 = arith.constant dense<0.000000e+00> : vector<400x64xf32>
    %dot_general3A_24 = tpu.matmul %slice3A, %get3A_22, %dot_general3A_23 {dimension_numbers = #tpu.dot_dimension_numbers<[1], [0], [0], [1], [0, 0, 1, 1], [], []>, transpose_lhs_hint = false} : vector<400x128xf32>, vector<128x64xf32>, vector<400x64xf32> -> vector<400x64xf32>
    %slice3A_25 = vector.extract_strided_slice %max3A_19 {offsets = [400, 0], sizes = [400, 128], strides = [1, 1]} : vector<800x128xf32> to vector<400x128xf32>
    %get3A_26 = arith.constant 0 : index
    %get3A_27 = arith.constant 0 : index
    %get3A_28 = vector.load %arg6[%get3A_26, %get3A_27] : memref<128x64xf32, #tpu.memory_space<vmem>>, vector<128x64xf32>
    %dot_general3A_29 = arith.constant dense<0.000000e+00> : vector<400x64xf32>
    %dot_general3A_30 = tpu.matmul %slice3A_25, %get3A_28, %dot_general3A_29 {dimension_numbers = #tpu.dot_dimension_numbers<[1], [0], [0], [1], [0, 0, 1, 1], [], []>, transpose_lhs_hint = false} : vector<400x128xf32>, vector<128x64xf32>, vector<400x64xf32> -> vector<400x64xf32>
    %concatenate3A = tpu.concatenate %dot_general3A_24, %dot_general3A_30 in 1 : vector<400x64xf32>, vector<400x64xf32> -> vector<400x128xf32>
    %get3A_31 = arith.constant 0 : index
    %get3A_32 = arith.constant 0 : index
    %get3A_33 = vector.load %arg7[%get3A_31, %get3A_32] : memref<1x128xf32, #tpu.memory_space<vmem>>, vector<1x128xf32>
    %add3A_34 = vector.broadcast %get3A_33 : vector<1x128xf32> to vector<400x128xf32>
    %add3A_35 = arith.addf %concatenate3A, %add3A_34 : vector<400x128xf32>
    %max3A_36 = arith.constant 0.000000e+00 : f32
    %max3A_37 = vector.broadcast %max3A_36 : f32 to vector<400x128xf32>
    %max3A_38 = arith.maximumf %add3A_35, %max3A_37 : vector<400x128xf32>
    %swap3A = arith.constant 0 : index
    %swap3A_39 = arith.constant 0 : index
    %swap3A_40 = vector.load %arg8[%swap3A, %swap3A_39] : memref<400x128xf32, #tpu.memory_space<vmem>>, vector<400x128xf32>
    tpu.vector_store %arg8[%swap3A, %swap3A_39], %max3A_38 {strides = array<i32>} : memref<400x128xf32, #tpu.memory_space<vmem>>, vector<400x128xf32>,
    return
  }
  func.func @transform_0(%arg0: i32) -> (i32, i32) {
    %c0_i32 = arith.constant 0 : i32
    %c0_i32_0 = arith.constant 0 : i32
    return %arg0, %c0_i32 : i32, i32
  }
  func.func @transform_1(%arg0: i32) -> (i32, i32) {
    %c0_i32 = arith.constant 0 : i32
    %c0_i32_0 = arith.constant 0 : i32
    return %arg0, %c0_i32 : i32, i32
  }
  func.func @transform_2(%arg0: i32) -> (i32, i32) {
    %c0_i32 = arith.constant 0 : i32
    %c0_i32_0 = arith.constant 0 : i32
    return %arg0, %c0_i32 : i32, i32
  }
  func.func @transform_3(%arg0: i32) -> (i32, i32) {
    %c0_i32 = arith.constant 0 : i32
    %c0_i32_0 = arith.constant 0 : i32
    %c0_i32_1 = arith.constant 0 : i32
    return %c0_i32, %c0_i32_0 : i32, i32
  }
  func.func @transform_4(%arg0: i32) -> (i32, i32) {
    %c0_i32 = arith.constant 0 : i32
    %c0_i32_0 = arith.constant 0 : i32
    %c0_i32_1 = arith.constant 0 : i32
    return %c0_i32, %c0_i32_0 : i32, i32
  }
  func.func @transform_5(%arg0: i32) -> (i32, i32) {
    %c0_i32 = arith.constant 0 : i32
    %c0_i32_0 = arith.constant 0 : i32
    %c0_i32_1 = arith.constant 0 : i32
    return %c0_i32, %c0_i32_0 : i32, i32
  }
  func.func @transform_6(%arg0: i32) -> (i32, i32) {
    %c0_i32 = arith.constant 0 : i32
    %c0_i32_0 = arith.constant 0 : i32
    %c0_i32_1 = arith.constant 0 : i32
    return %c0_i32, %c0_i32_0 : i32, i32
  }
  func.func @transform_7(%arg0: i32) -> (i32, i32) {
    %c0_i32 = arith.constant 0 : i32
    %c0_i32_0 = arith.constant 0 : i32
    return %arg0, %c0_i32 : i32, i32
  }
}

module attributes {stable_mosaic.version = 14 : i64} {
  func.func @_mlp_t_body(%arg0: i32, %arg1: memref<3200x128xf32, #tpu.memory_space<vmem>>, %arg2: memref<3200x128xf32, #tpu.memory_space<vmem>>, %arg3: memref<800x128xf32, #tpu.memory_space<vmem>>, %arg4: memref<128x512xf32, #tpu.memory_space<vmem>>, %arg5: memref<1x128xf32, #tpu.memory_space<vmem>>, %arg6: memref<128x64xf32, #tpu.memory_space<vmem>>, %arg7: memref<1x128xf32, #tpu.memory_space<vmem>>, %arg8: memref<1600x128xf32, #tpu.memory_space<vmem>>) attributes {dimension_semantics = [#tpu.dimension_semantics<arbitrary>], iteration_bounds = array<i64: 50>, scalar_prefetch = 0 : i64, scratch_operands = 0 : i64, tpu.core_type = #tpu.core_type<tc>, window_params = [{transform_indices = @transform_0, window_bounds = array<i64: 3200, 128>}, {transform_indices = @transform_1, window_bounds = array<i64: 3200, 128>}, {transform_indices = @transform_2, window_bounds = array<i64: 800, 128>}, {pipeline_mode = #tpu.pipeline_mode<synchronous>, transform_indices = @transform_3, window_bounds = array<i64: 128, 512>}, {pipeline_mode = #tpu.pipeline_mode<synchronous>, transform_indices = @transform_4, window_bounds = array<i64: 1, 128>}, {pipeline_mode = #tpu.pipeline_mode<synchronous>, transform_indices = @transform_5, window_bounds = array<i64: 128, 64>}, {pipeline_mode = #tpu.pipeline_mode<synchronous>, transform_indices = @transform_6, window_bounds = array<i64: 1, 128>}, {transform_indices = @transform_7, window_bounds = array<i64: 1600, 128>}]} {
    %get3A = arith.constant 0 : index
    %get3A_0 = arith.constant 0 : index
    %get3A_1 = vector.load %arg3[%get3A, %get3A_0] : memref<800x128xf32, #tpu.memory_space<vmem>>, vector<800x128xf32>
    %get3A_2 = arith.constant 0 : index
    %get3A_3 = arith.constant 0 : index
    %get3A_4 = vector.load %arg4[%get3A_2, %get3A_3] : memref<128x512xf32, #tpu.memory_space<vmem>>, vector<128x512xf32>
    %dot_general3A = arith.constant dense<0.000000e+00> : vector<800x512xf32>
    %dot_general3A_5 = tpu.matmul %get3A_1, %get3A_4, %dot_general3A {dimension_numbers = #tpu.dot_dimension_numbers<[1], [0], [0], [1], [0, 0, 1, 1], [], []>, transpose_lhs_hint = false} : vector<800x128xf32>, vector<128x512xf32>, vector<800x512xf32> -> vector<800x512xf32>
    %reshape3A = vector.shape_cast %dot_general3A_5 : vector<800x512xf32> to vector<3200x128xf32>
    %get3A_6 = arith.constant 0 : index
    %get3A_7 = arith.constant 0 : index
    %get3A_8 = vector.load %arg1[%get3A_6, %get3A_7] : memref<3200x128xf32, #tpu.memory_space<vmem>>, vector<3200x128xf32>
    %get3A_9 = arith.constant 0 : index
    %get3A_10 = arith.constant 0 : index
    %get3A_11 = vector.load %arg2[%get3A_9, %get3A_10] : memref<3200x128xf32, #tpu.memory_space<vmem>>, vector<3200x128xf32>
    %add3A = arith.addf %get3A_8, %get3A_11 : vector<3200x128xf32>
    %add3A_12 = arith.addf %add3A, %reshape3A : vector<3200x128xf32>
    %get3A_13 = arith.constant 0 : index
    %get3A_14 = arith.constant 0 : index
    %get3A_15 = vector.load %arg5[%get3A_13, %get3A_14] : memref<1x128xf32, #tpu.memory_space<vmem>>, vector<1x128xf32>
    %add3A_16 = vector.broadcast %get3A_15 : vector<1x128xf32> to vector<3200x128xf32>
    %add3A_17 = arith.addf %add3A_12, %add3A_16 : vector<3200x128xf32>
    %max3A = arith.constant 0.000000e+00 : f32
    %max3A_18 = vector.broadcast %max3A : f32 to vector<3200x128xf32>
    %max3A_19 = arith.maximumf %add3A_17, %max3A_18 : vector<3200x128xf32>
    %slice3A = vector.extract_strided_slice %max3A_19 {offsets = [0, 0], sizes = [1600, 128], strides = [1, 1]} : vector<3200x128xf32> to vector<1600x128xf32>
    %get3A_20 = arith.constant 0 : index
    %get3A_21 = arith.constant 0 : index
    %get3A_22 = vector.load %arg6[%get3A_20, %get3A_21] : memref<128x64xf32, #tpu.memory_space<vmem>>, vector<128x64xf32>
    %dot_general3A_23 = arith.constant dense<0.000000e+00> : vector<1600x64xf32>
    %dot_general3A_24 = tpu.matmul %slice3A, %get3A_22, %dot_general3A_23 {dimension_numbers = #tpu.dot_dimension_numbers<[1], [0], [0], [1], [0, 0, 1, 1], [], []>, transpose_lhs_hint = false} : vector<1600x128xf32>, vector<128x64xf32>, vector<1600x64xf32> -> vector<1600x64xf32>
    %slice3A_25 = vector.extract_strided_slice %max3A_19 {offsets = [1600, 0], sizes = [1600, 128], strides = [1, 1]} : vector<3200x128xf32> to vector<1600x128xf32>
    %get3A_26 = arith.constant 0 : index
    %get3A_27 = arith.constant 0 : index
    %get3A_28 = vector.load %arg6[%get3A_26, %get3A_27] : memref<128x64xf32, #tpu.memory_space<vmem>>, vector<128x64xf32>
    %dot_general3A_29 = arith.constant dense<0.000000e+00> : vector<1600x64xf32>
    %dot_general3A_30 = tpu.matmul %slice3A_25, %get3A_28, %dot_general3A_29 {dimension_numbers = #tpu.dot_dimension_numbers<[1], [0], [0], [1], [0, 0, 1, 1], [], []>, transpose_lhs_hint = false} : vector<1600x128xf32>, vector<128x64xf32>, vector<1600x64xf32> -> vector<1600x64xf32>
    %concatenate3A = tpu.concatenate %dot_general3A_24, %dot_general3A_30 in 1 : vector<1600x64xf32>, vector<1600x64xf32> -> vector<1600x128xf32>
    %get3A_31 = arith.constant 0 : index
    %get3A_32 = arith.constant 0 : index
    %get3A_33 = vector.load %arg7[%get3A_31, %get3A_32] : memref<1x128xf32, #tpu.memory_space<vmem>>, vector<1x128xf32>
    %add3A_34 = vector.broadcast %get3A_33 : vector<1x128xf32> to vector<1600x128xf32>
    %add3A_35 = arith.addf %concatenate3A, %add3A_34 : vector<1600x128xf32>
    %max3A_36 = arith.constant 0.000000e+00 : f32
    %max3A_37 = vector.broadcast %max3A_36 : f32 to vector<1600x128xf32>
    %max3A_38 = arith.maximumf %add3A_35, %max3A_37 : vector<1600x128xf32>
    %swap3A = arith.constant 0 : index
    %swap3A_39 = arith.constant 0 : index
    %swap3A_40 = vector.load %arg8[%swap3A, %swap3A_39] : memref<1600x128xf32, #tpu.memory_space<vmem>>, vector<1600x128xf32>
    tpu.vector_store %arg8[%swap3A, %swap3A_39], %max3A_38 {strides = array<i32>} : memref<1600x128xf32, #tpu.memory_space<vmem>>, vector<1600x128xf32>,
    return
  }
  func.func @transform_0(%arg0: i32) -> (i32, i32) {
    %c0_i32 = arith.constant 0 : i32
    %c0_i32_0 = arith.constant 0 : i32
    return %arg0, %c0_i32 : i32, i32
  }
  func.func @transform_1(%arg0: i32) -> (i32, i32) {
    %c0_i32 = arith.constant 0 : i32
    %c0_i32_0 = arith.constant 0 : i32
    return %arg0, %c0_i32 : i32, i32
  }
  func.func @transform_2(%arg0: i32) -> (i32, i32) {
    %c0_i32 = arith.constant 0 : i32
    %c0_i32_0 = arith.constant 0 : i32
    return %arg0, %c0_i32 : i32, i32
  }
  func.func @transform_3(%arg0: i32) -> (i32, i32) {
    %c0_i32 = arith.constant 0 : i32
    %c0_i32_0 = arith.constant 0 : i32
    %c0_i32_1 = arith.constant 0 : i32
    return %c0_i32, %c0_i32_0 : i32, i32
  }
  func.func @transform_4(%arg0: i32) -> (i32, i32) {
    %c0_i32 = arith.constant 0 : i32
    %c0_i32_0 = arith.constant 0 : i32
    %c0_i32_1 = arith.constant 0 : i32
    return %c0_i32, %c0_i32_0 : i32, i32
  }
  func.func @transform_5(%arg0: i32) -> (i32, i32) {
    %c0_i32 = arith.constant 0 : i32
    %c0_i32_0 = arith.constant 0 : i32
    %c0_i32_1 = arith.constant 0 : i32
    return %c0_i32, %c0_i32_0 : i32, i32
  }
  func.func @transform_6(%arg0: i32) -> (i32, i32) {
    %c0_i32 = arith.constant 0 : i32
    %c0_i32_0 = arith.constant 0 : i32
    %c0_i32_1 = arith.constant 0 : i32
    return %c0_i32, %c0_i32_0 : i32, i32
  }
  func.func @transform_7(%arg0: i32) -> (i32, i32) {
    %c0_i32 = arith.constant 0 : i32
    %c0_i32_0 = arith.constant 0 : i32
    return %arg0, %c0_i32 : i32, i32
  }
}

module attributes {stable_mosaic.version = 14 : i64} {
  func.func @_final_body(%arg0: memref<2x2500x128xf32, #tpu.memory_space<vmem>>, %arg1: memref<2x1250x128xf32, #tpu.memory_space<vmem>>, %arg2: memref<128x1024xf32, #tpu.memory_space<vmem>>, %arg3: memref<128x1024xf32, #tpu.memory_space<vmem>>, %arg4: memref<128x1024xf32, #tpu.memory_space<vmem>>, %arg5: memref<1x1024xf32, #tpu.memory_space<vmem>>, %arg6: memref<1250x1024xf32, #tpu.memory_space<vmem>>) attributes {dimension_semantics = [], scalar_prefetch = 0 : i64, scratch_operands = 0 : i64, tpu.core_type = #tpu.core_type<tc>} {
    %get3A = arith.constant 0 : index
    %get3A_0 = arith.constant 0 : index
    %get3A_1 = arith.constant 0 : index
    %get3A_2 = vector.load %arg0[%get3A, %get3A_0, %get3A_1] : memref<2x2500x128xf32, #tpu.memory_space<vmem>>, vector<1x2500x128xf32>
    %get3A_3 = vector.shape_cast %get3A_2 : vector<1x2500x128xf32> to vector<2500x128xf32>
    %get3A_4 = arith.constant 1 : index
    %get3A_5 = arith.constant 0 : index
    %get3A_6 = arith.constant 0 : index
    %get3A_7 = vector.load %arg0[%get3A_4, %get3A_5, %get3A_6] : memref<2x2500x128xf32, #tpu.memory_space<vmem>>, vector<1x2500x128xf32>
    %get3A_8 = vector.shape_cast %get3A_7 : vector<1x2500x128xf32> to vector<2500x128xf32>
    %add3A = arith.addf %get3A_3, %get3A_8 : vector<2500x128xf32>
    %get3A_9 = arith.constant 0 : index
    %get3A_10 = arith.constant 0 : index
    %get3A_11 = arith.constant 0 : index
    %get3A_12 = vector.load %arg1[%get3A_9, %get3A_10, %get3A_11] : memref<2x1250x128xf32, #tpu.memory_space<vmem>>, vector<1x1250x128xf32>
    %get3A_13 = vector.shape_cast %get3A_12 : vector<1x1250x128xf32> to vector<1250x128xf32>
    %get3A_14 = arith.constant 1 : index
    %get3A_15 = arith.constant 0 : index
    %get3A_16 = arith.constant 0 : index
    %get3A_17 = vector.load %arg1[%get3A_14, %get3A_15, %get3A_16] : memref<2x1250x128xf32, #tpu.memory_space<vmem>>, vector<1x1250x128xf32>
    %get3A_18 = vector.shape_cast %get3A_17 : vector<1x1250x128xf32> to vector<1250x128xf32>
    %add3A_19 = arith.addf %get3A_13, %get3A_18 : vector<1250x128xf32>
    %slice3A = vector.extract_strided_slice %add3A {offsets = [0, 0], sizes = [1250, 128], strides = [1, 1]} : vector<2500x128xf32> to vector<1250x128xf32>
    %get3A_20 = arith.constant 0 : index
    %get3A_21 = arith.constant 0 : index
    %get3A_22 = vector.load %arg2[%get3A_20, %get3A_21] : memref<128x1024xf32, #tpu.memory_space<vmem>>, vector<128x1024xf32>
    %dot_general3A = arith.constant dense<0.000000e+00> : vector<1250x1024xf32>
    %dot_general3A_23 = tpu.matmul %slice3A, %get3A_22, %dot_general3A {dimension_numbers = #tpu.dot_dimension_numbers<[1], [0], [0], [1], [0, 0, 1, 1], [], []>, transpose_lhs_hint = false} : vector<1250x128xf32>, vector<128x1024xf32>, vector<1250x1024xf32> -> vector<1250x1024xf32>
    %slice3A_24 = vector.extract_strided_slice %add3A {offsets = [1250, 0], sizes = [1250, 128], strides = [1, 1]} : vector<2500x128xf32> to vector<1250x128xf32>
    %get3A_25 = arith.constant 0 : index
    %get3A_26 = arith.constant 0 : index
    %get3A_27 = vector.load %arg3[%get3A_25, %get3A_26] : memref<128x1024xf32, #tpu.memory_space<vmem>>, vector<128x1024xf32>
    %dot_general3A_28 = arith.constant dense<0.000000e+00> : vector<1250x1024xf32>
    %dot_general3A_29 = tpu.matmul %slice3A_24, %get3A_27, %dot_general3A_28 {dimension_numbers = #tpu.dot_dimension_numbers<[1], [0], [0], [1], [0, 0, 1, 1], [], []>, transpose_lhs_hint = false} : vector<1250x128xf32>, vector<128x1024xf32>, vector<1250x1024xf32> -> vector<1250x1024xf32>
    %add3A_30 = arith.addf %dot_general3A_23, %dot_general3A_29 : vector<1250x1024xf32>
    %get3A_31 = arith.constant 0 : index
    %get3A_32 = arith.constant 0 : index
    %get3A_33 = vector.load %arg4[%get3A_31, %get3A_32] : memref<128x1024xf32, #tpu.memory_space<vmem>>, vector<128x1024xf32>
    %dot_general3A_34 = arith.constant dense<0.000000e+00> : vector<1250x1024xf32>
    %dot_general3A_35 = tpu.matmul %add3A_19, %get3A_33, %dot_general3A_34 {dimension_numbers = #tpu.dot_dimension_numbers<[1], [0], [0], [1], [0, 0, 1, 1], [], []>, transpose_lhs_hint = false} : vector<1250x128xf32>, vector<128x1024xf32>, vector<1250x1024xf32> -> vector<1250x1024xf32>
    %add3A_36 = arith.addf %add3A_30, %dot_general3A_35 : vector<1250x1024xf32>
    %get3A_37 = arith.constant 0 : index
    %get3A_38 = arith.constant 0 : index
    %get3A_39 = vector.load %arg5[%get3A_37, %get3A_38] : memref<1x1024xf32, #tpu.memory_space<vmem>>, vector<1x1024xf32>
    %add3A_40 = vector.broadcast %get3A_39 : vector<1x1024xf32> to vector<1250x1024xf32>
    %add3A_41 = arith.addf %add3A_36, %add3A_40 : vector<1250x1024xf32>
    %max3A = arith.constant 0.000000e+00 : f32
    %max3A_42 = vector.broadcast %max3A : f32 to vector<1250x1024xf32>
    %max3A_43 = arith.maximumf %add3A_41, %max3A_42 : vector<1250x1024xf32>
    %swap3A = arith.constant 0 : index
    %swap3A_44 = arith.constant 0 : index
    %swap3A_45 = vector.load %arg6[%swap3A, %swap3A_44] : memref<1250x1024xf32, #tpu.memory_space<vmem>>, vector<1250x1024xf32>
    tpu.vector_store %arg6[%swap3A, %swap3A_44], %max3A_43 {strides = array<i32>} : memref<1250x1024xf32, #tpu.memory_space<vmem>>, vector<1250x1024xf32>,
    return
  }
}

</mosaic_0001>

<sc_bundles>
// kernel: gather_offload_async_start.1
scs
__scs_entry_jumppad:
0x0: {  	(pc) =	sbr.rel $0x88, $3  }
0x1: {  	(tag) =	ssettag $0x0;
	lr =	simm.s32 $0x1  }
0x2: {  	[smem:$0x3F8E] =	sst lr;
	_ =	strace $0xD0000000  }
0x3: {  	_ = 	snop  }
0x4: {  	_ = 	snop  }
0x5: {  	_ = 	snop  }
0x6: {  	_ = 	snop  }
0x7: {  	_ = 	snop  }
__scs_overlays_trampoline_lowered:
0x8: {  	[smem:$0x3F9D] =	sst s0  }
0x9: {  	[smem:$0x3F9E] =	sst s1  }
0xa: {  	[smem:$0x3F9F] =	sst s2  }
0xb: {  	[smem:$0x3FA0] =	sst s3  }
0xc: {  	[smem:$0x3FA1] =	sst s4  }
0xd: {  	[smem:$0x3FA2] =	sst s5  }
0xe: {  	[smem:$0x3FA3] =	sst s6  }
0xf: {  	[smem:$0x3FA4] =	sst s7  }
0x10: {  	[smem:$0x3FA5] =	sst s8  }
0x11: {  	[smem:$0x3FA6] =	sst s9;
	s0 =	simm.s32 @!p0 $0x0  }
0x12: {  	s1 =	sld [smem:$0x3F8C];
	s0 =	simm.s32 @p0 $0x1  }
0x13: {  	[smem:$0x3FA7] =	sst s0;
	s0 =	simm.s32 @!p1 $0x0  }
0x14: {  	s2 =	sld [smem:$0x3F8B];
	s0 =	simm.s32 @p1 $0x1  }
0x15: {  	[smem:$0x3FA8] =	sst s0;
	s0 =	simm.s32 @!p2 $0x0  }
0x16: {  	s3 =	sld [smem:$0x3FDB];
	s0 =	simm.s32 @p2 $0x1  }
0x17: {  	s4 =	simm.s32 $0x1BF5;
	[smem:$0x3FAA] =	sst s0  }
0x18: {  	s0 =	sld [smem:$0x3F8D];
	_ =	swait.ge [sflag:s4], $0x0  }
0x19: {  	s7 =	sld [smem:$0x3F8E]  }
0x1a: {  	s8 =	sadd.s32 $0xFFFFE003, lr  }
0x1b: {  	s9 =	sadd.s32 $0xFFFFFEF7, lr;
	s5 =	simm.s32 $0xFFFFFFFF;
	p2 =	slt.u32 s8, $0xFFFFF086  }
0x1c: {  	p1 =	slt.u32 s9, $0xF7A;
	s5 =	simm.s32 @!p2 $0x0  }
0x1d: {  	s5 =	simm.s32 @p1 $0x1;
	p0 =	seq.s32 s7, s2  }
0x1e: {  	s7 =	smul.u32 @!p0 $0xF7A, s2;
	p2 =	seq.s32 @!p0 s5, $0x0  }
0x1f: {  	s9 =	smul.u32 $0xF7A, s1;
	s8 =	simm.s32 @!p0 $0x1BF5;
	p2 =	por !p2, p0  }
0x20: {  	[sflag:s8] =	ssyncset.s32 @!p0 $0xFFFFF086;
	s6 =	sadd.s32 @!p0 s3, s7;
	s7 =	simm.s32 @!p0 $0x108  }
0x21: {  	s3 =	sadd.s32 s3, s9;
	s6 =	sadd.s32 @!p0 $0x88, s6;
	s7 =	simm.s32 @p2 $0x1082  }
0x22: {  	[simem:s7], [sflag:s8] =	dma.local @!p0 [hbm:s6], $0xF7A  }
0x23: {  	s9 =	sor.u32 $0xD0000000, s2;
	s6 =	simm.s32 $0x108;
	_ =	swait.ge @!p0 [sflag:s8], $0x0  }
0x24: {  	s3 =	sadd.s32 $0x88, s3;
	s6 =	simm.s32 @!p1 $0x1082;
	[sflag:s4] =	ssyncset.s32 $0xFFFFF086  }
0x25: {  	[simem:s6], [sflag:s4] =	dma.local [hbm:s3], $0xF7A  }
0x26: {  	[smem:$0x3F8E] =	sst s1;
	(tag) =	ssettag s2;
	_ =	strace s9  }
0x27: {  	s1 =	sld [smem:$0x3F9E]  }
0x28: {  	s2 =	sld [smem:$0x3F9F]  }
0x29: {  	s4 =	sld [smem:$0x3FA1]  }
0x2a: {  	p0 =	seq.s32 s5, $0x0;
	s5 =	sld [smem:$0x3FA2]  }
0x2b: {  	s6 =	sld [smem:$0x3FA3]  }
0x2c: {  	s7 =	sld [smem:$0x3FA4]  }
0x2d: {  	s3 =	simm.s32 $0x108;
	s8 =	sld [smem:$0x3FA5]  }
0x2e: {  	s3 =	simm.s32 @!p0 $0x1082;
	s9 =	sld [smem:$0x3FA6]  }
0x2f: {  	lr =	sadd.s32 s0, s3;
	s0 =	sld [smem:$0x3F9D]  }
0x30: {  	s3 =	sld [smem:$0x3FA0]  }
0x31: {  	[smem:$0x3FA9] =	sst s10  }
0x32: {  	s10 =	sld [smem:$0x3FA7];
	_ =	sdelay $0x3  }
0x33: {  	p0 =	seq.s32 s10, $0x1;
	s10 =	sld [smem:$0x3FA9];
	_ =	sdelay $0x3  }
0x34: {  	[smem:$0x3FA9] =	sst s10  }
0x35: {  	s10 =	sld [smem:$0x3FA8];
	_ =	sdelay $0x3  }
0x36: {  	p1 =	seq.s32 s10, $0x1;
	s10 =	sld [smem:$0x3FA9];
	_ =	sdelay $0x3  }
0x37: {  	[smem:$0x3FA9] =	sst s10  }
0x38: {  	s10 =	sld [smem:$0x3FAA]  }
0x39: {  	_ = 	snop;
	(pc) =	sbr.ind lr, $3  }
0x3a: {  	_ = 	snop  }
0x3b: {  	_ = 	snop  }
0x3c: {  	p2 =	seq.s32 s10, $0x1;
	s10 =	sld [smem:$0x3FA9]  }
0x3d: {  	_ =	shalt  }
0x3e: {  	_ =	shalt  }
0x3f: {  	_ =	shalt  }
0x40: {  	_ =	shalt  }
0x41: {  	_ =	shalt  }
0x42: {  	_ =	shalt  }
0x43: {  	_ =	shalt  }
0x44: {  	_ =	shalt  }
0x45: {  	_ =	shalt  }
0x46: {  	_ =	shalt  }
0x47: {  	_ =	shalt  }
0x48: {  	_ =	shalt  }
0x49: {  	_ =	shalt  }
0x4a: {  	_ =	shalt  }
0x4b: {  	_ =	shalt  }
0x4c: {  	_ =	shalt  }
0x4d: {  	_ =	shalt  }
0x4e: {  	_ =	shalt  }
0x4f: {  	_ =	shalt  }
0x50: {  	_ =	shalt  }
0x51: {  	_ =	shalt  }
0x52: {  	_ =	shalt  }
0x53: {  	_ =	shalt  }
0x54: {  	_ =	shalt  }
0x55: {  	_ =	shalt  }
0x56: {  	_ =	shalt  }
0x57: {  	_ =	shalt  }
0x58: {  	_ =	shalt  }
0x59: {  	_ =	shalt  }
0x5a: {  	_ =	shalt  }
0x5b: {  	_ =	shalt  }
0x5c: {  	_ =	shalt  }
0x5d: {  	_ =	shalt  }
0x5e: {  	_ =	shalt  }
0x5f: {  	_ =	shalt  }
0x60: {  	_ =	shalt  }
0x61: {  	_ =	shalt  }
0x62: {  	_ =	shalt  }
0x63: {  	_ =	shalt  }
0x64: {  	_ =	shalt  }
0x65: {  	_ =	shalt  }
0x66: {  	_ =	shalt  }
0x67: {  	_ =	shalt  }
0x68: {  	_ =	shalt  }
0x69: {  	_ =	shalt  }
0x6a: {  	_ =	shalt  }
0x6b: {  	_ =	shalt  }
0x6c: {  	_ =	shalt  }
0x6d: {  	_ =	shalt  }
0x6e: {  	_ =	shalt  }
0x6f: {  	_ =	shalt  }
0x70: {  	_ =	shalt  }
0x71: {  	_ =	shalt  }
0x72: {  	_ =	shalt  }
0x73: {  	_ =	shalt  }
0x74: {  	_ =	shalt  }
0x75: {  	_ =	shalt  }
0x76: {  	_ =	shalt  }
0x77: {  	_ =	shalt  }
0x78: {  	_ =	shalt  }
0x79: {  	_ =	shalt  }
0x7a: {  	_ =	shalt  }
0x7b: {  	_ =	shalt  }
0x7c: {  	_ =	shalt  }
0x7d: {  	_ =	shalt  }
0x7e: {  	_ =	shalt  }
0x7f: {  	_ =	shalt  }
0x80: {  	_ =	shalt  }
0x81: {  	_ =	shalt  }
0x82: {  	_ =	shalt  }
0x83: {  	_ =	shalt  }
0x84: {  	_ =	shalt  }
0x85: {  	_ =	shalt  }
0x86: {  	_ =	shalt  }
0x87: {  	_ =	shalt  }
.Lfunc_end0:
.L_simem_size_0:
called_computation.1_lowered:
.L_overlay_start_0:
0x88: {  	s2 =	sld [smem:$0x3FD9]  }
0x89: {  	s3 =	sld [smem:$0x3FFE];
	_ =	sdelay $0x1  }
0x8a: {  	s1 =	srdreg.scid  }
0x8b: {  	s0 =	sand.u32 $0x1, s1  }
0x8c: {  	s17 =	sshll.u32 s0, $0xA;
	s2 =	sadd.s32 s3, s2  }
0x8d: {  	s2 =	sadd.s32 s2, s17  }
0x8e: {  	[smem:$0x3FB5] =	sst s2  }
0x8f: {  	_ = 	snop  }
0x90: {  	(tm) =	ssettm $0x1  }
0x91: {  	s18 =	sld [smem:$0x3FFB];
	_ =	sdelay $0x3  }
0x92: {  	_ =	strace s18  }
0x93: {  	s2 =	sld [smem:$0x3FFC];
	_ =	sdelay $0x3  }
0x94: {  	_ =	strace s2  }
0x95: {  	s2 =	sld [smem:$0x3FFD];
	_ =	sdelay $0x3  }
0x96: {  	_ =	strace s2  }
0x97: {  	_ =	strace $0x8FFFFFFF  }
0x98: {  	s19 =	sld [smem:$0x3FDB];
	_ =	sdelay $0x1  }
0x99: {  	s20 =	simm.s32 $_scs_section_size  }
0x9a: {  	s4 =	simm.s32 $_size__tile_overlayer_lowered;
	s5 =	simm.s32 $_tile_overlayer_lowered  }
0x9b: {  	s6 =	simm.s32 $0x1BFF;
	s21 =	sshll.u32 s5, $0x1;
	s3 =	sadd.s32 s20, s19  }
0x9c: {  	s22 =	simm.s32 $0x0;
	s4 =	sshll.u32 s4, $0x1;
	s5 =	sadd.s32 s21, s3  }
0x9d: {  	[timem:s22], [sflag:s6] =	dma.local [hbm:s5], s4  }
0x9e: {  	_ =	swait.ge [sflag:s6], s4  }
0x9f: {  	s4 =	ssub.s32 $0x0, s4;
	[sflag:s6] =	ssyncset.done $0x0  }
0xa0: {  	[sflag:s6] =	ssyncadd.s32 s4;
	_ =	sdelay $0x1  }
0xa1: {  	s23 =	simm.s32 $0x1B8B  }
0xa2: {  	_ =	swait.ge [sflag:s23], $0x1  }
0xa3: {  	[sflag:s23] =	ssyncset.done $0x0  }
0xa4: {  	[sflag:s23] =	ssyncadd.s32 $0xFFFFFFFF  }
0xa5: {  	s4 =	sld [smem:$0x0]  }
0xa6: {  	s5 =	sand.u32 $0xFFFFFFFE, s1  }
0xa7: {  	p0 =	sne.s32 s1, s5  }
0xa8: {  	s5 =	sshll.u32 @p0 s5, $0xE  }
0xa9: {  	s5 =	sadd.s32 @p0 $0x11B8D, s5;
	s6 =	sshll.u32 @p0 s4, $0x11  }
0xaa: {  	s5 =	sor.u32 @p0 s6, s5  }
0xab: {  	[sflag:s5] =	ssyncadd.remote.s32 @p0 $0x1;
	_ =	sdelay $0x1  }
0xac: {  	s5 =	simm.s32 @p0 $0x1B8D  }
0xad: {  	_ =	swait.eq @p0 [sflag:s5], $0x1  }
0xae: {  	[sflag:s5] =	ssyncadd.s32 @p0 $0xFFFFFFFF  }
0xaf: {  	s6 =	sshll.u32 @!p0 s1, $0xE  }
0xb0: {  	s6 =	sor.u32 @!p0 $0x4000, s6;
	s5 =	simm.s32 @!p0 $0x1B8D  }
0xb1: {  	s4 =	sshll.u32 @!p0 s4, $0x11;
	s6 =	sadd.s32 @!p0 $0x11B8D, s6;
	_ =	swait.eq @!p0 [sflag:s5], $0x1  }
0xb2: {  	s4 =	sor.u32 @!p0 s4, s6;
	[sflag:s5] =	ssyncadd.s32 @!p0 $0xFFFFFFFF  }
0xb3: {  	s25 =	simm.s32 $0x1B8E;
	s24 =	sld [smem:$0x3FFE];
	[sflag:s4] =	ssyncadd.remote.s32 @!p0 $0x1  }
0xb4: {  	s26 =	simm.s32 $execute0_lowered;
	[smem:$0x3FD2] =	sst s25  }
0xb5: {  	s5 =	sshll.u32 s26, $0x1;
	_ =	strace $0x8000004C;
	[dreg:$0x1] =	wrdreg $0xFFFFFFFF  }
0xb6: {  	s28 =	simm.s32 $_size_execute0_lowered;
	s3 =	sadd.s32 s3, s5;
	[dreg:$0x0] =	wrdreg $0x0  }
0xb7: {  	s5 =	sshll.u32 s28, $0x1;
	[dreg:$0x2] =	wrdreg s3  }
0xb8: {  	[dreg:$0x3] =	wrdreg s5  }
0xb9: {  	[dreg:$0x4] =	wrdreg $0xC0  }
0xba: {  	_ =	task [dreg:s22], $0x5FFFF  }
0xbb: {  	[dreg:$0x1] =	wrdreg $0xFFFFFFFF  }
0xbc: {  	[dreg:$0x0] =	wrdreg $0x60  }
0xbd: {  	[dreg:$0x2] =	wrdreg s24  }
0xbe: {  	[dreg:$0x3] =	wrdreg $0xB  }
0xbf: {  	_ =	task.clear_ibuf [dreg:s22], $0x4FFFF;
	_ =	strace $0x9000004C  }
0xc0: {  	s29 =	simm.s32 $0xB;
	_ =	strace $0x8000004E  }
0xc1: {  	_ =	swait.ge [sflag:s29], $0x1  }
0xc2: {  	[sflag:s29] =	ssyncadd.s32 $0xFFFFFFFF  }
0xc3: {  	_ =	strace $0x9000004E  }
0xc4: {  	_ =	sfence  }
0xc5: {  	s30 =	sld [smem:$0x0];
	_ =	sdelay $0x2  }
0xc6: {  	s31 =	sshll.u32 s1, $0xD;
	s1 =	sshrl.u32 s1, $0x2  }
0xc7: {  	s4 =	sand.u32 $0x4000, s31;
	s1 =	sadd.s32 s1, s30  }
0xc8: {  	s0 =	sor.u32 s4, s0;
	s1 =	sshll.u32 s1, $0x11  }
0xc9: {  	s0 =	sor.u32 s1, s0  }
0xca: {  	s0 =	sadd.s32 $0x8F2B, s0  }
0xcb: {  	[sflag:s0] =	ssyncadd.remote.s32 $0x1  }
0xcc: {  	_ =	sfence.sel $0xFFFF  }
0xcd: {  	[dreg:$0x0] =	wrdreg $0xFFFFFFFF;
	(pc) =	sbr.abs _section_cstart, $3  }
0xce: {  	[dreg:$0x1] =	wrdreg $0xFFFFFFFF  }
0xcf: {  	_ =	task.clear_ibuf [dreg:s22], $0x2FFFF;
	_ =	strace $0x9FFFFFFF  }
0xd0: {  	(tm) =	ssettm $0x7FFFFFFF  }
0xd1: {  	_ =	shalt  }
tec
execute0_lowered:
.L_overlay_start_1:
0x0: {  	(tag) =	ssettag $0x1  }
0x1: {  	s8 =	rddreg [dreg:$0x0]  }
0x2: {  	s0 =	rddreg [dreg:$0x1];
	_ =	strace $0x8000004D;
	s1 =	stileid.u32  }
0x3: {  	s3 =	srdreg.scid;
	s4 =	simm.s32 $0x1;
	s7 =	simm.s32 $0x1  }
0x4: {  	s9 =	simm.s32 $0x1;
	s10 =	simm.s32 $0x3;
	s13 =	simm.s32 $0x0  }
0x5: {  	s12 =	simm.s32 $0x0;
	s5 =	sand.u32 $0x1, s3;
	s6 =	sshll.u32 s1, $0x1  }
0x6: {  	s2 =	sadd.s32 $0xB000, s8;
	s3 =	sadd.s32 $0x18D800, s8;
	s5 =	sor.u32 s6, s5  }
.Ltmp0:
0x7: {  	[sflag:s4] =	ssyncpa.u1 $0x0;
	p0 =	slt.u32 s5, $0x9;
	(pc) =	sbr.rel .LBB2_1-.Ltmp0, $4  }
0x8: {  	s6 =	simm.s32 $0x2;
	s7 =	simm.s32 @!p0 $0x0;
	p0 =	sne.s32 s5, $0x8  }
0x9: {  	[sflag:s6] =	ssyncpa.u1 $0x0;
	s5 =	smul.u32 $0xFA0, s5;
	s9 =	simm.s32 @!p0 $0x0  }
0xa: {  	s8 =	sadd.s32 $0x1AB200, s8;
	[sflag:s10] =	ssyncpa.u1 $0x0;
	s7 =	sadd.s32 s9, s7  }
0xb: {  	vm0 =	vmmov $0xffff;
	s10 =	simm.s32 $0x0;
	s11 =	smov.u32 s5;
	s9 =	sadd.s32 $0x1, s7  }
.LBB2_4:
0xc: {  	v2 =	vnsel vm1, $0x0, v2  }
0xd: {  	vm1 =	vgt.s32 v0, $0x0;
	v2 =	vmin.u32 v2, $0x270FF  }
0xe: {  	v0 =	vnsel vm1, $0x0, v0  }
0xf: {  	v0 =	vmin.u32 v0, $0x270FF  }
0x10: {  	[tilespmem:s18], [sflag:$0x1] =	stream.indirect_vreg.gather [hbm4b:s2+s10], $0x1, v1, vm0, $0x4038;
	[tilespmem:$0x3E80] =	vst v63  }
0x11: {  	(ifvalue) =	ssetifvalue $0x7FFFFFFF  }
0x12: {  	[tilespmem:s15], [sflag:$0x1] =	stream.indirect_vreg.gather [hbm4b:s2+s10], $0x1, v2, vm0, $0x4038;
	[tilespmem:$0x3E80] =	vst v63  }
0x13: {  	s29 =	sadd.s32 $0x10, s15;
	(ifvalue) =	ssetifvalue $0x7FFFFFFF  }
0x14: {  	[tilespmem:s29], [sflag:$0x1] =	stream.indirect_vreg.gather [hbm4b:s2+s10], $0x1, v0, vm0, $0x4038;
	[tilespmem:$0x3E80] =	vst v63  }
0x15: {  	_ =	swait.ge [sflag:s4], $0xFA0  }
0x16: {  	s30 =	sshrl.u32 s13, $0x3;
	[sflag:s4] =	ssyncset.done $0x0  }
0x17: {  	s31 =	sand.u32 $0x7, s13;
	s15 =	sadd.s32 s8, s30;
	[sflag:s4] =	ssyncadd.s32 $0xFFFFF060  }
0x18: {  	[hbm4b:s15+s31] =	stream.linear.scatter [tilespmem:s14], [sflag:$0x3], $0xFA0, $0x38;
	[tilespmem:$0x3E80] =	vst v63  }
.LBB2_5:
0x19: {  	s15 =	sadd.s32 $0x1F400, s11  }
0x1a: {  	p1 =	sgt.s32 s15, $0x270FF  }
0x1b: {  	s15 =	smov.u32 @p1 s5;
	p1 =	sne.s32 s12, s9  }
.Ltmp1:
0x1c: {  	p0 =	slt.u32 s12, $0x2;
	(pc) =	sbr.rel @!p1 .LBB2_6-.Ltmp1, $4  }
0x1d: {  	s14 =	simm.s32 @!p0 $0x3  }
0x1e: {  	_ =	swait.ge @!p0 [sflag:s14], $0xFA0  }
0x1f: {  	s16 =	sadd.s32 $0x1, s12;
	s13 =	smov.u32 s11;
	[sflag:s14] =	ssyncset.done @!p0 $0x0  }
0x20: {  	s12 =	smov.u32 s16;
	s11 =	smov.u32 s15;
	[sflag:s14] =	ssyncadd.s32 @!p0 $0xFFFFF060  }
.LBB2_1:
0x21: {  	p0 =	sge.u32 s12, s7  }
0x22: {  	s14 =	sxor.u32 @!p0 $0x1, s12  }
0x23: {  	s14 =	smul.u32 @!p0 $0x3E80, s14  }
0x24: {  	s31 =	sadd.s32 $0xFFFFFFFF, s12;
	s15 =	sshrl.u32 @!p0 s11, $0x3  }
0x25: {  	s16 =	sand.u32 @!p0 $0x7, s11;
	s15 =	sadd.s32 @!p0 s3, s15;
	s14 =	sshra.s32 @!p0 s14, $0x2  }
0x26: {  	[tilespmem:s14], [sflag:$0x2] =	stream.linear.gather @!p0 [hbm4b:s15+s16], $0xFA0, $0x38;
	[tilespmem:$0x3E80] =	vst v63  }
0x27: {  	p0 =	sge.u32 s31, s7  }
.Ltmp2:
0x28: {  	_ = 	snop;
	(pc) =	sbr.rel @p0 .LBB2_5-.Ltmp2, $1  }
0x29: {  	_ =	sdelay $0x3  }
0x2a: {  	s14 =	sand.u32 $0x1, s12  }
0x2b: {  	_ =	swait.ge [sflag:s6], $0xFA0;
	p0 =	seq.s32 s14, $0x1;
	s14 =	simm.s32 $0xFA0  }
0x2c: {  	[sflag:s6] =	ssyncset.done $0x0;
	s14 =	simm.s32 @!p0 $0x0  }
0x2d: {  	[sflag:s6] =	ssyncadd.s32 $0xFFFFF060;
	(ifvalue) =	ssetifvalue $0x7FFFFFFF;
	v0 =	vld.msk [tilespmem:s14+$0x0 ss:$0x1], $0xffff;
	_ =	sdelay $0x4  }
0x2e: {  	s15 =	sadd.s32 $0x10, s14;
	vm1 =	vgt.s32 v0, $0x0  }
0x2f: {  	v2 =	vld.msk [tilespmem:s15+$0x0 ss:$0x1], $0xffff;
	v1 =	vnsel vm1, $0x0, v0  }
0x30: {  	v1 =	vmin.u32 v1, $0x270FF;
	_ =	sdelay $0x2  }
0x31: {  	s17 =	simm.s32 $0x20;
	s14 =	sadd.s32 $0x1F40, s14;
	s16 =	sadd.s32 $0x10, s15  }
0x32: {  	s15 =	sadd.s32 $0x10, s14;
	s18 =	smov.u32 s14;
	v0 =	vld.msk [tilespmem:s16+$0x0 ss:$0x1], $0xffff;
	vm1 =	vgt.s32 v2, $0x0;
	(ifvalue) =	ssetifvalue $0x7FFFFFFF  }
.LBB2_3:
0x33: {  	[tilespmem:s18], [sflag:$0x1] =	stream.indirect_vreg.gather [hbm4b:s2+s10], $0x1, v1, vm0, $0x4038;
	[tilespmem:$0x3E80] =	vst v63  }
0x34: {  	s17 =	sadd.s32 $0x10, s17  }
0x35: {  	v2 =	vnsel vm1, $0x0, v2;
	p0 =	slt.u32 s17, $0xF90  }
.Ltmp3:
0x36: {  	s18 =	smov.u32 s15;
	v1 =	vmin.u32 v2, $0x270FF;
	(pc) =	sbr.rel @p0 .LBB2_3-.Ltmp3, $3  }
0x37: {  	_ =	sdelay $0x1  }
0x38: {  	s16 =	sadd.s32 $0x10, s16  }
0x39: {  	vm1 =	vgt.s32 v0, $0x0;
	s15 =	sadd.s32 $0x10, s15;
	v2 =	vmov v0;
	(ifvalue) =	ssetifvalue $0x7FFFFFFF;
	v0 =	vld.msk [tilespmem:s16+$0x0 ss:$0x1], $0xffff  }
.Ltmp4:
0x3a: {  	_ = 	snop;
	(pc) =	sbr.rel .LBB2_4-.Ltmp4, $1  }
0x3b: {  	_ =	sdelay $0x3  }
.LBB2_6:
0x3c: {  	_ =	sfence.sel $0x180000  }
0x3d: {  	s2 =	simm.s32 $0x2;
	[bflag:$0x0] =	sbarrier.arrive $0xFFFF  }
0x3e: {  	s30 =	simm.s32 $0x3;
	[sflag:s2] =	ssyncpa.u1 $0x1  }
0x3f: {  	s31 =	simm.s32 $0x1;
	[sflag:s30] =	ssyncpa.u1 $0x1  }
0x40: {  	[sflag:s31] =	ssyncpa.u1 $0x1  }
0x41: {  	p0 =	sne.s32 s1, $0x0;
	_ =	strace $0x9000004D  }
0x42: {  	s0 =	sadd.s32 @!p0 $0x100000, s0;
	[bflag:$0x2] =	sbarrier.arrive $0xFFFF  }
0x43: {  	[sflag:s0] =	ssyncadd.tile.s32 @!p0 $0x1;
	_ =	shalt  }
.Lfunc_end2:
_tile_overlayer_lowered:
.L_overlay_start_2:
0x44: {  	(tag) =	ssettag $0x2  }
0x45: {  	s0 =	rddreg [dreg:$0x0];
	s2 =	stileid.u32  }
0x46: {  	s1 =	rddreg [dreg:$0x1];
	p0 =	sne.s32 s2, $0x0  }
0x47: {  	s3 =	rddreg [dreg:$0x2];
	[bflag:$0x3] =	sbarrier.arrive $0xFFFF;
	s2 =	simm.s32 @!p0 $0x1C01  }
0x48: {  	[timem:s3], [sflag:s2] =	dma.local @!p0 [hbm:s0], s1  }
0x49: {  	s0 =	simm.s32 @!p0 $0x1  }
0x4a: {  	_ =	swait.ge @!p0 [sflag:s0], s1  }
0x4b: {  	s1 =	ssub.s32 @!p0 $0x0, s1;
	[sflag:s0] =	ssyncset.done @!p0 $0x0  }
0x4c: {  	[sflag:s0] =	ssyncadd.s32 @!p0 s1  }
0x4d: {  	[bflag:$0x3] =	sbarrier.arrive $0xFFFF  }
0x4e: {  	_ =	shalt  }

// kernel: gather_offload_async_start.2
scs
__scs_entry_jumppad:
0x0: {  	(pc) =	sbr.rel $0x88, $3  }
0x1: {  	(tag) =	ssettag $0x0;
	lr =	simm.s32 $0x1  }
0x2: {  	[smem:$0x3F8E] =	sst lr;
	_ =	strace $0xD0000000  }
0x3: {  	_ = 	snop  }
0x4: {  	_ = 	snop  }
0x5: {  	_ = 	snop  }
0x6: {  	_ = 	snop  }
0x7: {  	_ = 	snop  }
__scs_overlays_trampoline_lowered:
0x8: {  	[smem:$0x3F9D] =	sst s0  }
0x9: {  	[smem:$0x3F9E] =	sst s1  }
0xa: {  	[smem:$0x3F9F] =	sst s2  }
0xb: {  	[smem:$0x3FA0] =	sst s3  }
0xc: {  	[smem:$0x3FA1] =	sst s4  }
0xd: {  	[smem:$0x3FA2] =	sst s5  }
0xe: {  	[smem:$0x3FA3] =	sst s6  }
0xf: {  	[smem:$0x3FA4] =	sst s7  }
0x10: {  	[smem:$0x3FA5] =	sst s8  }
0x11: {  	[smem:$0x3FA6] =	sst s9;
	s0 =	simm.s32 @!p0 $0x0  }
0x12: {  	s1 =	sld [smem:$0x3F8C];
	s0 =	simm.s32 @p0 $0x1  }
0x13: {  	[smem:$0x3FA7] =	sst s0;
	s0 =	simm.s32 @!p1 $0x0  }
0x14: {  	s2 =	sld [smem:$0x3F8B];
	s0 =	simm.s32 @p1 $0x1  }
0x15: {  	[smem:$0x3FA8] =	sst s0;
	s0 =	simm.s32 @!p2 $0x0  }
0x16: {  	s3 =	sld [smem:$0x3FDB];
	s0 =	simm.s32 @p2 $0x1  }
0x17: {  	s4 =	simm.s32 $0x1BF5;
	[smem:$0x3FAA] =	sst s0  }
0x18: {  	s0 =	sld [smem:$0x3F8D];
	_ =	swait.ge [sflag:s4], $0x0  }
0x19: {  	s7 =	sld [smem:$0x3F8E]  }
0x1a: {  	s8 =	sadd.s32 $0xFFFFE003, lr  }
0x1b: {  	s9 =	sadd.s32 $0xFFFFFEF7, lr;
	s5 =	simm.s32 $0xFFFFFFFF;
	p2 =	slt.u32 s8, $0xFFFFF086  }
0x1c: {  	p1 =	slt.u32 s9, $0xF7A;
	s5 =	simm.s32 @!p2 $0x0  }
0x1d: {  	s5 =	simm.s32 @p1 $0x1;
	p0 =	seq.s32 s7, s2  }
0x1e: {  	s7 =	smul.u32 @!p0 $0xF7A, s2;
	p2 =	seq.s32 @!p0 s5, $0x0  }
0x1f: {  	s9 =	smul.u32 $0xF7A, s1;
	s8 =	simm.s32 @!p0 $0x1BF5;
	p2 =	por !p2, p0  }
0x20: {  	[sflag:s8] =	ssyncset.s32 @!p0 $0xFFFFF086;
	s6 =	sadd.s32 @!p0 s3, s7;
	s7 =	simm.s32 @!p0 $0x108  }
0x21: {  	s3 =	sadd.s32 s3, s9;
	s6 =	sadd.s32 @!p0 $0x88, s6;
	s7 =	simm.s32 @p2 $0x1082  }
0x22: {  	[simem:s7], [sflag:s8] =	dma.local @!p0 [hbm:s6], $0xF7A  }
0x23: {  	s9 =	sor.u32 $0xD0000000, s2;
	s6 =	simm.s32 $0x108;
	_ =	swait.ge @!p0 [sflag:s8], $0x0  }
0x24: {  	s3 =	sadd.s32 $0x88, s3;
	s6 =	simm.s32 @!p1 $0x1082;
	[sflag:s4] =	ssyncset.s32 $0xFFFFF086  }
0x25: {  	[simem:s6], [sflag:s4] =	dma.local [hbm:s3], $0xF7A  }
0x26: {  	[smem:$0x3F8E] =	sst s1;
	(tag) =	ssettag s2;
	_ =	strace s9  }
0x27: {  	s1 =	sld [smem:$0x3F9E]  }
0x28: {  	s2 =	sld [smem:$0x3F9F]  }
0x29: {  	s4 =	sld [smem:$0x3FA1]  }
0x2a: {  	p0 =	seq.s32 s5, $0x0;
	s5 =	sld [smem:$0x3FA2]  }
0x2b: {  	s6 =	sld [smem:$0x3FA3]  }
0x2c: {  	s7 =	sld [smem:$0x3FA4]  }
0x2d: {  	s3 =	simm.s32 $0x108;
	s8 =	sld [smem:$0x3FA5]  }
0x2e: {  	s3 =	simm.s32 @!p0 $0x1082;
	s9 =	sld [smem:$0x3FA6]  }
0x2f: {  	lr =	sadd.s32 s0, s3;
	s0 =	sld [smem:$0x3F9D]  }
0x30: {  	s3 =	sld [smem:$0x3FA0]  }
0x31: {  	[smem:$0x3FA9] =	sst s10  }
0x32: {  	s10 =	sld [smem:$0x3FA7];
	_ =	sdelay $0x3  }
0x33: {  	p0 =	seq.s32 s10, $0x1;
	s10 =	sld [smem:$0x3FA9];
	_ =	sdelay $0x3  }
0x34: {  	[smem:$0x3FA9] =	sst s10  }
0x35: {  	s10 =	sld [smem:$0x3FA8];
	_ =	sdelay $0x3  }
0x36: {  	p1 =	seq.s32 s10, $0x1;
	s10 =	sld [smem:$0x3FA9];
	_ =	sdelay $0x3  }
0x37: {  	[smem:$0x3FA9] =	sst s10  }
0x38: {  	s10 =	sld [smem:$0x3FAA]  }
0x39: {  	_ = 	snop;
	(pc) =	sbr.ind lr, $3  }
0x3a: {  	_ = 	snop  }
0x3b: {  	_ = 	snop  }
0x3c: {  	p2 =	seq.s32 s10, $0x1;
	s10 =	sld [smem:$0x3FA9]  }
0x3d: {  	_ =	shalt  }
0x3e: {  	_ =	shalt  }
0x3f: {  	_ =	shalt  }
0x40: {  	_ =	shalt  }
0x41: {  	_ =	shalt  }
0x42: {  	_ =	shalt  }
0x43: {  	_ =	shalt  }
0x44: {  	_ =	shalt  }
0x45: {  	_ =	shalt  }
0x46: {  	_ =	shalt  }
0x47: {  	_ =	shalt  }
0x48: {  	_ =	shalt  }
0x49: {  	_ =	shalt  }
0x4a: {  	_ =	shalt  }
0x4b: {  	_ =	shalt  }
0x4c: {  	_ =	shalt  }
0x4d: {  	_ =	shalt  }
0x4e: {  	_ =	shalt  }
0x4f: {  	_ =	shalt  }
0x50: {  	_ =	shalt  }
0x51: {  	_ =	shalt  }
0x52: {  	_ =	shalt  }
0x53: {  	_ =	shalt  }
0x54: {  	_ =	shalt  }
0x55: {  	_ =	shalt  }
0x56: {  	_ =	shalt  }
0x57: {  	_ =	shalt  }
0x58: {  	_ =	shalt  }
0x59: {  	_ =	shalt  }
0x5a: {  	_ =	shalt  }
0x5b: {  	_ =	shalt  }
0x5c: {  	_ =	shalt  }
0x5d: {  	_ =	shalt  }
0x5e: {  	_ =	shalt  }
0x5f: {  	_ =	shalt  }
0x60: {  	_ =	shalt  }
0x61: {  	_ =	shalt  }
0x62: {  	_ =	shalt  }
0x63: {  	_ =	shalt  }
0x64: {  	_ =	shalt  }
0x65: {  	_ =	shalt  }
0x66: {  	_ =	shalt  }
0x67: {  	_ =	shalt  }
0x68: {  	_ =	shalt  }
0x69: {  	_ =	shalt  }
0x6a: {  	_ =	shalt  }
0x6b: {  	_ =	shalt  }
0x6c: {  	_ =	shalt  }
0x6d: {  	_ =	shalt  }
0x6e: {  	_ =	shalt  }
0x6f: {  	_ =	shalt  }
0x70: {  	_ =	shalt  }
0x71: {  	_ =	shalt  }
0x72: {  	_ =	shalt  }
0x73: {  	_ =	shalt  }
0x74: {  	_ =	shalt  }
0x75: {  	_ =	shalt  }
0x76: {  	_ =	shalt  }
0x77: {  	_ =	shalt  }
0x78: {  	_ =	shalt  }
0x79: {  	_ =	shalt  }
0x7a: {  	_ =	shalt  }
0x7b: {  	_ =	shalt  }
0x7c: {  	_ =	shalt  }
0x7d: {  	_ =	shalt  }
0x7e: {  	_ =	shalt  }
0x7f: {  	_ =	shalt  }
0x80: {  	_ =	shalt  }
0x81: {  	_ =	shalt  }
0x82: {  	_ =	shalt  }
0x83: {  	_ =	shalt  }
0x84: {  	_ =	shalt  }
0x85: {  	_ =	shalt  }
0x86: {  	_ =	shalt  }
0x87: {  	_ =	shalt  }
.Lfunc_end0:
.L_simem_size_0:
called_computation.2_lowered:
.L_overlay_start_0:
0x88: {  	s2 =	sld [smem:$0x3FD9]  }
0x89: {  	s3 =	sld [smem:$0x3FFE];
	_ =	sdelay $0x1  }
0x8a: {  	s1 =	srdreg.scid  }
0x8b: {  	s0 =	sand.u32 $0x1, s1  }
0x8c: {  	s17 =	sshll.u32 s0, $0xA;
	s2 =	sadd.s32 s3, s2  }
0x8d: {  	s2 =	sadd.s32 s2, s17  }
0x8e: {  	[smem:$0x3FB5] =	sst s2  }
0x8f: {  	_ = 	snop  }
0x90: {  	(tm) =	ssettm $0x1  }
0x91: {  	s18 =	sld [smem:$0x3FFB];
	_ =	sdelay $0x3  }
0x92: {  	_ =	strace s18  }
0x93: {  	s2 =	sld [smem:$0x3FFC];
	_ =	sdelay $0x3  }
0x94: {  	_ =	strace s2  }
0x95: {  	s2 =	sld [smem:$0x3FFD];
	_ =	sdelay $0x3  }
0x96: {  	_ =	strace s2  }
0x97: {  	_ =	strace $0x8FFFFFFF  }
0x98: {  	s19 =	sld [smem:$0x3FDB];
	_ =	sdelay $0x1  }
0x99: {  	s20 =	simm.s32 $_scs_section_size  }
0x9a: {  	s4 =	simm.s32 $_size__tile_overlayer_lowered;
	s5 =	simm.s32 $_tile_overlayer_lowered  }
0x9b: {  	s6 =	simm.s32 $0x1BFF;
	s21 =	sshll.u32 s5, $0x1;
	s3 =	sadd.s32 s20, s19  }
0x9c: {  	s22 =	simm.s32 $0x0;
	s4 =	sshll.u32 s4, $0x1;
	s5 =	sadd.s32 s21, s3  }
0x9d: {  	[timem:s22], [sflag:s6] =	dma.local [hbm:s5], s4  }
0x9e: {  	_ =	swait.ge [sflag:s6], s4  }
0x9f: {  	s4 =	ssub.s32 $0x0, s4;
	[sflag:s6] =	ssyncset.done $0x0  }
0xa0: {  	[sflag:s6] =	ssyncadd.s32 s4;
	_ =	sdelay $0x1  }
0xa1: {  	s23 =	simm.s32 $0x1B8B  }
0xa2: {  	_ =	swait.ge [sflag:s23], $0x1  }
0xa3: {  	[sflag:s23] =	ssyncset.done $0x0  }
0xa4: {  	[sflag:s23] =	ssyncadd.s32 $0xFFFFFFFF  }
0xa5: {  	s4 =	sld [smem:$0x0]  }
0xa6: {  	s5 =	sand.u32 $0xFFFFFFFE, s1  }
0xa7: {  	p0 =	sne.s32 s1, s5  }
0xa8: {  	s5 =	sshll.u32 @p0 s5, $0xE  }
0xa9: {  	s5 =	sadd.s32 @p0 $0x11B8D, s5;
	s6 =	sshll.u32 @p0 s4, $0x11  }
0xaa: {  	s5 =	sor.u32 @p0 s6, s5  }
0xab: {  	[sflag:s5] =	ssyncadd.remote.s32 @p0 $0x1;
	_ =	sdelay $0x1  }
0xac: {  	s5 =	simm.s32 @p0 $0x1B8D  }
0xad: {  	_ =	swait.eq @p0 [sflag:s5], $0x1  }
0xae: {  	[sflag:s5] =	ssyncadd.s32 @p0 $0xFFFFFFFF  }
0xaf: {  	s6 =	sshll.u32 @!p0 s1, $0xE  }
0xb0: {  	s6 =	sor.u32 @!p0 $0x4000, s6;
	s5 =	simm.s32 @!p0 $0x1B8D  }
0xb1: {  	s4 =	sshll.u32 @!p0 s4, $0x11;
	s6 =	sadd.s32 @!p0 $0x11B8D, s6;
	_ =	swait.eq @!p0 [sflag:s5], $0x1  }
0xb2: {  	s4 =	sor.u32 @!p0 s4, s6;
	[sflag:s5] =	ssyncadd.s32 @!p0 $0xFFFFFFFF  }
0xb3: {  	s25 =	simm.s32 $0x1B8E;
	s24 =	sld [smem:$0x3FFE];
	[sflag:s4] =	ssyncadd.remote.s32 @!p0 $0x1  }
0xb4: {  	s26 =	simm.s32 $execute0_lowered;
	[smem:$0x3FD2] =	sst s25  }
0xb5: {  	s5 =	sshll.u32 s26, $0x1;
	_ =	strace $0x80000049;
	[dreg:$0x1] =	wrdreg $0xFFFFFFFF  }
0xb6: {  	s28 =	simm.s32 $_size_execute0_lowered;
	s3 =	sadd.s32 s3, s5;
	[dreg:$0x0] =	wrdreg $0x0  }
0xb7: {  	s5 =	sshll.u32 s28, $0x1;
	[dreg:$0x2] =	wrdreg s3  }
0xb8: {  	[dreg:$0x3] =	wrdreg s5  }
0xb9: {  	[dreg:$0x4] =	wrdreg $0xC0  }
0xba: {  	_ =	task [dreg:s22], $0x5FFFF  }
0xbb: {  	[dreg:$0x1] =	wrdreg $0xFFFFFFFF  }
0xbc: {  	[dreg:$0x0] =	wrdreg $0x60  }
0xbd: {  	[dreg:$0x2] =	wrdreg s24  }
0xbe: {  	[dreg:$0x3] =	wrdreg $0xC  }
0xbf: {  	_ =	task.clear_ibuf [dreg:s22], $0x4FFFF;
	_ =	strace $0x90000049  }
0xc0: {  	s29 =	simm.s32 $0xC;
	_ =	strace $0x8000004B  }
0xc1: {  	_ =	swait.ge [sflag:s29], $0x1  }
0xc2: {  	[sflag:s29] =	ssyncadd.s32 $0xFFFFFFFF  }
0xc3: {  	_ =	strace $0x9000004B  }
0xc4: {  	_ =	sfence  }
0xc5: {  	s30 =	sld [smem:$0x0];
	_ =	sdelay $0x2  }
0xc6: {  	s31 =	sshll.u32 s1, $0xD;
	s1 =	sshrl.u32 s1, $0x2  }
0xc7: {  	s4 =	sand.u32 $0x4000, s31;
	s1 =	sadd.s32 s1, s30  }
0xc8: {  	s0 =	sor.u32 s4, s0;
	s1 =	sshll.u32 s1, $0x11  }
0xc9: {  	s0 =	sor.u32 s1, s0  }
0xca: {  	s0 =	sadd.s32 $0x8F2B, s0  }
0xcb: {  	[sflag:s0] =	ssyncadd.remote.s32 $0x1  }
0xcc: {  	_ =	sfence.sel $0xFFFF  }
0xcd: {  	[dreg:$0x0] =	wrdreg $0xFFFFFFFF;
	(pc) =	sbr.abs _section_cstart, $3  }
0xce: {  	[dreg:$0x1] =	wrdreg $0xFFFFFFFF  }
0xcf: {  	_ =	task.clear_ibuf [dreg:s22], $0x2FFFF;
	_ =	strace $0x9FFFFFFF  }
0xd0: {  	(tm) =	ssettm $0x7FFFFFFF  }
0xd1: {  	_ =	shalt  }
tec
execute0_lowered:
.L_overlay_start_1:
0x0: {  	(tag) =	ssettag $0x1  }
0x1: {  	s8 =	rddreg [dreg:$0x0]  }
0x2: {  	s0 =	rddreg [dreg:$0x1];
	_ =	strace $0x8000004A;
	s1 =	stileid.u32  }
0x3: {  	s3 =	srdreg.scid;
	s4 =	simm.s32 $0x1;
	s7 =	simm.s32 $0x1  }
0x4: {  	s9 =	simm.s32 $0x1;
	s10 =	simm.s32 $0x3;
	s13 =	simm.s32 $0x0  }
0x5: {  	s12 =	simm.s32 $0x0;
	s5 =	sand.u32 $0x1, s3;
	s6 =	sshll.u32 s1, $0x1  }
0x6: {  	s2 =	sadd.s32 $0x6000, s8;
	s3 =	sadd.s32 $0x18D800, s8;
	s5 =	sor.u32 s6, s5  }
.Ltmp0:
0x7: {  	[sflag:s4] =	ssyncpa.u1 $0x0;
	p0 =	slt.u32 s5, $0x9;
	(pc) =	sbr.rel .LBB2_1-.Ltmp0, $4  }
0x8: {  	s6 =	simm.s32 $0x2;
	s7 =	simm.s32 @!p0 $0x0;
	p0 =	sne.s32 s5, $0x8  }
0x9: {  	[sflag:s6] =	ssyncpa.u1 $0x0;
	s5 =	smul.u32 $0xFA0, s5;
	s9 =	simm.s32 @!p0 $0x0  }
0xa: {  	s8 =	sadd.s32 $0x192800, s8;
	[sflag:s10] =	ssyncpa.u1 $0x0;
	s7 =	sadd.s32 s9, s7  }
0xb: {  	vm0 =	vmmov $0xffff;
	s10 =	simm.s32 $0x0;
	s11 =	smov.u32 s5;
	s9 =	sadd.s32 $0x1, s7  }
.LBB2_4:
0xc: {  	v2 =	vnsel vm1, $0x0, v2  }
0xd: {  	vm1 =	vgt.s32 v0, $0x0;
	v2 =	vmin.u32 v2, $0x270FF  }
0xe: {  	v0 =	vnsel vm1, $0x0, v0  }
0xf: {  	v0 =	vmin.u32 v0, $0x270FF  }
0x10: {  	[tilespmem:s18], [sflag:$0x1] =	stream.indirect_vreg.gather [hbm4b:s2+s10], $0x1, v1, vm0, $0x4038;
	[tilespmem:$0x3E80] =	vst v63  }
0x11: {  	(ifvalue) =	ssetifvalue $0x7FFFFFFF  }
0x12: {  	[tilespmem:s15], [sflag:$0x1] =	stream.indirect_vreg.gather [hbm4b:s2+s10], $0x1, v2, vm0, $0x4038;
	[tilespmem:$0x3E80] =	vst v63  }
0x13: {  	s29 =	sadd.s32 $0x10, s15;
	(ifvalue) =	ssetifvalue $0x7FFFFFFF  }
0x14: {  	[tilespmem:s29], [sflag:$0x1] =	stream.indirect_vreg.gather [hbm4b:s2+s10], $0x1, v0, vm0, $0x4038;
	[tilespmem:$0x3E80] =	vst v63  }
0x15: {  	_ =	swait.ge [sflag:s4], $0xFA0  }
0x16: {  	s30 =	sshrl.u32 s13, $0x3;
	[sflag:s4] =	ssyncset.done $0x0  }
0x17: {  	s31 =	sand.u32 $0x7, s13;
	s15 =	sadd.s32 s8, s30;
	[sflag:s4] =	ssyncadd.s32 $0xFFFFF060  }
0x18: {  	[hbm4b:s15+s31] =	stream.linear.scatter [tilespmem:s14], [sflag:$0x3], $0xFA0, $0x38;
	[tilespmem:$0x3E80] =	vst v63  }
.LBB2_5:
0x19: {  	s15 =	sadd.s32 $0x1F400, s11  }
0x1a: {  	p1 =	sgt.s32 s15, $0x270FF  }
0x1b: {  	s15 =	smov.u32 @p1 s5;
	p1 =	sne.s32 s12, s9  }
.Ltmp1:
0x1c: {  	p0 =	slt.u32 s12, $0x2;
	(pc) =	sbr.rel @!p1 .LBB2_6-.Ltmp1, $4  }
0x1d: {  	s14 =	simm.s32 @!p0 $0x3  }
0x1e: {  	_ =	swait.ge @!p0 [sflag:s14], $0xFA0  }
0x1f: {  	s16 =	sadd.s32 $0x1, s12;
	s13 =	smov.u32 s11;
	[sflag:s14] =	ssyncset.done @!p0 $0x0  }
0x20: {  	s12 =	smov.u32 s16;
	s11 =	smov.u32 s15;
	[sflag:s14] =	ssyncadd.s32 @!p0 $0xFFFFF060  }
.LBB2_1:
0x21: {  	p0 =	sge.u32 s12, s7  }
0x22: {  	s14 =	sxor.u32 @!p0 $0x1, s12  }
0x23: {  	s14 =	smul.u32 @!p0 $0x3E80, s14  }
0x24: {  	s31 =	sadd.s32 $0xFFFFFFFF, s12;
	s15 =	sshrl.u32 @!p0 s11, $0x3  }
0x25: {  	s16 =	sand.u32 @!p0 $0x7, s11;
	s15 =	sadd.s32 @!p0 s3, s15;
	s14 =	sshra.s32 @!p0 s14, $0x2  }
0x26: {  	[tilespmem:s14], [sflag:$0x2] =	stream.linear.gather @!p0 [hbm4b:s15+s16], $0xFA0, $0x38;
	[tilespmem:$0x3E80] =	vst v63  }
0x27: {  	p0 =	sge.u32 s31, s7  }
.Ltmp2:
0x28: {  	_ = 	snop;
	(pc) =	sbr.rel @p0 .LBB2_5-.Ltmp2, $1  }
0x29: {  	_ =	sdelay $0x3  }
0x2a: {  	s14 =	sand.u32 $0x1, s12  }
0x2b: {  	_ =	swait.ge [sflag:s6], $0xFA0;
	p0 =	seq.s32 s14, $0x1;
	s14 =	simm.s32 $0xFA0  }
0x2c: {  	[sflag:s6] =	ssyncset.done $0x0;
	s14 =	simm.s32 @!p0 $0x0  }
0x2d: {  	[sflag:s6] =	ssyncadd.s32 $0xFFFFF060;
	(ifvalue) =	ssetifvalue $0x7FFFFFFF;
	v0 =	vld.msk [tilespmem:s14+$0x0 ss:$0x1], $0xffff;
	_ =	sdelay $0x4  }
0x2e: {  	s15 =	sadd.s32 $0x10, s14;
	vm1 =	vgt.s32 v0, $0x0  }
0x2f: {  	v2 =	vld.msk [tilespmem:s15+$0x0 ss:$0x1], $0xffff;
	v1 =	vnsel vm1, $0x0, v0  }
0x30: {  	v1 =	vmin.u32 v1, $0x270FF;
	_ =	sdelay $0x2  }
0x31: {  	s17 =	simm.s32 $0x20;
	s14 =	sadd.s32 $0x1F40, s14;
	s16 =	sadd.s32 $0x10, s15  }
0x32: {  	s15 =	sadd.s32 $0x10, s14;
	s18 =	smov.u32 s14;
	v0 =	vld.msk [tilespmem:s16+$0x0 ss:$0x1], $0xffff;
	vm1 =	vgt.s32 v2, $0x0;
	(ifvalue) =	ssetifvalue $0x7FFFFFFF  }
.LBB2_3:
0x33: {  	[tilespmem:s18], [sflag:$0x1] =	stream.indirect_vreg.gather [hbm4b:s2+s10], $0x1, v1, vm0, $0x4038;
	[tilespmem:$0x3E80] =	vst v63  }
0x34: {  	s17 =	sadd.s32 $0x10, s17  }
0x35: {  	v2 =	vnsel vm1, $0x0, v2;
	p0 =	slt.u32 s17, $0xF90  }
.Ltmp3:
0x36: {  	s18 =	smov.u32 s15;
	v1 =	vmin.u32 v2, $0x270FF;
	(pc) =	sbr.rel @p0 .LBB2_3-.Ltmp3, $3  }
0x37: {  	_ =	sdelay $0x1  }
0x38: {  	s16 =	sadd.s32 $0x10, s16  }
0x39: {  	vm1 =	vgt.s32 v0, $0x0;
	s15 =	sadd.s32 $0x10, s15;
	v2 =	vmov v0;
	(ifvalue) =	ssetifvalue $0x7FFFFFFF;
	v0 =	vld.msk [tilespmem:s16+$0x0 ss:$0x1], $0xffff  }
.Ltmp4:
0x3a: {  	_ = 	snop;
	(pc) =	sbr.rel .LBB2_4-.Ltmp4, $1  }
0x3b: {  	_ =	sdelay $0x3  }
.LBB2_6:
0x3c: {  	_ =	sfence.sel $0x180000  }
0x3d: {  	s2 =	simm.s32 $0x2;
	[bflag:$0x0] =	sbarrier.arrive $0xFFFF  }
0x3e: {  	s30 =	simm.s32 $0x3;
	[sflag:s2] =	ssyncpa.u1 $0x1  }
0x3f: {  	s31 =	simm.s32 $0x1;
	[sflag:s30] =	ssyncpa.u1 $0x1  }
0x40: {  	[sflag:s31] =	ssyncpa.u1 $0x1  }
0x41: {  	p0 =	sne.s32 s1, $0x0;
	_ =	strace $0x9000004A  }
0x42: {  	s0 =	sadd.s32 @!p0 $0x100000, s0;
	[bflag:$0x2] =	sbarrier.arrive $0xFFFF  }
0x43: {  	[sflag:s0] =	ssyncadd.tile.s32 @!p0 $0x1;
	_ =	shalt  }
.Lfunc_end2:
_tile_overlayer_lowered:
.L_overlay_start_2:
0x44: {  	(tag) =	ssettag $0x2  }
0x45: {  	s0 =	rddreg [dreg:$0x0];
	s2 =	stileid.u32  }
0x46: {  	s1 =	rddreg [dreg:$0x1];
	p0 =	sne.s32 s2, $0x0  }
0x47: {  	s3 =	rddreg [dreg:$0x2];
	[bflag:$0x3] =	sbarrier.arrive $0xFFFF;
	s2 =	simm.s32 @!p0 $0x1C01  }
0x48: {  	[timem:s3], [sflag:s2] =	dma.local @!p0 [hbm:s0], s1  }
0x49: {  	s0 =	simm.s32 @!p0 $0x1  }
0x4a: {  	_ =	swait.ge @!p0 [sflag:s0], s1  }
0x4b: {  	s1 =	ssub.s32 @!p0 $0x0, s1;
	[sflag:s0] =	ssyncset.done @!p0 $0x0  }
0x4c: {  	[sflag:s0] =	ssyncadd.s32 @!p0 s1  }
0x4d: {  	[bflag:$0x3] =	sbarrier.arrive $0xFFFF  }
0x4e: {  	_ =	shalt  }

// kernel: gather_offload_async_start
scs
__scs_entry_jumppad:
0x0: {  	(pc) =	sbr.rel $0x88, $3  }
0x1: {  	(tag) =	ssettag $0x0;
	lr =	simm.s32 $0x1  }
0x2: {  	[smem:$0x3F8E] =	sst lr;
	_ =	strace $0xD0000000  }
0x3: {  	_ = 	snop  }
0x4: {  	_ = 	snop  }
0x5: {  	_ = 	snop  }
0x6: {  	_ = 	snop  }
0x7: {  	_ = 	snop  }
__scs_overlays_trampoline_lowered:
0x8: {  	[smem:$0x3F9D] =	sst s0  }
0x9: {  	[smem:$0x3F9E] =	sst s1  }
0xa: {  	[smem:$0x3F9F] =	sst s2  }
0xb: {  	[smem:$0x3FA0] =	sst s3  }
0xc: {  	[smem:$0x3FA1] =	sst s4  }
0xd: {  	[smem:$0x3FA2] =	sst s5  }
0xe: {  	[smem:$0x3FA3] =	sst s6  }
0xf: {  	[smem:$0x3FA4] =	sst s7  }
0x10: {  	[smem:$0x3FA5] =	sst s8  }
0x11: {  	[smem:$0x3FA6] =	sst s9;
	s0 =	simm.s32 @!p0 $0x0  }
0x12: {  	s1 =	sld [smem:$0x3F8C];
	s0 =	simm.s32 @p0 $0x1  }
0x13: {  	[smem:$0x3FA7] =	sst s0;
	s0 =	simm.s32 @!p1 $0x0  }
0x14: {  	s2 =	sld [smem:$0x3F8B];
	s0 =	simm.s32 @p1 $0x1  }
0x15: {  	[smem:$0x3FA8] =	sst s0;
	s0 =	simm.s32 @!p2 $0x0  }
0x16: {  	s3 =	sld [smem:$0x3FDB];
	s0 =	simm.s32 @p2 $0x1  }
0x17: {  	s4 =	simm.s32 $0x1BF5;
	[smem:$0x3FAA] =	sst s0  }
0x18: {  	s0 =	sld [smem:$0x3F8D];
	_ =	swait.ge [sflag:s4], $0x0  }
0x19: {  	s7 =	sld [smem:$0x3F8E]  }
0x1a: {  	s8 =	sadd.s32 $0xFFFFE003, lr  }
0x1b: {  	s9 =	sadd.s32 $0xFFFFFEF7, lr;
	s5 =	simm.s32 $0xFFFFFFFF;
	p2 =	slt.u32 s8, $0xFFFFF086  }
0x1c: {  	p1 =	slt.u32 s9, $0xF7A;
	s5 =	simm.s32 @!p2 $0x0  }
0x1d: {  	s5 =	simm.s32 @p1 $0x1;
	p0 =	seq.s32 s7, s2  }
0x1e: {  	s7 =	smul.u32 @!p0 $0xF7A, s2;
	p2 =	seq.s32 @!p0 s5, $0x0  }
0x1f: {  	s9 =	smul.u32 $0xF7A, s1;
	s8 =	simm.s32 @!p0 $0x1BF5;
	p2 =	por !p2, p0  }
0x20: {  	[sflag:s8] =	ssyncset.s32 @!p0 $0xFFFFF086;
	s6 =	sadd.s32 @!p0 s3, s7;
	s7 =	simm.s32 @!p0 $0x108  }
0x21: {  	s3 =	sadd.s32 s3, s9;
	s6 =	sadd.s32 @!p0 $0x88, s6;
	s7 =	simm.s32 @p2 $0x1082  }
0x22: {  	[simem:s7], [sflag:s8] =	dma.local @!p0 [hbm:s6], $0xF7A  }
0x23: {  	s9 =	sor.u32 $0xD0000000, s2;
	s6 =	simm.s32 $0x108;
	_ =	swait.ge @!p0 [sflag:s8], $0x0  }
0x24: {  	s3 =	sadd.s32 $0x88, s3;
	s6 =	simm.s32 @!p1 $0x1082;
	[sflag:s4] =	ssyncset.s32 $0xFFFFF086  }
0x25: {  	[simem:s6], [sflag:s4] =	dma.local [hbm:s3], $0xF7A  }
0x26: {  	[smem:$0x3F8E] =	sst s1;
	(tag) =	ssettag s2;
	_ =	strace s9  }
0x27: {  	s1 =	sld [smem:$0x3F9E]  }
0x28: {  	s2 =	sld [smem:$0x3F9F]  }
0x29: {  	s4 =	sld [smem:$0x3FA1]  }
0x2a: {  	p0 =	seq.s32 s5, $0x0;
	s5 =	sld [smem:$0x3FA2]  }
0x2b: {  	s6 =	sld [smem:$0x3FA3]  }
0x2c: {  	s7 =	sld [smem:$0x3FA4]  }
0x2d: {  	s3 =	simm.s32 $0x108;
	s8 =	sld [smem:$0x3FA5]  }
0x2e: {  	s3 =	simm.s32 @!p0 $0x1082;
	s9 =	sld [smem:$0x3FA6]  }
0x2f: {  	lr =	sadd.s32 s0, s3;
	s0 =	sld [smem:$0x3F9D]  }
0x30: {  	s3 =	sld [smem:$0x3FA0]  }
0x31: {  	[smem:$0x3FA9] =	sst s10  }
0x32: {  	s10 =	sld [smem:$0x3FA7];
	_ =	sdelay $0x3  }
0x33: {  	p0 =	seq.s32 s10, $0x1;
	s10 =	sld [smem:$0x3FA9];
	_ =	sdelay $0x3  }
0x34: {  	[smem:$0x3FA9] =	sst s10  }
0x35: {  	s10 =	sld [smem:$0x3FA8];
	_ =	sdelay $0x3  }
0x36: {  	p1 =	seq.s32 s10, $0x1;
	s10 =	sld [smem:$0x3FA9];
	_ =	sdelay $0x3  }
0x37: {  	[smem:$0x3FA9] =	sst s10  }
0x38: {  	s10 =	sld [smem:$0x3FAA]  }
0x39: {  	_ = 	snop;
	(pc) =	sbr.ind lr, $3  }
0x3a: {  	_ = 	snop  }
0x3b: {  	_ = 	snop  }
0x3c: {  	p2 =	seq.s32 s10, $0x1;
	s10 =	sld [smem:$0x3FA9]  }
0x3d: {  	_ =	shalt  }
0x3e: {  	_ =	shalt  }
0x3f: {  	_ =	shalt  }
0x40: {  	_ =	shalt  }
0x41: {  	_ =	shalt  }
0x42: {  	_ =	shalt  }
0x43: {  	_ =	shalt  }
0x44: {  	_ =	shalt  }
0x45: {  	_ =	shalt  }
0x46: {  	_ =	shalt  }
0x47: {  	_ =	shalt  }
0x48: {  	_ =	shalt  }
0x49: {  	_ =	shalt  }
0x4a: {  	_ =	shalt  }
0x4b: {  	_ =	shalt  }
0x4c: {  	_ =	shalt  }
0x4d: {  	_ =	shalt  }
0x4e: {  	_ =	shalt  }
0x4f: {  	_ =	shalt  }
0x50: {  	_ =	shalt  }
0x51: {  	_ =	shalt  }
0x52: {  	_ =	shalt  }
0x53: {  	_ =	shalt  }
0x54: {  	_ =	shalt  }
0x55: {  	_ =	shalt  }
0x56: {  	_ =	shalt  }
0x57: {  	_ =	shalt  }
0x58: {  	_ =	shalt  }
0x59: {  	_ =	shalt  }
0x5a: {  	_ =	shalt  }
0x5b: {  	_ =	shalt  }
0x5c: {  	_ =	shalt  }
0x5d: {  	_ =	shalt  }
0x5e: {  	_ =	shalt  }
0x5f: {  	_ =	shalt  }
0x60: {  	_ =	shalt  }
0x61: {  	_ =	shalt  }
0x62: {  	_ =	shalt  }
0x63: {  	_ =	shalt  }
0x64: {  	_ =	shalt  }
0x65: {  	_ =	shalt  }
0x66: {  	_ =	shalt  }
0x67: {  	_ =	shalt  }
0x68: {  	_ =	shalt  }
0x69: {  	_ =	shalt  }
0x6a: {  	_ =	shalt  }
0x6b: {  	_ =	shalt  }
0x6c: {  	_ =	shalt  }
0x6d: {  	_ =	shalt  }
0x6e: {  	_ =	shalt  }
0x6f: {  	_ =	shalt  }
0x70: {  	_ =	shalt  }
0x71: {  	_ =	shalt  }
0x72: {  	_ =	shalt  }
0x73: {  	_ =	shalt  }
0x74: {  	_ =	shalt  }
0x75: {  	_ =	shalt  }
0x76: {  	_ =	shalt  }
0x77: {  	_ =	shalt  }
0x78: {  	_ =	shalt  }
0x79: {  	_ =	shalt  }
0x7a: {  	_ =	shalt  }
0x7b: {  	_ =	shalt  }
0x7c: {  	_ =	shalt  }
0x7d: {  	_ =	shalt  }
0x7e: {  	_ =	shalt  }
0x7f: {  	_ =	shalt  }
0x80: {  	_ =	shalt  }
0x81: {  	_ =	shalt  }
0x82: {  	_ =	shalt  }
0x83: {  	_ =	shalt  }
0x84: {  	_ =	shalt  }
0x85: {  	_ =	shalt  }
0x86: {  	_ =	shalt  }
0x87: {  	_ =	shalt  }
.Lfunc_end0:
.L_simem_size_0:
called_computation_lowered:
.L_overlay_start_0:
0x88: {  	s2 =	sld [smem:$0x3FD9]  }
0x89: {  	s3 =	sld [smem:$0x3FFE];
	_ =	sdelay $0x1  }
0x8a: {  	s1 =	srdreg.scid  }
0x8b: {  	s0 =	sand.u32 $0x1, s1  }
0x8c: {  	s17 =	sshll.u32 s0, $0xA;
	s2 =	sadd.s32 s3, s2  }
0x8d: {  	s2 =	sadd.s32 s2, s17  }
0x8e: {  	[smem:$0x3FB5] =	sst s2  }
0x8f: {  	_ = 	snop  }
0x90: {  	s18 =	sld [smem:$0x3FD0];
	(tm) =	ssettm $0x1  }
0x91: {  	s19 =	sld [smem:$0x3FFB];
	_ =	sdelay $0x3  }
0x92: {  	_ =	strace s19  }
0x93: {  	s2 =	sld [smem:$0x3FFC];
	_ =	sdelay $0x3  }
0x94: {  	_ =	strace s2  }
0x95: {  	s2 =	sld [smem:$0x3FFD];
	_ =	sdelay $0x3  }
0x96: {  	_ =	strace s2  }
0x97: {  	_ =	strace $0x8FFFFFFF  }
0x98: {  	s20 =	sld [smem:$0x3FDB];
	_ =	sdelay $0x1  }
0x99: {  	s4 =	simm.s32 $_scs_section_size  }
0x9a: {  	s5 =	simm.s32 $_size__tile_overlayer_lowered;
	s6 =	simm.s32 $_tile_overlayer_lowered  }
0x9b: {  	s7 =	simm.s32 $0x1BFF;
	s21 =	sshll.u32 s6, $0x1;
	s4 =	sadd.s32 s4, s20  }
0x9c: {  	s22 =	simm.s32 $0x0;
	s5 =	sshll.u32 s5, $0x1;
	s6 =	sadd.s32 s21, s4  }
0x9d: {  	[timem:s22], [sflag:s7] =	dma.local [hbm:s6], s5  }
0x9e: {  	_ =	swait.ge [sflag:s7], s5  }
0x9f: {  	s5 =	ssub.s32 $0x0, s5;
	[sflag:s7] =	ssyncset.done $0x0  }
0xa0: {  	[sflag:s7] =	ssyncadd.s32 s5;
	_ =	sdelay $0x1  }
0xa1: {  	s23 =	simm.s32 $0x1B8B  }
0xa2: {  	_ =	swait.ge [sflag:s23], $0x1  }
0xa3: {  	[sflag:s23] =	ssyncset.done $0x0  }
0xa4: {  	[sflag:s23] =	ssyncadd.s32 $0xFFFFFFFF  }
0xa5: {  	s5 =	sld [smem:$0x0]  }
0xa6: {  	s6 =	sand.u32 $0xFFFFFFFE, s1  }
0xa7: {  	p0 =	sne.s32 s1, s6  }
0xa8: {  	s6 =	sshll.u32 @p0 s6, $0xE  }
0xa9: {  	s6 =	sadd.s32 @p0 $0x11B8D, s6;
	s7 =	sshll.u32 @p0 s5, $0x11  }
0xaa: {  	s6 =	sor.u32 @p0 s7, s6  }
0xab: {  	[sflag:s6] =	ssyncadd.remote.s32 @p0 $0x1;
	_ =	sdelay $0x1  }
0xac: {  	s6 =	simm.s32 @p0 $0x1B8D  }
0xad: {  	_ =	swait.eq @p0 [sflag:s6], $0x1  }
0xae: {  	[sflag:s6] =	ssyncadd.s32 @p0 $0xFFFFFFFF  }
0xaf: {  	s7 =	sshll.u32 @!p0 s1, $0xE  }
0xb0: {  	s7 =	sor.u32 @!p0 $0x4000, s7;
	s6 =	simm.s32 @!p0 $0x1B8D  }
0xb1: {  	s5 =	sshll.u32 @!p0 s5, $0x11;
	s7 =	sadd.s32 @!p0 $0x11B8D, s7;
	_ =	swait.eq @!p0 [sflag:s6], $0x1  }
0xb2: {  	s5 =	sor.u32 @!p0 s5, s7;
	[sflag:s6] =	ssyncadd.s32 @!p0 $0xFFFFFFFF  }
0xb3: {  	s25 =	simm.s32 $0x1B8E;
	s24 =	sld [smem:$0x3FFE];
	[sflag:s5] =	ssyncadd.remote.s32 @!p0 $0x1  }
0xb4: {  	s26 =	simm.s32 $execute0_lowered;
	[smem:$0x3FD2] =	sst s25  }
0xb5: {  	s6 =	sshll.u32 s26, $0x1;
	_ =	strace $0x80000052;
	[dreg:$0x1] =	wrdreg $0xFFFFFFFF  }
0xb6: {  	s28 =	simm.s32 $_size_execute0_lowered;
	s4 =	sadd.s32 s4, s6;
	[dreg:$0x0] =	wrdreg $0x0  }
0xb7: {  	s6 =	sshll.u32 s28, $0x1;
	[dreg:$0x2] =	wrdreg s4  }
0xb8: {  	[dreg:$0x3] =	wrdreg s6  }
0xb9: {  	[dreg:$0x4] =	wrdreg $0xC0  }
0xba: {  	_ =	task [dreg:s22], $0x5FFFF  }
0xbb: {  	[dreg:$0x1] =	wrdreg $0xFFFFFFFF  }
0xbc: {  	[dreg:$0x0] =	wrdreg $0x60  }
0xbd: {  	[dreg:$0x2] =	wrdreg s18  }
0xbe: {  	[dreg:$0x3] =	wrdreg s24  }
0xbf: {  	[dreg:$0x4] =	wrdreg $0xA  }
0xc0: {  	_ =	task.clear_ibuf [dreg:s22], $0x5FFFF;
	_ =	strace $0x90000052  }
0xc1: {  	s29 =	simm.s32 $0xA;
	_ =	strace $0x80000054  }
0xc2: {  	_ =	swait.ge [sflag:s29], $0x1  }
0xc3: {  	[sflag:s29] =	ssyncadd.s32 $0xFFFFFFFF  }
0xc4: {  	_ =	strace $0x90000054  }
0xc5: {  	_ =	sfence  }
0xc6: {  	s30 =	sld [smem:$0x0];
	_ =	sdelay $0x2  }
0xc7: {  	s31 =	sshll.u32 s1, $0xD;
	s1 =	sshrl.u32 s1, $0x2  }
0xc8: {  	s4 =	sand.u32 $0x4000, s31;
	s1 =	sadd.s32 s1, s30  }
0xc9: {  	s0 =	sor.u32 s4, s0;
	s1 =	sshll.u32 s1, $0x11  }
0xca: {  	s0 =	sor.u32 s1, s0  }
0xcb: {  	s0 =	sadd.s32 $0x8F2B, s0  }
0xcc: {  	[sflag:s0] =	ssyncadd.remote.s32 $0x1  }
0xcd: {  	_ =	sfence.sel $0xFFFF  }
0xce: {  	[dreg:$0x0] =	wrdreg $0xFFFFFFFF;
	(pc) =	sbr.abs _section_cstart, $3  }
0xcf: {  	[dreg:$0x1] =	wrdreg $0xFFFFFFFF  }
0xd0: {  	_ =	task.clear_ibuf [dreg:s22], $0x2FFFF;
	_ =	strace $0x9FFFFFFF  }
0xd1: {  	(tm) =	ssettm $0x7FFFFFFF  }
tec
execute0_lowered:
.L_overlay_start_1:
0x0: {  	(tag) =	ssettag $0x1  }
0x1: {  	s2 =	rddreg [dreg:$0x0]  }
0x2: {  	s8 =	rddreg [dreg:$0x1]  }
0x3: {  	s0 =	rddreg [dreg:$0x2];
	s1 =	stileid.u32  }
0x4: {  	s3 =	srdreg.scid;
	_ =	strace $0x80000053;
	s4 =	simm.s32 $0x1  }
0x5: {  	s7 =	simm.s32 $0x1;
	s9 =	simm.s32 $0x1;
	s10 =	simm.s32 $0x3  }
0x6: {  	s13 =	simm.s32 $0x0;
	s5 =	sand.u32 $0x1, s3;
	s6 =	sshll.u32 s1, $0x1  }
0x7: {  	s12 =	simm.s32 $0x0;
	s3 =	sadd.s32 $0x692400, s8;
	s5 =	sor.u32 s6, s5  }
.Ltmp0:
0x8: {  	[sflag:s4] =	ssyncpa.u1 $0x0;
	p0 =	slt.u32 s5, $0x9;
	(pc) =	sbr.rel .LBB2_1-.Ltmp0, $4  }
0x9: {  	s6 =	simm.s32 $0x2;
	s7 =	simm.s32 @!p0 $0x0;
	p0 =	sne.s32 s5, $0x8  }
0xa: {  	[sflag:s6] =	ssyncpa.u1 $0x0;
	s5 =	smul.u32 $0x3E80, s5;
	s9 =	simm.s32 @!p0 $0x0  }
0xb: {  	s8 =	sadd.s32 $0x5E200, s8;
	[sflag:s10] =	ssyncpa.u1 $0x0;
	s7 =	sadd.s32 s9, s7  }
0xc: {  	vm0 =	vmmov $0xffff;
	s10 =	simm.s32 $0x0;
	s11 =	smov.u32 s5;
	s9 =	sadd.s32 $0x1, s7  }
.LBB2_4:
0xd: {  	v2 =	vnsel vm1, $0x0, v2  }
0xe: {  	vm1 =	vgt.s32 v0, $0x0;
	v2 =	vmin.u32 v2, $0x9C3FF  }
0xf: {  	v0 =	vnsel vm1, $0x0, v0  }
0x10: {  	v0 =	vmin.u32 v0, $0x9C3FF  }
0x11: {  	[tilespmem:s18], [sflag:$0x1] =	stream.indirect_vreg.gather [hbm4b:s2+s10], $0x1, v1, vm0, $0x4038;
	[tilespmem:$0xFA00] =	vst v63  }
0x12: {  	(ifvalue) =	ssetifvalue $0x7FFFFFFF  }
0x13: {  	[tilespmem:s15], [sflag:$0x1] =	stream.indirect_vreg.gather [hbm4b:s2+s10], $0x1, v2, vm0, $0x4038;
	[tilespmem:$0xFA00] =	vst v63  }
0x14: {  	s29 =	sadd.s32 $0x10, s15;
	(ifvalue) =	ssetifvalue $0x7FFFFFFF  }
0x15: {  	[tilespmem:s29], [sflag:$0x1] =	stream.indirect_vreg.gather [hbm4b:s2+s10], $0x1, v0, vm0, $0x4038;
	[tilespmem:$0xFA00] =	vst v63  }
0x16: {  	_ =	swait.ge [sflag:s4], $0x3E80  }
0x17: {  	s30 =	sshrl.u32 s13, $0x3;
	[sflag:s4] =	ssyncset.done $0x0  }
0x18: {  	s31 =	sand.u32 $0x7, s13;
	s15 =	sadd.s32 s8, s30;
	[sflag:s4] =	ssyncadd.s32 $0xFFFFC180  }
0x19: {  	[hbm4b:s15+s31] =	stream.linear.scatter [tilespmem:s14], [sflag:$0x3], $0x3E80, $0x38;
	[tilespmem:$0xFA00] =	vst v63  }
.LBB2_5:
0x1a: {  	s15 =	sadd.s32 $0x7D000, s11  }
0x1b: {  	p1 =	sgt.s32 s15, $0x9C3FF  }
0x1c: {  	s15 =	smov.u32 @p1 s5;
	p1 =	sne.s32 s12, s9  }
.Ltmp1:
0x1d: {  	p0 =	slt.u32 s12, $0x2;
	(pc) =	sbr.rel @!p1 .LBB2_6-.Ltmp1, $4  }
0x1e: {  	s14 =	simm.s32 @!p0 $0x3  }
0x1f: {  	_ =	swait.ge @!p0 [sflag:s14], $0x3E80  }
0x20: {  	s16 =	sadd.s32 $0x1, s12;
	s13 =	smov.u32 s11;
	[sflag:s14] =	ssyncset.done @!p0 $0x0  }
0x21: {  	s12 =	smov.u32 s16;
	s11 =	smov.u32 s15;
	[sflag:s14] =	ssyncadd.s32 @!p0 $0xFFFFC180  }
.LBB2_1:
0x22: {  	p0 =	sge.u32 s12, s7  }
0x23: {  	s14 =	sxor.u32 @!p0 $0x1, s12  }
0x24: {  	s14 =	smul.u32 @!p0 $0xFA00, s14  }
0x25: {  	s31 =	sadd.s32 $0xFFFFFFFF, s12;
	s15 =	sshrl.u32 @!p0 s11, $0x3  }
0x26: {  	s16 =	sand.u32 @!p0 $0x7, s11;
	s15 =	sadd.s32 @!p0 s3, s15;
	s14 =	sshra.s32 @!p0 s14, $0x2  }
0x27: {  	[tilespmem:s14], [sflag:$0x2] =	stream.linear.gather @!p0 [hbm4b:s15+s16], $0x3E80, $0x38;
	[tilespmem:$0xFA00] =	vst v63  }
0x28: {  	p0 =	sge.u32 s31, s7  }
.Ltmp2:
0x29: {  	_ = 	snop;
	(pc) =	sbr.rel @p0 .LBB2_5-.Ltmp2, $1  }
0x2a: {  	_ =	sdelay $0x3  }
0x2b: {  	s14 =	sand.u32 $0x1, s12  }
0x2c: {  	_ =	swait.ge [sflag:s6], $0x3E80;
	p0 =	seq.s32 s14, $0x1;
	s14 =	simm.s32 $0x3E80  }
0x2d: {  	[sflag:s6] =	ssyncset.done $0x0;
	s14 =	simm.s32 @!p0 $0x0  }
0x2e: {  	[sflag:s6] =	ssyncadd.s32 $0xFFFFC180;
	(ifvalue) =	ssetifvalue $0x7FFFFFFF;
	v0 =	vld.msk [tilespmem:s14+$0x0 ss:$0x1], $0xffff;
	_ =	sdelay $0x4  }
0x2f: {  	s15 =	sadd.s32 $0x10, s14;
	vm1 =	vgt.s32 v0, $0x0  }
0x30: {  	v2 =	vld.msk [tilespmem:s15+$0x0 ss:$0x1], $0xffff;
	v1 =	vnsel vm1, $0x0, v0  }
0x31: {  	v1 =	vmin.u32 v1, $0x9C3FF;
	_ =	sdelay $0x2  }
0x32: {  	s17 =	simm.s32 $0x20;
	s14 =	sadd.s32 $0x7D00, s14;
	s16 =	sadd.s32 $0x10, s15  }
0x33: {  	s15 =	sadd.s32 $0x10, s14;
	s18 =	smov.u32 s14;
	v0 =	vld.msk [tilespmem:s16+$0x0 ss:$0x1], $0xffff;
	vm1 =	vgt.s32 v2, $0x0;
	(ifvalue) =	ssetifvalue $0x7FFFFFFF  }
.LBB2_3:
0x34: {  	[tilespmem:s18], [sflag:$0x1] =	stream.indirect_vreg.gather [hbm4b:s2+s10], $0x1, v1, vm0, $0x4038;
	[tilespmem:$0xFA00] =	vst v63  }
0x35: {  	s17 =	sadd.s32 $0x10, s17  }
0x36: {  	v2 =	vnsel vm1, $0x0, v2;
	p0 =	slt.u32 s17, $0x3E70  }
.Ltmp3:
0x37: {  	s18 =	smov.u32 s15;
	v1 =	vmin.u32 v2, $0x9C3FF;
	(pc) =	sbr.rel @p0 .LBB2_3-.Ltmp3, $3  }
0x38: {  	_ =	sdelay $0x1  }
0x39: {  	s16 =	sadd.s32 $0x10, s16  }
0x3a: {  	vm1 =	vgt.s32 v0, $0x0;
	s15 =	sadd.s32 $0x10, s15;
	v2 =	vmov v0;
	(ifvalue) =	ssetifvalue $0x7FFFFFFF;
	v0 =	vld.msk [tilespmem:s16+$0x0 ss:$0x1], $0xffff  }
.Ltmp4:
0x3b: {  	_ = 	snop;
	(pc) =	sbr.rel .LBB2_4-.Ltmp4, $1  }
0x3c: {  	_ =	sdelay $0x3  }
.LBB2_6:
0x3d: {  	_ =	sfence.sel $0x180000  }
0x3e: {  	s2 =	simm.s32 $0x2;
	[bflag:$0x0] =	sbarrier.arrive $0xFFFF  }
0x3f: {  	s30 =	simm.s32 $0x3;
	[sflag:s2] =	ssyncpa.u1 $0x1  }
0x40: {  	s31 =	simm.s32 $0x1;
	[sflag:s30] =	ssyncpa.u1 $0x1  }
0x41: {  	[sflag:s31] =	ssyncpa.u1 $0x1  }
0x42: {  	p0 =	sne.s32 s1, $0x0;
	_ =	strace $0x90000053  }
0x43: {  	s0 =	sadd.s32 @!p0 $0x100000, s0;
	[bflag:$0x2] =	sbarrier.arrive $0xFFFF  }
0x44: {  	[sflag:s0] =	ssyncadd.tile.s32 @!p0 $0x1;
	_ =	shalt  }
.Lfunc_end2:
_tile_overlayer_lowered:
.L_overlay_start_2:
0x45: {  	(tag) =	ssettag $0x2  }
0x46: {  	s0 =	rddreg [dreg:$0x0];
	s2 =	stileid.u32  }
0x47: {  	s1 =	rddreg [dreg:$0x1];
	p0 =	sne.s32 s2, $0x0  }
0x48: {  	s3 =	rddreg [dreg:$0x2];
	[bflag:$0x3] =	sbarrier.arrive $0xFFFF;
	s2 =	simm.s32 @!p0 $0x1C01  }
0x49: {  	[timem:s3], [sflag:s2] =	dma.local @!p0 [hbm:s0], s1  }
0x4a: {  	s0 =	simm.s32 @!p0 $0x1  }
0x4b: {  	_ =	swait.ge @!p0 [sflag:s0], s1  }
0x4c: {  	s1 =	ssub.s32 @!p0 $0x0, s1;
	[sflag:s0] =	ssyncset.done @!p0 $0x0  }
0x4d: {  	[sflag:s0] =	ssyncadd.s32 @!p0 s1  }
0x4e: {  	[bflag:$0x3] =	sbarrier.arrive $0xFFFF  }
0x4f: {  	_ =	shalt  }

// kernel: kernel.10.cloned.1.call-start
scs
__scs_entry_jumppad:
0x0: {  	(pc) =	sbr.rel $0x88, $3  }
0x1: {  	(tag) =	ssettag $0x0;
	lr =	simm.s32 $0x1  }
0x2: {  	[smem:$0x3F8E] =	sst lr;
	_ =	strace $0xD0000000  }
0x3: {  	_ = 	snop  }
0x4: {  	_ = 	snop  }
0x5: {  	_ = 	snop  }
0x6: {  	_ = 	snop  }
0x7: {  	_ = 	snop  }
__scs_overlays_trampoline_lowered:
0x8: {  	[smem:$0x3F9D] =	sst s0  }
0x9: {  	[smem:$0x3F9E] =	sst s1  }
0xa: {  	[smem:$0x3F9F] =	sst s2  }
0xb: {  	[smem:$0x3FA0] =	sst s3  }
0xc: {  	[smem:$0x3FA1] =	sst s4  }
0xd: {  	[smem:$0x3FA2] =	sst s5  }
0xe: {  	[smem:$0x3FA3] =	sst s6  }
0xf: {  	[smem:$0x3FA4] =	sst s7  }
0x10: {  	[smem:$0x3FA5] =	sst s8  }
0x11: {  	[smem:$0x3FA6] =	sst s9;
	s0 =	simm.s32 @!p0 $0x0  }
0x12: {  	s1 =	sld [smem:$0x3F8C];
	s0 =	simm.s32 @p0 $0x1  }
0x13: {  	[smem:$0x3FA7] =	sst s0;
	s0 =	simm.s32 @!p1 $0x0  }
0x14: {  	s2 =	sld [smem:$0x3F8B];
	s0 =	simm.s32 @p1 $0x1  }
0x15: {  	[smem:$0x3FA8] =	sst s0;
	s0 =	simm.s32 @!p2 $0x0  }
0x16: {  	s3 =	sld [smem:$0x3FDB];
	s0 =	simm.s32 @p2 $0x1  }
0x17: {  	s4 =	simm.s32 $0x1BF5;
	[smem:$0x3FAA] =	sst s0  }
0x18: {  	s0 =	sld [smem:$0x3F8D];
	_ =	swait.ge [sflag:s4], $0x0  }
0x19: {  	s7 =	sld [smem:$0x3F8E]  }
0x1a: {  	s8 =	sadd.s32 $0xFFFFE003, lr  }
0x1b: {  	s9 =	sadd.s32 $0xFFFFFEF7, lr;
	s5 =	simm.s32 $0xFFFFFFFF;
	p2 =	slt.u32 s8, $0xFFFFF086  }
0x1c: {  	p1 =	slt.u32 s9, $0xF7A;
	s5 =	simm.s32 @!p2 $0x0  }
0x1d: {  	s5 =	simm.s32 @p1 $0x1;
	p0 =	seq.s32 s7, s2  }
0x1e: {  	s7 =	smul.u32 @!p0 $0xF7A, s2;
	p2 =	seq.s32 @!p0 s5, $0x0  }
0x1f: {  	s9 =	smul.u32 $0xF7A, s1;
	s8 =	simm.s32 @!p0 $0x1BF5;
	p2 =	por !p2, p0  }
0x20: {  	[sflag:s8] =	ssyncset.s32 @!p0 $0xFFFFF086;
	s6 =	sadd.s32 @!p0 s3, s7;
	s7 =	simm.s32 @!p0 $0x108  }
0x21: {  	s3 =	sadd.s32 s3, s9;
	s6 =	sadd.s32 @!p0 $0x88, s6;
	s7 =	simm.s32 @p2 $0x1082  }
0x22: {  	[simem:s7], [sflag:s8] =	dma.local @!p0 [hbm:s6], $0xF7A  }
0x23: {  	s9 =	sor.u32 $0xD0000000, s2;
	s6 =	simm.s32 $0x108;
	_ =	swait.ge @!p0 [sflag:s8], $0x0  }
0x24: {  	s3 =	sadd.s32 $0x88, s3;
	s6 =	simm.s32 @!p1 $0x1082;
	[sflag:s4] =	ssyncset.s32 $0xFFFFF086  }
0x25: {  	[simem:s6], [sflag:s4] =	dma.local [hbm:s3], $0xF7A  }
0x26: {  	[smem:$0x3F8E] =	sst s1;
	(tag) =	ssettag s2;
	_ =	strace s9  }
0x27: {  	s1 =	sld [smem:$0x3F9E]  }
0x28: {  	s2 =	sld [smem:$0x3F9F]  }
0x29: {  	s4 =	sld [smem:$0x3FA1]  }
0x2a: {  	p0 =	seq.s32 s5, $0x0;
	s5 =	sld [smem:$0x3FA2]  }
0x2b: {  	s6 =	sld [smem:$0x3FA3]  }
0x2c: {  	s7 =	sld [smem:$0x3FA4]  }
0x2d: {  	s3 =	simm.s32 $0x108;
	s8 =	sld [smem:$0x3FA5]  }
0x2e: {  	s3 =	simm.s32 @!p0 $0x1082;
	s9 =	sld [smem:$0x3FA6]  }
0x2f: {  	lr =	sadd.s32 s0, s3;
	s0 =	sld [smem:$0x3F9D]  }
0x30: {  	s3 =	sld [smem:$0x3FA0]  }
0x31: {  	[smem:$0x3FA9] =	sst s10  }
0x32: {  	s10 =	sld [smem:$0x3FA7];
	_ =	sdelay $0x3  }
0x33: {  	p0 =	seq.s32 s10, $0x1;
	s10 =	sld [smem:$0x3FA9];
	_ =	sdelay $0x3  }
0x34: {  	[smem:$0x3FA9] =	sst s10  }
0x35: {  	s10 =	sld [smem:$0x3FA8];
	_ =	sdelay $0x3  }
0x36: {  	p1 =	seq.s32 s10, $0x1;
	s10 =	sld [smem:$0x3FA9];
	_ =	sdelay $0x3  }
0x37: {  	[smem:$0x3FA9] =	sst s10  }
0x38: {  	s10 =	sld [smem:$0x3FAA]  }
0x39: {  	_ = 	snop;
	(pc) =	sbr.ind lr, $3  }
0x3a: {  	_ = 	snop  }
0x3b: {  	_ = 	snop  }
0x3c: {  	p2 =	seq.s32 s10, $0x1;
	s10 =	sld [smem:$0x3FA9]  }
0x3d: {  	_ =	shalt  }
0x3e: {  	_ =	shalt  }
0x3f: {  	_ =	shalt  }
0x40: {  	_ =	shalt  }
0x41: {  	_ =	shalt  }
0x42: {  	_ =	shalt  }
0x43: {  	_ =	shalt  }
0x44: {  	_ =	shalt  }
0x45: {  	_ =	shalt  }
0x46: {  	_ =	shalt  }
0x47: {  	_ =	shalt  }
0x48: {  	_ =	shalt  }
0x49: {  	_ =	shalt  }
0x4a: {  	_ =	shalt  }
0x4b: {  	_ =	shalt  }
0x4c: {  	_ =	shalt  }
0x4d: {  	_ =	shalt  }
0x4e: {  	_ =	shalt  }
0x4f: {  	_ =	shalt  }
0x50: {  	_ =	shalt  }
0x51: {  	_ =	shalt  }
0x52: {  	_ =	shalt  }
0x53: {  	_ =	shalt  }
0x54: {  	_ =	shalt  }
0x55: {  	_ =	shalt  }
0x56: {  	_ =	shalt  }
0x57: {  	_ =	shalt  }
0x58: {  	_ =	shalt  }
0x59: {  	_ =	shalt  }
0x5a: {  	_ =	shalt  }
0x5b: {  	_ =	shalt  }
0x5c: {  	_ =	shalt  }
0x5d: {  	_ =	shalt  }
0x5e: {  	_ =	shalt  }
0x5f: {  	_ =	shalt  }
0x60: {  	_ =	shalt  }
0x61: {  	_ =	shalt  }
0x62: {  	_ =	shalt  }
0x63: {  	_ =	shalt  }
0x64: {  	_ =	shalt  }
0x65: {  	_ =	shalt  }
0x66: {  	_ =	shalt  }
0x67: {  	_ =	shalt  }
0x68: {  	_ =	shalt  }
0x69: {  	_ =	shalt  }
0x6a: {  	_ =	shalt  }
0x6b: {  	_ =	shalt  }
0x6c: {  	_ =	shalt  }
0x6d: {  	_ =	shalt  }
0x6e: {  	_ =	shalt  }
0x6f: {  	_ =	shalt  }
0x70: {  	_ =	shalt  }
0x71: {  	_ =	shalt  }
0x72: {  	_ =	shalt  }
0x73: {  	_ =	shalt  }
0x74: {  	_ =	shalt  }
0x75: {  	_ =	shalt  }
0x76: {  	_ =	shalt  }
0x77: {  	_ =	shalt  }
0x78: {  	_ =	shalt  }
0x79: {  	_ =	shalt  }
0x7a: {  	_ =	shalt  }
0x7b: {  	_ =	shalt  }
0x7c: {  	_ =	shalt  }
0x7d: {  	_ =	shalt  }
0x7e: {  	_ =	shalt  }
0x7f: {  	_ =	shalt  }
0x80: {  	_ =	shalt  }
0x81: {  	_ =	shalt  }
0x82: {  	_ =	shalt  }
0x83: {  	_ =	shalt  }
0x84: {  	_ =	shalt  }
0x85: {  	_ =	shalt  }
0x86: {  	_ =	shalt  }
0x87: {  	_ =	shalt  }
.Lfunc_end0:
.L_simem_size_0:
called_computation.3_lowered:
.L_overlay_start_0:
0x88: {  	s2 =	sld [smem:$0x3FD9]  }
0x89: {  	s3 =	sld [smem:$0x3FFE];
	_ =	sdelay $0x1  }
0x8a: {  	s1 =	srdreg.scid  }
0x8b: {  	s0 =	sand.u32 $0x1, s1  }
0x8c: {  	s17 =	sshll.u32 s0, $0xA;
	s2 =	sadd.s32 s3, s2  }
0x8d: {  	s2 =	sadd.s32 s2, s17  }
0x8e: {  	[smem:$0x3FB5] =	sst s2  }
0x8f: {  	_ = 	snop  }
0x90: {  	(tm) =	ssettm $0x1  }
0x91: {  	s18 =	sld [smem:$0x3FFB];
	_ =	sdelay $0x3  }
0x92: {  	_ =	strace s18  }
0x93: {  	s2 =	sld [smem:$0x3FFC];
	_ =	sdelay $0x3  }
0x94: {  	_ =	strace s2  }
0x95: {  	s2 =	sld [smem:$0x3FFD];
	_ =	sdelay $0x3  }
0x96: {  	_ =	strace s2  }
0x97: {  	_ =	strace $0x8FFFFFFF  }
0x98: {  	s19 =	sld [smem:$0x3FDB];
	_ =	sdelay $0x1  }
0x99: {  	s20 =	simm.s32 $_scs_section_size  }
0x9a: {  	s4 =	simm.s32 $_size__tile_overlayer_lowered;
	s5 =	simm.s32 $_tile_overlayer_lowered  }
0x9b: {  	s6 =	simm.s32 $0x1BFF;
	s21 =	sshll.u32 s5, $0x1;
	s3 =	sadd.s32 s20, s19  }
0x9c: {  	s22 =	simm.s32 $0x0;
	s4 =	sshll.u32 s4, $0x1;
	s5 =	sadd.s32 s21, s3  }
0x9d: {  	[timem:s22], [sflag:s6] =	dma.local [hbm:s5], s4  }
0x9e: {  	_ =	swait.ge [sflag:s6], s4  }
0x9f: {  	s4 =	ssub.s32 $0x0, s4;
	[sflag:s6] =	ssyncset.done $0x0  }
0xa0: {  	[sflag:s6] =	ssyncadd.s32 s4;
	_ =	sdelay $0x1  }
0xa1: {  	s23 =	simm.s32 $0x1B8B  }
0xa2: {  	_ =	swait.ge [sflag:s23], $0x1  }
0xa3: {  	[sflag:s23] =	ssyncset.done $0x0  }
0xa4: {  	[sflag:s23] =	ssyncadd.s32 $0xFFFFFFFF  }
0xa5: {  	s4 =	sld [smem:$0x0]  }
0xa6: {  	s5 =	sand.u32 $0xFFFFFFFE, s1  }
0xa7: {  	p0 =	sne.s32 s1, s5  }
0xa8: {  	s5 =	sshll.u32 @p0 s5, $0xE  }
0xa9: {  	s5 =	sadd.s32 @p0 $0x11B8D, s5;
	s6 =	sshll.u32 @p0 s4, $0x11  }
0xaa: {  	s5 =	sor.u32 @p0 s6, s5  }
0xab: {  	[sflag:s5] =	ssyncadd.remote.s32 @p0 $0x1;
	_ =	sdelay $0x1  }
0xac: {  	s5 =	simm.s32 @p0 $0x1B8D  }
0xad: {  	_ =	swait.eq @p0 [sflag:s5], $0x1  }
0xae: {  	[sflag:s5] =	ssyncadd.s32 @p0 $0xFFFFFFFF  }
0xaf: {  	s6 =	sshll.u32 @!p0 s1, $0xE  }
0xb0: {  	s6 =	sor.u32 @!p0 $0x4000, s6;
	s5 =	simm.s32 @!p0 $0x1B8D  }
0xb1: {  	s4 =	sshll.u32 @!p0 s4, $0x11;
	s6 =	sadd.s32 @!p0 $0x11B8D, s6;
	_ =	swait.eq @!p0 [sflag:s5], $0x1  }
0xb2: {  	s4 =	sor.u32 @!p0 s4, s6;
	[sflag:s5] =	ssyncadd.s32 @!p0 $0xFFFFFFFF  }
0xb3: {  	s25 =	simm.s32 $0x1B8E;
	s24 =	sld [smem:$0x3FFE];
	[sflag:s4] =	ssyncadd.remote.s32 @!p0 $0x1  }
0xb4: {  	s26 =	simm.s32 $execute0_lowered;
	[smem:$0x3FD2] =	sst s25  }
0xb5: {  	s5 =	sshll.u32 s26, $0x1;
	_ =	strace $0x8000004F;
	[dreg:$0x1] =	wrdreg $0xFFFFFFFF  }
0xb6: {  	s28 =	simm.s32 $_size_execute0_lowered;
	s3 =	sadd.s32 s3, s5;
	[dreg:$0x0] =	wrdreg $0x0  }
0xb7: {  	s5 =	sshll.u32 s28, $0x1;
	[dreg:$0x2] =	wrdreg s3  }
0xb8: {  	[dreg:$0x3] =	wrdreg s5  }
0xb9: {  	[dreg:$0x4] =	wrdreg $0xC0  }
0xba: {  	_ =	task [dreg:s22], $0x5FFFF  }
0xbb: {  	[dreg:$0x1] =	wrdreg $0xFFFFFFFF  }
0xbc: {  	[dreg:$0x0] =	wrdreg $0x60  }
0xbd: {  	[dreg:$0x2] =	wrdreg s24  }
0xbe: {  	[dreg:$0x3] =	wrdreg $0x9  }
0xbf: {  	_ =	task.clear_ibuf [dreg:s22], $0x4FFFF;
	_ =	strace $0x9000004F  }
0xc0: {  	s29 =	simm.s32 $0x9;
	_ =	strace $0x80000051  }
0xc1: {  	_ =	swait.ge [sflag:s29], $0x1  }
0xc2: {  	[sflag:s29] =	ssyncadd.s32 $0xFFFFFFFF  }
0xc3: {  	_ =	strace $0x90000051  }
0xc4: {  	_ =	sfence  }
0xc5: {  	s30 =	sld [smem:$0x0];
	_ =	sdelay $0x2  }
0xc6: {  	s31 =	sshll.u32 s1, $0xD;
	s1 =	sshrl.u32 s1, $0x2  }
0xc7: {  	s4 =	sand.u32 $0x4000, s31;
	s1 =	sadd.s32 s1, s30  }
0xc8: {  	s0 =	sor.u32 s4, s0;
	s1 =	sshll.u32 s1, $0x11  }
0xc9: {  	s0 =	sor.u32 s1, s0  }
0xca: {  	s0 =	sadd.s32 $0x8F2B, s0  }
0xcb: {  	[sflag:s0] =	ssyncadd.remote.s32 $0x1  }
0xcc: {  	_ =	sfence.sel $0xFFFF  }
0xcd: {  	[dreg:$0x0] =	wrdreg $0xFFFFFFFF;
	(pc) =	sbr.abs _section_cstart, $3  }
0xce: {  	[dreg:$0x1] =	wrdreg $0xFFFFFFFF  }
0xcf: {  	_ =	task.clear_ibuf [dreg:s22], $0x2FFFF;
	_ =	strace $0x9FFFFFFF  }
0xd0: {  	(tm) =	ssettm $0x7FFFFFFF  }
0xd1: {  	_ =	shalt  }
tec
execute0_lowered:
.L_overlay_start_1:
0x0: {  	(tag) =	ssettag $0x1  }
0x1: {  	s0 =	rddreg [dreg:$0x0]  }
0x2: {  	s2 =	simm.s32 $0x0;
	s1 =	srdreg.scid;
	s10 =	stileid.u32  }
0x3: {  	s13 =	simm.s32 $0x6;
	s15 =	simm.s32 $0x50;
	s16 =	simm.s32 $0x4E20  }
0x4: {  	s17 =	simm.s32 $0x9E20;
	s18 =	simm.s32 $0x6220;
	s19 =	simm.s32 $0xB220  }
0x5: {  	s20 =	simm.s32 $0x7620;
	s21 =	simm.s32 $0xC620;
	s22 =	simm.s32 $0x8A20  }
0x6: {  	s23 =	simm.s32 $0xDA20;
	s24 =	simm.s32 $0x1;
	s25 =	simm.s32 $0x2  }
0x7: {  	s26 =	simm.s32 $0x3;
	s28 =	simm.s32 $0x4;
	s29 =	simm.s32 $0x5  }
0x8: {  	[smem:$0x7FF] =	sst s2;
	s1 =	sand.u32 $0x1, s1;
	s3 =	sshll.u32 s10, $0x1  }
0x9: {  	s4 =	sadd.s32 $0x197800, s0;
	s12 =	smul.u32 $0x27100, s10;
	s5 =	sor.u32 s1, s3  }
0xa: {  	s11 =	sadd.s32 $0x1B0200, s0;
	s7 =	ssub.s32 $0x2, s1;
	s6 =	smul.u32 $0x4E2, s5  }
0xb: {  	_ =	strace $0x80000050;
	s5 =	smul.u32 $0x9C400, s5;
	s8 =	sshrl.u32 s7, $0x1  }
0xc: {  	s3 =	sadd.s32 $0x15C400, s0;
	s10 =	smul.u32 $0x13880, s1;
	s9 =	ssub.s32 s7, s8  }
0xd: {  	s6 =	sadd.s32 s6, s0;
	s0 =	sadd.s32 $0x421200, s0;
	s5 =	sshrl.u32 s5, $0x3  }
0xe: {  	s9 =	smax.u32 s9, $0x1;
	s30 =	sadd.s32 $0x183A00, s6;
	s5 =	sadd.s32 $0x13600, s5  }
0xf: {  	s6 =	sadd.s32 $0x179C00, s6;
	s14 =	sadd.s32 s12, s0;
	[dreg:$0x2] =	wrdreg s30  }
0x10: {  	s12 =	sadd.s32 s12, s11;
	[dreg:$0x3] =	wrdreg s6;
	s31 =	sadd.s32 s11, s5  }
0x11: {  	s8 =	sadd.s32 s0, s5;
	s0 =	simm.s32 $0x0;
	[dreg:$0x4] =	wrdreg s31  }
.LBB2_1:
0x12: {  	s1 =	rddreg [dreg:$0x2]  }
0x13: {  	[tilespmem:s2], [sflag:$0x6] =	stream.linear.gather [hbm4b:s1+s2], $0x2710, $0x38;
	[tilespmem:$0xEE20] =	vst v63  }
0x14: {  	_ =	swait.ge [sflag:s13], $0x2710  }
0x15: {  	[sflag:s13] =	ssyncset.done $0x0  }
0x16: {  	s5 =	simm.s32 $0x2710;
	s6 =	rddreg [dreg:$0x3];
	[sflag:s13] =	ssyncadd.s32 $0xFFFFD8F0  }
0x17: {  	[tilespmem:s5], [sflag:$0x6] =	stream.linear.gather [hbm4b:s6+s2], $0x2710, $0x38;
	[tilespmem:$0xEE20] =	vst v63  }
0x18: {  	_ =	swait.ge [sflag:s13], $0x2710  }
0x19: {  	p0 =	por $0x1, $0x1;
	[sflag:s13] =	ssyncset.done $0x0  }
0x1a: {  	s1 =	simm.s32 @!p0 $0x5;
	[sflag:s13] =	ssyncadd.s32 $0xFFFFD8F0  }
0x1b: {  	_ =	swait.ge @!p0 [sflag:s1], $0x1400  }
0x1c: {  	[sflag:s1] =	ssyncset.done @!p0 $0x0  }
0x1d: {  	[sflag:s1] =	ssyncadd.s32 @!p0 $0xFFFFEC00  }
0x1e: {  	_ =	swait.ge @!p0 [sflag:s1], $0x1400  }
0x1f: {  	[sflag:s1] =	ssyncset.done @!p0 $0x0  }
0x20: {  	[sflag:s1] =	ssyncadd.s32 @!p0 $0xFFFFEC00  }
0x21: {  	_ =	swait.ge @!p0 [sflag:s1], $0x1400  }
0x22: {  	[sflag:s1] =	ssyncset.done @!p0 $0x0  }
0x23: {  	[sflag:s1] =	ssyncadd.s32 @!p0 $0xFFFFEC00  }
0x24: {  	_ =	swait.ge @!p0 [sflag:s1], $0x1400  }
0x25: {  	[sflag:s1] =	ssyncset.done @!p0 $0x0  }
0x26: {  	[sflag:s1] =	ssyncadd.s32 @!p0 $0xFFFFEC00  }
0x27: {  	_ =	swait.ge @!p0 [sflag:s1], $0x1400  }
0x28: {  	[sflag:s1] =	ssyncset.done @!p0 $0x0  }
0x29: {  	[sflag:s1] =	ssyncadd.s32 @!p0 $0xFFFFEC00  }
0x2a: {  	_ =	swait.ge @!p0 [sflag:s1], $0x1400  }
0x2b: {  	[sflag:s1] =	ssyncset.done @!p0 $0x0  }
0x2c: {  	[sflag:s1] =	ssyncadd.s32 @!p0 $0xFFFFEC00  }
0x2d: {  	_ =	swait.ge @!p0 [sflag:s1], $0x1400  }
0x2e: {  	[sflag:s1] =	ssyncset.done @!p0 $0x0  }
0x2f: {  	[sflag:s1] =	ssyncadd.s32 @!p0 $0xFFFFEC00  }
0x30: {  	_ =	swait.ge @!p0 [sflag:s1], $0x1400  }
0x31: {  	[sflag:s1] =	ssyncset.done @!p0 $0x0  }
0x32: {  	s7 =	simm.s32 $0x0;
	[sflag:s1] =	ssyncadd.s32 @!p0 $0xFFFFEC00  }
0x33: {  	[tilespmem:s16], [sflag:$0x1] =	stream.indirect.gather [hbm4b:s3+s15], $0x40, s7, s15, $0xb8;
	[tilespmem:$0xEE20] =	vst v63  }
0x34: {  	s11 =	simm.s32 $0x2710  }
0x35: {  	[tilespmem:s17], [sflag:$0x1] =	stream.indirect.gather [hbm4b:s4+s15], $0x40, s11, s15, $0xb8;
	[tilespmem:$0xEE20] =	vst v63  }
0x36: {  	s5 =	simm.s32 $0x50  }
0x37: {  	[tilespmem:s18], [sflag:$0x2] =	stream.indirect.gather [hbm4b:s3+s15], $0x40, s5, s15, $0xb8;
	[tilespmem:$0xEE20] =	vst v63  }
0x38: {  	s6 =	simm.s32 $0x2760  }
0x39: {  	[tilespmem:s19], [sflag:$0x2] =	stream.indirect.gather [hbm4b:s4+s15], $0x40, s6, s15, $0xb8;
	[tilespmem:$0xEE20] =	vst v63  }
0x3a: {  	s7 =	simm.s32 $0xA0  }
0x3b: {  	[tilespmem:s20], [sflag:$0x3] =	stream.indirect.gather [hbm4b:s3+s15], $0x40, s7, s15, $0xb8;
	[tilespmem:$0xEE20] =	vst v63  }
0x3c: {  	s11 =	simm.s32 $0x27B0  }
0x3d: {  	[tilespmem:s21], [sflag:$0x3] =	stream.indirect.gather [hbm4b:s4+s15], $0x40, s11, s15, $0xb8;
	[tilespmem:$0xEE20] =	vst v63  }
0x3e: {  	s5 =	simm.s32 $0xF0  }
0x3f: {  	[tilespmem:s22], [sflag:$0x4] =	stream.indirect.gather [hbm4b:s3+s15], $0x40, s5, s15, $0xb8;
	[tilespmem:$0xEE20] =	vst v63  }
0x40: {  	s6 =	simm.s32 $0x2800  }
0x41: {  	[tilespmem:s23], [sflag:$0x4] =	stream.indirect.gather [hbm4b:s4+s15], $0x40, s6, s15, $0xb8;
	[tilespmem:$0xEE20] =	vst v63  }
0x42: {  	_ =	swait.ge [sflag:s24], $0x1400  }
0x43: {  	[sflag:s24] =	ssyncset.done $0x0  }
0x44: {  	[sflag:s24] =	ssyncadd.s32 $0xFFFFEC00  }
0x45: {  	_ =	swait.ge [sflag:s24], $0x1400  }
0x46: {  	[sflag:s24] =	ssyncset.done $0x0  }
0x47: {  	s1 =	sadd.s32 s12, s10;
	[sflag:s24] =	ssyncadd.s32 $0xFFFFEC00  }
0x48: {  	[hbm4b:s1+s2] =	stream.linear.scatter [tilespmem:s16], [sflag:$0x5], $0x1400, $0x38;
	[tilespmem:$0xEE20] =	vst v63  }
0x49: {  	s5 =	sadd.s32 s14, s10  }
0x4a: {  	[hbm4b:s5+s2] =	stream.linear.scatter [tilespmem:s17], [sflag:$0x5], $0x1400, $0x38;
	[tilespmem:$0xEE20] =	vst v63  }
0x4b: {  	_ =	swait.ge [sflag:s25], $0x1400  }
0x4c: {  	[sflag:s25] =	ssyncset.done $0x0  }
0x4d: {  	[sflag:s25] =	ssyncadd.s32 $0xFFFFEC00  }
0x4e: {  	_ =	swait.ge [sflag:s25], $0x1400  }
0x4f: {  	[sflag:s25] =	ssyncset.done $0x0  }
0x50: {  	s11 =	sadd.s32 $0x280, s1;
	[sflag:s25] =	ssyncadd.s32 $0xFFFFEC00  }
0x51: {  	[hbm4b:s11+s2] =	stream.linear.scatter [tilespmem:s18], [sflag:$0x5], $0x1400, $0x38;
	[tilespmem:$0xEE20] =	vst v63  }
0x52: {  	s7 =	sadd.s32 $0x280, s5  }
0x53: {  	[hbm4b:s7+s2] =	stream.linear.scatter [tilespmem:s19], [sflag:$0x5], $0x1400, $0x38;
	[tilespmem:$0xEE20] =	vst v63  }
0x54: {  	_ =	swait.ge [sflag:s26], $0x1400  }
0x55: {  	[sflag:s26] =	ssyncset.done $0x0  }
0x56: {  	[sflag:s26] =	ssyncadd.s32 $0xFFFFEC00  }
0x57: {  	_ =	swait.ge [sflag:s26], $0x1400  }
0x58: {  	[sflag:s26] =	ssyncset.done $0x0  }
0x59: {  	s6 =	sadd.s32 $0x500, s1;
	[sflag:s26] =	ssyncadd.s32 $0xFFFFEC00  }
0x5a: {  	[hbm4b:s6+s2] =	stream.linear.scatter [tilespmem:s20], [sflag:$0x5], $0x1400, $0x38;
	[tilespmem:$0xEE20] =	vst v63  }
0x5b: {  	s7 =	sadd.s32 $0x500, s5  }
0x5c: {  	[hbm4b:s7+s2] =	stream.linear.scatter [tilespmem:s21], [sflag:$0x5], $0x1400, $0x38;
	[tilespmem:$0xEE20] =	vst v63  }
0x5d: {  	_ =	swait.ge [sflag:s28], $0x1400  }
0x5e: {  	[sflag:s28] =	ssyncset.done $0x0  }
0x5f: {  	[sflag:s28] =	ssyncadd.s32 $0xFFFFEC00  }
0x60: {  	_ =	swait.ge [sflag:s28], $0x1400  }
0x61: {  	s30 =	simm.s32 $0x500;
	s31 =	simm.s32 $0xA00;
	[sflag:s28] =	ssyncset.done $0x0  }
0x62: {  	p1 =	por $0x0, $0x0;
	s1 =	sadd.s32 $0x780, s1;
	[sflag:s28] =	ssyncadd.s32 $0xFFFFEC00  }
0x63: {  	[hbm4b:s1+s2] =	stream.linear.scatter [tilespmem:s22], [sflag:$0x5], $0x1400, $0x38;
	[tilespmem:$0xEE20] =	vst v63  }
0x64: {  	s11 =	smov.u32 s14;
	s5 =	sadd.s32 $0x780, s5;
	s1 =	sadd.s32 $0xA00, s12  }
.LBB2_2:
0x65: {  	s6 =	simm.s32 @!p1 $0x5  }
0x66: {  	s11 =	sadd.s32 $0xA00, s11;
	s7 =	smov.u32 s31;
	s31 =	sadd.s32 $0x500, s31  }
0x67: {  	[hbm4b:s5+s2] =	stream.linear.scatter [tilespmem:s23], [sflag:$0x5], $0x1400, $0x38;
	[tilespmem:$0xEE20] =	vst v63  }
0x68: {  	p0 =	sne.s32 s31, $0x9B00;
	_ =	swait.ge @!p1 [sflag:s6], $0x1400  }
0x69: {  	[sflag:s6] =	ssyncset.done @!p1 $0x0  }
0x6a: {  	[sflag:s6] =	ssyncadd.s32 @!p1 $0xFFFFEC00  }
0x6b: {  	_ =	swait.ge @!p1 [sflag:s6], $0x1400  }
0x6c: {  	[sflag:s6] =	ssyncset.done @!p1 $0x0  }
0x6d: {  	[sflag:s6] =	ssyncadd.s32 @!p1 $0xFFFFEC00  }
0x6e: {  	_ =	swait.ge @!p1 [sflag:s6], $0x1400  }
0x6f: {  	[sflag:s6] =	ssyncset.done @!p1 $0x0  }
0x70: {  	[sflag:s6] =	ssyncadd.s32 @!p1 $0xFFFFEC00  }
0x71: {  	_ =	swait.ge @!p1 [sflag:s6], $0x1400  }
0x72: {  	[sflag:s6] =	ssyncset.done @!p1 $0x0  }
0x73: {  	[sflag:s6] =	ssyncadd.s32 @!p1 $0xFFFFEC00  }
0x74: {  	_ =	swait.ge @!p1 [sflag:s6], $0x1400  }
0x75: {  	[sflag:s6] =	ssyncset.done @!p1 $0x0  }
0x76: {  	[sflag:s6] =	ssyncadd.s32 @!p1 $0xFFFFEC00  }
0x77: {  	_ =	swait.ge @!p1 [sflag:s6], $0x1400  }
0x78: {  	[sflag:s6] =	ssyncset.done @!p1 $0x0  }
0x79: {  	[sflag:s6] =	ssyncadd.s32 @!p1 $0xFFFFEC00  }
0x7a: {  	_ =	swait.ge @!p1 [sflag:s6], $0x1400  }
0x7b: {  	[sflag:s6] =	ssyncset.done @!p1 $0x0  }
0x7c: {  	[sflag:s6] =	ssyncadd.s32 @!p1 $0xFFFFEC00  }
0x7d: {  	_ =	swait.ge @!p1 [sflag:s6], $0x1400  }
0x7e: {  	[sflag:s6] =	ssyncset.done @!p1 $0x0  }
0x7f: {  	s5 =	sshra.s32 s30, $0x2;
	s30 =	smov.u32 s7;
	[sflag:s6] =	ssyncadd.s32 @!p1 $0xFFFFEC00  }
0x80: {  	[tilespmem:s16], [sflag:$0x1] =	stream.indirect.gather [hbm4b:s3+s15], $0x40, s5, s15, $0xb8;
	[tilespmem:$0xEE20] =	vst v63  }
0x81: {  	s6 =	sadd.s32 $0x2710, s5  }
0x82: {  	[tilespmem:s17], [sflag:$0x1] =	stream.indirect.gather [hbm4b:s4+s15], $0x40, s6, s15, $0xb8;
	[tilespmem:$0xEE20] =	vst v63  }
0x83: {  	s6 =	sadd.s32 $0x50, s5  }
0x84: {  	[tilespmem:s18], [sflag:$0x2] =	stream.indirect.gather [hbm4b:s3+s15], $0x40, s6, s15, $0xb8;
	[tilespmem:$0xEE20] =	vst v63  }
0x85: {  	s6 =	sadd.s32 $0x2760, s5  }
0x86: {  	[tilespmem:s19], [sflag:$0x2] =	stream.indirect.gather [hbm4b:s4+s15], $0x40, s6, s15, $0xb8;
	[tilespmem:$0xEE20] =	vst v63  }
0x87: {  	s6 =	sadd.s32 $0xA0, s5  }
0x88: {  	[tilespmem:s20], [sflag:$0x3] =	stream.indirect.gather [hbm4b:s3+s15], $0x40, s6, s15, $0xb8;
	[tilespmem:$0xEE20] =	vst v63  }
0x89: {  	s6 =	sadd.s32 $0x27B0, s5  }
0x8a: {  	[tilespmem:s21], [sflag:$0x3] =	stream.indirect.gather [hbm4b:s4+s15], $0x40, s6, s15, $0xb8;
	[tilespmem:$0xEE20] =	vst v63  }
0x8b: {  	s6 =	sadd.s32 $0xF0, s5  }
0x8c: {  	[tilespmem:s22], [sflag:$0x4] =	stream.indirect.gather [hbm4b:s3+s15], $0x40, s6, s15, $0xb8;
	[tilespmem:$0xEE20] =	vst v63  }
0x8d: {  	s5 =	sadd.s32 $0x2800, s5  }
0x8e: {  	[tilespmem:s23], [sflag:$0x4] =	stream.indirect.gather [hbm4b:s4+s15], $0x40, s5, s15, $0xb8;
	[tilespmem:$0xEE20] =	vst v63  }
0x8f: {  	_ =	swait.ge [sflag:s24], $0x1400  }
0x90: {  	[sflag:s24] =	ssyncset.done $0x0  }
0x91: {  	[sflag:s24] =	ssyncadd.s32 $0xFFFFEC00  }
0x92: {  	_ =	swait.ge [sflag:s24], $0x1400  }
0x93: {  	[sflag:s24] =	ssyncset.done $0x0  }
0x94: {  	s5 =	sadd.s32 s1, s10;
	[sflag:s24] =	ssyncadd.s32 $0xFFFFEC00  }
0x95: {  	[hbm4b:s5+s2] =	stream.linear.scatter [tilespmem:s16], [sflag:$0x5], $0x1400, $0x38;
	[tilespmem:$0xEE20] =	vst v63  }
0x96: {  	s6 =	sadd.s32 s11, s10  }
0x97: {  	[hbm4b:s6+s2] =	stream.linear.scatter [tilespmem:s17], [sflag:$0x5], $0x1400, $0x38;
	[tilespmem:$0xEE20] =	vst v63  }
0x98: {  	_ =	swait.ge [sflag:s25], $0x1400  }
0x99: {  	[sflag:s25] =	ssyncset.done $0x0  }
0x9a: {  	[sflag:s25] =	ssyncadd.s32 $0xFFFFEC00  }
0x9b: {  	_ =	swait.ge [sflag:s25], $0x1400  }
0x9c: {  	[sflag:s25] =	ssyncset.done $0x0  }
0x9d: {  	s7 =	sadd.s32 $0x280, s5;
	[sflag:s25] =	ssyncadd.s32 $0xFFFFEC00  }
0x9e: {  	[hbm4b:s7+s2] =	stream.linear.scatter [tilespmem:s18], [sflag:$0x5], $0x1400, $0x38;
	[tilespmem:$0xEE20] =	vst v63  }
0x9f: {  	s7 =	sadd.s32 $0x280, s6  }
0xa0: {  	[hbm4b:s7+s2] =	stream.linear.scatter [tilespmem:s19], [sflag:$0x5], $0x1400, $0x38;
	[tilespmem:$0xEE20] =	vst v63  }
0xa1: {  	_ =	swait.ge [sflag:s26], $0x1400  }
0xa2: {  	[sflag:s26] =	ssyncset.done $0x0  }
0xa3: {  	[sflag:s26] =	ssyncadd.s32 $0xFFFFEC00  }
0xa4: {  	_ =	swait.ge [sflag:s26], $0x1400  }
0xa5: {  	[sflag:s26] =	ssyncset.done $0x0  }
0xa6: {  	s7 =	sadd.s32 $0x500, s5;
	[sflag:s26] =	ssyncadd.s32 $0xFFFFEC00  }
0xa7: {  	[hbm4b:s7+s2] =	stream.linear.scatter [tilespmem:s20], [sflag:$0x5], $0x1400, $0x38;
	[tilespmem:$0xEE20] =	vst v63  }
0xa8: {  	s7 =	sadd.s32 $0x500, s6  }
0xa9: {  	[hbm4b:s7+s2] =	stream.linear.scatter [tilespmem:s21], [sflag:$0x5], $0x1400, $0x38;
	[tilespmem:$0xEE20] =	vst v63  }
0xaa: {  	_ =	swait.ge [sflag:s28], $0x1400  }
0xab: {  	[sflag:s28] =	ssyncset.done $0x0  }
.Ltmp0:
0xac: {  	[sflag:s28] =	ssyncadd.s32 $0xFFFFEC00;
	(pc) =	sbr.rel @p0 .LBB2_2-.Ltmp0, $4  }
0xad: {  	_ =	swait.ge [sflag:s28], $0x1400  }
0xae: {  	s1 =	sadd.s32 $0xA00, s1;
	s7 =	sadd.s32 $0x780, s5;
	[sflag:s28] =	ssyncset.done $0x0  }
0xaf: {  	p1 =	seq.s32 s30, $0x0;
	s5 =	sadd.s32 $0x780, s6;
	[sflag:s28] =	ssyncadd.s32 $0xFFFFEC00  }
0xb0: {  	[hbm4b:s7+s2] =	stream.linear.scatter [tilespmem:s22], [sflag:$0x5], $0x1400, $0x38;
	[tilespmem:$0xEE20] =	vst v63  }
0xb1: {  	[hbm4b:s5+s2] =	stream.linear.scatter [tilespmem:s23], [sflag:$0x5], $0x1400, $0x38;
	[tilespmem:$0xEE20] =	vst v63  }
0xb2: {  	s5 =	simm.s32 @!p1 $0x5  }
0xb3: {  	_ =	swait.ge @!p1 [sflag:s5], $0x1400  }
0xb4: {  	[sflag:s5] =	ssyncset.done @!p1 $0x0  }
0xb5: {  	[sflag:s5] =	ssyncadd.s32 @!p1 $0xFFFFEC00  }
0xb6: {  	_ =	swait.ge @!p1 [sflag:s5], $0x1400  }
0xb7: {  	[sflag:s5] =	ssyncset.done @!p1 $0x0  }
0xb8: {  	[sflag:s5] =	ssyncadd.s32 @!p1 $0xFFFFEC00  }
0xb9: {  	_ =	swait.ge @!p1 [sflag:s5], $0x1400  }
0xba: {  	[sflag:s5] =	ssyncset.done @!p1 $0x0  }
0xbb: {  	[sflag:s5] =	ssyncadd.s32 @!p1 $0xFFFFEC00  }
0xbc: {  	_ =	swait.ge @!p1 [sflag:s5], $0x1400  }
0xbd: {  	[sflag:s5] =	ssyncset.done @!p1 $0x0  }
0xbe: {  	[sflag:s5] =	ssyncadd.s32 @!p1 $0xFFFFEC00  }
0xbf: {  	_ =	swait.ge @!p1 [sflag:s5], $0x1400  }
0xc0: {  	[sflag:s5] =	ssyncset.done @!p1 $0x0  }
0xc1: {  	[sflag:s5] =	ssyncadd.s32 @!p1 $0xFFFFEC00  }
0xc2: {  	_ =	swait.ge @!p1 [sflag:s5], $0x1400  }
0xc3: {  	[sflag:s5] =	ssyncset.done @!p1 $0x0  }
0xc4: {  	[sflag:s5] =	ssyncadd.s32 @!p1 $0xFFFFEC00  }
0xc5: {  	_ =	swait.ge @!p1 [sflag:s5], $0x1400  }
0xc6: {  	[sflag:s5] =	ssyncset.done @!p1 $0x0  }
0xc7: {  	[sflag:s5] =	ssyncadd.s32 @!p1 $0xFFFFEC00  }
0xc8: {  	_ =	swait.ge @!p1 [sflag:s5], $0x1400  }
0xc9: {  	[sflag:s5] =	ssyncset.done @!p1 $0x0  }
0xca: {  	[sflag:s5] =	ssyncadd.s32 @!p1 $0xFFFFEC00;
	s5 =	sshra.s32 s30, $0x2  }
0xcb: {  	[tilespmem:s16], [sflag:$0x1] =	stream.indirect.gather [hbm4b:s3+s15], $0x40, s5, s15, $0xb8;
	[tilespmem:$0xEE20] =	vst v63  }
0xcc: {  	s6 =	sadd.s32 $0x2710, s5  }
0xcd: {  	[tilespmem:s17], [sflag:$0x1] =	stream.indirect.gather [hbm4b:s4+s15], $0x40, s6, s15, $0xb8;
	[tilespmem:$0xEE20] =	vst v63  }
0xce: {  	s30 =	sadd.s32 $0x50, s5  }
0xcf: {  	[tilespmem:s18], [sflag:$0x2] =	stream.indirect.gather [hbm4b:s3+s15], $0x40, s30, s15, $0xb8;
	[tilespmem:$0xEE20] =	vst v63  }
0xd0: {  	s31 =	sadd.s32 $0x2760, s5  }
0xd1: {  	[tilespmem:s19], [sflag:$0x2] =	stream.indirect.gather [hbm4b:s4+s15], $0x40, s31, s15, $0xb8;
	[tilespmem:$0xEE20] =	vst v63  }
0xd2: {  	s7 =	sadd.s32 $0xA0, s5  }
0xd3: {  	[tilespmem:s20], [sflag:$0x3] =	stream.indirect.gather [hbm4b:s3+s15], $0x40, s7, s15, $0xb8;
	[tilespmem:$0xEE20] =	vst v63  }
0xd4: {  	s30 =	sadd.s32 $0x27B0, s5  }
0xd5: {  	[tilespmem:s21], [sflag:$0x3] =	stream.indirect.gather [hbm4b:s4+s15], $0x40, s30, s15, $0xb8;
	[tilespmem:$0xEE20] =	vst v63  }
0xd6: {  	s31 =	sadd.s32 $0xF0, s5  }
0xd7: {  	[tilespmem:s22], [sflag:$0x4] =	stream.indirect.gather [hbm4b:s3+s15], $0x40, s31, s15, $0xb8;
	[tilespmem:$0xEE20] =	vst v63  }
0xd8: {  	s5 =	sadd.s32 $0x2800, s5  }
0xd9: {  	[tilespmem:s23], [sflag:$0x4] =	stream.indirect.gather [hbm4b:s4+s15], $0x40, s5, s15, $0xb8;
	[tilespmem:$0xEE20] =	vst v63  }
0xda: {  	_ =	swait.ge [sflag:s24], $0x1400  }
0xdb: {  	[sflag:s24] =	ssyncset.done $0x0  }
0xdc: {  	[sflag:s24] =	ssyncadd.s32 $0xFFFFEC00  }
0xdd: {  	_ =	swait.ge [sflag:s24], $0x1400  }
0xde: {  	[sflag:s24] =	ssyncset.done $0x0  }
0xdf: {  	s1 =	sadd.s32 s1, s10;
	s6 =	sadd.s32 $0xA00, s11;
	[sflag:s24] =	ssyncadd.s32 $0xFFFFEC00  }
0xe0: {  	[hbm4b:s1+s2] =	stream.linear.scatter [tilespmem:s16], [sflag:$0x5], $0x1400, $0x38;
	[tilespmem:$0xEE20] =	vst v63  }
0xe1: {  	s5 =	sadd.s32 s6, s10  }
0xe2: {  	[hbm4b:s5+s2] =	stream.linear.scatter [tilespmem:s17], [sflag:$0x5], $0x1400, $0x38;
	[tilespmem:$0xEE20] =	vst v63  }
0xe3: {  	_ =	swait.ge [sflag:s25], $0x1400  }
0xe4: {  	[sflag:s25] =	ssyncset.done $0x0  }
0xe5: {  	[sflag:s25] =	ssyncadd.s32 $0xFFFFEC00  }
0xe6: {  	_ =	swait.ge [sflag:s25], $0x1400  }
0xe7: {  	[sflag:s25] =	ssyncset.done $0x0  }
0xe8: {  	s7 =	sadd.s32 $0x280, s1;
	[sflag:s25] =	ssyncadd.s32 $0xFFFFEC00  }
0xe9: {  	[hbm4b:s7+s2] =	stream.linear.scatter [tilespmem:s18], [sflag:$0x5], $0x1400, $0x38;
	[tilespmem:$0xEE20] =	vst v63  }
0xea: {  	s11 =	sadd.s32 $0x280, s5  }
0xeb: {  	[hbm4b:s11+s2] =	stream.linear.scatter [tilespmem:s19], [sflag:$0x5], $0x1400, $0x38;
	[tilespmem:$0xEE20] =	vst v63  }
0xec: {  	_ =	swait.ge [sflag:s26], $0x1400  }
0xed: {  	[sflag:s26] =	ssyncset.done $0x0  }
0xee: {  	[sflag:s26] =	ssyncadd.s32 $0xFFFFEC00  }
0xef: {  	_ =	swait.ge [sflag:s26], $0x1400  }
0xf0: {  	[sflag:s26] =	ssyncset.done $0x0  }
0xf1: {  	s30 =	sadd.s32 $0x500, s1;
	[sflag:s26] =	ssyncadd.s32 $0xFFFFEC00  }
0xf2: {  	[hbm4b:s30+s2] =	stream.linear.scatter [tilespmem:s20], [sflag:$0x5], $0x1400, $0x38;
	[tilespmem:$0xEE20] =	vst v63  }
0xf3: {  	s31 =	sadd.s32 $0x500, s5  }
0xf4: {  	[hbm4b:s31+s2] =	stream.linear.scatter [tilespmem:s21], [sflag:$0x5], $0x1400, $0x38;
	[tilespmem:$0xEE20] =	vst v63  }
0xf5: {  	_ =	swait.ge [sflag:s28], $0x1400  }
0xf6: {  	[sflag:s28] =	ssyncset.done $0x0  }
0xf7: {  	[sflag:s28] =	ssyncadd.s32 $0xFFFFEC00  }
0xf8: {  	_ =	swait.ge [sflag:s28], $0x1400  }
0xf9: {  	[sflag:s28] =	ssyncset.done $0x0  }
0xfa: {  	s1 =	sadd.s32 $0x780, s1;
	[sflag:s28] =	ssyncadd.s32 $0xFFFFEC00  }
0xfb: {  	[hbm4b:s1+s2] =	stream.linear.scatter [tilespmem:s22], [sflag:$0x5], $0x1400, $0x38;
	[tilespmem:$0xEE20] =	vst v63  }
0xfc: {  	s7 =	sadd.s32 $0x780, s5  }
0xfd: {  	[hbm4b:s7+s2] =	stream.linear.scatter [tilespmem:s23], [sflag:$0x5], $0x1400, $0x38;
	[tilespmem:$0xEE20] =	vst v63  }
0xfe: {  	_ =	swait.ge [sflag:s29], $0x1400  }
0xff: {  	[sflag:s29] =	ssyncset.done $0x0  }
0x100: {  	[sflag:s29] =	ssyncadd.s32 $0xFFFFEC00  }
0x101: {  	_ =	swait.ge [sflag:s29], $0x1400  }
0x102: {  	[sflag:s29] =	ssyncset.done $0x0  }
0x103: {  	[sflag:s29] =	ssyncadd.s32 $0xFFFFEC00  }
0x104: {  	_ =	swait.ge [sflag:s29], $0x1400  }
0x105: {  	[sflag:s29] =	ssyncset.done $0x0  }
0x106: {  	[sflag:s29] =	ssyncadd.s32 $0xFFFFEC00  }
0x107: {  	_ =	swait.ge [sflag:s29], $0x1400  }
0x108: {  	[sflag:s29] =	ssyncset.done $0x0  }
0x109: {  	[sflag:s29] =	ssyncadd.s32 $0xFFFFEC00  }
0x10a: {  	_ =	swait.ge [sflag:s29], $0x1400  }
0x10b: {  	[sflag:s29] =	ssyncset.done $0x0  }
0x10c: {  	[sflag:s29] =	ssyncadd.s32 $0xFFFFEC00  }
0x10d: {  	_ =	swait.ge [sflag:s29], $0x1400  }
0x10e: {  	[sflag:s29] =	ssyncset.done $0x0  }
0x10f: {  	[sflag:s29] =	ssyncadd.s32 $0xFFFFEC00  }
0x110: {  	_ =	swait.ge [sflag:s29], $0x1400  }
0x111: {  	[sflag:s29] =	ssyncset.done $0x0  }
0x112: {  	[sflag:s29] =	ssyncadd.s32 $0xFFFFEC00  }
0x113: {  	_ =	swait.ge [sflag:s29], $0x1400  }
0x114: {  	[sflag:s29] =	ssyncset.done $0x0  }
0x115: {  	s11 =	simm.s32 $0x26C0;
	[sflag:s29] =	ssyncadd.s32 $0xFFFFEC00  }
0x116: {  	[tilespmem:s16], [sflag:$0x1] =	stream.indirect.gather [hbm4b:s3+s15], $0x40, s11, s15, $0xb8;
	[tilespmem:$0xEE20] =	vst v63  }
0x117: {  	_ =	swait.ge [sflag:s24], $0x1400  }
0x118: {  	[sflag:s24] =	ssyncset.done $0x0  }
0x119: {  	s30 =	rddreg [dreg:$0x4];
	[sflag:s24] =	ssyncadd.s32 $0xFFFFEC00  }
0x11a: {  	[hbm4b:s30+s2] =	stream.linear.scatter [tilespmem:s16], [sflag:$0x5], $0x1400, $0x38;
	[tilespmem:$0xEE20] =	vst v63  }
0x11b: {  	_ =	swait.ge [sflag:s29], $0x1400  }
0x11c: {  	[sflag:s29] =	ssyncset.done $0x0  }
0x11d: {  	s31 =	simm.s32 $0x4DD0;
	[sflag:s29] =	ssyncadd.s32 $0xFFFFEC00  }
0x11e: {  	[tilespmem:s17], [sflag:$0x1] =	stream.indirect.gather [hbm4b:s4+s15], $0x40, s31, s15, $0xb8;
	[tilespmem:$0xEE20] =	vst v63  }
0x11f: {  	s0 =	sadd.s32 $0x1, s0;
	_ =	swait.ge [sflag:s24], $0x1400  }
0x120: {  	p0 =	sne.s32 s0, s9;
	[sflag:s24] =	ssyncset.done $0x0  }
.Ltmp1:
0x121: {  	[sflag:s24] =	ssyncadd.s32 $0xFFFFEC00;
	(pc) =	sbr.rel @p0 .LBB2_1-.Ltmp1, $4  }
0x122: {  	[hbm4b:s8+s2] =	stream.linear.scatter [tilespmem:s17], [sflag:$0x5], $0x1400, $0x38;
	[tilespmem:$0xEE20] =	vst v63  }
0x123: {  	_ =	swait.ge [sflag:s29], $0x1400  }
0x124: {  	[sflag:s29] =	ssyncset.done $0x0  }
0x125: {  	[sflag:s29] =	ssyncadd.s32 $0xFFFFEC00  }
0x126: {  	_ =	sfence.sel $0x180000  }
0x127: {  	[bflag:$0x0] =	sbarrier.arrive $0xFFFF  }
0x128: {  	_ =	strace $0x90000050  }
0x129: {  	s0 =	stileid.u32;
	[bflag:$0x2] =	sbarrier.arrive $0xFFFF  }
0x12a: {  	p0 =	sne.s32 s0, $0x0;
	s0 =	rddreg [dreg:$0x1]  }
0x12b: {  	s0 =	sadd.s32 @!p0 $0x100000, s0  }
0x12c: {  	[sflag:s0] =	ssyncadd.tile.s32 @!p0 $0x1;
	_ =	shalt  }
.Lfunc_end2:
_tile_overlayer_lowered:
.L_overlay_start_2:
0x12d: {  	(tag) =	ssettag $0x2  }
0x12e: {  	s0 =	rddreg [dreg:$0x0];
	s2 =	stileid.u32  }
0x12f: {  	s1 =	rddreg [dreg:$0x1];
	p0 =	sne.s32 s2, $0x0  }
0x130: {  	s3 =	rddreg [dreg:$0x2];
	[bflag:$0x3] =	sbarrier.arrive $0xFFFF;
	s2 =	simm.s32 @!p0 $0x1C06  }
0x131: {  	[timem:s3], [sflag:s2] =	dma.local @!p0 [hbm:s0], s1  }
0x132: {  	s0 =	simm.s32 @!p0 $0x6  }
0x133: {  	_ =	swait.ge @!p0 [sflag:s0], s1  }
0x134: {  	s1 =	ssub.s32 @!p0 $0x0, s1;
	[sflag:s0] =	ssyncset.done @!p0 $0x0  }
0x135: {  	[sflag:s0] =	ssyncadd.s32 @!p0 s1  }
0x136: {  	[bflag:$0x3] =	sbarrier.arrive $0xFFFF  }
0x137: {  	_ =	shalt  }

// kernel: kernel.13.cloned.1.call-start
scs
__scs_entry_jumppad:
0x0: {  	(pc) =	sbr.rel $0x88, $3  }
0x1: {  	(tag) =	ssettag $0x0;
	lr =	simm.s32 $0x1  }
0x2: {  	[smem:$0x3F8E] =	sst lr;
	_ =	strace $0xD0000000  }
0x3: {  	_ = 	snop  }
0x4: {  	_ = 	snop  }
0x5: {  	_ = 	snop  }
0x6: {  	_ = 	snop  }
0x7: {  	_ = 	snop  }
__scs_overlays_trampoline_lowered:
0x8: {  	[smem:$0x3F9D] =	sst s0  }
0x9: {  	[smem:$0x3F9E] =	sst s1  }
0xa: {  	[smem:$0x3F9F] =	sst s2  }
0xb: {  	[smem:$0x3FA0] =	sst s3  }
0xc: {  	[smem:$0x3FA1] =	sst s4  }
0xd: {  	[smem:$0x3FA2] =	sst s5  }
0xe: {  	[smem:$0x3FA3] =	sst s6  }
0xf: {  	[smem:$0x3FA4] =	sst s7  }
0x10: {  	[smem:$0x3FA5] =	sst s8  }
0x11: {  	[smem:$0x3FA6] =	sst s9;
	s0 =	simm.s32 @!p0 $0x0  }
0x12: {  	s1 =	sld [smem:$0x3F8C];
	s0 =	simm.s32 @p0 $0x1  }
0x13: {  	[smem:$0x3FA7] =	sst s0;
	s0 =	simm.s32 @!p1 $0x0  }
0x14: {  	s2 =	sld [smem:$0x3F8B];
	s0 =	simm.s32 @p1 $0x1  }
0x15: {  	[smem:$0x3FA8] =	sst s0;
	s0 =	simm.s32 @!p2 $0x0  }
0x16: {  	s3 =	sld [smem:$0x3FDB];
	s0 =	simm.s32 @p2 $0x1  }
0x17: {  	s4 =	simm.s32 $0x1BF5;
	[smem:$0x3FAA] =	sst s0  }
0x18: {  	s0 =	sld [smem:$0x3F8D];
	_ =	swait.ge [sflag:s4], $0x0  }
0x19: {  	s7 =	sld [smem:$0x3F8E]  }
0x1a: {  	s8 =	sadd.s32 $0xFFFFE003, lr  }
0x1b: {  	s9 =	sadd.s32 $0xFFFFFEF7, lr;
	s5 =	simm.s32 $0xFFFFFFFF;
	p2 =	slt.u32 s8, $0xFFFFF086  }
0x1c: {  	p1 =	slt.u32 s9, $0xF7A;
	s5 =	simm.s32 @!p2 $0x0  }
0x1d: {  	s5 =	simm.s32 @p1 $0x1;
	p0 =	seq.s32 s7, s2  }
0x1e: {  	s7 =	smul.u32 @!p0 $0xF7A, s2;
	p2 =	seq.s32 @!p0 s5, $0x0  }
0x1f: {  	s9 =	smul.u32 $0xF7A, s1;
	s8 =	simm.s32 @!p0 $0x1BF5;
	p2 =	por !p2, p0  }
0x20: {  	[sflag:s8] =	ssyncset.s32 @!p0 $0xFFFFF086;
	s6 =	sadd.s32 @!p0 s3, s7;
	s7 =	simm.s32 @!p0 $0x108  }
0x21: {  	s3 =	sadd.s32 s3, s9;
	s6 =	sadd.s32 @!p0 $0x88, s6;
	s7 =	simm.s32 @p2 $0x1082  }
0x22: {  	[simem:s7], [sflag:s8] =	dma.local @!p0 [hbm:s6], $0xF7A  }
0x23: {  	s9 =	sor.u32 $0xD0000000, s2;
	s6 =	simm.s32 $0x108;
	_ =	swait.ge @!p0 [sflag:s8], $0x0  }
0x24: {  	s3 =	sadd.s32 $0x88, s3;
	s6 =	simm.s32 @!p1 $0x1082;
	[sflag:s4] =	ssyncset.s32 $0xFFFFF086  }
0x25: {  	[simem:s6], [sflag:s4] =	dma.local [hbm:s3], $0xF7A  }
0x26: {  	[smem:$0x3F8E] =	sst s1;
	(tag) =	ssettag s2;
	_ =	strace s9  }
0x27: {  	s1 =	sld [smem:$0x3F9E]  }
0x28: {  	s2 =	sld [smem:$0x3F9F]  }
0x29: {  	s4 =	sld [smem:$0x3FA1]  }
0x2a: {  	p0 =	seq.s32 s5, $0x0;
	s5 =	sld [smem:$0x3FA2]  }
0x2b: {  	s6 =	sld [smem:$0x3FA3]  }
0x2c: {  	s7 =	sld [smem:$0x3FA4]  }
0x2d: {  	s3 =	simm.s32 $0x108;
	s8 =	sld [smem:$0x3FA5]  }
0x2e: {  	s3 =	simm.s32 @!p0 $0x1082;
	s9 =	sld [smem:$0x3FA6]  }
0x2f: {  	lr =	sadd.s32 s0, s3;
	s0 =	sld [smem:$0x3F9D]  }
0x30: {  	s3 =	sld [smem:$0x3FA0]  }
0x31: {  	[smem:$0x3FA9] =	sst s10  }
0x32: {  	s10 =	sld [smem:$0x3FA7];
	_ =	sdelay $0x3  }
0x33: {  	p0 =	seq.s32 s10, $0x1;
	s10 =	sld [smem:$0x3FA9];
	_ =	sdelay $0x3  }
0x34: {  	[smem:$0x3FA9] =	sst s10  }
0x35: {  	s10 =	sld [smem:$0x3FA8];
	_ =	sdelay $0x3  }
0x36: {  	p1 =	seq.s32 s10, $0x1;
	s10 =	sld [smem:$0x3FA9];
	_ =	sdelay $0x3  }
0x37: {  	[smem:$0x3FA9] =	sst s10  }
0x38: {  	s10 =	sld [smem:$0x3FAA]  }
0x39: {  	_ = 	snop;
	(pc) =	sbr.ind lr, $3  }
0x3a: {  	_ = 	snop  }
0x3b: {  	_ = 	snop  }
0x3c: {  	p2 =	seq.s32 s10, $0x1;
	s10 =	sld [smem:$0x3FA9]  }
0x3d: {  	_ =	shalt  }
0x3e: {  	_ =	shalt  }
0x3f: {  	_ =	shalt  }
0x40: {  	_ =	shalt  }
0x41: {  	_ =	shalt  }
0x42: {  	_ =	shalt  }
0x43: {  	_ =	shalt  }
0x44: {  	_ =	shalt  }
0x45: {  	_ =	shalt  }
0x46: {  	_ =	shalt  }
0x47: {  	_ =	shalt  }
0x48: {  	_ =	shalt  }
0x49: {  	_ =	shalt  }
0x4a: {  	_ =	shalt  }
0x4b: {  	_ =	shalt  }
0x4c: {  	_ =	shalt  }
0x4d: {  	_ =	shalt  }
0x4e: {  	_ =	shalt  }
0x4f: {  	_ =	shalt  }
0x50: {  	_ =	shalt  }
0x51: {  	_ =	shalt  }
0x52: {  	_ =	shalt  }
0x53: {  	_ =	shalt  }
0x54: {  	_ =	shalt  }
0x55: {  	_ =	shalt  }
0x56: {  	_ =	shalt  }
0x57: {  	_ =	shalt  }
0x58: {  	_ =	shalt  }
0x59: {  	_ =	shalt  }
0x5a: {  	_ =	shalt  }
0x5b: {  	_ =	shalt  }
0x5c: {  	_ =	shalt  }
0x5d: {  	_ =	shalt  }
0x5e: {  	_ =	shalt  }
0x5f: {  	_ =	shalt  }
0x60: {  	_ =	shalt  }
0x61: {  	_ =	shalt  }
0x62: {  	_ =	shalt  }
0x63: {  	_ =	shalt  }
0x64: {  	_ =	shalt  }
0x65: {  	_ =	shalt  }
0x66: {  	_ =	shalt  }
0x67: {  	_ =	shalt  }
0x68: {  	_ =	shalt  }
0x69: {  	_ =	shalt  }
0x6a: {  	_ =	shalt  }
0x6b: {  	_ =	shalt  }
0x6c: {  	_ =	shalt  }
0x6d: {  	_ =	shalt  }
0x6e: {  	_ =	shalt  }
0x6f: {  	_ =	shalt  }
0x70: {  	_ =	shalt  }
0x71: {  	_ =	shalt  }
0x72: {  	_ =	shalt  }
0x73: {  	_ =	shalt  }
0x74: {  	_ =	shalt  }
0x75: {  	_ =	shalt  }
0x76: {  	_ =	shalt  }
0x77: {  	_ =	shalt  }
0x78: {  	_ =	shalt  }
0x79: {  	_ =	shalt  }
0x7a: {  	_ =	shalt  }
0x7b: {  	_ =	shalt  }
0x7c: {  	_ =	shalt  }
0x7d: {  	_ =	shalt  }
0x7e: {  	_ =	shalt  }
0x7f: {  	_ =	shalt  }
0x80: {  	_ =	shalt  }
0x81: {  	_ =	shalt  }
0x82: {  	_ =	shalt  }
0x83: {  	_ =	shalt  }
0x84: {  	_ =	shalt  }
0x85: {  	_ =	shalt  }
0x86: {  	_ =	shalt  }
0x87: {  	_ =	shalt  }
.Lfunc_end0:
.L_simem_size_0:
called_computation.4_lowered:
.L_overlay_start_0:
0x88: {  	s2 =	sld [smem:$0x3FD9]  }
0x89: {  	s3 =	sld [smem:$0x3FFE];
	_ =	sdelay $0x1  }
0x8a: {  	s1 =	srdreg.scid  }
0x8b: {  	s0 =	sand.u32 $0x1, s1  }
0x8c: {  	s16 =	sshll.u32 s0, $0xA;
	s2 =	sadd.s32 s3, s2  }
0x8d: {  	s2 =	sadd.s32 s2, s16  }
0x8e: {  	[smem:$0x3FB5] =	sst s2  }
0x8f: {  	_ = 	snop  }
0x90: {  	(tm) =	ssettm $0x1  }
0x91: {  	s17 =	sld [smem:$0x3FFB];
	_ =	sdelay $0x3  }
0x92: {  	_ =	strace s17  }
0x93: {  	s2 =	sld [smem:$0x3FFC];
	_ =	sdelay $0x3  }
0x94: {  	_ =	strace s2  }
0x95: {  	s2 =	sld [smem:$0x3FFD];
	_ =	sdelay $0x3  }
0x96: {  	_ =	strace s2  }
0x97: {  	_ =	strace $0x8FFFFFFF  }
0x98: {  	s18 =	sld [smem:$0x3FDB];
	_ =	sdelay $0x1  }
0x99: {  	s19 =	simm.s32 $_scs_section_size  }
0x9a: {  	s4 =	simm.s32 $_size__tile_overlayer_lowered;
	s5 =	simm.s32 $_tile_overlayer_lowered  }
0x9b: {  	s22 =	simm.s32 $0x1BFF;
	s21 =	sshll.u32 s5, $0x1;
	s2 =	sadd.s32 s19, s18  }
0x9c: {  	s6 =	simm.s32 $0x0;
	s20 =	sshll.u32 s4, $0x1;
	s4 =	sadd.s32 s21, s2  }
0x9d: {  	[timem:s6], [sflag:s22] =	dma.local [hbm:s4], s20  }
0x9e: {  	_ =	swait.ge [sflag:s22], s20  }
0x9f: {  	s3 =	ssub.s32 $0x0, s20;
	[sflag:s22] =	ssyncset.done $0x0  }
0xa0: {  	[sflag:s22] =	ssyncadd.s32 s3;
	_ =	sdelay $0x1  }
0xa1: {  	s23 =	simm.s32 $0x1B8B  }
0xa2: {  	_ =	swait.ge [sflag:s23], $0x1  }
0xa3: {  	[sflag:s23] =	ssyncset.done $0x0  }
0xa4: {  	s25 =	simm.s32 $0x1B8E;
	s24 =	sld [smem:$0x3FFE];
	[sflag:s23] =	ssyncadd.s32 $0xFFFFFFFF  }
0xa5: {  	s26 =	simm.s32 $execute0_lowered;
	[smem:$0x3FD2] =	sst s25  }
0xa6: {  	s4 =	sshll.u32 s26, $0x1;
	_ =	strace $0x80000046;
	[dreg:$0x1] =	wrdreg $0xFFFFFFFF  }
0xa7: {  	s28 =	simm.s32 $_size_execute0_lowered;
	s2 =	sadd.s32 s2, s4;
	[dreg:$0x0] =	wrdreg $0x0  }
0xa8: {  	s4 =	sshll.u32 s28, $0x1;
	[dreg:$0x2] =	wrdreg s2  }
0xa9: {  	[dreg:$0x3] =	wrdreg s4  }
0xaa: {  	[dreg:$0x4] =	wrdreg $0xC0  }
0xab: {  	_ =	task [dreg:s6], $0x5FFFF  }
0xac: {  	[dreg:$0x1] =	wrdreg $0xFFFFFFFF  }
0xad: {  	[dreg:$0x0] =	wrdreg $0x60  }
0xae: {  	[dreg:$0x2] =	wrdreg s24  }
0xaf: {  	[dreg:$0x3] =	wrdreg $0xA  }
0xb0: {  	_ =	task.clear_ibuf [dreg:s6], $0x4FFFF;
	_ =	strace $0x90000046  }
0xb1: {  	s29 =	simm.s32 $0xA;
	_ =	strace $0x80000048  }
0xb2: {  	_ =	swait.ge [sflag:s29], $0x1  }
0xb3: {  	[sflag:s29] =	ssyncadd.s32 $0xFFFFFFFF  }
0xb4: {  	_ =	strace $0x90000048  }
0xb5: {  	_ =	sfence  }
0xb6: {  	s30 =	sld [smem:$0x0];
	_ =	sdelay $0x2  }
0xb7: {  	s31 =	sshll.u32 s1, $0xD;
	s1 =	sshrl.u32 s1, $0x2  }
0xb8: {  	s3 =	sand.u32 $0x4000, s31;
	s1 =	sadd.s32 s1, s30  }
0xb9: {  	s0 =	sor.u32 s3, s0;
	s1 =	sshll.u32 s1, $0x11  }
0xba: {  	s0 =	sor.u32 s1, s0  }
0xbb: {  	s0 =	sadd.s32 $0x8F2B, s0  }
0xbc: {  	[sflag:s0] =	ssyncadd.remote.s32 $0x1  }
0xbd: {  	_ =	sfence.sel $0xFFFF  }
0xbe: {  	[dreg:$0x0] =	wrdreg $0xFFFFFFFF;
	(pc) =	sbr.abs _section_cstart, $3  }
0xbf: {  	[dreg:$0x1] =	wrdreg $0xFFFFFFFF  }
0xc0: {  	_ =	task.clear_ibuf [dreg:s6], $0x2FFFF;
	_ =	strace $0x9FFFFFFF  }
0xc1: {  	(tm) =	ssettm $0x7FFFFFFF  }
tec
execute0_lowered:
.L_overlay_start_1:
0x0: {  	(tag) =	ssettag $0x1  }
0x1: {  	s0 =	rddreg [dreg:$0x0]  }
0x2: {  	s3 =	srdreg.scid;
	s1 =	stileid.u32  }
0x3: {  	s2 =	simm.s32 $0x0;
	s18 =	simm.s32 $0x28;
	s19 =	simm.s32 $0x2710  }
0x4: {  	s20 =	simm.s32 $0x3110;
	s21 =	simm.s32 $0x2C10;
	s23 =	simm.s32 $0x3610  }
0x5: {  	s24 =	simm.s32 $0x1;
	s28 =	simm.s32 $0x1360;
	s29 =	simm.s32 $0x26E8  }
0x6: {  	s30 =	simm.s32 $0x0;
	s11 =	sand.u32 $0x1, s3;
	s25 =	sshll.u32 s1, $0x1  }
0x7: {  	[smem:$0x7FF] =	sst s2;
	s3 =	sadd.s32 $0x10000, s0;
	s16 =	smul.u32 $0x9C40, s1  }
0x8: {  	s4 =	sadd.s32 $0x19E00, s0;
	s8 =	sor.u32 s11, s25;
	s17 =	smul.u32 $0x4E20, s11  }
0x9: {  	s15 =	sadd.s32 $0x23C00, s0;
	_ =	strace $0x80000047;
	s5 =	smul.u32 $0x271, s8  }
0xa: {  	s26 =	ssub.s32 $0x2, s11;
	s25 =	simm.s32 $0x2;
	s6 =	smul.u32 $0x27100, s8  }
0xb: {  	s9 =	sshrl.u32 s26, $0x1;
	s12 =	smul.u32 $0x4E20, s8;
	s31 =	sadd.s32 s16, s15  }
0xc: {  	s9 =	ssub.s32 s26, s9;
	s26 =	simm.s32 $0x3;
	s7 =	sadd.s32 s5, s0  }
0xd: {  	s0 =	sadd.s32 $0xC0000, s0;
	s6 =	sshrl.u32 s6, $0x3;
	s9 =	smax.u32 s9, $0x1  }
0xe: {  	s13 =	sadd.s32 $0xA0, s12;
	s5 =	sadd.s32 $0xB000, s7;
	s10 =	sadd.s32 $0x4D80, s6  }
0xf: {  	s6 =	sadd.s32 $0x6000, s7;
	s11 =	sadd.s32 s0, s12;
	s14 =	sadd.s32 s16, s0  }
0x10: {  	s16 =	simm.s32 $0x4;
	s7 =	sadd.s32 s15, s10;
	s8 =	sadd.s32 s0, s10  }
0x11: {  	s10 =	sadd.s32 s15, s12;
	s12 =	sadd.s32 s15, s13;
	s13 =	sadd.s32 s0, s13  }
0x12: {  	s14 =	sadd.s32 s17, s14;
	s15 =	sadd.s32 s17, s31;
	s17 =	simm.s32 $0x1388  }
.LBB2_1:
0x13: {  	[tilespmem:s2], [sflag:$0x4] =	stream.linear.gather [hbm4b:s5+s2], $0x1388, $0x38;
	[tilespmem:$0x3B10] =	vst v63  }
0x14: {  	_ =	swait.ge [sflag:s16], $0x1388  }
0x15: {  	[sflag:s16] =	ssyncset.done $0x0  }
0x16: {  	[sflag:s16] =	ssyncadd.s32 $0xFFFFEC78  }
0x17: {  	[tilespmem:s17], [sflag:$0x4] =	stream.linear.gather [hbm4b:s6+s2], $0x1388, $0x38;
	[tilespmem:$0x3B10] =	vst v63  }
0x18: {  	_ =	swait.ge [sflag:s16], $0x1388  }
0x19: {  	[sflag:s16] =	ssyncset.done $0x0  }
0x1a: {  	[sflag:s16] =	ssyncadd.s32 $0xFFFFEC78  }
0x1b: {  	[tilespmem:s19], [sflag:$0x1] =	stream.indirect.gather [hbm4b:s3+s18], $0x20, s2, s18, $0xb8;
	[tilespmem:$0x3B10] =	vst v63  }
0x1c: {  	_ = 	snop  }
0x1d: {  	[tilespmem:s20], [sflag:$0x1] =	stream.indirect.gather [hbm4b:s4+s18], $0x20, s17, s18, $0xb8;
	[tilespmem:$0x3B10] =	vst v63  }
0x1e: {  	_ = 	snop  }
0x1f: {  	[tilespmem:s21], [sflag:$0x2] =	stream.indirect.gather [hbm4b:s3+s18], $0x20, s18, s18, $0xb8;
	[tilespmem:$0x3B10] =	vst v63  }
0x20: {  	s0 =	simm.s32 $0x13B0  }
0x21: {  	[tilespmem:s23], [sflag:$0x2] =	stream.indirect.gather [hbm4b:s4+s18], $0x20, s0, s18, $0xb8;
	[tilespmem:$0x3B10] =	vst v63  }
0x22: {  	_ =	swait.ge [sflag:s24], $0x500  }
0x23: {  	[sflag:s24] =	ssyncset.done $0x0  }
0x24: {  	[sflag:s24] =	ssyncadd.s32 $0xFFFFFB00  }
0x25: {  	_ =	swait.ge [sflag:s24], $0x500  }
0x26: {  	[sflag:s24] =	ssyncset.done $0x0  }
0x27: {  	[sflag:s24] =	ssyncadd.s32 $0xFFFFFB00  }
0x28: {  	[hbm4b:s10+s2] =	stream.linear.scatter [tilespmem:s19], [sflag:$0x3], $0x500, $0x38;
	[tilespmem:$0x3B10] =	vst v63  }
0x29: {  	_ = 	snop  }
0x2a: {  	[hbm4b:s11+s2] =	stream.linear.scatter [tilespmem:s20], [sflag:$0x3], $0x500, $0x38;
	[tilespmem:$0x3B10] =	vst v63  }
0x2b: {  	_ =	swait.ge [sflag:s25], $0x500  }
0x2c: {  	[sflag:s25] =	ssyncset.done $0x0  }
0x2d: {  	[sflag:s25] =	ssyncadd.s32 $0xFFFFFB00  }
0x2e: {  	_ =	swait.ge [sflag:s25], $0x500  }
0x2f: {  	[sflag:s25] =	ssyncset.done $0x0  }
0x30: {  	[sflag:s25] =	ssyncadd.s32 $0xFFFFFB00  }
0x31: {  	[hbm4b:s12+s2] =	stream.linear.scatter [tilespmem:s21], [sflag:$0x3], $0x500, $0x38;
	[tilespmem:$0x3B10] =	vst v63  }
0x32: {  	_ = 	snop  }
0x33: {  	[hbm4b:s13+s2] =	stream.linear.scatter [tilespmem:s23], [sflag:$0x3], $0x500, $0x38;
	[tilespmem:$0x3B10] =	vst v63  }
0x34: {  	_ =	swait.ge [sflag:s26], $0x500  }
0x35: {  	[sflag:s26] =	ssyncset.done $0x0  }
0x36: {  	[sflag:s26] =	ssyncadd.s32 $0xFFFFFB00  }
0x37: {  	_ =	swait.ge [sflag:s26], $0x500  }
0x38: {  	[sflag:s26] =	ssyncset.done $0x0  }
0x39: {  	[sflag:s26] =	ssyncadd.s32 $0xFFFFFB00  }
0x3a: {  	_ =	swait.ge [sflag:s26], $0x500  }
0x3b: {  	[sflag:s26] =	ssyncset.done $0x0  }
0x3c: {  	[sflag:s26] =	ssyncadd.s32 $0xFFFFFB00  }
0x3d: {  	_ =	swait.ge [sflag:s26], $0x500  }
0x3e: {  	[sflag:s26] =	ssyncset.done $0x0  }
0x3f: {  	s22 =	simm.s32 $0x50;
	[sflag:s26] =	ssyncadd.s32 $0xFFFFFB00  }
0x40: {  	[tilespmem:s19], [sflag:$0x1] =	stream.indirect.gather [hbm4b:s3+s18], $0x20, s22, s18, $0xb8;
	[tilespmem:$0x3B10] =	vst v63  }
0x41: {  	s1 =	simm.s32 $0x13D8  }
0x42: {  	[tilespmem:s20], [sflag:$0x1] =	stream.indirect.gather [hbm4b:s4+s18], $0x20, s1, s18, $0xb8;
	[tilespmem:$0x3B10] =	vst v63  }
0x43: {  	s22 =	simm.s32 $0x78  }
0x44: {  	[tilespmem:s21], [sflag:$0x2] =	stream.indirect.gather [hbm4b:s3+s18], $0x20, s22, s18, $0xb8;
	[tilespmem:$0x3B10] =	vst v63  }
0x45: {  	s1 =	simm.s32 $0x1400  }
0x46: {  	[tilespmem:s23], [sflag:$0x2] =	stream.indirect.gather [hbm4b:s4+s18], $0x20, s1, s18, $0xb8;
	[tilespmem:$0x3B10] =	vst v63  }
0x47: {  	_ =	swait.ge [sflag:s24], $0x500  }
0x48: {  	[sflag:s24] =	ssyncset.done $0x0  }
0x49: {  	[sflag:s24] =	ssyncadd.s32 $0xFFFFFB00  }
0x4a: {  	_ =	swait.ge [sflag:s24], $0x500  }
0x4b: {  	s22 =	sadd.s32 $0x0, s15;
	[sflag:s24] =	ssyncset.done $0x0  }
0x4c: {  	s31 =	sadd.s32 $0x140, s22;
	s1 =	sadd.s32 $0x0, s14;
	[sflag:s24] =	ssyncadd.s32 $0xFFFFFB00  }
0x4d: {  	[hbm4b:s31+s2] =	stream.linear.scatter [tilespmem:s19], [sflag:$0x3], $0x500, $0x38;
	[tilespmem:$0x3B10] =	vst v63  }
0x4e: {  	s31 =	sadd.s32 $0x140, s1  }
0x4f: {  	[hbm4b:s31+s2] =	stream.linear.scatter [tilespmem:s20], [sflag:$0x3], $0x500, $0x38;
	[tilespmem:$0x3B10] =	vst v63  }
0x50: {  	_ =	swait.ge [sflag:s25], $0x500  }
0x51: {  	[sflag:s25] =	ssyncset.done $0x0  }
0x52: {  	[sflag:s25] =	ssyncadd.s32 $0xFFFFFB00  }
0x53: {  	_ =	swait.ge [sflag:s25], $0x500  }
0x54: {  	[sflag:s25] =	ssyncset.done $0x0  }
0x55: {  	s0 =	sadd.s32 $0x1E0, s22;
	[sflag:s25] =	ssyncadd.s32 $0xFFFFFB00  }
0x56: {  	[hbm4b:s0+s2] =	stream.linear.scatter [tilespmem:s21], [sflag:$0x3], $0x500, $0x38;
	[tilespmem:$0x3B10] =	vst v63  }
0x57: {  	s31 =	simm.s32 $0x140;
	s0 =	sadd.s32 $0x1E0, s1  }
.LBB2_2:
0x58: {  	[hbm4b:s0+s2] =	stream.linear.scatter [tilespmem:s23], [sflag:$0x3], $0x500, $0x38;
	[tilespmem:$0x3B10] =	vst v63  }
0x59: {  	s0 =	smov.u32 s31  }
0x5a: {  	p0 =	sne.s32 s31, $0x4B00;
	s31 =	sadd.s32 $0x140, s31;
	_ =	swait.ge [sflag:s26], $0x500  }
0x5b: {  	[sflag:s26] =	ssyncset.done $0x0  }
0x5c: {  	[sflag:s26] =	ssyncadd.s32 $0xFFFFFB00  }
0x5d: {  	_ =	swait.ge [sflag:s26], $0x500  }
0x5e: {  	[sflag:s26] =	ssyncset.done $0x0  }
0x5f: {  	[sflag:s26] =	ssyncadd.s32 $0xFFFFFB00  }
0x60: {  	_ =	swait.ge [sflag:s26], $0x500  }
0x61: {  	[sflag:s26] =	ssyncset.done $0x0  }
0x62: {  	[sflag:s26] =	ssyncadd.s32 $0xFFFFFB00  }
0x63: {  	_ =	swait.ge [sflag:s26], $0x500  }
0x64: {  	s1 =	sshra.s32 s0, $0x2;
	[sflag:s26] =	ssyncset.done $0x0  }
0x65: {  	s22 =	sadd.s32 $0x50, s1;
	[sflag:s26] =	ssyncadd.s32 $0xFFFFFB00  }
0x66: {  	[tilespmem:s19], [sflag:$0x1] =	stream.indirect.gather [hbm4b:s3+s18], $0x20, s22, s18, $0xb8;
	[tilespmem:$0x3B10] =	vst v63  }
0x67: {  	s22 =	sadd.s32 $0x13D8, s1  }
0x68: {  	[tilespmem:s20], [sflag:$0x1] =	stream.indirect.gather [hbm4b:s4+s18], $0x20, s22, s18, $0xb8;
	[tilespmem:$0x3B10] =	vst v63  }
0x69: {  	s22 =	sadd.s32 $0x78, s1  }
0x6a: {  	[tilespmem:s21], [sflag:$0x2] =	stream.indirect.gather [hbm4b:s3+s18], $0x20, s22, s18, $0xb8;
	[tilespmem:$0x3B10] =	vst v63  }
0x6b: {  	s1 =	sadd.s32 $0x1400, s1  }
0x6c: {  	[tilespmem:s23], [sflag:$0x2] =	stream.indirect.gather [hbm4b:s4+s18], $0x20, s1, s18, $0xb8;
	[tilespmem:$0x3B10] =	vst v63  }
0x6d: {  	_ =	swait.ge [sflag:s24], $0x500  }
0x6e: {  	[sflag:s24] =	ssyncset.done $0x0  }
0x6f: {  	[sflag:s24] =	ssyncadd.s32 $0xFFFFFB00  }
0x70: {  	_ =	swait.ge [sflag:s24], $0x500  }
0x71: {  	s1 =	sadd.s32 s0, s15;
	[sflag:s24] =	ssyncset.done $0x0  }
0x72: {  	s0 =	sadd.s32 s0, s14;
	s22 =	sadd.s32 $0x140, s1;
	[sflag:s24] =	ssyncadd.s32 $0xFFFFFB00  }
0x73: {  	[hbm4b:s22+s2] =	stream.linear.scatter [tilespmem:s19], [sflag:$0x3], $0x500, $0x38;
	[tilespmem:$0x3B10] =	vst v63  }
0x74: {  	s22 =	sadd.s32 $0x140, s0  }
0x75: {  	[hbm4b:s22+s2] =	stream.linear.scatter [tilespmem:s20], [sflag:$0x3], $0x500, $0x38;
	[tilespmem:$0x3B10] =	vst v63  }
0x76: {  	_ =	swait.ge [sflag:s25], $0x500  }
0x77: {  	[sflag:s25] =	ssyncset.done $0x0  }
0x78: {  	[sflag:s25] =	ssyncadd.s32 $0xFFFFFB00  }
.Ltmp0:
0x79: {  	_ =	swait.ge [sflag:s25], $0x500;
	(pc) =	sbr.rel @p0 .LBB2_2-.Ltmp0, $4  }
0x7a: {  	[sflag:s25] =	ssyncset.done $0x0  }
0x7b: {  	s1 =	sadd.s32 $0x1E0, s1;
	[sflag:s25] =	ssyncadd.s32 $0xFFFFFB00  }
0x7c: {  	[hbm4b:s1+s2] =	stream.linear.scatter [tilespmem:s21], [sflag:$0x3], $0x500, $0x38;
	[tilespmem:$0x3B10] =	vst v63  }
0x7d: {  	s0 =	sadd.s32 $0x1E0, s0  }
0x7e: {  	[hbm4b:s0+s2] =	stream.linear.scatter [tilespmem:s23], [sflag:$0x3], $0x500, $0x38;
	[tilespmem:$0x3B10] =	vst v63  }
0x7f: {  	_ =	swait.ge [sflag:s26], $0x500  }
0x80: {  	[sflag:s26] =	ssyncset.done $0x0  }
0x81: {  	[sflag:s26] =	ssyncadd.s32 $0xFFFFFB00  }
0x82: {  	_ =	swait.ge [sflag:s26], $0x500  }
0x83: {  	[sflag:s26] =	ssyncset.done $0x0  }
0x84: {  	[sflag:s26] =	ssyncadd.s32 $0xFFFFFB00  }
0x85: {  	_ =	swait.ge [sflag:s26], $0x500  }
0x86: {  	[sflag:s26] =	ssyncset.done $0x0  }
0x87: {  	[sflag:s26] =	ssyncadd.s32 $0xFFFFFB00  }
0x88: {  	_ =	swait.ge [sflag:s26], $0x500  }
0x89: {  	[sflag:s26] =	ssyncset.done $0x0  }
0x8a: {  	[sflag:s26] =	ssyncadd.s32 $0xFFFFFB00  }
0x8b: {  	[tilespmem:s19], [sflag:$0x1] =	stream.indirect.gather [hbm4b:s3+s18], $0x20, s28, s18, $0xb8;
	[tilespmem:$0x3B10] =	vst v63  }
0x8c: {  	_ =	swait.ge [sflag:s24], $0x500  }
0x8d: {  	[sflag:s24] =	ssyncset.done $0x0  }
0x8e: {  	[sflag:s24] =	ssyncadd.s32 $0xFFFFFB00  }
0x8f: {  	[hbm4b:s7+s2] =	stream.linear.scatter [tilespmem:s19], [sflag:$0x3], $0x500, $0x38;
	[tilespmem:$0x3B10] =	vst v63  }
0x90: {  	_ =	swait.ge [sflag:s26], $0x500  }
0x91: {  	[sflag:s26] =	ssyncset.done $0x0  }
0x92: {  	[sflag:s26] =	ssyncadd.s32 $0xFFFFFB00  }
0x93: {  	[tilespmem:s20], [sflag:$0x1] =	stream.indirect.gather [hbm4b:s4+s18], $0x20, s29, s18, $0xb8;
	[tilespmem:$0x3B10] =	vst v63  }
0x94: {  	s30 =	sadd.s32 $0x1, s30;
	_ =	swait.ge [sflag:s24], $0x500  }
0x95: {  	p0 =	sne.s32 s30, s9;
	[sflag:s24] =	ssyncset.done $0x0  }
.Ltmp1:
0x96: {  	[sflag:s24] =	ssyncadd.s32 $0xFFFFFB00;
	(pc) =	sbr.rel @p0 .LBB2_1-.Ltmp1, $4  }
0x97: {  	[hbm4b:s8+s2] =	stream.linear.scatter [tilespmem:s20], [sflag:$0x3], $0x500, $0x38;
	[tilespmem:$0x3B10] =	vst v63  }
0x98: {  	_ =	swait.ge [sflag:s26], $0x500  }
0x99: {  	[sflag:s26] =	ssyncset.done $0x0  }
0x9a: {  	[sflag:s26] =	ssyncadd.s32 $0xFFFFFB00  }
0x9b: {  	_ =	sfence.sel $0x180000  }
0x9c: {  	[bflag:$0x0] =	sbarrier.arrive $0xFFFF  }
0x9d: {  	_ =	strace $0x90000047  }
0x9e: {  	s0 =	stileid.u32;
	[bflag:$0x2] =	sbarrier.arrive $0xFFFF  }
0x9f: {  	p0 =	sne.s32 s0, $0x0;
	s0 =	rddreg [dreg:$0x1]  }
0xa0: {  	s0 =	sadd.s32 @!p0 $0x100000, s0  }
0xa1: {  	[sflag:s0] =	ssyncadd.tile.s32 @!p0 $0x1;
	_ =	shalt  }
.Lfunc_end2:
_tile_overlayer_lowered:
.L_overlay_start_2:
0xa2: {  	(tag) =	ssettag $0x2  }
0xa3: {  	s0 =	rddreg [dreg:$0x0];
	s2 =	stileid.u32  }
0xa4: {  	s1 =	rddreg [dreg:$0x1];
	p0 =	sne.s32 s2, $0x0  }
0xa5: {  	s3 =	rddreg [dreg:$0x2];
	[bflag:$0x3] =	sbarrier.arrive $0xFFFF;
	s2 =	simm.s32 @!p0 $0x1C04  }
0xa6: {  	[timem:s3], [sflag:s2] =	dma.local @!p0 [hbm:s0], s1  }
0xa7: {  	s0 =	simm.s32 @!p0 $0x4  }
0xa8: {  	_ =	swait.ge @!p0 [sflag:s0], s1  }
0xa9: {  	s1 =	ssub.s32 @!p0 $0x0, s1;
	[sflag:s0] =	ssyncset.done @!p0 $0x0  }
0xaa: {  	[sflag:s0] =	ssyncadd.s32 @!p0 s1  }
0xab: {  	[bflag:$0x3] =	sbarrier.arrive $0xFFFF  }
0xac: {  	_ =	shalt  }

// kernel: kernel.16.cloned.1.call-start
scs
__scs_entry_jumppad:
0x0: {  	(pc) =	sbr.rel $0x88, $3  }
0x1: {  	(tag) =	ssettag $0x0;
	lr =	simm.s32 $0x1  }
0x2: {  	[smem:$0x3F8E] =	sst lr;
	_ =	strace $0xD0000000  }
0x3: {  	_ = 	snop  }
0x4: {  	_ = 	snop  }
0x5: {  	_ = 	snop  }
0x6: {  	_ = 	snop  }
0x7: {  	_ = 	snop  }
__scs_overlays_trampoline_lowered:
0x8: {  	[smem:$0x3F9D] =	sst s0  }
0x9: {  	[smem:$0x3F9E] =	sst s1  }
0xa: {  	[smem:$0x3F9F] =	sst s2  }
0xb: {  	[smem:$0x3FA0] =	sst s3  }
0xc: {  	[smem:$0x3FA1] =	sst s4  }
0xd: {  	[smem:$0x3FA2] =	sst s5  }
0xe: {  	[smem:$0x3FA3] =	sst s6  }
0xf: {  	[smem:$0x3FA4] =	sst s7  }
0x10: {  	[smem:$0x3FA5] =	sst s8  }
0x11: {  	[smem:$0x3FA6] =	sst s9;
	s0 =	simm.s32 @!p0 $0x0  }
0x12: {  	s1 =	sld [smem:$0x3F8C];
	s0 =	simm.s32 @p0 $0x1  }
0x13: {  	[smem:$0x3FA7] =	sst s0;
	s0 =	simm.s32 @!p1 $0x0  }
0x14: {  	s2 =	sld [smem:$0x3F8B];
	s0 =	simm.s32 @p1 $0x1  }
0x15: {  	[smem:$0x3FA8] =	sst s0;
	s0 =	simm.s32 @!p2 $0x0  }
0x16: {  	s3 =	sld [smem:$0x3FDB];
	s0 =	simm.s32 @p2 $0x1  }
0x17: {  	s4 =	simm.s32 $0x1BF5;
	[smem:$0x3FAA] =	sst s0  }
0x18: {  	s0 =	sld [smem:$0x3F8D];
	_ =	swait.ge [sflag:s4], $0x0  }
0x19: {  	s7 =	sld [smem:$0x3F8E]  }
0x1a: {  	s8 =	sadd.s32 $0xFFFFE003, lr  }
0x1b: {  	s9 =	sadd.s32 $0xFFFFFEF7, lr;
	s5 =	simm.s32 $0xFFFFFFFF;
	p2 =	slt.u32 s8, $0xFFFFF086  }
0x1c: {  	p1 =	slt.u32 s9, $0xF7A;
	s5 =	simm.s32 @!p2 $0x0  }
0x1d: {  	s5 =	simm.s32 @p1 $0x1;
	p0 =	seq.s32 s7, s2  }
0x1e: {  	s7 =	smul.u32 @!p0 $0xF7A, s2;
	p2 =	seq.s32 @!p0 s5, $0x0  }
0x1f: {  	s9 =	smul.u32 $0xF7A, s1;
	s8 =	simm.s32 @!p0 $0x1BF5;
	p2 =	por !p2, p0  }
0x20: {  	[sflag:s8] =	ssyncset.s32 @!p0 $0xFFFFF086;
	s6 =	sadd.s32 @!p0 s3, s7;
	s7 =	simm.s32 @!p0 $0x108  }
0x21: {  	s3 =	sadd.s32 s3, s9;
	s6 =	sadd.s32 @!p0 $0x88, s6;
	s7 =	simm.s32 @p2 $0x1082  }
0x22: {  	[simem:s7], [sflag:s8] =	dma.local @!p0 [hbm:s6], $0xF7A  }
0x23: {  	s9 =	sor.u32 $0xD0000000, s2;
	s6 =	simm.s32 $0x108;
	_ =	swait.ge @!p0 [sflag:s8], $0x0  }
0x24: {  	s3 =	sadd.s32 $0x88, s3;
	s6 =	simm.s32 @!p1 $0x1082;
	[sflag:s4] =	ssyncset.s32 $0xFFFFF086  }
0x25: {  	[simem:s6], [sflag:s4] =	dma.local [hbm:s3], $0xF7A  }
0x26: {  	[smem:$0x3F8E] =	sst s1;
	(tag) =	ssettag s2;
	_ =	strace s9  }
0x27: {  	s1 =	sld [smem:$0x3F9E]  }
0x28: {  	s2 =	sld [smem:$0x3F9F]  }
0x29: {  	s4 =	sld [smem:$0x3FA1]  }
0x2a: {  	p0 =	seq.s32 s5, $0x0;
	s5 =	sld [smem:$0x3FA2]  }
0x2b: {  	s6 =	sld [smem:$0x3FA3]  }
0x2c: {  	s7 =	sld [smem:$0x3FA4]  }
0x2d: {  	s3 =	simm.s32 $0x108;
	s8 =	sld [smem:$0x3FA5]  }
0x2e: {  	s3 =	simm.s32 @!p0 $0x1082;
	s9 =	sld [smem:$0x3FA6]  }
0x2f: {  	lr =	sadd.s32 s0, s3;
	s0 =	sld [smem:$0x3F9D]  }
0x30: {  	s3 =	sld [smem:$0x3FA0]  }
0x31: {  	[smem:$0x3FA9] =	sst s10  }
0x32: {  	s10 =	sld [smem:$0x3FA7];
	_ =	sdelay $0x3  }
0x33: {  	p0 =	seq.s32 s10, $0x1;
	s10 =	sld [smem:$0x3FA9];
	_ =	sdelay $0x3  }
0x34: {  	[smem:$0x3FA9] =	sst s10  }
0x35: {  	s10 =	sld [smem:$0x3FA8];
	_ =	sdelay $0x3  }
0x36: {  	p1 =	seq.s32 s10, $0x1;
	s10 =	sld [smem:$0x3FA9];
	_ =	sdelay $0x3  }
0x37: {  	[smem:$0x3FA9] =	sst s10  }
0x38: {  	s10 =	sld [smem:$0x3FAA]  }
0x39: {  	_ = 	snop;
	(pc) =	sbr.ind lr, $3  }
0x3a: {  	_ = 	snop  }
0x3b: {  	_ = 	snop  }
0x3c: {  	p2 =	seq.s32 s10, $0x1;
	s10 =	sld [smem:$0x3FA9]  }
0x3d: {  	_ =	shalt  }
0x3e: {  	_ =	shalt  }
0x3f: {  	_ =	shalt  }
0x40: {  	_ =	shalt  }
0x41: {  	_ =	shalt  }
0x42: {  	_ =	shalt  }
0x43: {  	_ =	shalt  }
0x44: {  	_ =	shalt  }
0x45: {  	_ =	shalt  }
0x46: {  	_ =	shalt  }
0x47: {  	_ =	shalt  }
0x48: {  	_ =	shalt  }
0x49: {  	_ =	shalt  }
0x4a: {  	_ =	shalt  }
0x4b: {  	_ =	shalt  }
0x4c: {  	_ =	shalt  }
0x4d: {  	_ =	shalt  }
0x4e: {  	_ =	shalt  }
0x4f: {  	_ =	shalt  }
0x50: {  	_ =	shalt  }
0x51: {  	_ =	shalt  }
0x52: {  	_ =	shalt  }
0x53: {  	_ =	shalt  }
0x54: {  	_ =	shalt  }
0x55: {  	_ =	shalt  }
0x56: {  	_ =	shalt  }
0x57: {  	_ =	shalt  }
0x58: {  	_ =	shalt  }
0x59: {  	_ =	shalt  }
0x5a: {  	_ =	shalt  }
0x5b: {  	_ =	shalt  }
0x5c: {  	_ =	shalt  }
0x5d: {  	_ =	shalt  }
0x5e: {  	_ =	shalt  }
0x5f: {  	_ =	shalt  }
0x60: {  	_ =	shalt  }
0x61: {  	_ =	shalt  }
0x62: {  	_ =	shalt  }
0x63: {  	_ =	shalt  }
0x64: {  	_ =	shalt  }
0x65: {  	_ =	shalt  }
0x66: {  	_ =	shalt  }
0x67: {  	_ =	shalt  }
0x68: {  	_ =	shalt  }
0x69: {  	_ =	shalt  }
0x6a: {  	_ =	shalt  }
0x6b: {  	_ =	shalt  }
0x6c: {  	_ =	shalt  }
0x6d: {  	_ =	shalt  }
0x6e: {  	_ =	shalt  }
0x6f: {  	_ =	shalt  }
0x70: {  	_ =	shalt  }
0x71: {  	_ =	shalt  }
0x72: {  	_ =	shalt  }
0x73: {  	_ =	shalt  }
0x74: {  	_ =	shalt  }
0x75: {  	_ =	shalt  }
0x76: {  	_ =	shalt  }
0x77: {  	_ =	shalt  }
0x78: {  	_ =	shalt  }
0x79: {  	_ =	shalt  }
0x7a: {  	_ =	shalt  }
0x7b: {  	_ =	shalt  }
0x7c: {  	_ =	shalt  }
0x7d: {  	_ =	shalt  }
0x7e: {  	_ =	shalt  }
0x7f: {  	_ =	shalt  }
0x80: {  	_ =	shalt  }
0x81: {  	_ =	shalt  }
0x82: {  	_ =	shalt  }
0x83: {  	_ =	shalt  }
0x84: {  	_ =	shalt  }
0x85: {  	_ =	shalt  }
0x86: {  	_ =	shalt  }
0x87: {  	_ =	shalt  }
.Lfunc_end0:
.L_simem_size_0:
called_computation.5_lowered:
.L_overlay_start_0:
0x88: {  	s2 =	sld [smem:$0x3FD9]  }
0x89: {  	s3 =	sld [smem:$0x3FFE];
	_ =	sdelay $0x1  }
0x8a: {  	s1 =	srdreg.scid  }
0x8b: {  	s0 =	sand.u32 $0x1, s1  }
0x8c: {  	s17 =	sshll.u32 s0, $0xA;
	s2 =	sadd.s32 s3, s2  }
0x8d: {  	s2 =	sadd.s32 s2, s17  }
0x8e: {  	[smem:$0x3FB5] =	sst s2  }
0x8f: {  	_ = 	snop  }
0x90: {  	s18 =	sld [smem:$0x3FD0];
	(tm) =	ssettm $0x1  }
0x91: {  	s19 =	sld [smem:$0x3FFB];
	_ =	sdelay $0x3  }
0x92: {  	_ =	strace s19  }
0x93: {  	s2 =	sld [smem:$0x3FFC];
	_ =	sdelay $0x3  }
0x94: {  	_ =	strace s2  }
0x95: {  	s2 =	sld [smem:$0x3FFD];
	_ =	sdelay $0x3  }
0x96: {  	_ =	strace s2  }
0x97: {  	_ =	strace $0x8FFFFFFF  }
0x98: {  	s20 =	sld [smem:$0x3FDB];
	_ =	sdelay $0x1  }
0x99: {  	s4 =	simm.s32 $_scs_section_size  }
0x9a: {  	s5 =	simm.s32 $_size__tile_overlayer_lowered;
	s6 =	simm.s32 $_tile_overlayer_lowered  }
0x9b: {  	s7 =	simm.s32 $0x1BFF;
	s21 =	sshll.u32 s6, $0x1;
	s4 =	sadd.s32 s4, s20  }
0x9c: {  	s22 =	simm.s32 $0x0;
	s5 =	sshll.u32 s5, $0x1;
	s6 =	sadd.s32 s21, s4  }
0x9d: {  	[timem:s22], [sflag:s7] =	dma.local [hbm:s6], s5  }
0x9e: {  	_ =	swait.ge [sflag:s7], s5  }
0x9f: {  	s5 =	ssub.s32 $0x0, s5;
	[sflag:s7] =	ssyncset.done $0x0  }
0xa0: {  	[sflag:s7] =	ssyncadd.s32 s5;
	_ =	sdelay $0x1  }
0xa1: {  	s23 =	simm.s32 $0x1B8B  }
0xa2: {  	_ =	swait.ge [sflag:s23], $0x1  }
0xa3: {  	[sflag:s23] =	ssyncset.done $0x0  }
0xa4: {  	[sflag:s23] =	ssyncadd.s32 $0xFFFFFFFF  }
0xa5: {  	s5 =	sld [smem:$0x0]  }
0xa6: {  	s6 =	sand.u32 $0xFFFFFFFE, s1  }
0xa7: {  	p0 =	sne.s32 s1, s6  }
0xa8: {  	s6 =	sshll.u32 @p0 s6, $0xE  }
0xa9: {  	s6 =	sadd.s32 @p0 $0x11B8D, s6;
	s7 =	sshll.u32 @p0 s5, $0x11  }
0xaa: {  	s6 =	sor.u32 @p0 s7, s6  }
0xab: {  	[sflag:s6] =	ssyncadd.remote.s32 @p0 $0x1;
	_ =	sdelay $0x1  }
0xac: {  	s6 =	simm.s32 @p0 $0x1B8D  }
0xad: {  	_ =	swait.eq @p0 [sflag:s6], $0x1  }
0xae: {  	[sflag:s6] =	ssyncadd.s32 @p0 $0xFFFFFFFF  }
0xaf: {  	s7 =	sshll.u32 @!p0 s1, $0xE  }
0xb0: {  	s7 =	sor.u32 @!p0 $0x4000, s7;
	s6 =	simm.s32 @!p0 $0x1B8D  }
0xb1: {  	s5 =	sshll.u32 @!p0 s5, $0x11;
	s7 =	sadd.s32 @!p0 $0x11B8D, s7;
	_ =	swait.eq @!p0 [sflag:s6], $0x1  }
0xb2: {  	s5 =	sor.u32 @!p0 s5, s7;
	[sflag:s6] =	ssyncadd.s32 @!p0 $0xFFFFFFFF  }
0xb3: {  	s25 =	simm.s32 $0x1B8E;
	s24 =	sld [smem:$0x3FFE];
	[sflag:s5] =	ssyncadd.remote.s32 @!p0 $0x1  }
0xb4: {  	s26 =	simm.s32 $execute0_lowered;
	[smem:$0x3FD2] =	sst s25  }
0xb5: {  	s6 =	sshll.u32 s26, $0x1;
	_ =	strace $0x80000058;
	[dreg:$0x1] =	wrdreg $0xFFFFFFFF  }
0xb6: {  	s28 =	simm.s32 $_size_execute0_lowered;
	s4 =	sadd.s32 s4, s6;
	[dreg:$0x0] =	wrdreg $0x0  }
0xb7: {  	s6 =	sshll.u32 s28, $0x1;
	[dreg:$0x2] =	wrdreg s4  }
0xb8: {  	[dreg:$0x3] =	wrdreg s6  }
0xb9: {  	[dreg:$0x4] =	wrdreg $0xC0  }
0xba: {  	_ =	task [dreg:s22], $0x5FFFF  }
0xbb: {  	[dreg:$0x1] =	wrdreg $0xFFFFFFFF  }
0xbc: {  	[dreg:$0x0] =	wrdreg $0x60  }
0xbd: {  	[dreg:$0x2] =	wrdreg s24  }
0xbe: {  	[dreg:$0x3] =	wrdreg s18  }
0xbf: {  	[dreg:$0x4] =	wrdreg $0x0  }
0xc0: {  	[dreg:$0x5] =	wrdreg $0x9  }
0xc1: {  	_ =	task.clear_ibuf [dreg:s22], $0x6FFFF;
	_ =	strace $0x90000058  }
0xc2: {  	s29 =	simm.s32 $0x9;
	_ =	strace $0x8000005A  }
0xc3: {  	_ =	swait.ge [sflag:s29], $0x1  }
0xc4: {  	[sflag:s29] =	ssyncadd.s32 $0xFFFFFFFF  }
0xc5: {  	_ =	strace $0x9000005A  }
0xc6: {  	_ =	sfence  }
0xc7: {  	s30 =	sld [smem:$0x0];
	_ =	sdelay $0x2  }
0xc8: {  	s31 =	sshll.u32 s1, $0xD;
	s1 =	sshrl.u32 s1, $0x2  }
0xc9: {  	s4 =	sand.u32 $0x4000, s31;
	s1 =	sadd.s32 s1, s30  }
0xca: {  	s0 =	sor.u32 s4, s0;
	s1 =	sshll.u32 s1, $0x11  }
0xcb: {  	s0 =	sor.u32 s1, s0  }
0xcc: {  	s0 =	sadd.s32 $0x8F2B, s0  }
0xcd: {  	[sflag:s0] =	ssyncadd.remote.s32 $0x1  }
0xce: {  	_ =	sfence.sel $0xFFFF  }
0xcf: {  	[dreg:$0x0] =	wrdreg $0xFFFFFFFF;
	(pc) =	sbr.abs _section_cstart, $3  }
0xd0: {  	[dreg:$0x1] =	wrdreg $0xFFFFFFFF  }
0xd1: {  	_ =	task.clear_ibuf [dreg:s22], $0x2FFFF;
	_ =	strace $0x9FFFFFFF  }
0xd2: {  	(tm) =	ssettm $0x7FFFFFFF  }
0xd3: {  	_ =	shalt  }
tec
execute0_lowered:
.L_overlay_start_1:
0x0: {  	(tag) =	ssettag $0x1  }
0x1: {  	s4 =	rddreg [dreg:$0x0]  }
0x2: {  	s9 =	rddreg [dreg:$0x1]  }
0x3: {  	s1 =	rddreg [dreg:$0x2]  }
0x4: {  	s2 =	srdreg.scid;
	s0 =	rddreg [dreg:$0x3]  }
0x5: {  	s3 =	simm.s32 $0x0;
	s17 =	simm.s32 $0x1;
	s18 =	simm.s32 $0x50  }
0x6: {  	s19 =	simm.s32 $0x2;
	s8 =	sand.u32 $0x1, s2;
	s2 =	stileid.u32  }
0x7: {  	s20 =	simm.s32 $0x9BA0;
	s21 =	simm.s32 $0x9BF0;
	s10 =	smul.u32 $0x4E20, s2  }
0x8: {  	s22 =	simm.s32 $0x0;
	[smem:$0x7FF] =	sst s3;
	s29 =	smul.u32 $0x4E200, s8  }
0x9: {  	s11 =	sadd.s32 $0x6A5E00, s4;
	s5 =	sshll.u32 s8, $0x4;
	s16 =	smul.u32 $0x9C400, s8  }
0xa: {  	_ =	strace $0x80000059;
	s31 =	smul.u32 $0x9C40, s2;
	s5 =	sor.u32 s2, s5  }
0xb: {  	s12 =	ssub.s32 $0x2, s8;
	s14 =	sshll.u32 s2, $0x6;
	s6 =	smul.u32 $0x9C4, s5  }
0xc: {  	s26 =	sshrl.u32 s12, $0x1;
	s7 =	sshrl.u32 s10, $0x3;
	s28 =	smul.u32 $0x9C40, s5  }
0xd: {  	s12 =	ssub.s32 s12, s26;
	s13 =	sadd.s32 s10, s1;
	s15 =	smul.u32 $0x4E200, s5  }
0xe: {  	s5 =	sor.u32 $0x1C03, s14;
	s10 =	sadd.s32 s10, s29;
	s14 =	simm.s32 $0x4E20  }
0xf: {  	s10 =	sshrl.u32 s10, $0x3;
	s6 =	sadd.s32 s6, s4;
	s4 =	sadd.s32 s7, s4  }
0x10: {  	s7 =	sadd.s32 s11, s28;
	s15 =	sshrl.u32 s15, $0x3;
	s9 =	sadd.s32 s9, s10  }
0x11: {  	s10 =	smax.u32 s12, $0x1;
	s12 =	sshrl.u32 s13, $0x3;
	s13 =	simm.s32 $0x3  }
0x12: {  	s4 =	sadd.s32 $0x6000, s4;
	s30 =	sadd.s32 s11, s15;
	s11 =	sadd.s32 s16, s11  }
0x13: {  	s6 =	sadd.s32 $0x5E200, s6;
	s15 =	simm.s32 $0x9C40;
	s11 =	sadd.s32 s31, s11  }
0x14: {  	s16 =	simm.s32 $0xA140;
	s8 =	sadd.s32 $0xA0, s30;
	s11 =	sadd.s32 $0x1E0, s11  }
.LBB2_1:
0x15: {  	[spmem:s12], [sflag:s5] =	dma.local [hbm:s4], $0x9C4  }
0x16: {  	_ =	swait.ge [sflag:s13], $0x9C4  }
0x17: {  	[sflag:s13] =	ssyncset.done $0x0  }
0x18: {  	[sflag:s13] =	ssyncadd.s32 $0xFFFFF63C  }
0x19: {  	[tilespmem:s14], [sflag:$0x3] =	stream.linear.gather [hbm4b:s6+s3], $0x4E20, $0x38;
	[tilespmem:$0xA640] =	vst v63  }
0x1a: {  	_ =	swait.ge [sflag:s13], $0x4E20  }
0x1b: {  	[sflag:s13] =	ssyncset.done $0x0  }
0x1c: {  	[sflag:s13] =	ssyncadd.s32 $0xFFFFB1E0  }
0x1d: {  	[bflag:$0x0] =	sbarrier.arrive $0xFFFF  }
0x1e: {  	[tilespmem:s15], [sflag:$0x1] =	stream.linear.gather [hbm4b:s7+s3], $0x500, $0x38;
	[tilespmem:$0xA640] =	vst v63  }
0x1f: {  	_ = 	snop  }
0x20: {  	[tilespmem:s16], [sflag:$0x2] =	stream.linear.gather [hbm4b:s8+s3], $0x500, $0x38;
	[tilespmem:$0xA640] =	vst v63  }
0x21: {  	_ =	swait.ge [sflag:s17], $0x500  }
0x22: {  	[sflag:s17] =	ssyncset.done $0x0  }
0x23: {  	s23 =	simm.s32 $0x4E20;
	[sflag:s17] =	ssyncadd.s32 $0xFFFFFB00  }
0x24: {  	[spmem:s1] =	stream.indirect.scatter.add.f32 [tilespmem:s15], [sflag:$0x3], $0x10, s23, s18, $0xb8;
	[tilespmem:$0xA640] =	vst v63  }
0x25: {  	_ =	swait.ge [sflag:s13], $0x500  }
0x26: {  	[sflag:s13] =	ssyncset.done $0x0  }
0x27: {  	s30 =	sadd.s32 $0xFFFFFF60, s11;
	[sflag:s13] =	ssyncadd.s32 $0xFFFFFB00  }
0x28: {  	[tilespmem:s15], [sflag:$0x1] =	stream.linear.gather [hbm4b:s30+s3], $0x500, $0x38;
	[tilespmem:$0xA640] =	vst v63  }
0x29: {  	_ =	swait.ge [sflag:s19], $0x500  }
0x2a: {  	[sflag:s19] =	ssyncset.done $0x0  }
0x2b: {  	s31 =	simm.s32 $0x4E70;
	[sflag:s19] =	ssyncadd.s32 $0xFFFFFB00  }
0x2c: {  	[spmem:s1] =	stream.indirect.scatter.add.f32 [tilespmem:s16], [sflag:$0x3], $0x10, s31, s18, $0xb8;
	[tilespmem:$0xA640] =	vst v63  }
0x2d: {  	_ =	swait.ge [sflag:s13], $0x500  }
0x2e: {  	s24 =	sadd.s32 $0x140, s11;
	[sflag:s13] =	ssyncset.done $0x0  }
0x2f: {  	s25 =	smov.u32 s11;
	s23 =	simm.s32 $0x280;
	[sflag:s13] =	ssyncadd.s32 $0xFFFFFB00  }
.LBB2_2:
0x30: {  	[tilespmem:s16], [sflag:$0x2] =	stream.linear.gather [hbm4b:s25+s3], $0x500, $0x38;
	[tilespmem:$0xA640] =	vst v63  }
0x31: {  	s26 =	smov.u32 s23;
	s25 =	smov.u32 s24  }
0x32: {  	p0 =	sne.s32 s23, $0x13380;
	s23 =	sadd.s32 $0x280, s23;
	_ =	swait.ge [sflag:s17], $0x500  }
0x33: {  	s26 =	sshra.s32 s26, $0x2;
	[sflag:s17] =	ssyncset.done $0x0  }
0x34: {  	s28 =	sadd.s32 $0x4E20, s26;
	[sflag:s17] =	ssyncadd.s32 $0xFFFFFB00  }
0x35: {  	[spmem:s1] =	stream.indirect.scatter.add.f32 [tilespmem:s15], [sflag:$0x3], $0x10, s28, s18, $0xb8;
	[tilespmem:$0xA640] =	vst v63  }
0x36: {  	_ =	swait.ge [sflag:s13], $0x500  }
0x37: {  	[sflag:s13] =	ssyncset.done $0x0  }
0x38: {  	s28 =	sadd.s32 $0xFFFFFF60, s24;
	[sflag:s13] =	ssyncadd.s32 $0xFFFFFB00  }
0x39: {  	[tilespmem:s15], [sflag:$0x1] =	stream.linear.gather [hbm4b:s28+s3], $0x500, $0x38;
	[tilespmem:$0xA640] =	vst v63  }
0x3a: {  	_ =	swait.ge [sflag:s19], $0x500  }
0x3b: {  	[sflag:s19] =	ssyncset.done $0x0  }
.Ltmp0:
0x3c: {  	s26 =	sadd.s32 $0x4E70, s26;
	[sflag:s19] =	ssyncadd.s32 $0xFFFFFB00;
	(pc) =	sbr.rel @p0 .LBB2_2-.Ltmp0, $4  }
0x3d: {  	[spmem:s1] =	stream.indirect.scatter.add.f32 [tilespmem:s16], [sflag:$0x3], $0x10, s26, s18, $0xb8;
	[tilespmem:$0xA640] =	vst v63  }
0x3e: {  	_ =	swait.ge [sflag:s13], $0x500  }
0x3f: {  	[sflag:s13] =	ssyncset.done $0x0  }
0x40: {  	s24 =	sadd.s32 $0x140, s24;
	[sflag:s13] =	ssyncadd.s32 $0xFFFFFB00  }
0x41: {  	[tilespmem:s16], [sflag:$0x2] =	stream.linear.gather [hbm4b:s25+s3], $0x500, $0x38;
	[tilespmem:$0xA640] =	vst v63  }
0x42: {  	_ =	swait.ge [sflag:s17], $0x500  }
0x43: {  	[sflag:s17] =	ssyncset.done $0x0  }
0x44: {  	[sflag:s17] =	ssyncadd.s32 $0xFFFFFB00  }
0x45: {  	[spmem:s1] =	stream.indirect.scatter.add.f32 [tilespmem:s15], [sflag:$0x3], $0x10, s20, s18, $0xb8;
	[tilespmem:$0xA640] =	vst v63  }
0x46: {  	_ =	swait.ge [sflag:s13], $0x500  }
0x47: {  	[sflag:s13] =	ssyncset.done $0x0  }
0x48: {  	[sflag:s13] =	ssyncadd.s32 $0xFFFFFB00  }
0x49: {  	_ =	swait.ge [sflag:s19], $0x500  }
0x4a: {  	[sflag:s19] =	ssyncset.done $0x0  }
0x4b: {  	[sflag:s19] =	ssyncadd.s32 $0xFFFFFB00  }
0x4c: {  	[spmem:s1] =	stream.indirect.scatter.add.f32 [tilespmem:s16], [sflag:$0x3], $0x10, s21, s18, $0xb8;
	[tilespmem:$0xA640] =	vst v63  }
0x4d: {  	_ =	swait.ge [sflag:s13], $0x500  }
0x4e: {  	s22 =	sadd.s32 $0x1, s22;
	[sflag:s13] =	ssyncset.done $0x0  }
0x4f: {  	p0 =	sne.s32 s22, s10;
	[sflag:s13] =	ssyncadd.s32 $0xFFFFFB00  }
.Ltmp1:
0x50: {  	[bflag:$0x0] =	sbarrier.arrive $0xFFFF;
	(pc) =	sbr.rel @p0 .LBB2_1-.Ltmp1, $4  }
0x51: {  	[hbm:s9], [sflag:s5] =	dma.local [spmem:s12], $0x9C4  }
0x52: {  	_ =	swait.ge [sflag:s13], $0x9C4  }
0x53: {  	[sflag:s13] =	ssyncset.done $0x0  }
0x54: {  	[sflag:s13] =	ssyncadd.s32 $0xFFFFF63C  }
0x55: {  	_ =	sfence.sel $0x180000  }
0x56: {  	[bflag:$0x0] =	sbarrier.arrive $0xFFFF  }
0x57: {  	p0 =	sne.s32 s2, $0x0;
	_ =	strace $0x90000059  }
0x58: {  	s0 =	sadd.s32 @!p0 $0x100000, s0;
	[bflag:$0x2] =	sbarrier.arrive $0xFFFF  }
0x59: {  	[sflag:s0] =	ssyncadd.tile.s32 @!p0 $0x1;
	_ =	shalt  }
.Lfunc_end2:
_tile_overlayer_lowered:
.L_overlay_start_2:
0x5a: {  	(tag) =	ssettag $0x2  }
0x5b: {  	s0 =	rddreg [dreg:$0x0];
	s2 =	stileid.u32  }
0x5c: {  	s1 =	rddreg [dreg:$0x1];
	p0 =	sne.s32 s2, $0x0  }
0x5d: {  	s3 =	rddreg [dreg:$0x2];
	[bflag:$0x3] =	sbarrier.arrive $0xFFFF;
	s2 =	simm.s32 @!p0 $0x1C03  }
0x5e: {  	[timem:s3], [sflag:s2] =	dma.local @!p0 [hbm:s0], s1  }
0x5f: {  	s0 =	simm.s32 @!p0 $0x3  }
0x60: {  	_ =	swait.ge @!p0 [sflag:s0], s1  }
0x61: {  	s1 =	ssub.s32 @!p0 $0x0, s1;
	[sflag:s0] =	ssyncset.done @!p0 $0x0  }
0x62: {  	[sflag:s0] =	ssyncadd.s32 @!p0 s1  }
0x63: {  	[bflag:$0x3] =	sbarrier.arrive $0xFFFF  }
0x64: {  	_ =	shalt  }

// kernel: kernel.19.cloned.1.call-start
scs
__scs_entry_jumppad:
0x0: {  	(pc) =	sbr.rel $0x88, $3  }
0x1: {  	(tag) =	ssettag $0x0;
	lr =	simm.s32 $0x1  }
0x2: {  	[smem:$0x3F8E] =	sst lr;
	_ =	strace $0xD0000000  }
0x3: {  	_ = 	snop  }
0x4: {  	_ = 	snop  }
0x5: {  	_ = 	snop  }
0x6: {  	_ = 	snop  }
0x7: {  	_ = 	snop  }
__scs_overlays_trampoline_lowered:
0x8: {  	[smem:$0x3F9D] =	sst s0  }
0x9: {  	[smem:$0x3F9E] =	sst s1  }
0xa: {  	[smem:$0x3F9F] =	sst s2  }
0xb: {  	[smem:$0x3FA0] =	sst s3  }
0xc: {  	[smem:$0x3FA1] =	sst s4  }
0xd: {  	[smem:$0x3FA2] =	sst s5  }
0xe: {  	[smem:$0x3FA3] =	sst s6  }
0xf: {  	[smem:$0x3FA4] =	sst s7  }
0x10: {  	[smem:$0x3FA5] =	sst s8  }
0x11: {  	[smem:$0x3FA6] =	sst s9;
	s0 =	simm.s32 @!p0 $0x0  }
0x12: {  	s1 =	sld [smem:$0x3F8C];
	s0 =	simm.s32 @p0 $0x1  }
0x13: {  	[smem:$0x3FA7] =	sst s0;
	s0 =	simm.s32 @!p1 $0x0  }
0x14: {  	s2 =	sld [smem:$0x3F8B];
	s0 =	simm.s32 @p1 $0x1  }
0x15: {  	[smem:$0x3FA8] =	sst s0;
	s0 =	simm.s32 @!p2 $0x0  }
0x16: {  	s3 =	sld [smem:$0x3FDB];
	s0 =	simm.s32 @p2 $0x1  }
0x17: {  	s4 =	simm.s32 $0x1BF5;
	[smem:$0x3FAA] =	sst s0  }
0x18: {  	s0 =	sld [smem:$0x3F8D];
	_ =	swait.ge [sflag:s4], $0x0  }
0x19: {  	s7 =	sld [smem:$0x3F8E]  }
0x1a: {  	s8 =	sadd.s32 $0xFFFFE003, lr  }
0x1b: {  	s9 =	sadd.s32 $0xFFFFFEF7, lr;
	s5 =	simm.s32 $0xFFFFFFFF;
	p2 =	slt.u32 s8, $0xFFFFF086  }
0x1c: {  	p1 =	slt.u32 s9, $0xF7A;
	s5 =	simm.s32 @!p2 $0x0  }
0x1d: {  	s5 =	simm.s32 @p1 $0x1;
	p0 =	seq.s32 s7, s2  }
0x1e: {  	s7 =	smul.u32 @!p0 $0xF7A, s2;
	p2 =	seq.s32 @!p0 s5, $0x0  }
0x1f: {  	s9 =	smul.u32 $0xF7A, s1;
	s8 =	simm.s32 @!p0 $0x1BF5;
	p2 =	por !p2, p0  }
0x20: {  	[sflag:s8] =	ssyncset.s32 @!p0 $0xFFFFF086;
	s6 =	sadd.s32 @!p0 s3, s7;
	s7 =	simm.s32 @!p0 $0x108  }
0x21: {  	s3 =	sadd.s32 s3, s9;
	s6 =	sadd.s32 @!p0 $0x88, s6;
	s7 =	simm.s32 @p2 $0x1082  }
0x22: {  	[simem:s7], [sflag:s8] =	dma.local @!p0 [hbm:s6], $0xF7A  }
0x23: {  	s9 =	sor.u32 $0xD0000000, s2;
	s6 =	simm.s32 $0x108;
	_ =	swait.ge @!p0 [sflag:s8], $0x0  }
0x24: {  	s3 =	sadd.s32 $0x88, s3;
	s6 =	simm.s32 @!p1 $0x1082;
	[sflag:s4] =	ssyncset.s32 $0xFFFFF086  }
0x25: {  	[simem:s6], [sflag:s4] =	dma.local [hbm:s3], $0xF7A  }
0x26: {  	[smem:$0x3F8E] =	sst s1;
	(tag) =	ssettag s2;
	_ =	strace s9  }
0x27: {  	s1 =	sld [smem:$0x3F9E]  }
0x28: {  	s2 =	sld [smem:$0x3F9F]  }
0x29: {  	s4 =	sld [smem:$0x3FA1]  }
0x2a: {  	p0 =	seq.s32 s5, $0x0;
	s5 =	sld [smem:$0x3FA2]  }
0x2b: {  	s6 =	sld [smem:$0x3FA3]  }
0x2c: {  	s7 =	sld [smem:$0x3FA4]  }
0x2d: {  	s3 =	simm.s32 $0x108;
	s8 =	sld [smem:$0x3FA5]  }
0x2e: {  	s3 =	simm.s32 @!p0 $0x1082;
	s9 =	sld [smem:$0x3FA6]  }
0x2f: {  	lr =	sadd.s32 s0, s3;
	s0 =	sld [smem:$0x3F9D]  }
0x30: {  	s3 =	sld [smem:$0x3FA0]  }
0x31: {  	[smem:$0x3FA9] =	sst s10  }
0x32: {  	s10 =	sld [smem:$0x3FA7];
	_ =	sdelay $0x3  }
0x33: {  	p0 =	seq.s32 s10, $0x1;
	s10 =	sld [smem:$0x3FA9];
	_ =	sdelay $0x3  }
0x34: {  	[smem:$0x3FA9] =	sst s10  }
0x35: {  	s10 =	sld [smem:$0x3FA8];
	_ =	sdelay $0x3  }
0x36: {  	p1 =	seq.s32 s10, $0x1;
	s10 =	sld [smem:$0x3FA9];
	_ =	sdelay $0x3  }
0x37: {  	[smem:$0x3FA9] =	sst s10  }
0x38: {  	s10 =	sld [smem:$0x3FAA]  }
0x39: {  	_ = 	snop;
	(pc) =	sbr.ind lr, $3  }
0x3a: {  	_ = 	snop  }
0x3b: {  	_ = 	snop  }
0x3c: {  	p2 =	seq.s32 s10, $0x1;
	s10 =	sld [smem:$0x3FA9]  }
0x3d: {  	_ =	shalt  }
0x3e: {  	_ =	shalt  }
0x3f: {  	_ =	shalt  }
0x40: {  	_ =	shalt  }
0x41: {  	_ =	shalt  }
0x42: {  	_ =	shalt  }
0x43: {  	_ =	shalt  }
0x44: {  	_ =	shalt  }
0x45: {  	_ =	shalt  }
0x46: {  	_ =	shalt  }
0x47: {  	_ =	shalt  }
0x48: {  	_ =	shalt  }
0x49: {  	_ =	shalt  }
0x4a: {  	_ =	shalt  }
0x4b: {  	_ =	shalt  }
0x4c: {  	_ =	shalt  }
0x4d: {  	_ =	shalt  }
0x4e: {  	_ =	shalt  }
0x4f: {  	_ =	shalt  }
0x50: {  	_ =	shalt  }
0x51: {  	_ =	shalt  }
0x52: {  	_ =	shalt  }
0x53: {  	_ =	shalt  }
0x54: {  	_ =	shalt  }
0x55: {  	_ =	shalt  }
0x56: {  	_ =	shalt  }
0x57: {  	_ =	shalt  }
0x58: {  	_ =	shalt  }
0x59: {  	_ =	shalt  }
0x5a: {  	_ =	shalt  }
0x5b: {  	_ =	shalt  }
0x5c: {  	_ =	shalt  }
0x5d: {  	_ =	shalt  }
0x5e: {  	_ =	shalt  }
0x5f: {  	_ =	shalt  }
0x60: {  	_ =	shalt  }
0x61: {  	_ =	shalt  }
0x62: {  	_ =	shalt  }
0x63: {  	_ =	shalt  }
0x64: {  	_ =	shalt  }
0x65: {  	_ =	shalt  }
0x66: {  	_ =	shalt  }
0x67: {  	_ =	shalt  }
0x68: {  	_ =	shalt  }
0x69: {  	_ =	shalt  }
0x6a: {  	_ =	shalt  }
0x6b: {  	_ =	shalt  }
0x6c: {  	_ =	shalt  }
0x6d: {  	_ =	shalt  }
0x6e: {  	_ =	shalt  }
0x6f: {  	_ =	shalt  }
0x70: {  	_ =	shalt  }
0x71: {  	_ =	shalt  }
0x72: {  	_ =	shalt  }
0x73: {  	_ =	shalt  }
0x74: {  	_ =	shalt  }
0x75: {  	_ =	shalt  }
0x76: {  	_ =	shalt  }
0x77: {  	_ =	shalt  }
0x78: {  	_ =	shalt  }
0x79: {  	_ =	shalt  }
0x7a: {  	_ =	shalt  }
0x7b: {  	_ =	shalt  }
0x7c: {  	_ =	shalt  }
0x7d: {  	_ =	shalt  }
0x7e: {  	_ =	shalt  }
0x7f: {  	_ =	shalt  }
0x80: {  	_ =	shalt  }
0x81: {  	_ =	shalt  }
0x82: {  	_ =	shalt  }
0x83: {  	_ =	shalt  }
0x84: {  	_ =	shalt  }
0x85: {  	_ =	shalt  }
0x86: {  	_ =	shalt  }
0x87: {  	_ =	shalt  }
.Lfunc_end0:
.L_simem_size_0:
called_computation.6_lowered:
.L_overlay_start_0:
0x88: {  	s2 =	sld [smem:$0x3FD9]  }
0x89: {  	s3 =	sld [smem:$0x3FFE];
	_ =	sdelay $0x1  }
0x8a: {  	s1 =	srdreg.scid  }
0x8b: {  	s0 =	sand.u32 $0x1, s1  }
0x8c: {  	s17 =	sshll.u32 s0, $0xA;
	s2 =	sadd.s32 s3, s2  }
0x8d: {  	s2 =	sadd.s32 s2, s17  }
0x8e: {  	[smem:$0x3FB5] =	sst s2  }
0x8f: {  	_ = 	snop  }
0x90: {  	(tm) =	ssettm $0x1  }
0x91: {  	s18 =	sld [smem:$0x3FFB];
	_ =	sdelay $0x3  }
0x92: {  	_ =	strace s18  }
0x93: {  	s2 =	sld [smem:$0x3FFC];
	_ =	sdelay $0x3  }
0x94: {  	_ =	strace s2  }
0x95: {  	s2 =	sld [smem:$0x3FFD];
	_ =	sdelay $0x3  }
0x96: {  	_ =	strace s2  }
0x97: {  	_ =	strace $0x8FFFFFFF  }
0x98: {  	s19 =	sld [smem:$0x3FDB];
	_ =	sdelay $0x1  }
0x99: {  	s20 =	simm.s32 $_scs_section_size  }
0x9a: {  	s4 =	simm.s32 $_size__tile_overlayer_lowered;
	s5 =	simm.s32 $_tile_overlayer_lowered  }
0x9b: {  	s6 =	simm.s32 $0x1BFF;
	s21 =	sshll.u32 s5, $0x1;
	s3 =	sadd.s32 s20, s19  }
0x9c: {  	s22 =	simm.s32 $0x0;
	s4 =	sshll.u32 s4, $0x1;
	s5 =	sadd.s32 s21, s3  }
0x9d: {  	[timem:s22], [sflag:s6] =	dma.local [hbm:s5], s4  }
0x9e: {  	_ =	swait.ge [sflag:s6], s4  }
0x9f: {  	s4 =	ssub.s32 $0x0, s4;
	[sflag:s6] =	ssyncset.done $0x0  }
0xa0: {  	[sflag:s6] =	ssyncadd.s32 s4;
	_ =	sdelay $0x1  }
0xa1: {  	s23 =	simm.s32 $0x1B8B  }
0xa2: {  	_ =	swait.ge [sflag:s23], $0x1  }
0xa3: {  	[sflag:s23] =	ssyncset.done $0x0  }
0xa4: {  	[sflag:s23] =	ssyncadd.s32 $0xFFFFFFFF  }
0xa5: {  	s4 =	sld [smem:$0x0]  }
0xa6: {  	s5 =	sand.u32 $0xFFFFFFFE, s1  }
0xa7: {  	p0 =	sne.s32 s1, s5  }
0xa8: {  	s5 =	sshll.u32 @p0 s5, $0xE  }
0xa9: {  	s5 =	sadd.s32 @p0 $0x11B8D, s5;
	s6 =	sshll.u32 @p0 s4, $0x11  }
0xaa: {  	s5 =	sor.u32 @p0 s6, s5  }
0xab: {  	[sflag:s5] =	ssyncadd.remote.s32 @p0 $0x1;
	_ =	sdelay $0x1  }
0xac: {  	s5 =	simm.s32 @p0 $0x1B8D  }
0xad: {  	_ =	swait.eq @p0 [sflag:s5], $0x1  }
0xae: {  	[sflag:s5] =	ssyncadd.s32 @p0 $0xFFFFFFFF  }
0xaf: {  	s6 =	sshll.u32 @!p0 s1, $0xE  }
0xb0: {  	s6 =	sor.u32 @!p0 $0x4000, s6;
	s5 =	simm.s32 @!p0 $0x1B8D  }
0xb1: {  	s4 =	sshll.u32 @!p0 s4, $0x11;
	s6 =	sadd.s32 @!p0 $0x11B8D, s6;
	_ =	swait.eq @!p0 [sflag:s5], $0x1  }
0xb2: {  	s4 =	sor.u32 @!p0 s4, s6;
	[sflag:s5] =	ssyncadd.s32 @!p0 $0xFFFFFFFF  }
0xb3: {  	s25 =	simm.s32 $0x1B8E;
	s24 =	sld [smem:$0x3FFE];
	[sflag:s4] =	ssyncadd.remote.s32 @!p0 $0x1  }
0xb4: {  	s26 =	simm.s32 $execute0_lowered;
	[smem:$0x3FD2] =	sst s25  }
0xb5: {  	s5 =	sshll.u32 s26, $0x1;
	_ =	strace $0x80000055;
	[dreg:$0x1] =	wrdreg $0xFFFFFFFF  }
0xb6: {  	s28 =	simm.s32 $_size_execute0_lowered;
	s3 =	sadd.s32 s3, s5;
	[dreg:$0x0] =	wrdreg $0x0  }
0xb7: {  	s5 =	sshll.u32 s28, $0x1;
	[dreg:$0x2] =	wrdreg s3  }
0xb8: {  	[dreg:$0x3] =	wrdreg s5  }
0xb9: {  	[dreg:$0x4] =	wrdreg $0xC0  }
0xba: {  	_ =	task [dreg:s22], $0x5FFFF  }
0xbb: {  	[dreg:$0x1] =	wrdreg $0xFFFFFFFF  }
0xbc: {  	[dreg:$0x0] =	wrdreg $0x60  }
0xbd: {  	[dreg:$0x2] =	wrdreg s24  }
0xbe: {  	[dreg:$0x3] =	wrdreg $0x0  }
0xbf: {  	[dreg:$0x4] =	wrdreg $0xB  }
0xc0: {  	_ =	task.clear_ibuf [dreg:s22], $0x5FFFF;
	_ =	strace $0x90000055  }
0xc1: {  	s29 =	simm.s32 $0xB;
	_ =	strace $0x80000057  }
0xc2: {  	_ =	swait.ge [sflag:s29], $0x1  }
0xc3: {  	[sflag:s29] =	ssyncadd.s32 $0xFFFFFFFF  }
0xc4: {  	_ =	strace $0x90000057  }
0xc5: {  	_ =	sfence  }
0xc6: {  	s30 =	sld [smem:$0x0];
	_ =	sdelay $0x2  }
0xc7: {  	s31 =	sshll.u32 s1, $0xD;
	s1 =	sshrl.u32 s1, $0x2  }
0xc8: {  	s4 =	sand.u32 $0x4000, s31;
	s1 =	sadd.s32 s1, s30  }
0xc9: {  	s0 =	sor.u32 s4, s0;
	s1 =	sshll.u32 s1, $0x11  }
0xca: {  	s0 =	sor.u32 s1, s0  }
0xcb: {  	s0 =	sadd.s32 $0x8F2B, s0  }
0xcc: {  	[sflag:s0] =	ssyncadd.remote.s32 $0x1  }
0xcd: {  	_ =	sfence.sel $0xFFFF  }
0xce: {  	[dreg:$0x0] =	wrdreg $0xFFFFFFFF;
	(pc) =	sbr.abs _section_cstart, $3  }
0xcf: {  	[dreg:$0x1] =	wrdreg $0xFFFFFFFF  }
0xd0: {  	_ =	task.clear_ibuf [dreg:s22], $0x2FFFF;
	_ =	strace $0x9FFFFFFF  }
0xd1: {  	(tm) =	ssettm $0x7FFFFFFF  }
tec
execute0_lowered:
.L_overlay_start_1:
0x0: {  	(tag) =	ssettag $0x1  }
0x1: {  	s0 =	srdreg.scid  }
0x2: {  	s9 =	stileid.u32;
	s4 =	rddreg [dreg:$0x0]  }
0x3: {  	s2 =	rddreg [dreg:$0x1];
	s3 =	simm.s32 $0x0;
	s15 =	simm.s32 $0x3  }
0x4: {  	s18 =	simm.s32 $0x4E20;
	s19 =	simm.s32 $0x50A0;
	s20 =	simm.s32 $0x1  }
0x5: {  	s21 =	simm.s32 $0x28;
	s22 =	simm.s32 $0x2;
	s28 =	simm.s32 $0x3A70  }
0x6: {  	s29 =	simm.s32 $0x4DF8;
	s30 =	simm.s32 $0x0;
	s0 =	sand.u32 $0x1, s0  }
0x7: {  	s6 =	smul.u32 $0x2710, s9;
	[smem:$0x7FF] =	sst s3;
	s12 =	sadd.s32 $0x10000, s4  }
0x8: {  	s26 =	sshll.u32 s9, $0x6;
	s1 =	sshll.u32 s0, $0x4;
	s7 =	smul.u32 $0x27100, s0  }
0x9: {  	_ =	strace $0x80000056;
	s0 =	ssub.s32 $0x2, s0;
	s1 =	sor.u32 s9, s1  }
0xa: {  	s23 =	sshrl.u32 s6, $0x3;
	s24 =	sshrl.u32 s0, $0x1;
	s5 =	smul.u32 $0x271, s1  }
0xb: {  	s14 =	sadd.s32 s6, s2;
	s13 =	sadd.s32 s6, s7;
	s25 =	smul.u32 $0x13880, s1  }
0xc: {  	s0 =	ssub.s32 s0, s24;
	s1 =	smul.u32 $0x2710, s1;
	s14 =	sshrl.u32 s14, $0x3  }
0xd: {  	s24 =	simm.s32 $0x4DA8;
	s7 =	sshrl.u32 s13, $0x3;
	s31 =	sadd.s32 s12, s13  }
0xe: {  	s8 =	sadd.s32 s5, s4;
	s5 =	sadd.s32 s23, s4;
	s11 =	sadd.s32 s7, s4  }
0xf: {  	s7 =	sshrl.u32 s25, $0x3;
	s23 =	simm.s32 $0x3A20;
	s4 =	sadd.s32 $0x18D800, s5  }
0x10: {  	s25 =	simm.s32 $0x3A48;
	s5 =	sor.u32 $0x1C03, s26;
	s6 =	sadd.s32 $0x1AB200, s8  }
0x11: {  	s10 =	sadd.s32 s12, s7;
	s7 =	sadd.s32 $0x192800, s8;
	s8 =	sadd.s32 s12, s1  }
0x12: {  	s11 =	sadd.s32 $0x16FE00, s11;
	s12 =	smax.u32 s0, $0x1;
	s0 =	sadd.s32 $0xF0, s31  }
0x13: {  	s26 =	simm.s32 $0x4DD0;
	s9 =	sadd.s32 $0x50, s10;
	s10 =	sadd.s32 $0x26C0, s10  }
.LBB2_1:
0x14: {  	[spmem:s14], [sflag:s5] =	dma.local [hbm:s4], $0x4E2  }
0x15: {  	_ =	swait.ge [sflag:s15], $0x4E2  }
0x16: {  	[sflag:s15] =	ssyncset.done $0x0  }
0x17: {  	s1 =	simm.s32 $0x2710;
	[sflag:s15] =	ssyncadd.s32 $0xFFFFFB1E  }
0x18: {  	[tilespmem:s1], [sflag:$0x3] =	stream.linear.gather [hbm4b:s6+s3], $0x1388, $0x38;
	[tilespmem:$0x5320] =	vst v63  }
0x19: {  	_ =	swait.ge [sflag:s15], $0x1388  }
0x1a: {  	[sflag:s15] =	ssyncset.done $0x0  }
0x1b: {  	s13 =	simm.s32 $0x3A98;
	[sflag:s15] =	ssyncadd.s32 $0xFFFFEC78  }
0x1c: {  	[tilespmem:s13], [sflag:$0x3] =	stream.linear.gather [hbm4b:s7+s3], $0x1388, $0x38;
	[tilespmem:$0x5320] =	vst v63  }
0x1d: {  	_ =	swait.ge [sflag:s15], $0x1388  }
0x1e: {  	[sflag:s15] =	ssyncset.done $0x0  }
0x1f: {  	[sflag:s15] =	ssyncadd.s32 $0xFFFFEC78  }
0x20: {  	[bflag:$0x0] =	sbarrier.arrive $0xFFFF  }
0x21: {  	[tilespmem:s18], [sflag:$0x1] =	stream.linear.gather [hbm4b:s8+s3], $0x280, $0x38;
	[tilespmem:$0x5320] =	vst v63  }
0x22: {  	_ = 	snop  }
0x23: {  	[tilespmem:s19], [sflag:$0x2] =	stream.linear.gather [hbm4b:s9+s3], $0x280, $0x38;
	[tilespmem:$0x5320] =	vst v63  }
0x24: {  	_ =	swait.ge [sflag:s20], $0x280  }
0x25: {  	[sflag:s20] =	ssyncset.done $0x0  }
0x26: {  	s16 =	simm.s32 $0x2710;
	[sflag:s20] =	ssyncadd.s32 $0xFFFFFD80  }
0x27: {  	[spmem:s2] =	stream.indirect.scatter.add.f32 [tilespmem:s18], [sflag:$0x3], $0x10, s16, s21, $0xb8;
	[tilespmem:$0x5320] =	vst v63  }
0x28: {  	_ =	swait.ge [sflag:s15], $0x280  }
0x29: {  	[sflag:s15] =	ssyncset.done $0x0  }
0x2a: {  	s17 =	simm.s32 $0x3A98;
	[sflag:s15] =	ssyncadd.s32 $0xFFFFFD80  }
0x2b: {  	[spmem:s2] =	stream.indirect.scatter.add.f32 [tilespmem:s18], [sflag:$0x3], $0x10, s17, s21, $0xb8;
	[tilespmem:$0x5320] =	vst v63  }
0x2c: {  	_ =	swait.ge [sflag:s15], $0x280  }
0x2d: {  	[sflag:s15] =	ssyncset.done $0x0  }
0x2e: {  	s13 =	sadd.s32 $0xFFFFFFB0, s0;
	[sflag:s15] =	ssyncadd.s32 $0xFFFFFD80  }
0x2f: {  	[tilespmem:s18], [sflag:$0x1] =	stream.linear.gather [hbm4b:s13+s3], $0x280, $0x38;
	[tilespmem:$0x5320] =	vst v63  }
0x30: {  	_ =	swait.ge [sflag:s22], $0x280  }
0x31: {  	[sflag:s22] =	ssyncset.done $0x0  }
0x32: {  	s16 =	simm.s32 $0x2738;
	[sflag:s22] =	ssyncadd.s32 $0xFFFFFD80  }
0x33: {  	[spmem:s2] =	stream.indirect.scatter.add.f32 [tilespmem:s19], [sflag:$0x3], $0x10, s16, s21, $0xb8;
	[tilespmem:$0x5320] =	vst v63  }
0x34: {  	_ =	swait.ge [sflag:s15], $0x280  }
0x35: {  	[sflag:s15] =	ssyncset.done $0x0  }
0x36: {  	s17 =	simm.s32 $0x3AC0;
	[sflag:s15] =	ssyncadd.s32 $0xFFFFFD80  }
0x37: {  	[spmem:s2] =	stream.indirect.scatter.add.f32 [tilespmem:s19], [sflag:$0x3], $0x10, s17, s21, $0xb8;
	[tilespmem:$0x5320] =	vst v63  }
0x38: {  	_ =	swait.ge [sflag:s15], $0x280  }
0x39: {  	s31 =	simm.s32 $0x140;
	[sflag:s15] =	ssyncset.done $0x0  }
0x3a: {  	s1 =	sadd.s32 $0xA0, s0;
	s13 =	smov.u32 s0;
	[sflag:s15] =	ssyncadd.s32 $0xFFFFFD80  }
.LBB2_2:
0x3b: {  	[tilespmem:s19], [sflag:$0x2] =	stream.linear.gather [hbm4b:s13+s3], $0x280, $0x38;
	[tilespmem:$0x5320] =	vst v63  }
0x3c: {  	s16 =	smov.u32 s31;
	s13 =	smov.u32 s1  }
0x3d: {  	p0 =	sne.s32 s31, $0x4B00;
	s31 =	sadd.s32 $0x140, s31;
	_ =	swait.ge [sflag:s20], $0x280  }
0x3e: {  	s16 =	sshra.s32 s16, $0x2;
	[sflag:s20] =	ssyncset.done $0x0  }
0x3f: {  	s17 =	sadd.s32 $0x2710, s16;
	[sflag:s20] =	ssyncadd.s32 $0xFFFFFD80  }
0x40: {  	[spmem:s2] =	stream.indirect.scatter.add.f32 [tilespmem:s18], [sflag:$0x3], $0x10, s17, s21, $0xb8;
	[tilespmem:$0x5320] =	vst v63  }
0x41: {  	_ =	swait.ge [sflag:s15], $0x280  }
0x42: {  	[sflag:s15] =	ssyncset.done $0x0  }
0x43: {  	s17 =	sadd.s32 $0x3A98, s16;
	[sflag:s15] =	ssyncadd.s32 $0xFFFFFD80  }
0x44: {  	[spmem:s2] =	stream.indirect.scatter.add.f32 [tilespmem:s18], [sflag:$0x3], $0x10, s17, s21, $0xb8;
	[tilespmem:$0x5320] =	vst v63  }
0x45: {  	_ =	swait.ge [sflag:s15], $0x280  }
0x46: {  	[sflag:s15] =	ssyncset.done $0x0  }
0x47: {  	s17 =	sadd.s32 $0xFFFFFFB0, s1;
	[sflag:s15] =	ssyncadd.s32 $0xFFFFFD80  }
0x48: {  	[tilespmem:s18], [sflag:$0x1] =	stream.linear.gather [hbm4b:s17+s3], $0x280, $0x38;
	[tilespmem:$0x5320] =	vst v63  }
0x49: {  	_ =	swait.ge [sflag:s22], $0x280  }
0x4a: {  	[sflag:s22] =	ssyncset.done $0x0  }
0x4b: {  	s17 =	sadd.s32 $0x2738, s16;
	[sflag:s22] =	ssyncadd.s32 $0xFFFFFD80  }
0x4c: {  	[spmem:s2] =	stream.indirect.scatter.add.f32 [tilespmem:s19], [sflag:$0x3], $0x10, s17, s21, $0xb8;
	[tilespmem:$0x5320] =	vst v63  }
0x4d: {  	_ =	swait.ge [sflag:s15], $0x280  }
0x4e: {  	[sflag:s15] =	ssyncset.done $0x0  }
.Ltmp0:
0x4f: {  	s16 =	sadd.s32 $0x3AC0, s16;
	[sflag:s15] =	ssyncadd.s32 $0xFFFFFD80;
	(pc) =	sbr.rel @p0 .LBB2_2-.Ltmp0, $4  }
0x50: {  	[spmem:s2] =	stream.indirect.scatter.add.f32 [tilespmem:s19], [sflag:$0x3], $0x10, s16, s21, $0xb8;
	[tilespmem:$0x5320] =	vst v63  }
0x51: {  	_ =	swait.ge [sflag:s15], $0x280  }
0x52: {  	[sflag:s15] =	ssyncset.done $0x0  }
0x53: {  	s1 =	sadd.s32 $0xA0, s1;
	[sflag:s15] =	ssyncadd.s32 $0xFFFFFD80  }
0x54: {  	[tilespmem:s19], [sflag:$0x2] =	stream.linear.gather [hbm4b:s13+s3], $0x280, $0x38;
	[tilespmem:$0x5320] =	vst v63  }
0x55: {  	_ =	swait.ge [sflag:s20], $0x280  }
0x56: {  	[sflag:s20] =	ssyncset.done $0x0  }
0x57: {  	[sflag:s20] =	ssyncadd.s32 $0xFFFFFD80  }
0x58: {  	[spmem:s2] =	stream.indirect.scatter.add.f32 [tilespmem:s18], [sflag:$0x3], $0x10, s23, s21, $0xb8;
	[tilespmem:$0x5320] =	vst v63  }
0x59: {  	_ =	swait.ge [sflag:s15], $0x280  }
0x5a: {  	[sflag:s15] =	ssyncset.done $0x0  }
0x5b: {  	[sflag:s15] =	ssyncadd.s32 $0xFFFFFD80  }
0x5c: {  	[spmem:s2] =	stream.indirect.scatter.add.f32 [tilespmem:s18], [sflag:$0x3], $0x10, s24, s21, $0xb8;
	[tilespmem:$0x5320] =	vst v63  }
0x5d: {  	_ =	swait.ge [sflag:s15], $0x280  }
0x5e: {  	[sflag:s15] =	ssyncset.done $0x0  }
0x5f: {  	[sflag:s15] =	ssyncadd.s32 $0xFFFFFD80  }
0x60: {  	_ =	swait.ge [sflag:s22], $0x280  }
0x61: {  	[sflag:s22] =	ssyncset.done $0x0  }
0x62: {  	[sflag:s22] =	ssyncadd.s32 $0xFFFFFD80  }
0x63: {  	[spmem:s2] =	stream.indirect.scatter.add.f32 [tilespmem:s19], [sflag:$0x3], $0x10, s25, s21, $0xb8;
	[tilespmem:$0x5320] =	vst v63  }
0x64: {  	_ =	swait.ge [sflag:s15], $0x280  }
0x65: {  	[sflag:s15] =	ssyncset.done $0x0  }
0x66: {  	[sflag:s15] =	ssyncadd.s32 $0xFFFFFD80  }
0x67: {  	[spmem:s2] =	stream.indirect.scatter.add.f32 [tilespmem:s19], [sflag:$0x3], $0x10, s26, s21, $0xb8;
	[tilespmem:$0x5320] =	vst v63  }
0x68: {  	_ =	swait.ge [sflag:s15], $0x280  }
0x69: {  	[sflag:s15] =	ssyncset.done $0x0  }
0x6a: {  	[sflag:s15] =	ssyncadd.s32 $0xFFFFFD80  }
0x6b: {  	[tilespmem:s18], [sflag:$0x1] =	stream.linear.gather [hbm4b:s10+s3], $0x280, $0x38;
	[tilespmem:$0x5320] =	vst v63  }
0x6c: {  	_ =	swait.ge [sflag:s20], $0x280  }
0x6d: {  	[sflag:s20] =	ssyncset.done $0x0  }
0x6e: {  	[sflag:s20] =	ssyncadd.s32 $0xFFFFFD80  }
0x6f: {  	[spmem:s2] =	stream.indirect.scatter.add.f32 [tilespmem:s18], [sflag:$0x3], $0x10, s28, s21, $0xb8;
	[tilespmem:$0x5320] =	vst v63  }
0x70: {  	_ =	swait.ge [sflag:s15], $0x280  }
0x71: {  	[sflag:s15] =	ssyncset.done $0x0  }
0x72: {  	[sflag:s15] =	ssyncadd.s32 $0xFFFFFD80  }
0x73: {  	[spmem:s2] =	stream.indirect.scatter.add.f32 [tilespmem:s18], [sflag:$0x3], $0x10, s29, s21, $0xb8;
	[tilespmem:$0x5320] =	vst v63  }
0x74: {  	_ =	swait.ge [sflag:s15], $0x280  }
0x75: {  	s30 =	sadd.s32 $0x1, s30;
	[sflag:s15] =	ssyncset.done $0x0  }
0x76: {  	p0 =	sne.s32 s30, s12;
	[sflag:s15] =	ssyncadd.s32 $0xFFFFFD80  }
.Ltmp1:
0x77: {  	[bflag:$0x0] =	sbarrier.arrive $0xFFFF;
	(pc) =	sbr.rel @p0 .LBB2_1-.Ltmp1, $4  }
0x78: {  	[hbm:s11], [sflag:s5] =	dma.local [spmem:s14], $0x4E2  }
0x79: {  	_ =	swait.ge [sflag:s15], $0x4E2  }
0x7a: {  	[sflag:s15] =	ssyncset.done $0x0  }
0x7b: {  	[sflag:s15] =	ssyncadd.s32 $0xFFFFFB1E  }
0x7c: {  	_ =	sfence.sel $0x180000  }
0x7d: {  	[bflag:$0x0] =	sbarrier.arrive $0xFFFF  }
0x7e: {  	_ =	strace $0x90000056  }
0x7f: {  	s0 =	stileid.u32;
	[bflag:$0x2] =	sbarrier.arrive $0xFFFF  }
0x80: {  	p0 =	sne.s32 s0, $0x0;
	s0 =	rddreg [dreg:$0x2]  }
0x81: {  	s0 =	sadd.s32 @!p0 $0x100000, s0  }
0x82: {  	[sflag:s0] =	ssyncadd.tile.s32 @!p0 $0x1;
	_ =	shalt  }
.Lfunc_end2:
_tile_overlayer_lowered:
.L_overlay_start_2:
0x83: {  	(tag) =	ssettag $0x2  }
0x84: {  	s0 =	rddreg [dreg:$0x0];
	s2 =	stileid.u32  }
0x85: {  	s1 =	rddreg [dreg:$0x1];
	p0 =	sne.s32 s2, $0x0  }
0x86: {  	s3 =	rddreg [dreg:$0x2];
	[bflag:$0x3] =	sbarrier.arrive $0xFFFF;
	s2 =	simm.s32 @!p0 $0x1C03  }
0x87: {  	[timem:s3], [sflag:s2] =	dma.local @!p0 [hbm:s0], s1  }
0x88: {  	s0 =	simm.s32 @!p0 $0x3  }
0x89: {  	_ =	swait.ge @!p0 [sflag:s0], s1  }
0x8a: {  	s1 =	ssub.s32 @!p0 $0x0, s1;
	[sflag:s0] =	ssyncset.done @!p0 $0x0  }
0x8b: {  	[sflag:s0] =	ssyncadd.s32 @!p0 s1  }
0x8c: {  	[bflag:$0x3] =	sbarrier.arrive $0xFFFF  }
0x8d: {  	_ =	shalt  }

</sc_bundles>
